<compile_context>
chip_gen: v7x
topology: tpu7x:2x2x1
jax: 0.10.2.dev20260603
libtpu: 0.0.44.dev20260713+nightly
codegen_flags: <defaults>
</compile_context>

<pallas_src>
import jax
import jax.numpy as jnp
from jax import lax
from jax.experimental import pallas as pl
from jax.experimental.pallas import tpu as pltpu
from jax.experimental.pallas import tpu_sc as plsc

H = 128
IN_DIM = 512
DICT = 100000

_NW = 32
_CHUNK = 320
_SC_ROWS = 40000
_NCHUNK = _SC_ROWS // _CHUNK
_KMAX = -(-_NCHUNK // _NW)
_CW = _CHUNK * H
_R_TC = 4000
_NB_TC = (DICT - _SC_ROWS) // _R_TC


def _lstm_front(x_ref, h0_ref, c0_ref, wi_ref, bi_ref, wh_ref, bh_ref,
                c_ref, r_ref, o_ref):
    pre = (lax.dot_general(x_ref[...], wi_ref[...], (((1,), (1,)), ((), ())),
                           preferred_element_type=jnp.float32)
           + lax.dot_general(h0_ref[...], wh_ref[...], (((1,), (1,)), ((), ())),
                             preferred_element_type=jnp.float32)
           + bi_ref[...].reshape(1, 5 * H) + bh_ref[...].reshape(1, 5 * H))
    g = jax.nn.sigmoid(pre[:, :4 * H])
    f_t = g[:, :H]
    i_t = g[:, H:2 * H]
    o_t = g[:, 2 * H:3 * H]
    r_t = g[:, 3 * H:4 * H]
    c_hat = jnp.tanh(pre[:, 4 * H:])
    c_ref[...] = f_t * c0_ref[...] + i_t * c_hat
    r_ref[...] = r_t
    o_ref[...] = o_t


def _sc_scan(q_hbm, keys_hbm, s_hbm, i_hbm,
             q2_v, buf0, buf1, s_v, i_v, sem0, sem1):
    cid = lax.axis_index("c")
    sid = lax.axis_index("s")
    wid = sid * 2 + cid
    pltpu.sync_copy(q_hbm.at[0], q2_v.at[pl.ds(0, H)])
    pltpu.sync_copy(q_hbm.at[0], q2_v.at[pl.ds(H, H)])
    lanes = lax.iota(jnp.int32, 16)
    s_v[...] = jnp.full((16,), -3.0e38, jnp.float32)
    i_v[...] = jnp.zeros((16,), jnp.int32)
    bufs = (buf0, buf1)
    sems = (sem0, sem1)

    def dma(k, do_start):
        g = wid + _NW * k

        @pl.when(g < _NCHUNK)
        def _():
            off = pl.multiple_of(g * _CW, 8)
            cp = pltpu.make_async_copy(keys_hbm.at[pl.ds(off, _CW)],
                                       bufs[k % 2], sems[k % 2])
            if do_start:
                cp.start()
            else:
                cp.wait()

    def compute(k):
        g = wid + _NW * k

        @pl.when(g < _NCHUNK)
        def _():
            bref = bufs[k % 2]
            row0 = g * _CHUNK

            def batch_body(b, carry):
                bs, bi = carry
                iv0a = (2 * b) * (16 * H) + lanes * (H + 1)
                iv0b = (2 * b + 1) * (16 * H) + lanes * (H + 1)
                bound_a = (2 * b) * (16 * H) + lanes * H + H
                bound_b = (2 * b + 1) * (16 * H) + lanes * H + H
                z = jnp.zeros((16,), jnp.float32)

                def qc_body(jc, acc):
                    for t in range(16):
                        (da0, da1, da2, da3, na0, na1, na2, na3,
                         db0, db1, db2, db3, nb0, nb1, nb2, nb3,
                         iva, ivb) = acc
                        das = [da0, da1, da2, da3]
                        nas = [na0, na1, na2, na3]
                        dbs = [db0, db1, db2, db3]
                        nbs = [nb0, nb1, nb2, nb3]
                        qw = q2_v[pl.ds(jc * 16 + t, 16)]
                        ca = plsc.load_gather(bref, [iva])
                        cb = plsc.load_gather(bref, [ivb])
                        das[t % 4] = das[t % 4] + ca * qw
                        nas[t % 4] = nas[t % 4] + ca * ca
                        dbs[t % 4] = dbs[t % 4] + cb * qw
                        nbs[t % 4] = nbs[t % 4] + cb * cb
                        acc = (*das, *nas, *dbs, *nbs, iva + 1, ivb + 1)
                    return acc

                acc = lax.fori_loop(0, 7, qc_body, (z,) * 16 + (iv0a, iv0b))
                for t in range(16):
                    (da0, da1, da2, da3, na0, na1, na2, na3,
                     db0, db1, db2, db3, nb0, nb1, nb2, nb3,
                     iva, ivb) = acc
                    das = [da0, da1, da2, da3]
                    nas = [na0, na1, na2, na3]
                    dbs = [db0, db1, db2, db3]
                    nbs = [nb0, nb1, nb2, nb3]
                    qw = q2_v[pl.ds(112 + t, 16)]
                    ca = plsc.load_gather(bref, [iva])
                    cb = plsc.load_gather(bref, [ivb])
                    das[t % 4] = das[t % 4] + ca * qw
                    nas[t % 4] = nas[t % 4] + ca * ca
                    dbs[t % 4] = dbs[t % 4] + cb * qw
                    nbs[t % 4] = nbs[t % 4] + cb * cb
                    iva = iva + 1
                    iva = jnp.where(iva >= bound_a, iva - H, iva)
                    ivb = ivb + 1
                    ivb = jnp.where(ivb >= bound_b, ivb - H, ivb)
                    acc = (*das, *nas, *dbs, *nbs, iva, ivb)
                (da0, da1, da2, da3, na0, na1, na2, na3,
                 db0, db1, db2, db3, nb0, nb1, nb2, nb3, _, _) = acc
                for half, (d4, n4) in enumerate(
                        [((da0, da1, da2, da3), (na0, na1, na2, na3)),
                         ((db0, db1, db2, db3), (nb0, nb1, nb2, nb3))]):
                    d = (d4[0] + d4[1]) + (d4[2] + d4[3])
                    n = (n4[0] + n4[1]) + (n4[2] + n4[3])
                    s = (jnp.sign(d) * d * d
                         / jnp.maximum(n, jnp.float32(1e-30)))
                    rows = row0 + (2 * b + half) * 16 + lanes
                    better = s > bs
                    bs = jnp.where(better, s, bs)
                    bi = jnp.where(better, rows, bi)
                return (bs, bi)

            bs, bi = lax.fori_loop(0, _CHUNK // 32, batch_body,
                                   (s_v[...], i_v[...]))
            s_v[...] = bs
            i_v[...] = bi

    dma(0, True)
    for k in range(_KMAX):
        dma(k, False)
        if k + 1 < _KMAX:
            dma(k + 1, True)
        compute(k)

    pltpu.sync_copy(s_v, s_hbm.at[wid])
    pltpu.sync_copy(i_v, i_hbm.at[wid])


def _make_sc_call():
    return pl.kernel(
        _sc_scan,
        out_type=(jax.ShapeDtypeStruct((_NW, 16), jnp.float32),
                  jax.ShapeDtypeStruct((_NW, 16), jnp.int32)),
        mesh=plsc.VectorSubcoreMesh(core_axis_name="c", subcore_axis_name="s"),
        compiler_params=pltpu.CompilerParams(needs_layout_passes=False),
        scratch_types=[
            pltpu.VMEM((2 * H,), jnp.float32),
            pltpu.VMEM((_CW,), jnp.float32),
            pltpu.VMEM((_CW,), jnp.float32),
            pltpu.VMEM((16,), jnp.float32),
            pltpu.VMEM((16,), jnp.int32),
            pltpu.SemaphoreType.DMA,
            pltpu.SemaphoreType.DMA,
        ],
    )


def _tc_scan(q_ref, kb_ref, so_ref, io_ref, bs_ref, bi_ref):
    i = pl.program_id(0)

    @pl.when(i == 0)
    def _():
        bs_ref[0] = jnp.float32(-3.0e38)
        bi_ref[0] = jnp.int32(0)

    kb = kb_ref[...]
    d = lax.dot_general(q_ref[...], kb, (((1,), (1,)), ((), ())),
                        preferred_element_type=jnp.float32)
    n = lax.dot_general(jnp.ones((1, H), jnp.float32), kb * kb,
                        (((1,), (1,)), ((), ())),
                        preferred_element_type=jnp.float32)
    s = jnp.sign(d) * d * d / jnp.maximum(n, jnp.float32(1e-30))
    bmax = jnp.max(s)
    rows = (lax.broadcasted_iota(jnp.int32, (1, _R_TC), 1)
            + (_SC_ROWS + i * _R_TC))
    bidx = jnp.min(jnp.where(s >= bmax, rows, jnp.int32(0x7FFFFFFF)))

    @pl.when(bmax > bs_ref[0])
    def _():
        bs_ref[0] = bmax
        bi_ref[0] = bidx

    @pl.when(i == _NB_TC - 1)
    def _():
        so_ref[0, 0] = bs_ref[0]
        io_ref[0, 0] = bi_ref[0]


def _finish(c_ref, r_ref, o_ref, s_ref, i_ref, st_ref, it_ref, wfc_ref,
            vals_ref, out_ref, m_scratch, sem):
    s = s_ref[...]
    idx = i_ref[...]
    best = jnp.max(s)
    bidx = jnp.min(jnp.where(s >= best, idx, jnp.int32(0x7FFFFFFF)))
    use_tc = st_ref[0, 0] > best
    bidx = jnp.where(use_tc, it_ref[0, 0], bidx)
    cp = pltpu.make_async_copy(vals_ref.at[pl.ds(bidx, 1)], m_scratch, sem)
    cp.start()
    cp.wait()
    m = m_scratch[...]
    c = c_ref[...] + r_ref[...] * m
    h = o_ref[...] * jnp.tanh(c)
    out_ref[...] = lax.dot_general(h, wfc_ref[...], (((1,), (1,)), ((), ())),
                                   preferred_element_type=jnp.float32)


def kernel(x, h0, c0, W_i, b_i, W_h, b_h, W_fc, dnd_keys, dnd_vals):
    c, r, o = pl.pallas_call(
        _lstm_front,
        out_shape=[jax.ShapeDtypeStruct((1, H), jnp.float32)] * 3,
    )(x, h0, c0, W_i, b_i, W_h, b_h)

    s, i = _make_sc_call()(c, dnd_keys.reshape(-1))

    st, it = pl.pallas_call(
        _tc_scan,
        grid=(_NB_TC,),
        out_shape=[jax.ShapeDtypeStruct((1, 1), jnp.float32),
                   jax.ShapeDtypeStruct((1, 1), jnp.int32)],
        in_specs=[
            pl.BlockSpec((1, H), lambda i: (0, 0)),
            pl.BlockSpec((_R_TC, H), lambda i: (_SC_ROWS // _R_TC + i, 0)),
        ],
        out_specs=[pl.BlockSpec(memory_space=pltpu.SMEM),
                   pl.BlockSpec(memory_space=pltpu.SMEM)],
        scratch_shapes=[pltpu.SMEM((1,), jnp.float32),
                        pltpu.SMEM((1,), jnp.int32)],
    )(c, dnd_keys)

    out = pl.pallas_call(
        _finish,
        out_shape=jax.ShapeDtypeStruct((1, H), jnp.float32),
        in_specs=[
            pl.BlockSpec(memory_space=pltpu.VMEM),
            pl.BlockSpec(memory_space=pltpu.VMEM),
            pl.BlockSpec(memory_space=pltpu.VMEM),
            pl.BlockSpec(memory_space=pltpu.VMEM),
            pl.BlockSpec(memory_space=pltpu.VMEM),
            pl.BlockSpec(memory_space=pltpu.SMEM),
            pl.BlockSpec(memory_space=pltpu.SMEM),
            pl.BlockSpec(memory_space=pltpu.VMEM),
            pl.BlockSpec(memory_space=pl.ANY),
        ],
        scratch_shapes=[pltpu.VMEM((1, H), jnp.float32),
                        pltpu.SemaphoreType.DMA],
    )(c, r, o, s, i, st, it, W_fc, dnd_vals)
    return out.reshape(H)

# --- scband reference (transcript-rebuilt; emitter-appended) ---
"""Pipeline reference for scband-dndlstmmod-47631187312936 (READ-ONLY COPY).

The authoritative reference and input builder live on the scoring server;
editing this copy changes nothing except your own understanding.
"""

import jax, jax.numpy as jnp
import numpy as np

IN_DIM = 512
OUT_DIM = 128
DICT_LEN = 100000

def setup_inputs(seed: int = 0) -> dict:
    key = jax.random.key(seed)
    ks = jax.random.split(key, 8)
    x = jax.random.normal(ks[0], (1, IN_DIM), dtype=jnp.float32)
    h0 = jnp.zeros((1, OUT_DIM), dtype=jnp.float32)
    c0 = jnp.zeros((1, OUT_DIM), dtype=jnp.float32)
    s_i = 1.0 / np.sqrt(IN_DIM)
    s_h = 1.0 / np.sqrt(OUT_DIM)
    W_i = jax.random.uniform(ks[1], (5 * OUT_DIM, IN_DIM), minval=-s_i, maxval=s_i, dtype=jnp.float32)
    b_i = jax.random.uniform(ks[2], (5 * OUT_DIM,), minval=-s_i, maxval=s_i, dtype=jnp.float32)
    W_h = jax.random.uniform(ks[3], (5 * OUT_DIM, OUT_DIM), minval=-s_h, maxval=s_h, dtype=jnp.float32)
    b_h = jax.random.uniform(ks[4], (5 * OUT_DIM,), minval=-s_h, maxval=s_h, dtype=jnp.float32)
    W_fc = jax.random.uniform(ks[5], (OUT_DIM, OUT_DIM), minval=-s_h, maxval=s_h, dtype=jnp.float32)
    dnd_keys = jax.random.normal(ks[6], (DICT_LEN, OUT_DIM), dtype=jnp.float32)
    dnd_vals = jax.random.normal(ks[7], (DICT_LEN, OUT_DIM), dtype=jnp.float32)
    return {"x": x, "h0": h0, "c0": c0, "W_i": W_i, "b_i": b_i,
            "W_h": W_h, "b_h": b_h, "W_fc": W_fc,
            "dnd_keys": dnd_keys, "dnd_vals": dnd_vals}

def _dnd_retrieve(q, keys, vals):
    # cosine-similarity 1NN retrieval from the differentiable neural dictionary
    qn = q / (jnp.linalg.norm(q, axis=-1, keepdims=True) + 1e-8)
    kn = keys / (jnp.linalg.norm(keys, axis=-1, keepdims=True) + 1e-8)
    sims = qn @ kn.T  # [1, DICT_LEN]
    best = jnp.argmax(sims, axis=-1)  # [1]
    return jnp.take(vals, best, axis=0)  # [1, OUT_DIM]

def reference(x, h0, c0, W_i, b_i, W_h, b_h, W_fc, dnd_keys, dnd_vals):
    H = h0.shape[-1]
    preact = x @ W_i.T + b_i + h0 @ W_h.T + b_h  # [1, 5H]
    gates = jax.nn.sigmoid(preact[:, :4 * H])
    f_t = gates[:, :H]
    i_t = gates[:, H:2 * H]
    o_t = gates[:, 2 * H:3 * H]
    r_t = gates[:, 3 * H:4 * H]
    c_hat = jnp.tanh(preact[:, 4 * H:])
    c_t = f_t * c0 + i_t * c_hat
    m_t = _dnd_retrieve(c_t, dnd_keys, dnd_vals)
    c_t = c_t + r_t * m_t
    h_t = o_t * jnp.tanh(c_t)
    out = h_t @ W_fc.T  # fc with bias=False
    return jnp.squeeze(out)

if __name__ == "__main__":
    import jax
    _d = setup_inputs()
    print(jax.jit(kernel)(*tuple(_d.values())))

</pallas_src>

<mosaic_0001>
#map = affine_map<(d0, d1) -> (0, 0)>
#map1 = affine_map<(d0, d1) -> (0)>
module attributes {stable_mosaic.version = 14 : i64} {
  func.func @_sc_scan(%arg0: i32, %arg1: i32, %arg2: memref<1x128xf32, #tpu.memory_space<hbm>>, %arg3: memref<12800000xf32, #tpu.memory_space<hbm>>, %arg4: memref<32x16xf32, #tpu.memory_space<hbm>>, %arg5: memref<32x16xi32, #tpu.memory_space<hbm>>, %arg6: memref<256xf32, #tpu.memory_space<vmem>>, %arg7: memref<40960xf32, #tpu.memory_space<vmem>>, %arg8: memref<40960xf32, #tpu.memory_space<vmem>>, %arg9: memref<16xf32, #tpu.memory_space<vmem>>, %arg10: memref<16xi32, #tpu.memory_space<vmem>>, %arg11: memref<!tpu.dma_semaphore, #tpu.memory_space<semaphore_mem>>, %arg12: memref<!tpu.dma_semaphore, #tpu.memory_space<semaphore_mem>>) attributes {dimension_semantics = [#tpu.dimension_semantics<core_parallel>, #tpu.dimension_semantics<subcore_parallel>], iteration_bounds = array<i64: 2, 16>, scalar_prefetch = 0 : i64, scratch_operands = 7 : i64, tpu.core_type = #tpu.core_type<sc_vector_subcore>, window_params = [{transform_indices = #map}, {transform_indices = #map1}, {transform_indices = #map}, {transform_indices = #map}]} {
    %mul3A = arith.constant 2 : i32
    %mul3A_0 = arith.muli %arg1, %mul3A : i32
    %add3A = arith.addi %mul3A_0, %arg0 : i32
    %run_scoped3A = arith.constant 0 : i32
    "tpu.region"() ({
      %run_scoped3A_89 = tpu.sem_alloc : memref<!tpu.dma_semaphore, #tpu.memory_space<semaphore_mem>>
      %dma_start3A = arith.constant 0 : i32
      %dma_start3A_90 = tpu.memref_slice %arg6[%dma_start3A] : memref<256xf32, #tpu.memory_space<vmem>> -> memref<128xf32, #tpu.memory_space<vmem>>
      %dma_start3A_91 = arith.constant 0 : i32
      %dma_start3A_92 = tpu.memref_slice %arg2[%run_scoped3A, %dma_start3A_91] : memref<1x128xf32, #tpu.memory_space<hbm>> -> memref<1x128xf32, #tpu.memory_space<hbm>>
      %dma_start3A_93 = tpu.memref_squeeze %dma_start3A_92 : memref<1x128xf32, #tpu.memory_space<hbm>> -> memref<128xf32, #tpu.memory_space<hbm>>
      %dma_start3A_94 = arith.constant 0 : i32
      %dma_start3A_95 = tpu.memref_slice %arg6[%dma_start3A_94] : memref<256xf32, #tpu.memory_space<vmem>> -> memref<128xf32, #tpu.memory_space<vmem>>
      %dma_start3A_96 = arith.constant 0 : i32
      %dma_start3A_97 = tpu.memref_slice %arg2[%run_scoped3A, %dma_start3A_96] : memref<1x128xf32, #tpu.memory_space<hbm>> -> memref<1x128xf32, #tpu.memory_space<hbm>>
      %dma_start3A_98 = tpu.memref_squeeze %dma_start3A_97 : memref<1x128xf32, #tpu.memory_space<hbm>> -> memref<128xf32, #tpu.memory_space<hbm>>
      tpu.enqueue_dma source(%dma_start3A_98 : memref<128xf32, #tpu.memory_space<hbm>>) target(%dma_start3A_95 : memref<128xf32, #tpu.memory_space<vmem>>) target_semaphore(%run_scoped3A_89 : memref<!tpu.dma_semaphore, #tpu.memory_space<semaphore_mem>>)
      %dma_wait3A = arith.constant 0 : i32
      %dma_wait3A_99 = tpu.memref_slice %arg6[%dma_wait3A] : memref<256xf32, #tpu.memory_space<vmem>> -> memref<128xf32, #tpu.memory_space<vmem>>
      %dma_wait3A_100 = arith.constant 0 : i32
      %dma_wait3A_101 = tpu.memref_slice %arg2[%run_scoped3A, %dma_wait3A_100] : memref<1x128xf32, #tpu.memory_space<hbm>> -> memref<1x128xf32, #tpu.memory_space<hbm>>
      %dma_wait3A_102 = tpu.memref_squeeze %dma_wait3A_101 : memref<1x128xf32, #tpu.memory_space<hbm>> -> memref<128xf32, #tpu.memory_space<hbm>>
      %dma_wait3A_103 = arith.constant 0 : i32
      %dma_wait3A_104 = tpu.memref_slice %arg6[%dma_wait3A_103] : memref<256xf32, #tpu.memory_space<vmem>> -> memref<128xf32, #tpu.memory_space<vmem>>
      %dma_wait3A_105 = arith.constant 0 : i32
      %dma_wait3A_106 = tpu.memref_slice %arg2[%run_scoped3A, %dma_wait3A_105] : memref<1x128xf32, #tpu.memory_space<hbm>> -> memref<1x128xf32, #tpu.memory_space<hbm>>
      %dma_wait3A_107 = tpu.memref_squeeze %dma_wait3A_106 : memref<1x128xf32, #tpu.memory_space<hbm>> -> memref<128xf32, #tpu.memory_space<hbm>>
      tpu.wait_dma2 semaphore(%run_scoped3A_89 : memref<!tpu.dma_semaphore, #tpu.memory_space<semaphore_mem>>) src(%dma_wait3A_107 : memref<128xf32, #tpu.memory_space<hbm>>) dst(%dma_wait3A_104 : memref<128xf32, #tpu.memory_space<vmem>>)
      tpu.yield
    }) : () -> ()
    %run_scoped3A_1 = arith.constant 0 : i32
    "tpu.region"() ({
      %run_scoped3A_89 = tpu.sem_alloc : memref<!tpu.dma_semaphore, #tpu.memory_space<semaphore_mem>>
      %dma_start3A = arith.constant 128 : i32
      %dma_start3A_90 = tpu.memref_slice %arg6[%dma_start3A] : memref<256xf32, #tpu.memory_space<vmem>> -> memref<128xf32, #tpu.memory_space<vmem>>
      %dma_start3A_91 = arith.constant 0 : i32
      %dma_start3A_92 = tpu.memref_slice %arg2[%run_scoped3A_1, %dma_start3A_91] : memref<1x128xf32, #tpu.memory_space<hbm>> -> memref<1x128xf32, #tpu.memory_space<hbm>>
      %dma_start3A_93 = tpu.memref_squeeze %dma_start3A_92 : memref<1x128xf32, #tpu.memory_space<hbm>> -> memref<128xf32, #tpu.memory_space<hbm>>
      %dma_start3A_94 = arith.constant 128 : i32
      %dma_start3A_95 = tpu.memref_slice %arg6[%dma_start3A_94] : memref<256xf32, #tpu.memory_space<vmem>> -> memref<128xf32, #tpu.memory_space<vmem>>
      %dma_start3A_96 = arith.constant 0 : i32
      %dma_start3A_97 = tpu.memref_slice %arg2[%run_scoped3A_1, %dma_start3A_96] : memref<1x128xf32, #tpu.memory_space<hbm>> -> memref<1x128xf32, #tpu.memory_space<hbm>>
      %dma_start3A_98 = tpu.memref_squeeze %dma_start3A_97 : memref<1x128xf32, #tpu.memory_space<hbm>> -> memref<128xf32, #tpu.memory_space<hbm>>
      tpu.enqueue_dma source(%dma_start3A_98 : memref<128xf32, #tpu.memory_space<hbm>>) target(%dma_start3A_95 : memref<128xf32, #tpu.memory_space<vmem>>) target_semaphore(%run_scoped3A_89 : memref<!tpu.dma_semaphore, #tpu.memory_space<semaphore_mem>>)
      %dma_wait3A = arith.constant 128 : i32
      %dma_wait3A_99 = tpu.memref_slice %arg6[%dma_wait3A] : memref<256xf32, #tpu.memory_space<vmem>> -> memref<128xf32, #tpu.memory_space<vmem>>
      %dma_wait3A_100 = arith.constant 0 : i32
      %dma_wait3A_101 = tpu.memref_slice %arg2[%run_scoped3A_1, %dma_wait3A_100] : memref<1x128xf32, #tpu.memory_space<hbm>> -> memref<1x128xf32, #tpu.memory_space<hbm>>
      %dma_wait3A_102 = tpu.memref_squeeze %dma_wait3A_101 : memref<1x128xf32, #tpu.memory_space<hbm>> -> memref<128xf32, #tpu.memory_space<hbm>>
      %dma_wait3A_103 = arith.constant 128 : i32
      %dma_wait3A_104 = tpu.memref_slice %arg6[%dma_wait3A_103] : memref<256xf32, #tpu.memory_space<vmem>> -> memref<128xf32, #tpu.memory_space<vmem>>
      %dma_wait3A_105 = arith.constant 0 : i32
      %dma_wait3A_106 = tpu.memref_slice %arg2[%run_scoped3A_1, %dma_wait3A_105] : memref<1x128xf32, #tpu.memory_space<hbm>> -> memref<1x128xf32, #tpu.memory_space<hbm>>
      %dma_wait3A_107 = tpu.memref_squeeze %dma_wait3A_106 : memref<1x128xf32, #tpu.memory_space<hbm>> -> memref<128xf32, #tpu.memory_space<hbm>>
      tpu.wait_dma2 semaphore(%run_scoped3A_89 : memref<!tpu.dma_semaphore, #tpu.memory_space<semaphore_mem>>) src(%dma_wait3A_107 : memref<128xf32, #tpu.memory_space<hbm>>) dst(%dma_wait3A_104 : memref<128xf32, #tpu.memory_space<vmem>>)
      tpu.yield
    }) : () -> ()
    %iota3A = tpu.iota {dimensions = array<i32: 0>} : vector<16xi32>
    %broadcast_in_dim3A = arith.constant -3.000000e+38 : f32
    %broadcast_in_dim3A_2 = vector.broadcast %broadcast_in_dim3A : f32 to vector<16xf32>
    %swap3A = arith.constant 0 : index
    %swap3A_3 = tpu.vector_load %arg9[%swap3A] {strides = array<i32>} : memref<16xf32, #tpu.memory_space<vmem>>, vector<16xf32>,
    tpu.vector_store %arg9[%swap3A], %broadcast_in_dim3A_2 {strides = array<i32>} : memref<16xf32, #tpu.memory_space<vmem>>, vector<16xf32>,
    %broadcast_in_dim3A_4 = arith.constant 0 : i32
    %broadcast_in_dim3A_5 = vector.broadcast %broadcast_in_dim3A_4 : i32 to vector<16xi32>
    %swap3A_6 = arith.constant 0 : index
    %swap3A_7 = tpu.vector_load %arg10[%swap3A_6] {strides = array<i32>} : memref<16xi32, #tpu.memory_space<vmem>>, vector<16xi32>,
    tpu.vector_store %arg10[%swap3A_6], %broadcast_in_dim3A_5 {strides = array<i32>} : memref<16xi32, #tpu.memory_space<vmem>>, vector<16xi32>,
    %add3A_8 = arith.constant 0 : i32
    %add3A_9 = arith.addi %add3A, %add3A_8 : i32
    %lt3A = arith.constant 125 : i32
    %lt3A_10 = arith.cmpi slt, %add3A_9, %lt3A : i32
    %convert_element_type3A = arith.extui %lt3A_10 : i1 to i32
    %cond3A = arith.constant 0 : i32
    %cond3A_11 = arith.cmpi ne, %convert_element_type3A, %cond3A : i32
    scf.if %cond3A_11 {
      %mul3A_89 = arith.constant 40960 : i32
      %mul3A_90 = arith.muli %add3A_9, %mul3A_89 : i32
      %multiple_of3A = tpu.assume_multiple %mul3A_90, 8 : i32
      %dma_start3A = tpu.memref_slice %arg3[%multiple_of3A] : memref<12800000xf32, #tpu.memory_space<hbm>> -> memref<40960xf32, #tpu.memory_space<hbm>>
      %dma_start3A_91 = tpu.memref_slice %arg3[%multiple_of3A] : memref<12800000xf32, #tpu.memory_space<hbm>> -> memref<40960xf32, #tpu.memory_space<hbm>>
      tpu.enqueue_dma source(%dma_start3A_91 : memref<40960xf32, #tpu.memory_space<hbm>>) target(%arg7 : memref<40960xf32, #tpu.memory_space<vmem>>) target_semaphore(%arg11 : memref<!tpu.dma_semaphore, #tpu.memory_space<semaphore_mem>>)
    } else {
    }
    %add3A_12 = arith.constant 0 : i32
    %add3A_13 = arith.addi %add3A, %add3A_12 : i32
    %lt3A_14 = arith.constant 125 : i32
    %lt3A_15 = arith.cmpi slt, %add3A_13, %lt3A_14 : i32
    %convert_element_type3A_16 = arith.extui %lt3A_15 : i1 to i32
    %cond3A_17 = arith.constant 0 : i32
    %cond3A_18 = arith.cmpi ne, %convert_element_type3A_16, %cond3A_17 : i32
    scf.if %cond3A_18 {
      %mul3A_89 = arith.constant 40960 : i32
      %mul3A_90 = arith.muli %add3A_13, %mul3A_89 : i32
      %multiple_of3A = tpu.assume_multiple %mul3A_90, 8 : i32
      %dma_wait3A = tpu.memref_slice %arg3[%multiple_of3A] : memref<12800000xf32, #tpu.memory_space<hbm>> -> memref<40960xf32, #tpu.memory_space<hbm>>
      %dma_wait3A_91 = tpu.memref_slice %arg3[%multiple_of3A] : memref<12800000xf32, #tpu.memory_space<hbm>> -> memref<40960xf32, #tpu.memory_space<hbm>>
      tpu.wait_dma2 semaphore(%arg11 : memref<!tpu.dma_semaphore, #tpu.memory_space<semaphore_mem>>) src(%dma_wait3A_91 : memref<40960xf32, #tpu.memory_space<hbm>>) dst(%arg7 : memref<40960xf32, #tpu.memory_space<vmem>>)
    } else {
    }
    %add3A_19 = arith.constant 32 : i32
    %add3A_20 = arith.addi %add3A, %add3A_19 : i32
    %lt3A_21 = arith.constant 125 : i32
    %lt3A_22 = arith.cmpi slt, %add3A_20, %lt3A_21 : i32
    %convert_element_type3A_23 = arith.extui %lt3A_22 : i1 to i32
    %cond3A_24 = arith.constant 0 : i32
    %cond3A_25 = arith.cmpi ne, %convert_element_type3A_23, %cond3A_24 : i32
    scf.if %cond3A_25 {
      %mul3A_89 = arith.constant 40960 : i32
      %mul3A_90 = arith.muli %add3A_20, %mul3A_89 : i32
      %multiple_of3A = tpu.assume_multiple %mul3A_90, 8 : i32
      %dma_start3A = tpu.memref_slice %arg3[%multiple_of3A] : memref<12800000xf32, #tpu.memory_space<hbm>> -> memref<40960xf32, #tpu.memory_space<hbm>>
      %dma_start3A_91 = tpu.memref_slice %arg3[%multiple_of3A] : memref<12800000xf32, #tpu.memory_space<hbm>> -> memref<40960xf32, #tpu.memory_space<hbm>>
      tpu.enqueue_dma source(%dma_start3A_91 : memref<40960xf32, #tpu.memory_space<hbm>>) target(%arg8 : memref<40960xf32, #tpu.memory_space<vmem>>) target_semaphore(%arg12 : memref<!tpu.dma_semaphore, #tpu.memory_space<semaphore_mem>>)
    } else {
    }
    %add3A_26 = arith.constant 0 : i32
    %add3A_27 = arith.addi %add3A, %add3A_26 : i32
    %lt3A_28 = arith.constant 125 : i32
    %lt3A_29 = arith.cmpi slt, %add3A_27, %lt3A_28 : i32
    %convert_element_type3A_30 = arith.extui %lt3A_29 : i1 to i32
    %cond3A_31 = arith.constant 0 : i32
    %cond3A_32 = arith.cmpi ne, %convert_element_type3A_30, %cond3A_31 : i32
    scf.if %cond3A_32 {
      %mul3A_89 = arith.constant 320 : i32
      %mul3A_90 = arith.muli %add3A_27, %mul3A_89 : i32
      %get3A = arith.constant 0 : index
      %get3A_91 = tpu.vector_load %arg9[%get3A] {strides = array<i32>} : memref<16xf32, #tpu.memory_space<vmem>>, vector<16xf32>,
      %get3A_92 = arith.constant 0 : index
      %get3A_93 = tpu.vector_load %arg10[%get3A_92] {strides = array<i32>} : memref<16xi32, #tpu.memory_space<vmem>>, vector<16xi32>,
      %scan3A = arith.constant 0 : i32
      %scan3A_94 = arith.constant 10 : i32
      %scan3A_95 = arith.addi %scan3A, %scan3A_94 : i32
      %scan3A_96 = arith.constant 1 : i32
      %scan3A_97:2 = scf.for %scan3A_103 = %scan3A to %scan3A_95 step %scan3A_96 iter_args(%scan3A_104 = %get3A_91, %scan3A_105 = %get3A_93) -> (vector<16xf32>, vector<16xi32>)  : i32 {
        %mul3A_106 = arith.constant 2 : i32
        %mul3A_107 = arith.muli %mul3A_106, %scan3A_103 : i32
        %mul3A_108 = arith.constant 2048 : i32
        %mul3A_109 = arith.muli %mul3A_107, %mul3A_108 : i32
        %mul3A_110 = arith.constant 129 : i32
        %mul3A_111 = vector.broadcast %mul3A_110 : i32 to vector<16xi32>
        %mul3A_112 = arith.muli %iota3A, %mul3A_111 : vector<16xi32>
        %add3A_113 = vector.broadcast %mul3A_109 : i32 to vector<16xi32>
        %add3A_114 = arith.addi %add3A_113, %mul3A_112 : vector<16xi32>
        %mul3A_115 = arith.constant 2 : i32
        %mul3A_116 = arith.muli %mul3A_115, %scan3A_103 : i32
        %add3A_117 = arith.constant 1 : i32
        %add3A_118 = arith.addi %mul3A_116, %add3A_117 : i32
        %mul3A_119 = arith.constant 2048 : i32
        %mul3A_120 = arith.muli %add3A_118, %mul3A_119 : i32
        %mul3A_121 = arith.constant 129 : i32
        %mul3A_122 = vector.broadcast %mul3A_121 : i32 to vector<16xi32>
        %mul3A_123 = arith.muli %iota3A, %mul3A_122 : vector<16xi32>
        %add3A_124 = vector.broadcast %mul3A_120 : i32 to vector<16xi32>
        %add3A_125 = arith.addi %add3A_124, %mul3A_123 : vector<16xi32>
        %mul3A_126 = arith.constant 2 : i32
        %mul3A_127 = arith.muli %mul3A_126, %scan3A_103 : i32
        %mul3A_128 = arith.constant 2048 : i32
        %mul3A_129 = arith.muli %mul3A_127, %mul3A_128 : i32
        %mul3A_130 = arith.constant 128 : i32
        %mul3A_131 = vector.broadcast %mul3A_130 : i32 to vector<16xi32>
        %mul3A_132 = arith.muli %iota3A, %mul3A_131 : vector<16xi32>
        %add3A_133 = vector.broadcast %mul3A_129 : i32 to vector<16xi32>
        %add3A_134 = arith.addi %add3A_133, %mul3A_132 : vector<16xi32>
        %add3A_135 = arith.constant 128 : i32
        %add3A_136 = vector.broadcast %add3A_135 : i32 to vector<16xi32>
        %add3A_137 = arith.addi %add3A_134, %add3A_136 : vector<16xi32>
        %mul3A_138 = arith.constant 2 : i32
        %mul3A_139 = arith.muli %mul3A_138, %scan3A_103 : i32
        %add3A_140 = arith.constant 1 : i32
        %add3A_141 = arith.addi %mul3A_139, %add3A_140 : i32
        %mul3A_142 = arith.constant 2048 : i32
        %mul3A_143 = arith.muli %add3A_141, %mul3A_142 : i32
        %mul3A_144 = arith.constant 128 : i32
        %mul3A_145 = vector.broadcast %mul3A_144 : i32 to vector<16xi32>
        %mul3A_146 = arith.muli %iota3A, %mul3A_145 : vector<16xi32>
        %add3A_147 = vector.broadcast %mul3A_143 : i32 to vector<16xi32>
        %add3A_148 = arith.addi %add3A_147, %mul3A_146 : vector<16xi32>
        %add3A_149 = arith.constant 128 : i32
        %add3A_150 = vector.broadcast %add3A_149 : i32 to vector<16xi32>
        %add3A_151 = arith.addi %add3A_148, %add3A_150 : vector<16xi32>
        %broadcast_in_dim3A_152 = arith.constant 0.000000e+00 : f32
        %broadcast_in_dim3A_153 = vector.broadcast %broadcast_in_dim3A_152 : f32 to vector<16xf32>
        %scan3A_154 = arith.constant 0 : i32
        %scan3A_155 = arith.constant 7 : i32
        %scan3A_156 = arith.addi %scan3A_154, %scan3A_155 : i32
        %scan3A_157 = arith.constant 1 : i32
        %scan3A_158:18 = scf.for %scan3A_674 = %scan3A_154 to %scan3A_156 step %scan3A_157 iter_args(%scan3A_675 = %broadcast_in_dim3A_153, %scan3A_676 = %broadcast_in_dim3A_153, %scan3A_677 = %broadcast_in_dim3A_153, %scan3A_678 = %broadcast_in_dim3A_153, %scan3A_679 = %broadcast_in_dim3A_153, %scan3A_680 = %broadcast_in_dim3A_153, %scan3A_681 = %broadcast_in_dim3A_153, %scan3A_682 = %broadcast_in_dim3A_153, %scan3A_683 = %broadcast_in_dim3A_153, %scan3A_684 = %broadcast_in_dim3A_153, %scan3A_685 = %broadcast_in_dim3A_153, %scan3A_686 = %broadcast_in_dim3A_153, %scan3A_687 = %broadcast_in_dim3A_153, %scan3A_688 = %broadcast_in_dim3A_153, %scan3A_689 = %broadcast_in_dim3A_153, %scan3A_690 = %broadcast_in_dim3A_153, %scan3A_691 = %add3A_114, %scan3A_692 = %add3A_125) -> (vector<16xf32>, vector<16xf32>, vector<16xf32>, vector<16xf32>, vector<16xf32>, vector<16xf32>, vector<16xf32>, vector<16xf32>, vector<16xf32>, vector<16xf32>, vector<16xf32>, vector<16xf32>, vector<16xf32>, vector<16xf32>, vector<16xf32>, vector<16xf32>, vector<16xi32>, vector<16xi32>)  : i32 {
          %mul3A_693 = arith.constant 16 : i32
          %mul3A_694 = arith.muli %scan3A_674, %mul3A_693 : i32
          %add3A_695 = arith.constant 0 : i32
          %add3A_696 = arith.addi %mul3A_694, %add3A_695 : i32
          %get3A_697 = arith.index_cast %add3A_696 : i32 to index
          %get3A_698 = tpu.vector_load %arg6[%get3A_697] {strides = array<i32>} : memref<256xf32, #tpu.memory_space<vmem>>, vector<16xf32>,
          %gather3A_699 = tpu.vector_load_idx %arg7[%scan3A_691] : memref<40960xf32, #tpu.memory_space<vmem>>[vector<16xi32>], vector<16xf32>,
          %gather3A_700 = tpu.vector_load_idx %arg7[%scan3A_692] : memref<40960xf32, #tpu.memory_space<vmem>>[vector<16xi32>], vector<16xf32>,
          %mul3A_701 = arith.mulf %gather3A_699, %get3A_698 : vector<16xf32>
          %add3A_702 = arith.addf %scan3A_675, %mul3A_701 : vector<16xf32>
          %mul3A_703 = arith.mulf %gather3A_699, %gather3A_699 : vector<16xf32>
          %add3A_704 = arith.addf %scan3A_679, %mul3A_703 : vector<16xf32>
          %mul3A_705 = arith.mulf %gather3A_700, %get3A_698 : vector<16xf32>
          %add3A_706 = arith.addf %scan3A_683, %mul3A_705 : vector<16xf32>
          %mul3A_707 = arith.mulf %gather3A_700, %gather3A_700 : vector<16xf32>
          %add3A_708 = arith.addf %scan3A_687, %mul3A_707 : vector<16xf32>
          %add3A_709 = arith.constant 1 : i32
          %add3A_710 = vector.broadcast %add3A_709 : i32 to vector<16xi32>
          %add3A_711 = arith.addi %scan3A_691, %add3A_710 : vector<16xi32>
          %add3A_712 = arith.constant 1 : i32
          %add3A_713 = vector.broadcast %add3A_712 : i32 to vector<16xi32>
          %add3A_714 = arith.addi %scan3A_692, %add3A_713 : vector<16xi32>
          %mul3A_715 = arith.constant 16 : i32
          %mul3A_716 = arith.muli %scan3A_674, %mul3A_715 : i32
          %add3A_717 = arith.constant 1 : i32
          %add3A_718 = arith.addi %mul3A_716, %add3A_717 : i32
          %get3A_719 = arith.index_cast %add3A_718 : i32 to index
          %get3A_720 = tpu.vector_load %arg6[%get3A_719] {strides = array<i32>} : memref<256xf32, #tpu.memory_space<vmem>>, vector<16xf32>,
          %gather3A_721 = tpu.vector_load_idx %arg7[%add3A_711] : memref<40960xf32, #tpu.memory_space<vmem>>[vector<16xi32>], vector<16xf32>,
          %gather3A_722 = tpu.vector_load_idx %arg7[%add3A_714] : memref<40960xf32, #tpu.memory_space<vmem>>[vector<16xi32>], vector<16xf32>,
          %mul3A_723 = arith.mulf %gather3A_721, %get3A_720 : vector<16xf32>
          %add3A_724 = arith.addf %scan3A_676, %mul3A_723 : vector<16xf32>
          %mul3A_725 = arith.mulf %gather3A_721, %gather3A_721 : vector<16xf32>
          %add3A_726 = arith.addf %scan3A_680, %mul3A_725 : vector<16xf32>
          %mul3A_727 = arith.mulf %gather3A_722, %get3A_720 : vector<16xf32>
          %add3A_728 = arith.addf %scan3A_684, %mul3A_727 : vector<16xf32>
          %mul3A_729 = arith.mulf %gather3A_722, %gather3A_722 : vector<16xf32>
          %add3A_730 = arith.addf %scan3A_688, %mul3A_729 : vector<16xf32>
          %add3A_731 = arith.constant 1 : i32
          %add3A_732 = vector.broadcast %add3A_731 : i32 to vector<16xi32>
          %add3A_733 = arith.addi %add3A_711, %add3A_732 : vector<16xi32>
          %add3A_734 = arith.constant 1 : i32
          %add3A_735 = vector.broadcast %add3A_734 : i32 to vector<16xi32>
          %add3A_736 = arith.addi %add3A_714, %add3A_735 : vector<16xi32>
          %mul3A_737 = arith.constant 16 : i32
          %mul3A_738 = arith.muli %scan3A_674, %mul3A_737 : i32
          %add3A_739 = arith.constant 2 : i32
          %add3A_740 = arith.addi %mul3A_738, %add3A_739 : i32
          %get3A_741 = arith.index_cast %add3A_740 : i32 to index
          %get3A_742 = tpu.vector_load %arg6[%get3A_741] {strides = array<i32>} : memref<256xf32, #tpu.memory_space<vmem>>, vector<16xf32>,
          %gather3A_743 = tpu.vector_load_idx %arg7[%add3A_733] : memref<40960xf32, #tpu.memory_space<vmem>>[vector<16xi32>], vector<16xf32>,
          %gather3A_744 = tpu.vector_load_idx %arg7[%add3A_736] : memref<40960xf32, #tpu.memory_space<vmem>>[vector<16xi32>], vector<16xf32>,
          %mul3A_745 = arith.mulf %gather3A_743, %get3A_742 : vector<16xf32>
          %add3A_746 = arith.addf %scan3A_677, %mul3A_745 : vector<16xf32>
          %mul3A_747 = arith.mulf %gather3A_743, %gather3A_743 : vector<16xf32>
          %add3A_748 = arith.addf %scan3A_681, %mul3A_747 : vector<16xf32>
          %mul3A_749 = arith.mulf %gather3A_744, %get3A_742 : vector<16xf32>
          %add3A_750 = arith.addf %scan3A_685, %mul3A_749 : vector<16xf32>
          %mul3A_751 = arith.mulf %gather3A_744, %gather3A_744 : vector<16xf32>
          %add3A_752 = arith.addf %scan3A_689, %mul3A_751 : vector<16xf32>
          %add3A_753 = arith.constant 1 : i32
          %add3A_754 = vector.broadcast %add3A_753 : i32 to vector<16xi32>
          %add3A_755 = arith.addi %add3A_733, %add3A_754 : vector<16xi32>
          %add3A_756 = arith.constant 1 : i32
          %add3A_757 = vector.broadcast %add3A_756 : i32 to vector<16xi32>
          %add3A_758 = arith.addi %add3A_736, %add3A_757 : vector<16xi32>
          %mul3A_759 = arith.constant 16 : i32
          %mul3A_760 = arith.muli %scan3A_674, %mul3A_759 : i32
          %add3A_761 = arith.constant 3 : i32
          %add3A_762 = arith.addi %mul3A_760, %add3A_761 : i32
          %get3A_763 = arith.index_cast %add3A_762 : i32 to index
          %get3A_764 = tpu.vector_load %arg6[%get3A_763] {strides = array<i32>} : memref<256xf32, #tpu.memory_space<vmem>>, vector<16xf32>,
          %gather3A_765 = tpu.vector_load_idx %arg7[%add3A_755] : memref<40960xf32, #tpu.memory_space<vmem>>[vector<16xi32>], vector<16xf32>,
          %gather3A_766 = tpu.vector_load_idx %arg7[%add3A_758] : memref<40960xf32, #tpu.memory_space<vmem>>[vector<16xi32>], vector<16xf32>,
          %mul3A_767 = arith.mulf %gather3A_765, %get3A_764 : vector<16xf32>
          %add3A_768 = arith.addf %scan3A_678, %mul3A_767 : vector<16xf32>
          %mul3A_769 = arith.mulf %gather3A_765, %gather3A_765 : vector<16xf32>
          %add3A_770 = arith.addf %scan3A_682, %mul3A_769 : vector<16xf32>
          %mul3A_771 = arith.mulf %gather3A_766, %get3A_764 : vector<16xf32>
          %add3A_772 = arith.addf %scan3A_686, %mul3A_771 : vector<16xf32>
          %mul3A_773 = arith.mulf %gather3A_766, %gather3A_766 : vector<16xf32>
          %add3A_774 = arith.addf %scan3A_690, %mul3A_773 : vector<16xf32>
          %add3A_775 = arith.constant 1 : i32
          %add3A_776 = vector.broadcast %add3A_775 : i32 to vector<16xi32>
          %add3A_777 = arith.addi %add3A_755, %add3A_776 : vector<16xi32>
          %add3A_778 = arith.constant 1 : i32
          %add3A_779 = vector.broadcast %add3A_778 : i32 to vector<16xi32>
          %add3A_780 = arith.addi %add3A_758, %add3A_779 : vector<16xi32>
          %mul3A_781 = arith.constant 16 : i32
          %mul3A_782 = arith.muli %scan3A_674, %mul3A_781 : i32
          %add3A_783 = arith.constant 4 : i32
          %add3A_784 = arith.addi %mul3A_782, %add3A_783 : i32
          %get3A_785 = arith.index_cast %add3A_784 : i32 to index
          %get3A_786 = tpu.vector_load %arg6[%get3A_785] {strides = array<i32>} : memref<256xf32, #tpu.memory_space<vmem>>, vector<16xf32>,
          %gather3A_787 = tpu.vector_load_idx %arg7[%add3A_777] : memref<40960xf32, #tpu.memory_space<vmem>>[vector<16xi32>], vector<16xf32>,
          %gather3A_788 = tpu.vector_load_idx %arg7[%add3A_780] : memref<40960xf32, #tpu.memory_space<vmem>>[vector<16xi32>], vector<16xf32>,
          %mul3A_789 = arith.mulf %gather3A_787, %get3A_786 : vector<16xf32>
          %add3A_790 = arith.addf %add3A_702, %mul3A_789 : vector<16xf32>
          %mul3A_791 = arith.mulf %gather3A_787, %gather3A_787 : vector<16xf32>
          %add3A_792 = arith.addf %add3A_704, %mul3A_791 : vector<16xf32>
          %mul3A_793 = arith.mulf %gather3A_788, %get3A_786 : vector<16xf32>
          %add3A_794 = arith.addf %add3A_706, %mul3A_793 : vector<16xf32>
          %mul3A_795 = arith.mulf %gather3A_788, %gather3A_788 : vector<16xf32>
          %add3A_796 = arith.addf %add3A_708, %mul3A_795 : vector<16xf32>
          %add3A_797 = arith.constant 1 : i32
          %add3A_798 = vector.broadcast %add3A_797 : i32 to vector<16xi32>
          %add3A_799 = arith.addi %add3A_777, %add3A_798 : vector<16xi32>
          %add3A_800 = arith.constant 1 : i32
          %add3A_801 = vector.broadcast %add3A_800 : i32 to vector<16xi32>
          %add3A_802 = arith.addi %add3A_780, %add3A_801 : vector<16xi32>
          %mul3A_803 = arith.constant 16 : i32
          %mul3A_804 = arith.muli %scan3A_674, %mul3A_803 : i32
          %add3A_805 = arith.constant 5 : i32
          %add3A_806 = arith.addi %mul3A_804, %add3A_805 : i32
          %get3A_807 = arith.index_cast %add3A_806 : i32 to index
          %get3A_808 = tpu.vector_load %arg6[%get3A_807] {strides = array<i32>} : memref<256xf32, #tpu.memory_space<vmem>>, vector<16xf32>,
          %gather3A_809 = tpu.vector_load_idx %arg7[%add3A_799] : memref<40960xf32, #tpu.memory_space<vmem>>[vector<16xi32>], vector<16xf32>,
          %gather3A_810 = tpu.vector_load_idx %arg7[%add3A_802] : memref<40960xf32, #tpu.memory_space<vmem>>[vector<16xi32>], vector<16xf32>,
          %mul3A_811 = arith.mulf %gather3A_809, %get3A_808 : vector<16xf32>
          %add3A_812 = arith.addf %add3A_724, %mul3A_811 : vector<16xf32>
          %mul3A_813 = arith.mulf %gather3A_809, %gather3A_809 : vector<16xf32>
          %add3A_814 = arith.addf %add3A_726, %mul3A_813 : vector<16xf32>
          %mul3A_815 = arith.mulf %gather3A_810, %get3A_808 : vector<16xf32>
          %add3A_816 = arith.addf %add3A_728, %mul3A_815 : vector<16xf32>
          %mul3A_817 = arith.mulf %gather3A_810, %gather3A_810 : vector<16xf32>
          %add3A_818 = arith.addf %add3A_730, %mul3A_817 : vector<16xf32>
          %add3A_819 = arith.constant 1 : i32
          %add3A_820 = vector.broadcast %add3A_819 : i32 to vector<16xi32>
          %add3A_821 = arith.addi %add3A_799, %add3A_820 : vector<16xi32>
          %add3A_822 = arith.constant 1 : i32
          %add3A_823 = vector.broadcast %add3A_822 : i32 to vector<16xi32>
          %add3A_824 = arith.addi %add3A_802, %add3A_823 : vector<16xi32>
          %mul3A_825 = arith.constant 16 : i32
          %mul3A_826 = arith.muli %scan3A_674, %mul3A_825 : i32
          %add3A_827 = arith.constant 6 : i32
          %add3A_828 = arith.addi %mul3A_826, %add3A_827 : i32
          %get3A_829 = arith.index_cast %add3A_828 : i32 to index
          %get3A_830 = tpu.vector_load %arg6[%get3A_829] {strides = array<i32>} : memref<256xf32, #tpu.memory_space<vmem>>, vector<16xf32>,
          %gather3A_831 = tpu.vector_load_idx %arg7[%add3A_821] : memref<40960xf32, #tpu.memory_space<vmem>>[vector<16xi32>], vector<16xf32>,
          %gather3A_832 = tpu.vector_load_idx %arg7[%add3A_824] : memref<40960xf32, #tpu.memory_space<vmem>>[vector<16xi32>], vector<16xf32>,
          %mul3A_833 = arith.mulf %gather3A_831, %get3A_830 : vector<16xf32>
          %add3A_834 = arith.addf %add3A_746, %mul3A_833 : vector<16xf32>
          %mul3A_835 = arith.mulf %gather3A_831, %gather3A_831 : vector<16xf32>
          %add3A_836 = arith.addf %add3A_748, %mul3A_835 : vector<16xf32>
          %mul3A_837 = arith.mulf %gather3A_832, %get3A_830 : vector<16xf32>
          %add3A_838 = arith.addf %add3A_750, %mul3A_837 : vector<16xf32>
          %mul3A_839 = arith.mulf %gather3A_832, %gather3A_832 : vector<16xf32>
          %add3A_840 = arith.addf %add3A_752, %mul3A_839 : vector<16xf32>
          %add3A_841 = arith.constant 1 : i32
          %add3A_842 = vector.broadcast %add3A_841 : i32 to vector<16xi32>
          %add3A_843 = arith.addi %add3A_821, %add3A_842 : vector<16xi32>
          %add3A_844 = arith.constant 1 : i32
          %add3A_845 = vector.broadcast %add3A_844 : i32 to vector<16xi32>
          %add3A_846 = arith.addi %add3A_824, %add3A_845 : vector<16xi32>
          %mul3A_847 = arith.constant 16 : i32
          %mul3A_848 = arith.muli %scan3A_674, %mul3A_847 : i32
          %add3A_849 = arith.constant 7 : i32
          %add3A_850 = arith.addi %mul3A_848, %add3A_849 : i32
          %get3A_851 = arith.index_cast %add3A_850 : i32 to index
          %get3A_852 = tpu.vector_load %arg6[%get3A_851] {strides = array<i32>} : memref<256xf32, #tpu.memory_space<vmem>>, vector<16xf32>,
          %gather3A_853 = tpu.vector_load_idx %arg7[%add3A_843] : memref<40960xf32, #tpu.memory_space<vmem>>[vector<16xi32>], vector<16xf32>,
          %gather3A_854 = tpu.vector_load_idx %arg7[%add3A_846] : memref<40960xf32, #tpu.memory_space<vmem>>[vector<16xi32>], vector<16xf32>,
          %mul3A_855 = arith.mulf %gather3A_853, %get3A_852 : vector<16xf32>
          %add3A_856 = arith.addf %add3A_768, %mul3A_855 : vector<16xf32>
          %mul3A_857 = arith.mulf %gather3A_853, %gather3A_853 : vector<16xf32>
          %add3A_858 = arith.addf %add3A_770, %mul3A_857 : vector<16xf32>
          %mul3A_859 = arith.mulf %gather3A_854, %get3A_852 : vector<16xf32>
          %add3A_860 = arith.addf %add3A_772, %mul3A_859 : vector<16xf32>
          %mul3A_861 = arith.mulf %gather3A_854, %gather3A_854 : vector<16xf32>
          %add3A_862 = arith.addf %add3A_774, %mul3A_861 : vector<16xf32>
          %add3A_863 = arith.constant 1 : i32
          %add3A_864 = vector.broadcast %add3A_863 : i32 to vector<16xi32>
          %add3A_865 = arith.addi %add3A_843, %add3A_864 : vector<16xi32>
          %add3A_866 = arith.constant 1 : i32
          %add3A_867 = vector.broadcast %add3A_866 : i32 to vector<16xi32>
          %add3A_868 = arith.addi %add3A_846, %add3A_867 : vector<16xi32>
          %mul3A_869 = arith.constant 16 : i32
          %mul3A_870 = arith.muli %scan3A_674, %mul3A_869 : i32
          %add3A_871 = arith.constant 8 : i32
          %add3A_872 = arith.addi %mul3A_870, %add3A_871 : i32
          %get3A_873 = arith.index_cast %add3A_872 : i32 to index
          %get3A_874 = tpu.vector_load %arg6[%get3A_873] {strides = array<i32>} : memref<256xf32, #tpu.memory_space<vmem>>, vector<16xf32>,
          %gather3A_875 = tpu.vector_load_idx %arg7[%add3A_865] : memref<40960xf32, #tpu.memory_space<vmem>>[vector<16xi32>], vector<16xf32>,
          %gather3A_876 = tpu.vector_load_idx %arg7[%add3A_868] : memref<40960xf32, #tpu.memory_space<vmem>>[vector<16xi32>], vector<16xf32>,
          %mul3A_877 = arith.mulf %gather3A_875, %get3A_874 : vector<16xf32>
          %add3A_878 = arith.addf %add3A_790, %mul3A_877 : vector<16xf32>
          %mul3A_879 = arith.mulf %gather3A_875, %gather3A_875 : vector<16xf32>
          %add3A_880 = arith.addf %add3A_792, %mul3A_879 : vector<16xf32>
          %mul3A_881 = arith.mulf %gather3A_876, %get3A_874 : vector<16xf32>
          %add3A_882 = arith.addf %add3A_794, %mul3A_881 : vector<16xf32>
          %mul3A_883 = arith.mulf %gather3A_876, %gather3A_876 : vector<16xf32>
          %add3A_884 = arith.addf %add3A_796, %mul3A_883 : vector<16xf32>
          %add3A_885 = arith.constant 1 : i32
          %add3A_886 = vector.broadcast %add3A_885 : i32 to vector<16xi32>
          %add3A_887 = arith.addi %add3A_865, %add3A_886 : vector<16xi32>
          %add3A_888 = arith.constant 1 : i32
          %add3A_889 = vector.broadcast %add3A_888 : i32 to vector<16xi32>
          %add3A_890 = arith.addi %add3A_868, %add3A_889 : vector<16xi32>
          %mul3A_891 = arith.constant 16 : i32
          %mul3A_892 = arith.muli %scan3A_674, %mul3A_891 : i32
          %add3A_893 = arith.constant 9 : i32
          %add3A_894 = arith.addi %mul3A_892, %add3A_893 : i32
          %get3A_895 = arith.index_cast %add3A_894 : i32 to index
          %get3A_896 = tpu.vector_load %arg6[%get3A_895] {strides = array<i32>} : memref<256xf32, #tpu.memory_space<vmem>>, vector<16xf32>,
          %gather3A_897 = tpu.vector_load_idx %arg7[%add3A_887] : memref<40960xf32, #tpu.memory_space<vmem>>[vector<16xi32>], vector<16xf32>,
          %gather3A_898 = tpu.vector_load_idx %arg7[%add3A_890] : memref<40960xf32, #tpu.memory_space<vmem>>[vector<16xi32>], vector<16xf32>,
          %mul3A_899 = arith.mulf %gather3A_897, %get3A_896 : vector<16xf32>
          %add3A_900 = arith.addf %add3A_812, %mul3A_899 : vector<16xf32>
          %mul3A_901 = arith.mulf %gather3A_897, %gather3A_897 : vector<16xf32>
          %add3A_902 = arith.addf %add3A_814, %mul3A_901 : vector<16xf32>
          %mul3A_903 = arith.mulf %gather3A_898, %get3A_896 : vector<16xf32>
          %add3A_904 = arith.addf %add3A_816, %mul3A_903 : vector<16xf32>
          %mul3A_905 = arith.mulf %gather3A_898, %gather3A_898 : vector<16xf32>
          %add3A_906 = arith.addf %add3A_818, %mul3A_905 : vector<16xf32>
          %add3A_907 = arith.constant 1 : i32
          %add3A_908 = vector.broadcast %add3A_907 : i32 to vector<16xi32>
          %add3A_909 = arith.addi %add3A_887, %add3A_908 : vector<16xi32>
          %add3A_910 = arith.constant 1 : i32
          %add3A_911 = vector.broadcast %add3A_910 : i32 to vector<16xi32>
          %add3A_912 = arith.addi %add3A_890, %add3A_911 : vector<16xi32>
          %mul3A_913 = arith.constant 16 : i32
          %mul3A_914 = arith.muli %scan3A_674, %mul3A_913 : i32
          %add3A_915 = arith.constant 10 : i32
          %add3A_916 = arith.addi %mul3A_914, %add3A_915 : i32
          %get3A_917 = arith.index_cast %add3A_916 : i32 to index
          %get3A_918 = tpu.vector_load %arg6[%get3A_917] {strides = array<i32>} : memref<256xf32, #tpu.memory_space<vmem>>, vector<16xf32>,
          %gather3A_919 = tpu.vector_load_idx %arg7[%add3A_909] : memref<40960xf32, #tpu.memory_space<vmem>>[vector<16xi32>], vector<16xf32>,
          %gather3A_920 = tpu.vector_load_idx %arg7[%add3A_912] : memref<40960xf32, #tpu.memory_space<vmem>>[vector<16xi32>], vector<16xf32>,
          %mul3A_921 = arith.mulf %gather3A_919, %get3A_918 : vector<16xf32>
          %add3A_922 = arith.addf %add3A_834, %mul3A_921 : vector<16xf32>
          %mul3A_923 = arith.mulf %gather3A_919, %gather3A_919 : vector<16xf32>
          %add3A_924 = arith.addf %add3A_836, %mul3A_923 : vector<16xf32>
          %mul3A_925 = arith.mulf %gather3A_920, %get3A_918 : vector<16xf32>
          %add3A_926 = arith.addf %add3A_838, %mul3A_925 : vector<16xf32>
          %mul3A_927 = arith.mulf %gather3A_920, %gather3A_920 : vector<16xf32>
          %add3A_928 = arith.addf %add3A_840, %mul3A_927 : vector<16xf32>
          %add3A_929 = arith.constant 1 : i32
          %add3A_930 = vector.broadcast %add3A_929 : i32 to vector<16xi32>
          %add3A_931 = arith.addi %add3A_909, %add3A_930 : vector<16xi32>
          %add3A_932 = arith.constant 1 : i32
          %add3A_933 = vector.broadcast %add3A_932 : i32 to vector<16xi32>
          %add3A_934 = arith.addi %add3A_912, %add3A_933 : vector<16xi32>
          %mul3A_935 = arith.constant 16 : i32
          %mul3A_936 = arith.muli %scan3A_674, %mul3A_935 : i32
          %add3A_937 = arith.constant 11 : i32
          %add3A_938 = arith.addi %mul3A_936, %add3A_937 : i32
          %get3A_939 = arith.index_cast %add3A_938 : i32 to index
          %get3A_940 = tpu.vector_load %arg6[%get3A_939] {strides = array<i32>} : memref<256xf32, #tpu.memory_space<vmem>>, vector<16xf32>,
          %gather3A_941 = tpu.vector_load_idx %arg7[%add3A_931] : memref<40960xf32, #tpu.memory_space<vmem>>[vector<16xi32>], vector<16xf32>,
          %gather3A_942 = tpu.vector_load_idx %arg7[%add3A_934] : memref<40960xf32, #tpu.memory_space<vmem>>[vector<16xi32>], vector<16xf32>,
          %mul3A_943 = arith.mulf %gather3A_941, %get3A_940 : vector<16xf32>
          %add3A_944 = arith.addf %add3A_856, %mul3A_943 : vector<16xf32>
          %mul3A_945 = arith.mulf %gather3A_941, %gather3A_941 : vector<16xf32>
          %add3A_946 = arith.addf %add3A_858, %mul3A_945 : vector<16xf32>
          %mul3A_947 = arith.mulf %gather3A_942, %get3A_940 : vector<16xf32>
          %add3A_948 = arith.addf %add3A_860, %mul3A_947 : vector<16xf32>
          %mul3A_949 = arith.mulf %gather3A_942, %gather3A_942 : vector<16xf32>
          %add3A_950 = arith.addf %add3A_862, %mul3A_949 : vector<16xf32>
          %add3A_951 = arith.constant 1 : i32
          %add3A_952 = vector.broadcast %add3A_951 : i32 to vector<16xi32>
          %add3A_953 = arith.addi %add3A_931, %add3A_952 : vector<16xi32>
          %add3A_954 = arith.constant 1 : i32
          %add3A_955 = vector.broadcast %add3A_954 : i32 to vector<16xi32>
          %add3A_956 = arith.addi %add3A_934, %add3A_955 : vector<16xi32>
          %mul3A_957 = arith.constant 16 : i32
          %mul3A_958 = arith.muli %scan3A_674, %mul3A_957 : i32
          %add3A_959 = arith.constant 12 : i32
          %add3A_960 = arith.addi %mul3A_958, %add3A_959 : i32
          %get3A_961 = arith.index_cast %add3A_960 : i32 to index
          %get3A_962 = tpu.vector_load %arg6[%get3A_961] {strides = array<i32>} : memref<256xf32, #tpu.memory_space<vmem>>, vector<16xf32>,
          %gather3A_963 = tpu.vector_load_idx %arg7[%add3A_953] : memref<40960xf32, #tpu.memory_space<vmem>>[vector<16xi32>], vector<16xf32>,
          %gather3A_964 = tpu.vector_load_idx %arg7[%add3A_956] : memref<40960xf32, #tpu.memory_space<vmem>>[vector<16xi32>], vector<16xf32>,
          %mul3A_965 = arith.mulf %gather3A_963, %get3A_962 : vector<16xf32>
          %add3A_966 = arith.addf %add3A_878, %mul3A_965 : vector<16xf32>
          %mul3A_967 = arith.mulf %gather3A_963, %gather3A_963 : vector<16xf32>
          %add3A_968 = arith.addf %add3A_880, %mul3A_967 : vector<16xf32>
          %mul3A_969 = arith.mulf %gather3A_964, %get3A_962 : vector<16xf32>
          %add3A_970 = arith.addf %add3A_882, %mul3A_969 : vector<16xf32>
          %mul3A_971 = arith.mulf %gather3A_964, %gather3A_964 : vector<16xf32>
          %add3A_972 = arith.addf %add3A_884, %mul3A_971 : vector<16xf32>
          %add3A_973 = arith.constant 1 : i32
          %add3A_974 = vector.broadcast %add3A_973 : i32 to vector<16xi32>
          %add3A_975 = arith.addi %add3A_953, %add3A_974 : vector<16xi32>
          %add3A_976 = arith.constant 1 : i32
          %add3A_977 = vector.broadcast %add3A_976 : i32 to vector<16xi32>
          %add3A_978 = arith.addi %add3A_956, %add3A_977 : vector<16xi32>
          %mul3A_979 = arith.constant 16 : i32
          %mul3A_980 = arith.muli %scan3A_674, %mul3A_979 : i32
          %add3A_981 = arith.constant 13 : i32
          %add3A_982 = arith.addi %mul3A_980, %add3A_981 : i32
          %get3A_983 = arith.index_cast %add3A_982 : i32 to index
          %get3A_984 = tpu.vector_load %arg6[%get3A_983] {strides = array<i32>} : memref<256xf32, #tpu.memory_space<vmem>>, vector<16xf32>,
          %gather3A_985 = tpu.vector_load_idx %arg7[%add3A_975] : memref<40960xf32, #tpu.memory_space<vmem>>[vector<16xi32>], vector<16xf32>,
          %gather3A_986 = tpu.vector_load_idx %arg7[%add3A_978] : memref<40960xf32, #tpu.memory_space<vmem>>[vector<16xi32>], vector<16xf32>,
          %mul3A_987 = arith.mulf %gather3A_985, %get3A_984 : vector<16xf32>
          %add3A_988 = arith.addf %add3A_900, %mul3A_987 : vector<16xf32>
          %mul3A_989 = arith.mulf %gather3A_985, %gather3A_985 : vector<16xf32>
          %add3A_990 = arith.addf %add3A_902, %mul3A_989 : vector<16xf32>
          %mul3A_991 = arith.mulf %gather3A_986, %get3A_984 : vector<16xf32>
          %add3A_992 = arith.addf %add3A_904, %mul3A_991 : vector<16xf32>
          %mul3A_993 = arith.mulf %gather3A_986, %gather3A_986 : vector<16xf32>
          %add3A_994 = arith.addf %add3A_906, %mul3A_993 : vector<16xf32>
          %add3A_995 = arith.constant 1 : i32
          %add3A_996 = vector.broadcast %add3A_995 : i32 to vector<16xi32>
          %add3A_997 = arith.addi %add3A_975, %add3A_996 : vector<16xi32>
          %add3A_998 = arith.constant 1 : i32
          %add3A_999 = vector.broadcast %add3A_998 : i32 to vector<16xi32>
          %add3A_1000 = arith.addi %add3A_978, %add3A_999 : vector<16xi32>
          %mul3A_1001 = arith.constant 16 : i32
          %mul3A_1002 = arith.muli %scan3A_674, %mul3A_1001 : i32
          %add3A_1003 = arith.constant 14 : i32
          %add3A_1004 = arith.addi %mul3A_1002, %add3A_1003 : i32
          %get3A_1005 = arith.index_cast %add3A_1004 : i32 to index
          %get3A_1006 = tpu.vector_load %arg6[%get3A_1005] {strides = array<i32>} : memref<256xf32, #tpu.memory_space<vmem>>, vector<16xf32>,
          %gather3A_1007 = tpu.vector_load_idx %arg7[%add3A_997] : memref<40960xf32, #tpu.memory_space<vmem>>[vector<16xi32>], vector<16xf32>,
          %gather3A_1008 = tpu.vector_load_idx %arg7[%add3A_1000] : memref<40960xf32, #tpu.memory_space<vmem>>[vector<16xi32>], vector<16xf32>,
          %mul3A_1009 = arith.mulf %gather3A_1007, %get3A_1006 : vector<16xf32>
          %add3A_1010 = arith.addf %add3A_922, %mul3A_1009 : vector<16xf32>
          %mul3A_1011 = arith.mulf %gather3A_1007, %gather3A_1007 : vector<16xf32>
          %add3A_1012 = arith.addf %add3A_924, %mul3A_1011 : vector<16xf32>
          %mul3A_1013 = arith.mulf %gather3A_1008, %get3A_1006 : vector<16xf32>
          %add3A_1014 = arith.addf %add3A_926, %mul3A_1013 : vector<16xf32>
          %mul3A_1015 = arith.mulf %gather3A_1008, %gather3A_1008 : vector<16xf32>
          %add3A_1016 = arith.addf %add3A_928, %mul3A_1015 : vector<16xf32>
          %add3A_1017 = arith.constant 1 : i32
          %add3A_1018 = vector.broadcast %add3A_1017 : i32 to vector<16xi32>
          %add3A_1019 = arith.addi %add3A_997, %add3A_1018 : vector<16xi32>
          %add3A_1020 = arith.constant 1 : i32
          %add3A_1021 = vector.broadcast %add3A_1020 : i32 to vector<16xi32>
          %add3A_1022 = arith.addi %add3A_1000, %add3A_1021 : vector<16xi32>
          %mul3A_1023 = arith.constant 16 : i32
          %mul3A_1024 = arith.muli %scan3A_674, %mul3A_1023 : i32
          %add3A_1025 = arith.constant 15 : i32
          %add3A_1026 = arith.addi %mul3A_1024, %add3A_1025 : i32
          %get3A_1027 = arith.index_cast %add3A_1026 : i32 to index
          %get3A_1028 = tpu.vector_load %arg6[%get3A_1027] {strides = array<i32>} : memref<256xf32, #tpu.memory_space<vmem>>, vector<16xf32>,
          %gather3A_1029 = tpu.vector_load_idx %arg7[%add3A_1019] : memref<40960xf32, #tpu.memory_space<vmem>>[vector<16xi32>], vector<16xf32>,
          %gather3A_1030 = tpu.vector_load_idx %arg7[%add3A_1022] : memref<40960xf32, #tpu.memory_space<vmem>>[vector<16xi32>], vector<16xf32>,
          %mul3A_1031 = arith.mulf %gather3A_1029, %get3A_1028 : vector<16xf32>
          %add3A_1032 = arith.addf %add3A_944, %mul3A_1031 : vector<16xf32>
          %mul3A_1033 = arith.mulf %gather3A_1029, %gather3A_1029 : vector<16xf32>
          %add3A_1034 = arith.addf %add3A_946, %mul3A_1033 : vector<16xf32>
          %mul3A_1035 = arith.mulf %gather3A_1030, %get3A_1028 : vector<16xf32>
          %add3A_1036 = arith.addf %add3A_948, %mul3A_1035 : vector<16xf32>
          %mul3A_1037 = arith.mulf %gather3A_1030, %gather3A_1030 : vector<16xf32>
          %add3A_1038 = arith.addf %add3A_950, %mul3A_1037 : vector<16xf32>
          %add3A_1039 = arith.constant 1 : i32
          %add3A_1040 = vector.broadcast %add3A_1039 : i32 to vector<16xi32>
          %add3A_1041 = arith.addi %add3A_1019, %add3A_1040 : vector<16xi32>
          %add3A_1042 = arith.constant 1 : i32
          %add3A_1043 = vector.broadcast %add3A_1042 : i32 to vector<16xi32>
          %add3A_1044 = arith.addi %add3A_1022, %add3A_1043 : vector<16xi32>
          scf.yield %add3A_966, %add3A_988, %add3A_1010, %add3A_1032, %add3A_968, %add3A_990, %add3A_1012, %add3A_1034, %add3A_970, %add3A_992, %add3A_1014, %add3A_1036, %add3A_972, %add3A_994, %add3A_1016, %add3A_1038, %add3A_1041, %add3A_1044 : vector<16xf32>, vector<16xf32>, vector<16xf32>, vector<16xf32>, vector<16xf32>, vector<16xf32>, vector<16xf32>, vector<16xf32>, vector<16xf32>, vector<16xf32>, vector<16xf32>, vector<16xf32>, vector<16xf32>, vector<16xf32>, vector<16xf32>, vector<16xf32>, vector<16xi32>, vector<16xi32>
        }
        %scan3A_159 = arith.constant 7 : i32
        %get3A_160 = arith.constant 112 : index
        %get3A_161 = tpu.vector_load %arg6[%get3A_160] {strides = array<i32>} : memref<256xf32, #tpu.memory_space<vmem>>, vector<16xf32>,
        %gather3A = tpu.vector_load_idx %arg7[%scan3A_158#16] : memref<40960xf32, #tpu.memory_space<vmem>>[vector<16xi32>], vector<16xf32>,
        %gather3A_162 = tpu.vector_load_idx %arg7[%scan3A_158#17] : memref<40960xf32, #tpu.memory_space<vmem>>[vector<16xi32>], vector<16xf32>,
        %mul3A_163 = arith.mulf %gather3A, %get3A_161 : vector<16xf32>
        %add3A_164 = arith.addf %scan3A_158#0, %mul3A_163 : vector<16xf32>
        %mul3A_165 = arith.mulf %gather3A, %gather3A : vector<16xf32>
        %add3A_166 = arith.addf %scan3A_158#4, %mul3A_165 : vector<16xf32>
        %mul3A_167 = arith.mulf %gather3A_162, %get3A_161 : vector<16xf32>
        %add3A_168 = arith.addf %scan3A_158#8, %mul3A_167 : vector<16xf32>
        %mul3A_169 = arith.mulf %gather3A_162, %gather3A_162 : vector<16xf32>
        %add3A_170 = arith.addf %scan3A_158#12, %mul3A_169 : vector<16xf32>
        %add3A_171 = arith.constant 1 : i32
        %add3A_172 = vector.broadcast %add3A_171 : i32 to vector<16xi32>
        %add3A_173 = arith.addi %scan3A_158#16, %add3A_172 : vector<16xi32>
        %ge3A = arith.cmpi sge, %add3A_173, %add3A_137 : vector<16xi32>
        %sub3A = arith.constant 128 : i32
        %sub3A_174 = vector.broadcast %sub3A : i32 to vector<16xi32>
        %sub3A_175 = arith.subi %add3A_173, %sub3A_174 : vector<16xi32>
        %select_n3A = arith.select %ge3A, %sub3A_175, %add3A_173 : vector<16xi1>, vector<16xi32>
        %add3A_176 = arith.constant 1 : i32
        %add3A_177 = vector.broadcast %add3A_176 : i32 to vector<16xi32>
        %add3A_178 = arith.addi %scan3A_158#17, %add3A_177 : vector<16xi32>
        %ge3A_179 = arith.cmpi sge, %add3A_178, %add3A_151 : vector<16xi32>
        %sub3A_180 = arith.constant 128 : i32
        %sub3A_181 = vector.broadcast %sub3A_180 : i32 to vector<16xi32>
        %sub3A_182 = arith.subi %add3A_178, %sub3A_181 : vector<16xi32>
        %select_n3A_183 = arith.select %ge3A_179, %sub3A_182, %add3A_178 : vector<16xi1>, vector<16xi32>
        %get3A_184 = arith.constant 113 : index
        %get3A_185 = tpu.vector_load %arg6[%get3A_184] {strides = array<i32>} : memref<256xf32, #tpu.memory_space<vmem>>, vector<16xf32>,
        %gather3A_186 = tpu.vector_load_idx %arg7[%select_n3A] : memref<40960xf32, #tpu.memory_space<vmem>>[vector<16xi32>], vector<16xf32>,
        %gather3A_187 = tpu.vector_load_idx %arg7[%select_n3A_183] : memref<40960xf32, #tpu.memory_space<vmem>>[vector<16xi32>], vector<16xf32>,
        %mul3A_188 = arith.mulf %gather3A_186, %get3A_185 : vector<16xf32>
        %add3A_189 = arith.addf %scan3A_158#1, %mul3A_188 : vector<16xf32>
        %mul3A_190 = arith.mulf %gather3A_186, %gather3A_186 : vector<16xf32>
        %add3A_191 = arith.addf %scan3A_158#5, %mul3A_190 : vector<16xf32>
        %mul3A_192 = arith.mulf %gather3A_187, %get3A_185 : vector<16xf32>
        %add3A_193 = arith.addf %scan3A_158#9, %mul3A_192 : vector<16xf32>
        %mul3A_194 = arith.mulf %gather3A_187, %gather3A_187 : vector<16xf32>
        %add3A_195 = arith.addf %scan3A_158#13, %mul3A_194 : vector<16xf32>
        %add3A_196 = arith.constant 1 : i32
        %add3A_197 = vector.broadcast %add3A_196 : i32 to vector<16xi32>
        %add3A_198 = arith.addi %select_n3A, %add3A_197 : vector<16xi32>
        %ge3A_199 = arith.cmpi sge, %add3A_198, %add3A_137 : vector<16xi32>
        %sub3A_200 = arith.constant 128 : i32
        %sub3A_201 = vector.broadcast %sub3A_200 : i32 to vector<16xi32>
        %sub3A_202 = arith.subi %add3A_198, %sub3A_201 : vector<16xi32>
        %select_n3A_203 = arith.select %ge3A_199, %sub3A_202, %add3A_198 : vector<16xi1>, vector<16xi32>
        %add3A_204 = arith.constant 1 : i32
        %add3A_205 = vector.broadcast %add3A_204 : i32 to vector<16xi32>
        %add3A_206 = arith.addi %select_n3A_183, %add3A_205 : vector<16xi32>
        %ge3A_207 = arith.cmpi sge, %add3A_206, %add3A_151 : vector<16xi32>
        %sub3A_208 = arith.constant 128 : i32
        %sub3A_209 = vector.broadcast %sub3A_208 : i32 to vector<16xi32>
        %sub3A_210 = arith.subi %add3A_206, %sub3A_209 : vector<16xi32>
        %select_n3A_211 = arith.select %ge3A_207, %sub3A_210, %add3A_206 : vector<16xi1>, vector<16xi32>
        %get3A_212 = arith.constant 114 : index
        %get3A_213 = tpu.vector_load %arg6[%get3A_212] {strides = array<i32>} : memref<256xf32, #tpu.memory_space<vmem>>, vector<16xf32>,
        %gather3A_214 = tpu.vector_load_idx %arg7[%select_n3A_203] : memref<40960xf32, #tpu.memory_space<vmem>>[vector<16xi32>], vector<16xf32>,
        %gather3A_215 = tpu.vector_load_idx %arg7[%select_n3A_211] : memref<40960xf32, #tpu.memory_space<vmem>>[vector<16xi32>], vector<16xf32>,
        %mul3A_216 = arith.mulf %gather3A_214, %get3A_213 : vector<16xf32>
        %add3A_217 = arith.addf %scan3A_158#2, %mul3A_216 : vector<16xf32>
        %mul3A_218 = arith.mulf %gather3A_214, %gather3A_214 : vector<16xf32>
        %add3A_219 = arith.addf %scan3A_158#6, %mul3A_218 : vector<16xf32>
        %mul3A_220 = arith.mulf %gather3A_215, %get3A_213 : vector<16xf32>
        %add3A_221 = arith.addf %scan3A_158#10, %mul3A_220 : vector<16xf32>
        %mul3A_222 = arith.mulf %gather3A_215, %gather3A_215 : vector<16xf32>
        %add3A_223 = arith.addf %scan3A_158#14, %mul3A_222 : vector<16xf32>
        %add3A_224 = arith.constant 1 : i32
        %add3A_225 = vector.broadcast %add3A_224 : i32 to vector<16xi32>
        %add3A_226 = arith.addi %select_n3A_203, %add3A_225 : vector<16xi32>
        %ge3A_227 = arith.cmpi sge, %add3A_226, %add3A_137 : vector<16xi32>
        %sub3A_228 = arith.constant 128 : i32
        %sub3A_229 = vector.broadcast %sub3A_228 : i32 to vector<16xi32>
        %sub3A_230 = arith.subi %add3A_226, %sub3A_229 : vector<16xi32>
        %select_n3A_231 = arith.select %ge3A_227, %sub3A_230, %add3A_226 : vector<16xi1>, vector<16xi32>
        %add3A_232 = arith.constant 1 : i32
        %add3A_233 = vector.broadcast %add3A_232 : i32 to vector<16xi32>
        %add3A_234 = arith.addi %select_n3A_211, %add3A_233 : vector<16xi32>
        %ge3A_235 = arith.cmpi sge, %add3A_234, %add3A_151 : vector<16xi32>
        %sub3A_236 = arith.constant 128 : i32
        %sub3A_237 = vector.broadcast %sub3A_236 : i32 to vector<16xi32>
        %sub3A_238 = arith.subi %add3A_234, %sub3A_237 : vector<16xi32>
        %select_n3A_239 = arith.select %ge3A_235, %sub3A_238, %add3A_234 : vector<16xi1>, vector<16xi32>
        %get3A_240 = arith.constant 115 : index
        %get3A_241 = tpu.vector_load %arg6[%get3A_240] {strides = array<i32>} : memref<256xf32, #tpu.memory_space<vmem>>, vector<16xf32>,
        %gather3A_242 = tpu.vector_load_idx %arg7[%select_n3A_231] : memref<40960xf32, #tpu.memory_space<vmem>>[vector<16xi32>], vector<16xf32>,
        %gather3A_243 = tpu.vector_load_idx %arg7[%select_n3A_239] : memref<40960xf32, #tpu.memory_space<vmem>>[vector<16xi32>], vector<16xf32>,
        %mul3A_244 = arith.mulf %gather3A_242, %get3A_241 : vector<16xf32>
        %add3A_245 = arith.addf %scan3A_158#3, %mul3A_244 : vector<16xf32>
        %mul3A_246 = arith.mulf %gather3A_242, %gather3A_242 : vector<16xf32>
        %add3A_247 = arith.addf %scan3A_158#7, %mul3A_246 : vector<16xf32>
        %mul3A_248 = arith.mulf %gather3A_243, %get3A_241 : vector<16xf32>
        %add3A_249 = arith.addf %scan3A_158#11, %mul3A_248 : vector<16xf32>
        %mul3A_250 = arith.mulf %gather3A_243, %gather3A_243 : vector<16xf32>
        %add3A_251 = arith.addf %scan3A_158#15, %mul3A_250 : vector<16xf32>
        %add3A_252 = arith.constant 1 : i32
        %add3A_253 = vector.broadcast %add3A_252 : i32 to vector<16xi32>
        %add3A_254 = arith.addi %select_n3A_231, %add3A_253 : vector<16xi32>
        %ge3A_255 = arith.cmpi sge, %add3A_254, %add3A_137 : vector<16xi32>
        %sub3A_256 = arith.constant 128 : i32
        %sub3A_257 = vector.broadcast %sub3A_256 : i32 to vector<16xi32>
        %sub3A_258 = arith.subi %add3A_254, %sub3A_257 : vector<16xi32>
        %select_n3A_259 = arith.select %ge3A_255, %sub3A_258, %add3A_254 : vector<16xi1>, vector<16xi32>
        %add3A_260 = arith.constant 1 : i32
        %add3A_261 = vector.broadcast %add3A_260 : i32 to vector<16xi32>
        %add3A_262 = arith.addi %select_n3A_239, %add3A_261 : vector<16xi32>
        %ge3A_263 = arith.cmpi sge, %add3A_262, %add3A_151 : vector<16xi32>
        %sub3A_264 = arith.constant 128 : i32
        %sub3A_265 = vector.broadcast %sub3A_264 : i32 to vector<16xi32>
        %sub3A_266 = arith.subi %add3A_262, %sub3A_265 : vector<16xi32>
        %select_n3A_267 = arith.select %ge3A_263, %sub3A_266, %add3A_262 : vector<16xi1>, vector<16xi32>
        %get3A_268 = arith.constant 116 : index
        %get3A_269 = tpu.vector_load %arg6[%get3A_268] {strides = array<i32>} : memref<256xf32, #tpu.memory_space<vmem>>, vector<16xf32>,
        %gather3A_270 = tpu.vector_load_idx %arg7[%select_n3A_259] : memref<40960xf32, #tpu.memory_space<vmem>>[vector<16xi32>], vector<16xf32>,
        %gather3A_271 = tpu.vector_load_idx %arg7[%select_n3A_267] : memref<40960xf32, #tpu.memory_space<vmem>>[vector<16xi32>], vector<16xf32>,
        %mul3A_272 = arith.mulf %gather3A_270, %get3A_269 : vector<16xf32>
        %add3A_273 = arith.addf %add3A_164, %mul3A_272 : vector<16xf32>
        %mul3A_274 = arith.mulf %gather3A_270, %gather3A_270 : vector<16xf32>
        %add3A_275 = arith.addf %add3A_166, %mul3A_274 : vector<16xf32>
        %mul3A_276 = arith.mulf %gather3A_271, %get3A_269 : vector<16xf32>
        %add3A_277 = arith.addf %add3A_168, %mul3A_276 : vector<16xf32>
        %mul3A_278 = arith.mulf %gather3A_271, %gather3A_271 : vector<16xf32>
        %add3A_279 = arith.addf %add3A_170, %mul3A_278 : vector<16xf32>
        %add3A_280 = arith.constant 1 : i32
        %add3A_281 = vector.broadcast %add3A_280 : i32 to vector<16xi32>
        %add3A_282 = arith.addi %select_n3A_259, %add3A_281 : vector<16xi32>
        %ge3A_283 = arith.cmpi sge, %add3A_282, %add3A_137 : vector<16xi32>
        %sub3A_284 = arith.constant 128 : i32
        %sub3A_285 = vector.broadcast %sub3A_284 : i32 to vector<16xi32>
        %sub3A_286 = arith.subi %add3A_282, %sub3A_285 : vector<16xi32>
        %select_n3A_287 = arith.select %ge3A_283, %sub3A_286, %add3A_282 : vector<16xi1>, vector<16xi32>
        %add3A_288 = arith.constant 1 : i32
        %add3A_289 = vector.broadcast %add3A_288 : i32 to vector<16xi32>
        %add3A_290 = arith.addi %select_n3A_267, %add3A_289 : vector<16xi32>
        %ge3A_291 = arith.cmpi sge, %add3A_290, %add3A_151 : vector<16xi32>
        %sub3A_292 = arith.constant 128 : i32
        %sub3A_293 = vector.broadcast %sub3A_292 : i32 to vector<16xi32>
        %sub3A_294 = arith.subi %add3A_290, %sub3A_293 : vector<16xi32>
        %select_n3A_295 = arith.select %ge3A_291, %sub3A_294, %add3A_290 : vector<16xi1>, vector<16xi32>
        %get3A_296 = arith.constant 117 : index
        %get3A_297 = tpu.vector_load %arg6[%get3A_296] {strides = array<i32>} : memref<256xf32, #tpu.memory_space<vmem>>, vector<16xf32>,
        %gather3A_298 = tpu.vector_load_idx %arg7[%select_n3A_287] : memref<40960xf32, #tpu.memory_space<vmem>>[vector<16xi32>], vector<16xf32>,
        %gather3A_299 = tpu.vector_load_idx %arg7[%select_n3A_295] : memref<40960xf32, #tpu.memory_space<vmem>>[vector<16xi32>], vector<16xf32>,
        %mul3A_300 = arith.mulf %gather3A_298, %get3A_297 : vector<16xf32>
        %add3A_301 = arith.addf %add3A_189, %mul3A_300 : vector<16xf32>
        %mul3A_302 = arith.mulf %gather3A_298, %gather3A_298 : vector<16xf32>
        %add3A_303 = arith.addf %add3A_191, %mul3A_302 : vector<16xf32>
        %mul3A_304 = arith.mulf %gather3A_299, %get3A_297 : vector<16xf32>
        %add3A_305 = arith.addf %add3A_193, %mul3A_304 : vector<16xf32>
        %mul3A_306 = arith.mulf %gather3A_299, %gather3A_299 : vector<16xf32>
        %add3A_307 = arith.addf %add3A_195, %mul3A_306 : vector<16xf32>
        %add3A_308 = arith.constant 1 : i32
        %add3A_309 = vector.broadcast %add3A_308 : i32 to vector<16xi32>
        %add3A_310 = arith.addi %select_n3A_287, %add3A_309 : vector<16xi32>
        %ge3A_311 = arith.cmpi sge, %add3A_310, %add3A_137 : vector<16xi32>
        %sub3A_312 = arith.constant 128 : i32
        %sub3A_313 = vector.broadcast %sub3A_312 : i32 to vector<16xi32>
        %sub3A_314 = arith.subi %add3A_310, %sub3A_313 : vector<16xi32>
        %select_n3A_315 = arith.select %ge3A_311, %sub3A_314, %add3A_310 : vector<16xi1>, vector<16xi32>
        %add3A_316 = arith.constant 1 : i32
        %add3A_317 = vector.broadcast %add3A_316 : i32 to vector<16xi32>
        %add3A_318 = arith.addi %select_n3A_295, %add3A_317 : vector<16xi32>
        %ge3A_319 = arith.cmpi sge, %add3A_318, %add3A_151 : vector<16xi32>
        %sub3A_320 = arith.constant 128 : i32
        %sub3A_321 = vector.broadcast %sub3A_320 : i32 to vector<16xi32>
        %sub3A_322 = arith.subi %add3A_318, %sub3A_321 : vector<16xi32>
        %select_n3A_323 = arith.select %ge3A_319, %sub3A_322, %add3A_318 : vector<16xi1>, vector<16xi32>
        %get3A_324 = arith.constant 118 : index
        %get3A_325 = tpu.vector_load %arg6[%get3A_324] {strides = array<i32>} : memref<256xf32, #tpu.memory_space<vmem>>, vector<16xf32>,
        %gather3A_326 = tpu.vector_load_idx %arg7[%select_n3A_315] : memref<40960xf32, #tpu.memory_space<vmem>>[vector<16xi32>], vector<16xf32>,
        %gather3A_327 = tpu.vector_load_idx %arg7[%select_n3A_323] : memref<40960xf32, #tpu.memory_space<vmem>>[vector<16xi32>], vector<16xf32>,
        %mul3A_328 = arith.mulf %gather3A_326, %get3A_325 : vector<16xf32>
        %add3A_329 = arith.addf %add3A_217, %mul3A_328 : vector<16xf32>
        %mul3A_330 = arith.mulf %gather3A_326, %gather3A_326 : vector<16xf32>
        %add3A_331 = arith.addf %add3A_219, %mul3A_330 : vector<16xf32>
        %mul3A_332 = arith.mulf %gather3A_327, %get3A_325 : vector<16xf32>
        %add3A_333 = arith.addf %add3A_221, %mul3A_332 : vector<16xf32>
        %mul3A_334 = arith.mulf %gather3A_327, %gather3A_327 : vector<16xf32>
        %add3A_335 = arith.addf %add3A_223, %mul3A_334 : vector<16xf32>
        %add3A_336 = arith.constant 1 : i32
        %add3A_337 = vector.broadcast %add3A_336 : i32 to vector<16xi32>
        %add3A_338 = arith.addi %select_n3A_315, %add3A_337 : vector<16xi32>
        %ge3A_339 = arith.cmpi sge, %add3A_338, %add3A_137 : vector<16xi32>
        %sub3A_340 = arith.constant 128 : i32
        %sub3A_341 = vector.broadcast %sub3A_340 : i32 to vector<16xi32>
        %sub3A_342 = arith.subi %add3A_338, %sub3A_341 : vector<16xi32>
        %select_n3A_343 = arith.select %ge3A_339, %sub3A_342, %add3A_338 : vector<16xi1>, vector<16xi32>
        %add3A_344 = arith.constant 1 : i32
        %add3A_345 = vector.broadcast %add3A_344 : i32 to vector<16xi32>
        %add3A_346 = arith.addi %select_n3A_323, %add3A_345 : vector<16xi32>
        %ge3A_347 = arith.cmpi sge, %add3A_346, %add3A_151 : vector<16xi32>
        %sub3A_348 = arith.constant 128 : i32
        %sub3A_349 = vector.broadcast %sub3A_348 : i32 to vector<16xi32>
        %sub3A_350 = arith.subi %add3A_346, %sub3A_349 : vector<16xi32>
        %select_n3A_351 = arith.select %ge3A_347, %sub3A_350, %add3A_346 : vector<16xi1>, vector<16xi32>
        %get3A_352 = arith.constant 119 : index
        %get3A_353 = tpu.vector_load %arg6[%get3A_352] {strides = array<i32>} : memref<256xf32, #tpu.memory_space<vmem>>, vector<16xf32>,
        %gather3A_354 = tpu.vector_load_idx %arg7[%select_n3A_343] : memref<40960xf32, #tpu.memory_space<vmem>>[vector<16xi32>], vector<16xf32>,
        %gather3A_355 = tpu.vector_load_idx %arg7[%select_n3A_351] : memref<40960xf32, #tpu.memory_space<vmem>>[vector<16xi32>], vector<16xf32>,
        %mul3A_356 = arith.mulf %gather3A_354, %get3A_353 : vector<16xf32>
        %add3A_357 = arith.addf %add3A_245, %mul3A_356 : vector<16xf32>
        %mul3A_358 = arith.mulf %gather3A_354, %gather3A_354 : vector<16xf32>
        %add3A_359 = arith.addf %add3A_247, %mul3A_358 : vector<16xf32>
        %mul3A_360 = arith.mulf %gather3A_355, %get3A_353 : vector<16xf32>
        %add3A_361 = arith.addf %add3A_249, %mul3A_360 : vector<16xf32>
        %mul3A_362 = arith.mulf %gather3A_355, %gather3A_355 : vector<16xf32>
        %add3A_363 = arith.addf %add3A_251, %mul3A_362 : vector<16xf32>
        %add3A_364 = arith.constant 1 : i32
        %add3A_365 = vector.broadcast %add3A_364 : i32 to vector<16xi32>
        %add3A_366 = arith.addi %select_n3A_343, %add3A_365 : vector<16xi32>
        %ge3A_367 = arith.cmpi sge, %add3A_366, %add3A_137 : vector<16xi32>
        %sub3A_368 = arith.constant 128 : i32
        %sub3A_369 = vector.broadcast %sub3A_368 : i32 to vector<16xi32>
        %sub3A_370 = arith.subi %add3A_366, %sub3A_369 : vector<16xi32>
        %select_n3A_371 = arith.select %ge3A_367, %sub3A_370, %add3A_366 : vector<16xi1>, vector<16xi32>
        %add3A_372 = arith.constant 1 : i32
        %add3A_373 = vector.broadcast %add3A_372 : i32 to vector<16xi32>
        %add3A_374 = arith.addi %select_n3A_351, %add3A_373 : vector<16xi32>
        %ge3A_375 = arith.cmpi sge, %add3A_374, %add3A_151 : vector<16xi32>
        %sub3A_376 = arith.constant 128 : i32
        %sub3A_377 = vector.broadcast %sub3A_376 : i32 to vector<16xi32>
        %sub3A_378 = arith.subi %add3A_374, %sub3A_377 : vector<16xi32>
        %select_n3A_379 = arith.select %ge3A_375, %sub3A_378, %add3A_374 : vector<16xi1>, vector<16xi32>
        %get3A_380 = arith.constant 120 : index
        %get3A_381 = tpu.vector_load %arg6[%get3A_380] {strides = array<i32>} : memref<256xf32, #tpu.memory_space<vmem>>, vector<16xf32>,
        %gather3A_382 = tpu.vector_load_idx %arg7[%select_n3A_371] : memref<40960xf32, #tpu.memory_space<vmem>>[vector<16xi32>], vector<16xf32>,
        %gather3A_383 = tpu.vector_load_idx %arg7[%select_n3A_379] : memref<40960xf32, #tpu.memory_space<vmem>>[vector<16xi32>], vector<16xf32>,
        %mul3A_384 = arith.mulf %gather3A_382, %get3A_381 : vector<16xf32>
        %add3A_385 = arith.addf %add3A_273, %mul3A_384 : vector<16xf32>
        %mul3A_386 = arith.mulf %gather3A_382, %gather3A_382 : vector<16xf32>
        %add3A_387 = arith.addf %add3A_275, %mul3A_386 : vector<16xf32>
        %mul3A_388 = arith.mulf %gather3A_383, %get3A_381 : vector<16xf32>
        %add3A_389 = arith.addf %add3A_277, %mul3A_388 : vector<16xf32>
        %mul3A_390 = arith.mulf %gather3A_383, %gather3A_383 : vector<16xf32>
        %add3A_391 = arith.addf %add3A_279, %mul3A_390 : vector<16xf32>
        %add3A_392 = arith.constant 1 : i32
        %add3A_393 = vector.broadcast %add3A_392 : i32 to vector<16xi32>
        %add3A_394 = arith.addi %select_n3A_371, %add3A_393 : vector<16xi32>
        %ge3A_395 = arith.cmpi sge, %add3A_394, %add3A_137 : vector<16xi32>
        %sub3A_396 = arith.constant 128 : i32
        %sub3A_397 = vector.broadcast %sub3A_396 : i32 to vector<16xi32>
        %sub3A_398 = arith.subi %add3A_394, %sub3A_397 : vector<16xi32>
        %select_n3A_399 = arith.select %ge3A_395, %sub3A_398, %add3A_394 : vector<16xi1>, vector<16xi32>
        %add3A_400 = arith.constant 1 : i32
        %add3A_401 = vector.broadcast %add3A_400 : i32 to vector<16xi32>
        %add3A_402 = arith.addi %select_n3A_379, %add3A_401 : vector<16xi32>
        %ge3A_403 = arith.cmpi sge, %add3A_402, %add3A_151 : vector<16xi32>
        %sub3A_404 = arith.constant 128 : i32
        %sub3A_405 = vector.broadcast %sub3A_404 : i32 to vector<16xi32>
        %sub3A_406 = arith.subi %add3A_402, %sub3A_405 : vector<16xi32>
        %select_n3A_407 = arith.select %ge3A_403, %sub3A_406, %add3A_402 : vector<16xi1>, vector<16xi32>
        %get3A_408 = arith.constant 121 : index
        %get3A_409 = tpu.vector_load %arg6[%get3A_408] {strides = array<i32>} : memref<256xf32, #tpu.memory_space<vmem>>, vector<16xf32>,
        %gather3A_410 = tpu.vector_load_idx %arg7[%select_n3A_399] : memref<40960xf32, #tpu.memory_space<vmem>>[vector<16xi32>], vector<16xf32>,
        %gather3A_411 = tpu.vector_load_idx %arg7[%select_n3A_407] : memref<40960xf32, #tpu.memory_space<vmem>>[vector<16xi32>], vector<16xf32>,
        %mul3A_412 = arith.mulf %gather3A_410, %get3A_409 : vector<16xf32>
        %add3A_413 = arith.addf %add3A_301, %mul3A_412 : vector<16xf32>
        %mul3A_414 = arith.mulf %gather3A_410, %gather3A_410 : vector<16xf32>
        %add3A_415 = arith.addf %add3A_303, %mul3A_414 : vector<16xf32>
        %mul3A_416 = arith.mulf %gather3A_411, %get3A_409 : vector<16xf32>
        %add3A_417 = arith.addf %add3A_305, %mul3A_416 : vector<16xf32>
        %mul3A_418 = arith.mulf %gather3A_411, %gather3A_411 : vector<16xf32>
        %add3A_419 = arith.addf %add3A_307, %mul3A_418 : vector<16xf32>
        %add3A_420 = arith.constant 1 : i32
        %add3A_421 = vector.broadcast %add3A_420 : i32 to vector<16xi32>
        %add3A_422 = arith.addi %select_n3A_399, %add3A_421 : vector<16xi32>
        %ge3A_423 = arith.cmpi sge, %add3A_422, %add3A_137 : vector<16xi32>
        %sub3A_424 = arith.constant 128 : i32
        %sub3A_425 = vector.broadcast %sub3A_424 : i32 to vector<16xi32>
        %sub3A_426 = arith.subi %add3A_422, %sub3A_425 : vector<16xi32>
        %select_n3A_427 = arith.select %ge3A_423, %sub3A_426, %add3A_422 : vector<16xi1>, vector<16xi32>
        %add3A_428 = arith.constant 1 : i32
        %add3A_429 = vector.broadcast %add3A_428 : i32 to vector<16xi32>
        %add3A_430 = arith.addi %select_n3A_407, %add3A_429 : vector<16xi32>
        %ge3A_431 = arith.cmpi sge, %add3A_430, %add3A_151 : vector<16xi32>
        %sub3A_432 = arith.constant 128 : i32
        %sub3A_433 = vector.broadcast %sub3A_432 : i32 to vector<16xi32>
        %sub3A_434 = arith.subi %add3A_430, %sub3A_433 : vector<16xi32>
        %select_n3A_435 = arith.select %ge3A_431, %sub3A_434, %add3A_430 : vector<16xi1>, vector<16xi32>
        %get3A_436 = arith.constant 122 : index
        %get3A_437 = tpu.vector_load %arg6[%get3A_436] {strides = array<i32>} : memref<256xf32, #tpu.memory_space<vmem>>, vector<16xf32>,
        %gather3A_438 = tpu.vector_load_idx %arg7[%select_n3A_427] : memref<40960xf32, #tpu.memory_space<vmem>>[vector<16xi32>], vector<16xf32>,
        %gather3A_439 = tpu.vector_load_idx %arg7[%select_n3A_435] : memref<40960xf32, #tpu.memory_space<vmem>>[vector<16xi32>], vector<16xf32>,
        %mul3A_440 = arith.mulf %gather3A_438, %get3A_437 : vector<16xf32>
        %add3A_441 = arith.addf %add3A_329, %mul3A_440 : vector<16xf32>
        %mul3A_442 = arith.mulf %gather3A_438, %gather3A_438 : vector<16xf32>
        %add3A_443 = arith.addf %add3A_331, %mul3A_442 : vector<16xf32>
        %mul3A_444 = arith.mulf %gather3A_439, %get3A_437 : vector<16xf32>
        %add3A_445 = arith.addf %add3A_333, %mul3A_444 : vector<16xf32>
        %mul3A_446 = arith.mulf %gather3A_439, %gather3A_439 : vector<16xf32>
        %add3A_447 = arith.addf %add3A_335, %mul3A_446 : vector<16xf32>
        %add3A_448 = arith.constant 1 : i32
        %add3A_449 = vector.broadcast %add3A_448 : i32 to vector<16xi32>
        %add3A_450 = arith.addi %select_n3A_427, %add3A_449 : vector<16xi32>
        %ge3A_451 = arith.cmpi sge, %add3A_450, %add3A_137 : vector<16xi32>
        %sub3A_452 = arith.constant 128 : i32
        %sub3A_453 = vector.broadcast %sub3A_452 : i32 to vector<16xi32>
        %sub3A_454 = arith.subi %add3A_450, %sub3A_453 : vector<16xi32>
        %select_n3A_455 = arith.select %ge3A_451, %sub3A_454, %add3A_450 : vector<16xi1>, vector<16xi32>
        %add3A_456 = arith.constant 1 : i32
        %add3A_457 = vector.broadcast %add3A_456 : i32 to vector<16xi32>
        %add3A_458 = arith.addi %select_n3A_435, %add3A_457 : vector<16xi32>
        %ge3A_459 = arith.cmpi sge, %add3A_458, %add3A_151 : vector<16xi32>
        %sub3A_460 = arith.constant 128 : i32
        %sub3A_461 = vector.broadcast %sub3A_460 : i32 to vector<16xi32>
        %sub3A_462 = arith.subi %add3A_458, %sub3A_461 : vector<16xi32>
        %select_n3A_463 = arith.select %ge3A_459, %sub3A_462, %add3A_458 : vector<16xi1>, vector<16xi32>
        %get3A_464 = arith.constant 123 : index
        %get3A_465 = tpu.vector_load %arg6[%get3A_464] {strides = array<i32>} : memref<256xf32, #tpu.memory_space<vmem>>, vector<16xf32>,
        %gather3A_466 = tpu.vector_load_idx %arg7[%select_n3A_455] : memref<40960xf32, #tpu.memory_space<vmem>>[vector<16xi32>], vector<16xf32>,
        %gather3A_467 = tpu.vector_load_idx %arg7[%select_n3A_463] : memref<40960xf32, #tpu.memory_space<vmem>>[vector<16xi32>], vector<16xf32>,
        %mul3A_468 = arith.mulf %gather3A_466, %get3A_465 : vector<16xf32>
        %add3A_469 = arith.addf %add3A_357, %mul3A_468 : vector<16xf32>
        %mul3A_470 = arith.mulf %gather3A_466, %gather3A_466 : vector<16xf32>
        %add3A_471 = arith.addf %add3A_359, %mul3A_470 : vector<16xf32>
        %mul3A_472 = arith.mulf %gather3A_467, %get3A_465 : vector<16xf32>
        %add3A_473 = arith.addf %add3A_361, %mul3A_472 : vector<16xf32>
        %mul3A_474 = arith.mulf %gather3A_467, %gather3A_467 : vector<16xf32>
        %add3A_475 = arith.addf %add3A_363, %mul3A_474 : vector<16xf32>
        %add3A_476 = arith.constant 1 : i32
        %add3A_477 = vector.broadcast %add3A_476 : i32 to vector<16xi32>
        %add3A_478 = arith.addi %select_n3A_455, %add3A_477 : vector<16xi32>
        %ge3A_479 = arith.cmpi sge, %add3A_478, %add3A_137 : vector<16xi32>
        %sub3A_480 = arith.constant 128 : i32
        %sub3A_481 = vector.broadcast %sub3A_480 : i32 to vector<16xi32>
        %sub3A_482 = arith.subi %add3A_478, %sub3A_481 : vector<16xi32>
        %select_n3A_483 = arith.select %ge3A_479, %sub3A_482, %add3A_478 : vector<16xi1>, vector<16xi32>
        %add3A_484 = arith.constant 1 : i32
        %add3A_485 = vector.broadcast %add3A_484 : i32 to vector<16xi32>
        %add3A_486 = arith.addi %select_n3A_463, %add3A_485 : vector<16xi32>
        %ge3A_487 = arith.cmpi sge, %add3A_486, %add3A_151 : vector<16xi32>
        %sub3A_488 = arith.constant 128 : i32
        %sub3A_489 = vector.broadcast %sub3A_488 : i32 to vector<16xi32>
        %sub3A_490 = arith.subi %add3A_486, %sub3A_489 : vector<16xi32>
        %select_n3A_491 = arith.select %ge3A_487, %sub3A_490, %add3A_486 : vector<16xi1>, vector<16xi32>
        %get3A_492 = arith.constant 124 : index
        %get3A_493 = tpu.vector_load %arg6[%get3A_492] {strides = array<i32>} : memref<256xf32, #tpu.memory_space<vmem>>, vector<16xf32>,
        %gather3A_494 = tpu.vector_load_idx %arg7[%select_n3A_483] : memref<40960xf32, #tpu.memory_space<vmem>>[vector<16xi32>], vector<16xf32>,
        %gather3A_495 = tpu.vector_load_idx %arg7[%select_n3A_491] : memref<40960xf32, #tpu.memory_space<vmem>>[vector<16xi32>], vector<16xf32>,
        %mul3A_496 = arith.mulf %gather3A_494, %get3A_493 : vector<16xf32>
        %add3A_497 = arith.addf %add3A_385, %mul3A_496 : vector<16xf32>
        %mul3A_498 = arith.mulf %gather3A_494, %gather3A_494 : vector<16xf32>
        %add3A_499 = arith.addf %add3A_387, %mul3A_498 : vector<16xf32>
        %mul3A_500 = arith.mulf %gather3A_495, %get3A_493 : vector<16xf32>
        %add3A_501 = arith.addf %add3A_389, %mul3A_500 : vector<16xf32>
        %mul3A_502 = arith.mulf %gather3A_495, %gather3A_495 : vector<16xf32>
        %add3A_503 = arith.addf %add3A_391, %mul3A_502 : vector<16xf32>
        %add3A_504 = arith.constant 1 : i32
        %add3A_505 = vector.broadcast %add3A_504 : i32 to vector<16xi32>
        %add3A_506 = arith.addi %select_n3A_483, %add3A_505 : vector<16xi32>
        %ge3A_507 = arith.cmpi sge, %add3A_506, %add3A_137 : vector<16xi32>
        %sub3A_508 = arith.constant 128 : i32
        %sub3A_509 = vector.broadcast %sub3A_508 : i32 to vector<16xi32>
        %sub3A_510 = arith.subi %add3A_506, %sub3A_509 : vector<16xi32>
        %select_n3A_511 = arith.select %ge3A_507, %sub3A_510, %add3A_506 : vector<16xi1>, vector<16xi32>
        %add3A_512 = arith.constant 1 : i32
        %add3A_513 = vector.broadcast %add3A_512 : i32 to vector<16xi32>
        %add3A_514 = arith.addi %select_n3A_491, %add3A_513 : vector<16xi32>
        %ge3A_515 = arith.cmpi sge, %add3A_514, %add3A_151 : vector<16xi32>
        %sub3A_516 = arith.constant 128 : i32
        %sub3A_517 = vector.broadcast %sub3A_516 : i32 to vector<16xi32>
        %sub3A_518 = arith.subi %add3A_514, %sub3A_517 : vector<16xi32>
        %select_n3A_519 = arith.select %ge3A_515, %sub3A_518, %add3A_514 : vector<16xi1>, vector<16xi32>
        %get3A_520 = arith.constant 125 : index
        %get3A_521 = tpu.vector_load %arg6[%get3A_520] {strides = array<i32>} : memref<256xf32, #tpu.memory_space<vmem>>, vector<16xf32>,
        %gather3A_522 = tpu.vector_load_idx %arg7[%select_n3A_511] : memref<40960xf32, #tpu.memory_space<vmem>>[vector<16xi32>], vector<16xf32>,
        %gather3A_523 = tpu.vector_load_idx %arg7[%select_n3A_519] : memref<40960xf32, #tpu.memory_space<vmem>>[vector<16xi32>], vector<16xf32>,
        %mul3A_524 = arith.mulf %gather3A_522, %get3A_521 : vector<16xf32>
        %add3A_525 = arith.addf %add3A_413, %mul3A_524 : vector<16xf32>
        %mul3A_526 = arith.mulf %gather3A_522, %gather3A_522 : vector<16xf32>
        %add3A_527 = arith.addf %add3A_415, %mul3A_526 : vector<16xf32>
        %mul3A_528 = arith.mulf %gather3A_523, %get3A_521 : vector<16xf32>
        %add3A_529 = arith.addf %add3A_417, %mul3A_528 : vector<16xf32>
        %mul3A_530 = arith.mulf %gather3A_523, %gather3A_523 : vector<16xf32>
        %add3A_531 = arith.addf %add3A_419, %mul3A_530 : vector<16xf32>
        %add3A_532 = arith.constant 1 : i32
        %add3A_533 = vector.broadcast %add3A_532 : i32 to vector<16xi32>
        %add3A_534 = arith.addi %select_n3A_511, %add3A_533 : vector<16xi32>
        %ge3A_535 = arith.cmpi sge, %add3A_534, %add3A_137 : vector<16xi32>
        %sub3A_536 = arith.constant 128 : i32
        %sub3A_537 = vector.broadcast %sub3A_536 : i32 to vector<16xi32>
        %sub3A_538 = arith.subi %add3A_534, %sub3A_537 : vector<16xi32>
        %select_n3A_539 = arith.select %ge3A_535, %sub3A_538, %add3A_534 : vector<16xi1>, vector<16xi32>
        %add3A_540 = arith.constant 1 : i32
        %add3A_541 = vector.broadcast %add3A_540 : i32 to vector<16xi32>
        %add3A_542 = arith.addi %select_n3A_519, %add3A_541 : vector<16xi32>
        %ge3A_543 = arith.cmpi sge, %add3A_542, %add3A_151 : vector<16xi32>
        %sub3A_544 = arith.constant 128 : i32
        %sub3A_545 = vector.broadcast %sub3A_544 : i32 to vector<16xi32>
        %sub3A_546 = arith.subi %add3A_542, %sub3A_545 : vector<16xi32>
        %select_n3A_547 = arith.select %ge3A_543, %sub3A_546, %add3A_542 : vector<16xi1>, vector<16xi32>
        %get3A_548 = arith.constant 126 : index
        %get3A_549 = tpu.vector_load %arg6[%get3A_548] {strides = array<i32>} : memref<256xf32, #tpu.memory_space<vmem>>, vector<16xf32>,
        %gather3A_550 = tpu.vector_load_idx %arg7[%select_n3A_539] : memref<40960xf32, #tpu.memory_space<vmem>>[vector<16xi32>], vector<16xf32>,
        %gather3A_551 = tpu.vector_load_idx %arg7[%select_n3A_547] : memref<40960xf32, #tpu.memory_space<vmem>>[vector<16xi32>], vector<16xf32>,
        %mul3A_552 = arith.mulf %gather3A_550, %get3A_549 : vector<16xf32>
        %add3A_553 = arith.addf %add3A_441, %mul3A_552 : vector<16xf32>
        %mul3A_554 = arith.mulf %gather3A_550, %gather3A_550 : vector<16xf32>
        %add3A_555 = arith.addf %add3A_443, %mul3A_554 : vector<16xf32>
        %mul3A_556 = arith.mulf %gather3A_551, %get3A_549 : vector<16xf32>
        %add3A_557 = arith.addf %add3A_445, %mul3A_556 : vector<16xf32>
        %mul3A_558 = arith.mulf %gather3A_551, %gather3A_551 : vector<16xf32>
        %add3A_559 = arith.addf %add3A_447, %mul3A_558 : vector<16xf32>
        %add3A_560 = arith.constant 1 : i32
        %add3A_561 = vector.broadcast %add3A_560 : i32 to vector<16xi32>
        %add3A_562 = arith.addi %select_n3A_539, %add3A_561 : vector<16xi32>
        %ge3A_563 = arith.cmpi sge, %add3A_562, %add3A_137 : vector<16xi32>
        %sub3A_564 = arith.constant 128 : i32
        %sub3A_565 = vector.broadcast %sub3A_564 : i32 to vector<16xi32>
        %sub3A_566 = arith.subi %add3A_562, %sub3A_565 : vector<16xi32>
        %select_n3A_567 = arith.select %ge3A_563, %sub3A_566, %add3A_562 : vector<16xi1>, vector<16xi32>
        %add3A_568 = arith.constant 1 : i32
        %add3A_569 = vector.broadcast %add3A_568 : i32 to vector<16xi32>
        %add3A_570 = arith.addi %select_n3A_547, %add3A_569 : vector<16xi32>
        %ge3A_571 = arith.cmpi sge, %add3A_570, %add3A_151 : vector<16xi32>
        %sub3A_572 = arith.constant 128 : i32
        %sub3A_573 = vector.broadcast %sub3A_572 : i32 to vector<16xi32>
        %sub3A_574 = arith.subi %add3A_570, %sub3A_573 : vector<16xi32>
        %select_n3A_575 = arith.select %ge3A_571, %sub3A_574, %add3A_570 : vector<16xi1>, vector<16xi32>
        %get3A_576 = arith.constant 127 : index
        %get3A_577 = tpu.vector_load %arg6[%get3A_576] {strides = array<i32>} : memref<256xf32, #tpu.memory_space<vmem>>, vector<16xf32>,
        %gather3A_578 = tpu.vector_load_idx %arg7[%select_n3A_567] : memref<40960xf32, #tpu.memory_space<vmem>>[vector<16xi32>], vector<16xf32>,
        %gather3A_579 = tpu.vector_load_idx %arg7[%select_n3A_575] : memref<40960xf32, #tpu.memory_space<vmem>>[vector<16xi32>], vector<16xf32>,
        %mul3A_580 = arith.mulf %gather3A_578, %get3A_577 : vector<16xf32>
        %add3A_581 = arith.addf %add3A_469, %mul3A_580 : vector<16xf32>
        %mul3A_582 = arith.mulf %gather3A_578, %gather3A_578 : vector<16xf32>
        %add3A_583 = arith.addf %add3A_471, %mul3A_582 : vector<16xf32>
        %mul3A_584 = arith.mulf %gather3A_579, %get3A_577 : vector<16xf32>
        %add3A_585 = arith.addf %add3A_473, %mul3A_584 : vector<16xf32>
        %mul3A_586 = arith.mulf %gather3A_579, %gather3A_579 : vector<16xf32>
        %add3A_587 = arith.addf %add3A_475, %mul3A_586 : vector<16xf32>
        %add3A_588 = arith.constant 1 : i32
        %add3A_589 = vector.broadcast %add3A_588 : i32 to vector<16xi32>
        %add3A_590 = arith.addi %select_n3A_567, %add3A_589 : vector<16xi32>
        %ge3A_591 = arith.cmpi sge, %add3A_590, %add3A_137 : vector<16xi32>
        %sub3A_592 = arith.constant 128 : i32
        %sub3A_593 = vector.broadcast %sub3A_592 : i32 to vector<16xi32>
        %sub3A_594 = arith.subi %add3A_590, %sub3A_593 : vector<16xi32>
        %select_n3A_595 = arith.select %ge3A_591, %sub3A_594, %add3A_590 : vector<16xi1>, vector<16xi32>
        %add3A_596 = arith.constant 1 : i32
        %add3A_597 = vector.broadcast %add3A_596 : i32 to vector<16xi32>
        %add3A_598 = arith.addi %select_n3A_575, %add3A_597 : vector<16xi32>
        %ge3A_599 = arith.cmpi sge, %add3A_598, %add3A_151 : vector<16xi32>
        %sub3A_600 = arith.constant 128 : i32
        %sub3A_601 = vector.broadcast %sub3A_600 : i32 to vector<16xi32>
        %sub3A_602 = arith.subi %add3A_598, %sub3A_601 : vector<16xi32>
        %select_n3A_603 = arith.select %ge3A_599, %sub3A_602, %add3A_598 : vector<16xi1>, vector<16xi32>
        %add3A_604 = arith.addf %add3A_497, %add3A_525 : vector<16xf32>
        %add3A_605 = arith.addf %add3A_553, %add3A_581 : vector<16xf32>
        %add3A_606 = arith.addf %add3A_604, %add3A_605 : vector<16xf32>
        %add3A_607 = arith.addf %add3A_499, %add3A_527 : vector<16xf32>
        %add3A_608 = arith.addf %add3A_555, %add3A_583 : vector<16xf32>
        %add3A_609 = arith.addf %add3A_607, %add3A_608 : vector<16xf32>
        %sign3A = tpu.bitcast %add3A_606 : vector<16xf32> -> vector<16xi32>
        %sign3A_610 = arith.constant -2147483648 : i32
        %sign3A_611 = vector.broadcast %sign3A_610 : i32 to vector<16xi32>
        %sign3A_612 = arith.andi %sign3A, %sign3A_611 : vector<16xi32>
        %sign3A_613 = arith.constant 1065353216 : i32
        %sign3A_614 = vector.broadcast %sign3A_613 : i32 to vector<16xi32>
        %sign3A_615 = arith.ori %sign3A_614, %sign3A_612 : vector<16xi32>
        %sign3A_616 = tpu.bitcast %sign3A_615 : vector<16xi32> -> vector<16xf32>
        %sign3A_617 = math.absf %add3A_606 : vector<16xf32>
        %sign3A_618 = arith.constant 0.000000e+00 : f32
        %sign3A_619 = vector.broadcast %sign3A_618 : f32 to vector<16xf32>
        %sign3A_620 = arith.cmpf ogt, %sign3A_617, %sign3A_619 : vector<16xf32>
        %sign3A_621 = arith.select %sign3A_620, %sign3A_616, %add3A_606 : vector<16xi1>, vector<16xf32>
        %mul3A_622 = arith.mulf %sign3A_621, %add3A_606 : vector<16xf32>
        %mul3A_623 = arith.mulf %mul3A_622, %add3A_606 : vector<16xf32>
        %max3A = arith.constant 1.000000e-30 : f32
        %max3A_624 = vector.broadcast %max3A : f32 to vector<16xf32>
        %max3A_625 = arith.maximumf %add3A_609, %max3A_624 : vector<16xf32>
        %div3A = arith.divf %mul3A_623, %max3A_625 : vector<16xf32>
        %mul3A_626 = arith.constant 2 : i32
        %mul3A_627 = arith.muli %mul3A_626, %scan3A_103 : i32
        %add3A_628 = arith.constant 0 : i32
        %add3A_629 = arith.addi %mul3A_627, %add3A_628 : i32
        %mul3A_630 = arith.constant 16 : i32
        %mul3A_631 = arith.muli %add3A_629, %mul3A_630 : i32
        %add3A_632 = arith.addi %mul3A_90, %mul3A_631 : i32
        %add3A_633 = vector.broadcast %add3A_632 : i32 to vector<16xi32>
        %add3A_634 = arith.addi %add3A_633, %iota3A : vector<16xi32>
        %gt3A = arith.cmpf ogt, %div3A, %scan3A_104 : vector<16xf32>
        %select_n3A_635 = arith.select %gt3A, %div3A, %scan3A_104 : vector<16xi1>, vector<16xf32>
        %select_n3A_636 = arith.select %gt3A, %add3A_634, %scan3A_105 : vector<16xi1>, vector<16xi32>
        %add3A_637 = arith.addf %add3A_501, %add3A_529 : vector<16xf32>
        %add3A_638 = arith.addf %add3A_557, %add3A_585 : vector<16xf32>
        %add3A_639 = arith.addf %add3A_637, %add3A_638 : vector<16xf32>
        %add3A_640 = arith.addf %add3A_503, %add3A_531 : vector<16xf32>
        %add3A_641 = arith.addf %add3A_559, %add3A_587 : vector<16xf32>
        %add3A_642 = arith.addf %add3A_640, %add3A_641 : vector<16xf32>
        %sign3A_643 = tpu.bitcast %add3A_639 : vector<16xf32> -> vector<16xi32>
        %sign3A_644 = arith.constant -2147483648 : i32
        %sign3A_645 = vector.broadcast %sign3A_644 : i32 to vector<16xi32>
        %sign3A_646 = arith.andi %sign3A_643, %sign3A_645 : vector<16xi32>
        %sign3A_647 = arith.constant 1065353216 : i32
        %sign3A_648 = vector.broadcast %sign3A_647 : i32 to vector<16xi32>
        %sign3A_649 = arith.ori %sign3A_648, %sign3A_646 : vector<16xi32>
        %sign3A_650 = tpu.bitcast %sign3A_649 : vector<16xi32> -> vector<16xf32>
        %sign3A_651 = math.absf %add3A_639 : vector<16xf32>
        %sign3A_652 = arith.constant 0.000000e+00 : f32
        %sign3A_653 = vector.broadcast %sign3A_652 : f32 to vector<16xf32>
        %sign3A_654 = arith.cmpf ogt, %sign3A_651, %sign3A_653 : vector<16xf32>
        %sign3A_655 = arith.select %sign3A_654, %sign3A_650, %add3A_639 : vector<16xi1>, vector<16xf32>
        %mul3A_656 = arith.mulf %sign3A_655, %add3A_639 : vector<16xf32>
        %mul3A_657 = arith.mulf %mul3A_656, %add3A_639 : vector<16xf32>
        %max3A_658 = arith.constant 1.000000e-30 : f32
        %max3A_659 = vector.broadcast %max3A_658 : f32 to vector<16xf32>
        %max3A_660 = arith.maximumf %add3A_642, %max3A_659 : vector<16xf32>
        %div3A_661 = arith.divf %mul3A_657, %max3A_660 : vector<16xf32>
        %mul3A_662 = arith.constant 2 : i32
        %mul3A_663 = arith.muli %mul3A_662, %scan3A_103 : i32
        %add3A_664 = arith.constant 1 : i32
        %add3A_665 = arith.addi %mul3A_663, %add3A_664 : i32
        %mul3A_666 = arith.constant 16 : i32
        %mul3A_667 = arith.muli %add3A_665, %mul3A_666 : i32
        %add3A_668 = arith.addi %mul3A_90, %mul3A_667 : i32
        %add3A_669 = vector.broadcast %add3A_668 : i32 to vector<16xi32>
        %add3A_670 = arith.addi %add3A_669, %iota3A : vector<16xi32>
        %gt3A_671 = arith.cmpf ogt, %div3A_661, %select_n3A_635 : vector<16xf32>
        %select_n3A_672 = arith.select %gt3A_671, %div3A_661, %select_n3A_635 : vector<16xi1>, vector<16xf32>
        %select_n3A_673 = arith.select %gt3A_671, %add3A_670, %select_n3A_636 : vector<16xi1>, vector<16xi32>
        scf.yield %select_n3A_672, %select_n3A_673 : vector<16xf32>, vector<16xi32>
      }
      %scan3A_98 = arith.constant 10 : i32
      %swap3A_99 = arith.constant 0 : index
      %swap3A_100 = tpu.vector_load %arg9[%swap3A_99] {strides = array<i32>} : memref<16xf32, #tpu.memory_space<vmem>>, vector<16xf32>,
      tpu.vector_store %arg9[%swap3A_99], %scan3A_97#0 {strides = array<i32>} : memref<16xf32, #tpu.memory_space<vmem>>, vector<16xf32>,
      %swap3A_101 = arith.constant 0 : index
      %swap3A_102 = tpu.vector_load %arg10[%swap3A_101] {strides = array<i32>} : memref<16xi32, #tpu.memory_space<vmem>>, vector<16xi32>,
      tpu.vector_store %arg10[%swap3A_101], %scan3A_97#1 {strides = array<i32>} : memref<16xi32, #tpu.memory_space<vmem>>, vector<16xi32>,
    } else {
    }
    %add3A_33 = arith.constant 32 : i32
    %add3A_34 = arith.addi %add3A, %add3A_33 : i32
    %lt3A_35 = arith.constant 125 : i32
    %lt3A_36 = arith.cmpi slt, %add3A_34, %lt3A_35 : i32
    %convert_element_type3A_37 = arith.extui %lt3A_36 : i1 to i32
    %cond3A_38 = arith.constant 0 : i32
    %cond3A_39 = arith.cmpi ne, %convert_element_type3A_37, %cond3A_38 : i32
    scf.if %cond3A_39 {
      %mul3A_89 = arith.constant 40960 : i32
      %mul3A_90 = arith.muli %add3A_34, %mul3A_89 : i32
      %multiple_of3A = tpu.assume_multiple %mul3A_90, 8 : i32
      %dma_wait3A = tpu.memref_slice %arg3[%multiple_of3A] : memref<12800000xf32, #tpu.memory_space<hbm>> -> memref<40960xf32, #tpu.memory_space<hbm>>
      %dma_wait3A_91 = tpu.memref_slice %arg3[%multiple_of3A] : memref<12800000xf32, #tpu.memory_space<hbm>> -> memref<40960xf32, #tpu.memory_space<hbm>>
      tpu.wait_dma2 semaphore(%arg12 : memref<!tpu.dma_semaphore, #tpu.memory_space<semaphore_mem>>) src(%dma_wait3A_91 : memref<40960xf32, #tpu.memory_space<hbm>>) dst(%arg8 : memref<40960xf32, #tpu.memory_space<vmem>>)
    } else {
    }
    %add3A_40 = arith.constant 64 : i32
    %add3A_41 = arith.addi %add3A, %add3A_40 : i32
    %lt3A_42 = arith.constant 125 : i32
    %lt3A_43 = arith.cmpi slt, %add3A_41, %lt3A_42 : i32
    %convert_element_type3A_44 = arith.extui %lt3A_43 : i1 to i32
    %cond3A_45 = arith.constant 0 : i32
    %cond3A_46 = arith.cmpi ne, %convert_element_type3A_44, %cond3A_45 : i32
    scf.if %cond3A_46 {
      %mul3A_89 = arith.constant 40960 : i32
      %mul3A_90 = arith.muli %add3A_41, %mul3A_89 : i32
      %multiple_of3A = tpu.assume_multiple %mul3A_90, 8 : i32
      %dma_start3A = tpu.memref_slice %arg3[%multiple_of3A] : memref<12800000xf32, #tpu.memory_space<hbm>> -> memref<40960xf32, #tpu.memory_space<hbm>>
      %dma_start3A_91 = tpu.memref_slice %arg3[%multiple_of3A] : memref<12800000xf32, #tpu.memory_space<hbm>> -> memref<40960xf32, #tpu.memory_space<hbm>>
      tpu.enqueue_dma source(%dma_start3A_91 : memref<40960xf32, #tpu.memory_space<hbm>>) target(%arg7 : memref<40960xf32, #tpu.memory_space<vmem>>) target_semaphore(%arg11 : memref<!tpu.dma_semaphore, #tpu.memory_space<semaphore_mem>>)
    } else {
    }
    %add3A_47 = arith.constant 32 : i32
    %add3A_48 = arith.addi %add3A, %add3A_47 : i32
    %lt3A_49 = arith.constant 125 : i32
    %lt3A_50 = arith.cmpi slt, %add3A_48, %lt3A_49 : i32
    %convert_element_type3A_51 = arith.extui %lt3A_50 : i1 to i32
    %cond3A_52 = arith.constant 0 : i32
    %cond3A_53 = arith.cmpi ne, %convert_element_type3A_51, %cond3A_52 : i32
    scf.if %cond3A_53 {
      %mul3A_89 = arith.constant 320 : i32
      %mul3A_90 = arith.muli %add3A_48, %mul3A_89 : i32
      %get3A = arith.constant 0 : index
      %get3A_91 = tpu.vector_load %arg9[%get3A] {strides = array<i32>} : memref<16xf32, #tpu.memory_space<vmem>>, vector<16xf32>,
      %get3A_92 = arith.constant 0 : index
      %get3A_93 = tpu.vector_load %arg10[%get3A_92] {strides = array<i32>} : memref<16xi32, #tpu.memory_space<vmem>>, vector<16xi32>,
      %scan3A = arith.constant 0 : i32
      %scan3A_94 = arith.constant 10 : i32
      %scan3A_95 = arith.addi %scan3A, %scan3A_94 : i32
      %scan3A_96 = arith.constant 1 : i32
      %scan3A_97:2 = scf.for %scan3A_103 = %scan3A to %scan3A_95 step %scan3A_96 iter_args(%scan3A_104 = %get3A_91, %scan3A_105 = %get3A_93) -> (vector<16xf32>, vector<16xi32>)  : i32 {
        %mul3A_106 = arith.constant 2 : i32
        %mul3A_107 = arith.muli %mul3A_106, %scan3A_103 : i32
        %mul3A_108 = arith.constant 2048 : i32
        %mul3A_109 = arith.muli %mul3A_107, %mul3A_108 : i32
        %mul3A_110 = arith.constant 129 : i32
        %mul3A_111 = vector.broadcast %mul3A_110 : i32 to vector<16xi32>
        %mul3A_112 = arith.muli %iota3A, %mul3A_111 : vector<16xi32>
        %add3A_113 = vector.broadcast %mul3A_109 : i32 to vector<16xi32>
        %add3A_114 = arith.addi %add3A_113, %mul3A_112 : vector<16xi32>
        %mul3A_115 = arith.constant 2 : i32
        %mul3A_116 = arith.muli %mul3A_115, %scan3A_103 : i32
        %add3A_117 = arith.constant 1 : i32
        %add3A_118 = arith.addi %mul3A_116, %add3A_117 : i32
        %mul3A_119 = arith.constant 2048 : i32
        %mul3A_120 = arith.muli %add3A_118, %mul3A_119 : i32
        %mul3A_121 = arith.constant 129 : i32
        %mul3A_122 = vector.broadcast %mul3A_121 : i32 to vector<16xi32>
        %mul3A_123 = arith.muli %iota3A, %mul3A_122 : vector<16xi32>
        %add3A_124 = vector.broadcast %mul3A_120 : i32 to vector<16xi32>
        %add3A_125 = arith.addi %add3A_124, %mul3A_123 : vector<16xi32>
        %mul3A_126 = arith.constant 2 : i32
        %mul3A_127 = arith.muli %mul3A_126, %scan3A_103 : i32
        %mul3A_128 = arith.constant 2048 : i32
        %mul3A_129 = arith.muli %mul3A_127, %mul3A_128 : i32
        %mul3A_130 = arith.constant 128 : i32
        %mul3A_131 = vector.broadcast %mul3A_130 : i32 to vector<16xi32>
        %mul3A_132 = arith.muli %iota3A, %mul3A_131 : vector<16xi32>
        %add3A_133 = vector.broadcast %mul3A_129 : i32 to vector<16xi32>
        %add3A_134 = arith.addi %add3A_133, %mul3A_132 : vector<16xi32>
        %add3A_135 = arith.constant 128 : i32
        %add3A_136 = vector.broadcast %add3A_135 : i32 to vector<16xi32>
        %add3A_137 = arith.addi %add3A_134, %add3A_136 : vector<16xi32>
        %mul3A_138 = arith.constant 2 : i32
        %mul3A_139 = arith.muli %mul3A_138, %scan3A_103 : i32
        %add3A_140 = arith.constant 1 : i32
        %add3A_141 = arith.addi %mul3A_139, %add3A_140 : i32
        %mul3A_142 = arith.constant 2048 : i32
        %mul3A_143 = arith.muli %add3A_141, %mul3A_142 : i32
        %mul3A_144 = arith.constant 128 : i32
        %mul3A_145 = vector.broadcast %mul3A_144 : i32 to vector<16xi32>
        %mul3A_146 = arith.muli %iota3A, %mul3A_145 : vector<16xi32>
        %add3A_147 = vector.broadcast %mul3A_143 : i32 to vector<16xi32>
        %add3A_148 = arith.addi %add3A_147, %mul3A_146 : vector<16xi32>
        %add3A_149 = arith.constant 128 : i32
        %add3A_150 = vector.broadcast %add3A_149 : i32 to vector<16xi32>
        %add3A_151 = arith.addi %add3A_148, %add3A_150 : vector<16xi32>
        %broadcast_in_dim3A_152 = arith.constant 0.000000e+00 : f32
        %broadcast_in_dim3A_153 = vector.broadcast %broadcast_in_dim3A_152 : f32 to vector<16xf32>
        %scan3A_154 = arith.constant 0 : i32
        %scan3A_155 = arith.constant 7 : i32
        %scan3A_156 = arith.addi %scan3A_154, %scan3A_155 : i32
        %scan3A_157 = arith.constant 1 : i32
        %scan3A_158:18 = scf.for %scan3A_674 = %scan3A_154 to %scan3A_156 step %scan3A_157 iter_args(%scan3A_675 = %broadcast_in_dim3A_153, %scan3A_676 = %broadcast_in_dim3A_153, %scan3A_677 = %broadcast_in_dim3A_153, %scan3A_678 = %broadcast_in_dim3A_153, %scan3A_679 = %broadcast_in_dim3A_153, %scan3A_680 = %broadcast_in_dim3A_153, %scan3A_681 = %broadcast_in_dim3A_153, %scan3A_682 = %broadcast_in_dim3A_153, %scan3A_683 = %broadcast_in_dim3A_153, %scan3A_684 = %broadcast_in_dim3A_153, %scan3A_685 = %broadcast_in_dim3A_153, %scan3A_686 = %broadcast_in_dim3A_153, %scan3A_687 = %broadcast_in_dim3A_153, %scan3A_688 = %broadcast_in_dim3A_153, %scan3A_689 = %broadcast_in_dim3A_153, %scan3A_690 = %broadcast_in_dim3A_153, %scan3A_691 = %add3A_114, %scan3A_692 = %add3A_125) -> (vector<16xf32>, vector<16xf32>, vector<16xf32>, vector<16xf32>, vector<16xf32>, vector<16xf32>, vector<16xf32>, vector<16xf32>, vector<16xf32>, vector<16xf32>, vector<16xf32>, vector<16xf32>, vector<16xf32>, vector<16xf32>, vector<16xf32>, vector<16xf32>, vector<16xi32>, vector<16xi32>)  : i32 {
          %mul3A_693 = arith.constant 16 : i32
          %mul3A_694 = arith.muli %scan3A_674, %mul3A_693 : i32
          %add3A_695 = arith.constant 0 : i32
          %add3A_696 = arith.addi %mul3A_694, %add3A_695 : i32
          %get3A_697 = arith.index_cast %add3A_696 : i32 to index
          %get3A_698 = tpu.vector_load %arg6[%get3A_697] {strides = array<i32>} : memref<256xf32, #tpu.memory_space<vmem>>, vector<16xf32>,
          %gather3A_699 = tpu.vector_load_idx %arg8[%scan3A_691] : memref<40960xf32, #tpu.memory_space<vmem>>[vector<16xi32>], vector<16xf32>,
          %gather3A_700 = tpu.vector_load_idx %arg8[%scan3A_692] : memref<40960xf32, #tpu.memory_space<vmem>>[vector<16xi32>], vector<16xf32>,
          %mul3A_701 = arith.mulf %gather3A_699, %get3A_698 : vector<16xf32>
          %add3A_702 = arith.addf %scan3A_675, %mul3A_701 : vector<16xf32>
          %mul3A_703 = arith.mulf %gather3A_699, %gather3A_699 : vector<16xf32>
          %add3A_704 = arith.addf %scan3A_679, %mul3A_703 : vector<16xf32>
          %mul3A_705 = arith.mulf %gather3A_700, %get3A_698 : vector<16xf32>
          %add3A_706 = arith.addf %scan3A_683, %mul3A_705 : vector<16xf32>
          %mul3A_707 = arith.mulf %gather3A_700, %gather3A_700 : vector<16xf32>
          %add3A_708 = arith.addf %scan3A_687, %mul3A_707 : vector<16xf32>
          %add3A_709 = arith.constant 1 : i32
          %add3A_710 = vector.broadcast %add3A_709 : i32 to vector<16xi32>
          %add3A_711 = arith.addi %scan3A_691, %add3A_710 : vector<16xi32>
          %add3A_712 = arith.constant 1 : i32
          %add3A_713 = vector.broadcast %add3A_712 : i32 to vector<16xi32>
          %add3A_714 = arith.addi %scan3A_692, %add3A_713 : vector<16xi32>
          %mul3A_715 = arith.constant 16 : i32
          %mul3A_716 = arith.muli %scan3A_674, %mul3A_715 : i32
          %add3A_717 = arith.constant 1 : i32
          %add3A_718 = arith.addi %mul3A_716, %add3A_717 : i32
          %get3A_719 = arith.index_cast %add3A_718 : i32 to index
          %get3A_720 = tpu.vector_load %arg6[%get3A_719] {strides = array<i32>} : memref<256xf32, #tpu.memory_space<vmem>>, vector<16xf32>,
          %gather3A_721 = tpu.vector_load_idx %arg8[%add3A_711] : memref<40960xf32, #tpu.memory_space<vmem>>[vector<16xi32>], vector<16xf32>,
          %gather3A_722 = tpu.vector_load_idx %arg8[%add3A_714] : memref<40960xf32, #tpu.memory_space<vmem>>[vector<16xi32>], vector<16xf32>,
          %mul3A_723 = arith.mulf %gather3A_721, %get3A_720 : vector<16xf32>
          %add3A_724 = arith.addf %scan3A_676, %mul3A_723 : vector<16xf32>
          %mul3A_725 = arith.mulf %gather3A_721, %gather3A_721 : vector<16xf32>
          %add3A_726 = arith.addf %scan3A_680, %mul3A_725 : vector<16xf32>
          %mul3A_727 = arith.mulf %gather3A_722, %get3A_720 : vector<16xf32>
          %add3A_728 = arith.addf %scan3A_684, %mul3A_727 : vector<16xf32>
          %mul3A_729 = arith.mulf %gather3A_722, %gather3A_722 : vector<16xf32>
          %add3A_730 = arith.addf %scan3A_688, %mul3A_729 : vector<16xf32>
          %add3A_731 = arith.constant 1 : i32
          %add3A_732 = vector.broadcast %add3A_731 : i32 to vector<16xi32>
          %add3A_733 = arith.addi %add3A_711, %add3A_732 : vector<16xi32>
          %add3A_734 = arith.constant 1 : i32
          %add3A_735 = vector.broadcast %add3A_734 : i32 to vector<16xi32>
          %add3A_736 = arith.addi %add3A_714, %add3A_735 : vector<16xi32>
          %mul3A_737 = arith.constant 16 : i32
          %mul3A_738 = arith.muli %scan3A_674, %mul3A_737 : i32
          %add3A_739 = arith.constant 2 : i32
          %add3A_740 = arith.addi %mul3A_738, %add3A_739 : i32
          %get3A_741 = arith.index_cast %add3A_740 : i32 to index
          %get3A_742 = tpu.vector_load %arg6[%get3A_741] {strides = array<i32>} : memref<256xf32, #tpu.memory_space<vmem>>, vector<16xf32>,
          %gather3A_743 = tpu.vector_load_idx %arg8[%add3A_733] : memref<40960xf32, #tpu.memory_space<vmem>>[vector<16xi32>], vector<16xf32>,
          %gather3A_744 = tpu.vector_load_idx %arg8[%add3A_736] : memref<40960xf32, #tpu.memory_space<vmem>>[vector<16xi32>], vector<16xf32>,
          %mul3A_745 = arith.mulf %gather3A_743, %get3A_742 : vector<16xf32>
          %add3A_746 = arith.addf %scan3A_677, %mul3A_745 : vector<16xf32>
          %mul3A_747 = arith.mulf %gather3A_743, %gather3A_743 : vector<16xf32>
          %add3A_748 = arith.addf %scan3A_681, %mul3A_747 : vector<16xf32>
          %mul3A_749 = arith.mulf %gather3A_744, %get3A_742 : vector<16xf32>
          %add3A_750 = arith.addf %scan3A_685, %mul3A_749 : vector<16xf32>
          %mul3A_751 = arith.mulf %gather3A_744, %gather3A_744 : vector<16xf32>
          %add3A_752 = arith.addf %scan3A_689, %mul3A_751 : vector<16xf32>
          %add3A_753 = arith.constant 1 : i32
          %add3A_754 = vector.broadcast %add3A_753 : i32 to vector<16xi32>
          %add3A_755 = arith.addi %add3A_733, %add3A_754 : vector<16xi32>
          %add3A_756 = arith.constant 1 : i32
          %add3A_757 = vector.broadcast %add3A_756 : i32 to vector<16xi32>
          %add3A_758 = arith.addi %add3A_736, %add3A_757 : vector<16xi32>
          %mul3A_759 = arith.constant 16 : i32
          %mul3A_760 = arith.muli %scan3A_674, %mul3A_759 : i32
          %add3A_761 = arith.constant 3 : i32
          %add3A_762 = arith.addi %mul3A_760, %add3A_761 : i32
          %get3A_763 = arith.index_cast %add3A_762 : i32 to index
          %get3A_764 = tpu.vector_load %arg6[%get3A_763] {strides = array<i32>} : memref<256xf32, #tpu.memory_space<vmem>>, vector<16xf32>,
          %gather3A_765 = tpu.vector_load_idx %arg8[%add3A_755] : memref<40960xf32, #tpu.memory_space<vmem>>[vector<16xi32>], vector<16xf32>,
          %gather3A_766 = tpu.vector_load_idx %arg8[%add3A_758] : memref<40960xf32, #tpu.memory_space<vmem>>[vector<16xi32>], vector<16xf32>,
          %mul3A_767 = arith.mulf %gather3A_765, %get3A_764 : vector<16xf32>
          %add3A_768 = arith.addf %scan3A_678, %mul3A_767 : vector<16xf32>
          %mul3A_769 = arith.mulf %gather3A_765, %gather3A_765 : vector<16xf32>
          %add3A_770 = arith.addf %scan3A_682, %mul3A_769 : vector<16xf32>
          %mul3A_771 = arith.mulf %gather3A_766, %get3A_764 : vector<16xf32>
          %add3A_772 = arith.addf %scan3A_686, %mul3A_771 : vector<16xf32>
          %mul3A_773 = arith.mulf %gather3A_766, %gather3A_766 : vector<16xf32>
          %add3A_774 = arith.addf %scan3A_690, %mul3A_773 : vector<16xf32>
          %add3A_775 = arith.constant 1 : i32
          %add3A_776 = vector.broadcast %add3A_775 : i32 to vector<16xi32>
          %add3A_777 = arith.addi %add3A_755, %add3A_776 : vector<16xi32>
          %add3A_778 = arith.constant 1 : i32
          %add3A_779 = vector.broadcast %add3A_778 : i32 to vector<16xi32>
          %add3A_780 = arith.addi %add3A_758, %add3A_779 : vector<16xi32>
          %mul3A_781 = arith.constant 16 : i32
          %mul3A_782 = arith.muli %scan3A_674, %mul3A_781 : i32
          %add3A_783 = arith.constant 4 : i32
          %add3A_784 = arith.addi %mul3A_782, %add3A_783 : i32
          %get3A_785 = arith.index_cast %add3A_784 : i32 to index
          %get3A_786 = tpu.vector_load %arg6[%get3A_785] {strides = array<i32>} : memref<256xf32, #tpu.memory_space<vmem>>, vector<16xf32>,
          %gather3A_787 = tpu.vector_load_idx %arg8[%add3A_777] : memref<40960xf32, #tpu.memory_space<vmem>>[vector<16xi32>], vector<16xf32>,
          %gather3A_788 = tpu.vector_load_idx %arg8[%add3A_780] : memref<40960xf32, #tpu.memory_space<vmem>>[vector<16xi32>], vector<16xf32>,
          %mul3A_789 = arith.mulf %gather3A_787, %get3A_786 : vector<16xf32>
          %add3A_790 = arith.addf %add3A_702, %mul3A_789 : vector<16xf32>
          %mul3A_791 = arith.mulf %gather3A_787, %gather3A_787 : vector<16xf32>
          %add3A_792 = arith.addf %add3A_704, %mul3A_791 : vector<16xf32>
          %mul3A_793 = arith.mulf %gather3A_788, %get3A_786 : vector<16xf32>
          %add3A_794 = arith.addf %add3A_706, %mul3A_793 : vector<16xf32>
          %mul3A_795 = arith.mulf %gather3A_788, %gather3A_788 : vector<16xf32>
          %add3A_796 = arith.addf %add3A_708, %mul3A_795 : vector<16xf32>
          %add3A_797 = arith.constant 1 : i32
          %add3A_798 = vector.broadcast %add3A_797 : i32 to vector<16xi32>
          %add3A_799 = arith.addi %add3A_777, %add3A_798 : vector<16xi32>
          %add3A_800 = arith.constant 1 : i32
          %add3A_801 = vector.broadcast %add3A_800 : i32 to vector<16xi32>
          %add3A_802 = arith.addi %add3A_780, %add3A_801 : vector<16xi32>
          %mul3A_803 = arith.constant 16 : i32
          %mul3A_804 = arith.muli %scan3A_674, %mul3A_803 : i32
          %add3A_805 = arith.constant 5 : i32
          %add3A_806 = arith.addi %mul3A_804, %add3A_805 : i32
          %get3A_807 = arith.index_cast %add3A_806 : i32 to index
          %get3A_808 = tpu.vector_load %arg6[%get3A_807] {strides = array<i32>} : memref<256xf32, #tpu.memory_space<vmem>>, vector<16xf32>,
          %gather3A_809 = tpu.vector_load_idx %arg8[%add3A_799] : memref<40960xf32, #tpu.memory_space<vmem>>[vector<16xi32>], vector<16xf32>,
          %gather3A_810 = tpu.vector_load_idx %arg8[%add3A_802] : memref<40960xf32, #tpu.memory_space<vmem>>[vector<16xi32>], vector<16xf32>,
          %mul3A_811 = arith.mulf %gather3A_809, %get3A_808 : vector<16xf32>
          %add3A_812 = arith.addf %add3A_724, %mul3A_811 : vector<16xf32>
          %mul3A_813 = arith.mulf %gather3A_809, %gather3A_809 : vector<16xf32>
          %add3A_814 = arith.addf %add3A_726, %mul3A_813 : vector<16xf32>
          %mul3A_815 = arith.mulf %gather3A_810, %get3A_808 : vector<16xf32>
          %add3A_816 = arith.addf %add3A_728, %mul3A_815 : vector<16xf32>
          %mul3A_817 = arith.mulf %gather3A_810, %gather3A_810 : vector<16xf32>
          %add3A_818 = arith.addf %add3A_730, %mul3A_817 : vector<16xf32>
          %add3A_819 = arith.constant 1 : i32
          %add3A_820 = vector.broadcast %add3A_819 : i32 to vector<16xi32>
          %add3A_821 = arith.addi %add3A_799, %add3A_820 : vector<16xi32>
          %add3A_822 = arith.constant 1 : i32
          %add3A_823 = vector.broadcast %add3A_822 : i32 to vector<16xi32>
          %add3A_824 = arith.addi %add3A_802, %add3A_823 : vector<16xi32>
          %mul3A_825 = arith.constant 16 : i32
          %mul3A_826 = arith.muli %scan3A_674, %mul3A_825 : i32
          %add3A_827 = arith.constant 6 : i32
          %add3A_828 = arith.addi %mul3A_826, %add3A_827 : i32
          %get3A_829 = arith.index_cast %add3A_828 : i32 to index
          %get3A_830 = tpu.vector_load %arg6[%get3A_829] {strides = array<i32>} : memref<256xf32, #tpu.memory_space<vmem>>, vector<16xf32>,
          %gather3A_831 = tpu.vector_load_idx %arg8[%add3A_821] : memref<40960xf32, #tpu.memory_space<vmem>>[vector<16xi32>], vector<16xf32>,
          %gather3A_832 = tpu.vector_load_idx %arg8[%add3A_824] : memref<40960xf32, #tpu.memory_space<vmem>>[vector<16xi32>], vector<16xf32>,
          %mul3A_833 = arith.mulf %gather3A_831, %get3A_830 : vector<16xf32>
          %add3A_834 = arith.addf %add3A_746, %mul3A_833 : vector<16xf32>
          %mul3A_835 = arith.mulf %gather3A_831, %gather3A_831 : vector<16xf32>
          %add3A_836 = arith.addf %add3A_748, %mul3A_835 : vector<16xf32>
          %mul3A_837 = arith.mulf %gather3A_832, %get3A_830 : vector<16xf32>
          %add3A_838 = arith.addf %add3A_750, %mul3A_837 : vector<16xf32>
          %mul3A_839 = arith.mulf %gather3A_832, %gather3A_832 : vector<16xf32>
          %add3A_840 = arith.addf %add3A_752, %mul3A_839 : vector<16xf32>
          %add3A_841 = arith.constant 1 : i32
          %add3A_842 = vector.broadcast %add3A_841 : i32 to vector<16xi32>
          %add3A_843 = arith.addi %add3A_821, %add3A_842 : vector<16xi32>
          %add3A_844 = arith.constant 1 : i32
          %add3A_845 = vector.broadcast %add3A_844 : i32 to vector<16xi32>
          %add3A_846 = arith.addi %add3A_824, %add3A_845 : vector<16xi32>
          %mul3A_847 = arith.constant 16 : i32
          %mul3A_848 = arith.muli %scan3A_674, %mul3A_847 : i32
          %add3A_849 = arith.constant 7 : i32
          %add3A_850 = arith.addi %mul3A_848, %add3A_849 : i32
          %get3A_851 = arith.index_cast %add3A_850 : i32 to index
          %get3A_852 = tpu.vector_load %arg6[%get3A_851] {strides = array<i32>} : memref<256xf32, #tpu.memory_space<vmem>>, vector<16xf32>,
          %gather3A_853 = tpu.vector_load_idx %arg8[%add3A_843] : memref<40960xf32, #tpu.memory_space<vmem>>[vector<16xi32>], vector<16xf32>,
          %gather3A_854 = tpu.vector_load_idx %arg8[%add3A_846] : memref<40960xf32, #tpu.memory_space<vmem>>[vector<16xi32>], vector<16xf32>,
          %mul3A_855 = arith.mulf %gather3A_853, %get3A_852 : vector<16xf32>
          %add3A_856 = arith.addf %add3A_768, %mul3A_855 : vector<16xf32>
          %mul3A_857 = arith.mulf %gather3A_853, %gather3A_853 : vector<16xf32>
          %add3A_858 = arith.addf %add3A_770, %mul3A_857 : vector<16xf32>
          %mul3A_859 = arith.mulf %gather3A_854, %get3A_852 : vector<16xf32>
          %add3A_860 = arith.addf %add3A_772, %mul3A_859 : vector<16xf32>
          %mul3A_861 = arith.mulf %gather3A_854, %gather3A_854 : vector<16xf32>
          %add3A_862 = arith.addf %add3A_774, %mul3A_861 : vector<16xf32>
          %add3A_863 = arith.constant 1 : i32
          %add3A_864 = vector.broadcast %add3A_863 : i32 to vector<16xi32>
          %add3A_865 = arith.addi %add3A_843, %add3A_864 : vector<16xi32>
          %add3A_866 = arith.constant 1 : i32
          %add3A_867 = vector.broadcast %add3A_866 : i32 to vector<16xi32>
          %add3A_868 = arith.addi %add3A_846, %add3A_867 : vector<16xi32>
          %mul3A_869 = arith.constant 16 : i32
          %mul3A_870 = arith.muli %scan3A_674, %mul3A_869 : i32
          %add3A_871 = arith.constant 8 : i32
          %add3A_872 = arith.addi %mul3A_870, %add3A_871 : i32
          %get3A_873 = arith.index_cast %add3A_872 : i32 to index
          %get3A_874 = tpu.vector_load %arg6[%get3A_873] {strides = array<i32>} : memref<256xf32, #tpu.memory_space<vmem>>, vector<16xf32>,
          %gather3A_875 = tpu.vector_load_idx %arg8[%add3A_865] : memref<40960xf32, #tpu.memory_space<vmem>>[vector<16xi32>], vector<16xf32>,
          %gather3A_876 = tpu.vector_load_idx %arg8[%add3A_868] : memref<40960xf32, #tpu.memory_space<vmem>>[vector<16xi32>], vector<16xf32>,
          %mul3A_877 = arith.mulf %gather3A_875, %get3A_874 : vector<16xf32>
          %add3A_878 = arith.addf %add3A_790, %mul3A_877 : vector<16xf32>
          %mul3A_879 = arith.mulf %gather3A_875, %gather3A_875 : vector<16xf32>
          %add3A_880 = arith.addf %add3A_792, %mul3A_879 : vector<16xf32>
          %mul3A_881 = arith.mulf %gather3A_876, %get3A_874 : vector<16xf32>
          %add3A_882 = arith.addf %add3A_794, %mul3A_881 : vector<16xf32>
          %mul3A_883 = arith.mulf %gather3A_876, %gather3A_876 : vector<16xf32>
          %add3A_884 = arith.addf %add3A_796, %mul3A_883 : vector<16xf32>
          %add3A_885 = arith.constant 1 : i32
          %add3A_886 = vector.broadcast %add3A_885 : i32 to vector<16xi32>
          %add3A_887 = arith.addi %add3A_865, %add3A_886 : vector<16xi32>
          %add3A_888 = arith.constant 1 : i32
          %add3A_889 = vector.broadcast %add3A_888 : i32 to vector<16xi32>
          %add3A_890 = arith.addi %add3A_868, %add3A_889 : vector<16xi32>
          %mul3A_891 = arith.constant 16 : i32
          %mul3A_892 = arith.muli %scan3A_674, %mul3A_891 : i32
          %add3A_893 = arith.constant 9 : i32
          %add3A_894 = arith.addi %mul3A_892, %add3A_893 : i32
          %get3A_895 = arith.index_cast %add3A_894 : i32 to index
          %get3A_896 = tpu.vector_load %arg6[%get3A_895] {strides = array<i32>} : memref<256xf32, #tpu.memory_space<vmem>>, vector<16xf32>,
          %gather3A_897 = tpu.vector_load_idx %arg8[%add3A_887] : memref<40960xf32, #tpu.memory_space<vmem>>[vector<16xi32>], vector<16xf32>,
          %gather3A_898 = tpu.vector_load_idx %arg8[%add3A_890] : memref<40960xf32, #tpu.memory_space<vmem>>[vector<16xi32>], vector<16xf32>,
          %mul3A_899 = arith.mulf %gather3A_897, %get3A_896 : vector<16xf32>
          %add3A_900 = arith.addf %add3A_812, %mul3A_899 : vector<16xf32>
          %mul3A_901 = arith.mulf %gather3A_897, %gather3A_897 : vector<16xf32>
          %add3A_902 = arith.addf %add3A_814, %mul3A_901 : vector<16xf32>
          %mul3A_903 = arith.mulf %gather3A_898, %get3A_896 : vector<16xf32>
          %add3A_904 = arith.addf %add3A_816, %mul3A_903 : vector<16xf32>
          %mul3A_905 = arith.mulf %gather3A_898, %gather3A_898 : vector<16xf32>
          %add3A_906 = arith.addf %add3A_818, %mul3A_905 : vector<16xf32>
          %add3A_907 = arith.constant 1 : i32
          %add3A_908 = vector.broadcast %add3A_907 : i32 to vector<16xi32>
          %add3A_909 = arith.addi %add3A_887, %add3A_908 : vector<16xi32>
          %add3A_910 = arith.constant 1 : i32
          %add3A_911 = vector.broadcast %add3A_910 : i32 to vector<16xi32>
          %add3A_912 = arith.addi %add3A_890, %add3A_911 : vector<16xi32>
          %mul3A_913 = arith.constant 16 : i32
          %mul3A_914 = arith.muli %scan3A_674, %mul3A_913 : i32
          %add3A_915 = arith.constant 10 : i32
          %add3A_916 = arith.addi %mul3A_914, %add3A_915 : i32
          %get3A_917 = arith.index_cast %add3A_916 : i32 to index
          %get3A_918 = tpu.vector_load %arg6[%get3A_917] {strides = array<i32>} : memref<256xf32, #tpu.memory_space<vmem>>, vector<16xf32>,
          %gather3A_919 = tpu.vector_load_idx %arg8[%add3A_909] : memref<40960xf32, #tpu.memory_space<vmem>>[vector<16xi32>], vector<16xf32>,
          %gather3A_920 = tpu.vector_load_idx %arg8[%add3A_912] : memref<40960xf32, #tpu.memory_space<vmem>>[vector<16xi32>], vector<16xf32>,
          %mul3A_921 = arith.mulf %gather3A_919, %get3A_918 : vector<16xf32>
          %add3A_922 = arith.addf %add3A_834, %mul3A_921 : vector<16xf32>
          %mul3A_923 = arith.mulf %gather3A_919, %gather3A_919 : vector<16xf32>
          %add3A_924 = arith.addf %add3A_836, %mul3A_923 : vector<16xf32>
          %mul3A_925 = arith.mulf %gather3A_920, %get3A_918 : vector<16xf32>
          %add3A_926 = arith.addf %add3A_838, %mul3A_925 : vector<16xf32>
          %mul3A_927 = arith.mulf %gather3A_920, %gather3A_920 : vector<16xf32>
          %add3A_928 = arith.addf %add3A_840, %mul3A_927 : vector<16xf32>
          %add3A_929 = arith.constant 1 : i32
          %add3A_930 = vector.broadcast %add3A_929 : i32 to vector<16xi32>
          %add3A_931 = arith.addi %add3A_909, %add3A_930 : vector<16xi32>
          %add3A_932 = arith.constant 1 : i32
          %add3A_933 = vector.broadcast %add3A_932 : i32 to vector<16xi32>
          %add3A_934 = arith.addi %add3A_912, %add3A_933 : vector<16xi32>
          %mul3A_935 = arith.constant 16 : i32
          %mul3A_936 = arith.muli %scan3A_674, %mul3A_935 : i32
          %add3A_937 = arith.constant 11 : i32
          %add3A_938 = arith.addi %mul3A_936, %add3A_937 : i32
          %get3A_939 = arith.index_cast %add3A_938 : i32 to index
          %get3A_940 = tpu.vector_load %arg6[%get3A_939] {strides = array<i32>} : memref<256xf32, #tpu.memory_space<vmem>>, vector<16xf32>,
          %gather3A_941 = tpu.vector_load_idx %arg8[%add3A_931] : memref<40960xf32, #tpu.memory_space<vmem>>[vector<16xi32>], vector<16xf32>,
          %gather3A_942 = tpu.vector_load_idx %arg8[%add3A_934] : memref<40960xf32, #tpu.memory_space<vmem>>[vector<16xi32>], vector<16xf32>,
          %mul3A_943 = arith.mulf %gather3A_941, %get3A_940 : vector<16xf32>
          %add3A_944 = arith.addf %add3A_856, %mul3A_943 : vector<16xf32>
          %mul3A_945 = arith.mulf %gather3A_941, %gather3A_941 : vector<16xf32>
          %add3A_946 = arith.addf %add3A_858, %mul3A_945 : vector<16xf32>
          %mul3A_947 = arith.mulf %gather3A_942, %get3A_940 : vector<16xf32>
          %add3A_948 = arith.addf %add3A_860, %mul3A_947 : vector<16xf32>
          %mul3A_949 = arith.mulf %gather3A_942, %gather3A_942 : vector<16xf32>
          %add3A_950 = arith.addf %add3A_862, %mul3A_949 : vector<16xf32>
          %add3A_951 = arith.constant 1 : i32
          %add3A_952 = vector.broadcast %add3A_951 : i32 to vector<16xi32>
          %add3A_953 = arith.addi %add3A_931, %add3A_952 : vector<16xi32>
          %add3A_954 = arith.constant 1 : i32
          %add3A_955 = vector.broadcast %add3A_954 : i32 to vector<16xi32>
          %add3A_956 = arith.addi %add3A_934, %add3A_955 : vector<16xi32>
          %mul3A_957 = arith.constant 16 : i32
          %mul3A_958 = arith.muli %scan3A_674, %mul3A_957 : i32
          %add3A_959 = arith.constant 12 : i32
          %add3A_960 = arith.addi %mul3A_958, %add3A_959 : i32
          %get3A_961 = arith.index_cast %add3A_960 : i32 to index
          %get3A_962 = tpu.vector_load %arg6[%get3A_961] {strides = array<i32>} : memref<256xf32, #tpu.memory_space<vmem>>, vector<16xf32>,
          %gather3A_963 = tpu.vector_load_idx %arg8[%add3A_953] : memref<40960xf32, #tpu.memory_space<vmem>>[vector<16xi32>], vector<16xf32>,
          %gather3A_964 = tpu.vector_load_idx %arg8[%add3A_956] : memref<40960xf32, #tpu.memory_space<vmem>>[vector<16xi32>], vector<16xf32>,
          %mul3A_965 = arith.mulf %gather3A_963, %get3A_962 : vector<16xf32>
          %add3A_966 = arith.addf %add3A_878, %mul3A_965 : vector<16xf32>
          %mul3A_967 = arith.mulf %gather3A_963, %gather3A_963 : vector<16xf32>
          %add3A_968 = arith.addf %add3A_880, %mul3A_967 : vector<16xf32>
          %mul3A_969 = arith.mulf %gather3A_964, %get3A_962 : vector<16xf32>
          %add3A_970 = arith.addf %add3A_882, %mul3A_969 : vector<16xf32>
          %mul3A_971 = arith.mulf %gather3A_964, %gather3A_964 : vector<16xf32>
          %add3A_972 = arith.addf %add3A_884, %mul3A_971 : vector<16xf32>
          %add3A_973 = arith.constant 1 : i32
          %add3A_974 = vector.broadcast %add3A_973 : i32 to vector<16xi32>
          %add3A_975 = arith.addi %add3A_953, %add3A_974 : vector<16xi32>
          %add3A_976 = arith.constant 1 : i32
          %add3A_977 = vector.broadcast %add3A_976 : i32 to vector<16xi32>
          %add3A_978 = arith.addi %add3A_956, %add3A_977 : vector<16xi32>
          %mul3A_979 = arith.constant 16 : i32
          %mul3A_980 = arith.muli %scan3A_674, %mul3A_979 : i32
          %add3A_981 = arith.constant 13 : i32
          %add3A_982 = arith.addi %mul3A_980, %add3A_981 : i32
          %get3A_983 = arith.index_cast %add3A_982 : i32 to index
          %get3A_984 = tpu.vector_load %arg6[%get3A_983] {strides = array<i32>} : memref<256xf32, #tpu.memory_space<vmem>>, vector<16xf32>,
          %gather3A_985 = tpu.vector_load_idx %arg8[%add3A_975] : memref<40960xf32, #tpu.memory_space<vmem>>[vector<16xi32>], vector<16xf32>,
          %gather3A_986 = tpu.vector_load_idx %arg8[%add3A_978] : memref<40960xf32, #tpu.memory_space<vmem>>[vector<16xi32>], vector<16xf32>,
          %mul3A_987 = arith.mulf %gather3A_985, %get3A_984 : vector<16xf32>
          %add3A_988 = arith.addf %add3A_900, %mul3A_987 : vector<16xf32>
          %mul3A_989 = arith.mulf %gather3A_985, %gather3A_985 : vector<16xf32>
          %add3A_990 = arith.addf %add3A_902, %mul3A_989 : vector<16xf32>
          %mul3A_991 = arith.mulf %gather3A_986, %get3A_984 : vector<16xf32>
          %add3A_992 = arith.addf %add3A_904, %mul3A_991 : vector<16xf32>
          %mul3A_993 = arith.mulf %gather3A_986, %gather3A_986 : vector<16xf32>
          %add3A_994 = arith.addf %add3A_906, %mul3A_993 : vector<16xf32>
          %add3A_995 = arith.constant 1 : i32
          %add3A_996 = vector.broadcast %add3A_995 : i32 to vector<16xi32>
          %add3A_997 = arith.addi %add3A_975, %add3A_996 : vector<16xi32>
          %add3A_998 = arith.constant 1 : i32
          %add3A_999 = vector.broadcast %add3A_998 : i32 to vector<16xi32>
          %add3A_1000 = arith.addi %add3A_978, %add3A_999 : vector<16xi32>
          %mul3A_1001 = arith.constant 16 : i32
          %mul3A_1002 = arith.muli %scan3A_674, %mul3A_1001 : i32
          %add3A_1003 = arith.constant 14 : i32
          %add3A_1004 = arith.addi %mul3A_1002, %add3A_1003 : i32
          %get3A_1005 = arith.index_cast %add3A_1004 : i32 to index
          %get3A_1006 = tpu.vector_load %arg6[%get3A_1005] {strides = array<i32>} : memref<256xf32, #tpu.memory_space<vmem>>, vector<16xf32>,
          %gather3A_1007 = tpu.vector_load_idx %arg8[%add3A_997] : memref<40960xf32, #tpu.memory_space<vmem>>[vector<16xi32>], vector<16xf32>,
          %gather3A_1008 = tpu.vector_load_idx %arg8[%add3A_1000] : memref<40960xf32, #tpu.memory_space<vmem>>[vector<16xi32>], vector<16xf32>,
          %mul3A_1009 = arith.mulf %gather3A_1007, %get3A_1006 : vector<16xf32>
          %add3A_1010 = arith.addf %add3A_922, %mul3A_1009 : vector<16xf32>
          %mul3A_1011 = arith.mulf %gather3A_1007, %gather3A_1007 : vector<16xf32>
          %add3A_1012 = arith.addf %add3A_924, %mul3A_1011 : vector<16xf32>
          %mul3A_1013 = arith.mulf %gather3A_1008, %get3A_1006 : vector<16xf32>
          %add3A_1014 = arith.addf %add3A_926, %mul3A_1013 : vector<16xf32>
          %mul3A_1015 = arith.mulf %gather3A_1008, %gather3A_1008 : vector<16xf32>
          %add3A_1016 = arith.addf %add3A_928, %mul3A_1015 : vector<16xf32>
          %add3A_1017 = arith.constant 1 : i32
          %add3A_1018 = vector.broadcast %add3A_1017 : i32 to vector<16xi32>
          %add3A_1019 = arith.addi %add3A_997, %add3A_1018 : vector<16xi32>
          %add3A_1020 = arith.constant 1 : i32
          %add3A_1021 = vector.broadcast %add3A_1020 : i32 to vector<16xi32>
          %add3A_1022 = arith.addi %add3A_1000, %add3A_1021 : vector<16xi32>
          %mul3A_1023 = arith.constant 16 : i32
          %mul3A_1024 = arith.muli %scan3A_674, %mul3A_1023 : i32
          %add3A_1025 = arith.constant 15 : i32
          %add3A_1026 = arith.addi %mul3A_1024, %add3A_1025 : i32
          %get3A_1027 = arith.index_cast %add3A_1026 : i32 to index
          %get3A_1028 = tpu.vector_load %arg6[%get3A_1027] {strides = array<i32>} : memref<256xf32, #tpu.memory_space<vmem>>, vector<16xf32>,
          %gather3A_1029 = tpu.vector_load_idx %arg8[%add3A_1019] : memref<40960xf32, #tpu.memory_space<vmem>>[vector<16xi32>], vector<16xf32>,
          %gather3A_1030 = tpu.vector_load_idx %arg8[%add3A_1022] : memref<40960xf32, #tpu.memory_space<vmem>>[vector<16xi32>], vector<16xf32>,
          %mul3A_1031 = arith.mulf %gather3A_1029, %get3A_1028 : vector<16xf32>
          %add3A_1032 = arith.addf %add3A_944, %mul3A_1031 : vector<16xf32>
          %mul3A_1033 = arith.mulf %gather3A_1029, %gather3A_1029 : vector<16xf32>
          %add3A_1034 = arith.addf %add3A_946, %mul3A_1033 : vector<16xf32>
          %mul3A_1035 = arith.mulf %gather3A_1030, %get3A_1028 : vector<16xf32>
          %add3A_1036 = arith.addf %add3A_948, %mul3A_1035 : vector<16xf32>
          %mul3A_1037 = arith.mulf %gather3A_1030, %gather3A_1030 : vector<16xf32>
          %add3A_1038 = arith.addf %add3A_950, %mul3A_1037 : vector<16xf32>
          %add3A_1039 = arith.constant 1 : i32
          %add3A_1040 = vector.broadcast %add3A_1039 : i32 to vector<16xi32>
          %add3A_1041 = arith.addi %add3A_1019, %add3A_1040 : vector<16xi32>
          %add3A_1042 = arith.constant 1 : i32
          %add3A_1043 = vector.broadcast %add3A_1042 : i32 to vector<16xi32>
          %add3A_1044 = arith.addi %add3A_1022, %add3A_1043 : vector<16xi32>
          scf.yield %add3A_966, %add3A_988, %add3A_1010, %add3A_1032, %add3A_968, %add3A_990, %add3A_1012, %add3A_1034, %add3A_970, %add3A_992, %add3A_1014, %add3A_1036, %add3A_972, %add3A_994, %add3A_1016, %add3A_1038, %add3A_1041, %add3A_1044 : vector<16xf32>, vector<16xf32>, vector<16xf32>, vector<16xf32>, vector<16xf32>, vector<16xf32>, vector<16xf32>, vector<16xf32>, vector<16xf32>, vector<16xf32>, vector<16xf32>, vector<16xf32>, vector<16xf32>, vector<16xf32>, vector<16xf32>, vector<16xf32>, vector<16xi32>, vector<16xi32>
        }
        %scan3A_159 = arith.constant 7 : i32
        %get3A_160 = arith.constant 112 : index
        %get3A_161 = tpu.vector_load %arg6[%get3A_160] {strides = array<i32>} : memref<256xf32, #tpu.memory_space<vmem>>, vector<16xf32>,
        %gather3A = tpu.vector_load_idx %arg8[%scan3A_158#16] : memref<40960xf32, #tpu.memory_space<vmem>>[vector<16xi32>], vector<16xf32>,
        %gather3A_162 = tpu.vector_load_idx %arg8[%scan3A_158#17] : memref<40960xf32, #tpu.memory_space<vmem>>[vector<16xi32>], vector<16xf32>,
        %mul3A_163 = arith.mulf %gather3A, %get3A_161 : vector<16xf32>
        %add3A_164 = arith.addf %scan3A_158#0, %mul3A_163 : vector<16xf32>
        %mul3A_165 = arith.mulf %gather3A, %gather3A : vector<16xf32>
        %add3A_166 = arith.addf %scan3A_158#4, %mul3A_165 : vector<16xf32>
        %mul3A_167 = arith.mulf %gather3A_162, %get3A_161 : vector<16xf32>
        %add3A_168 = arith.addf %scan3A_158#8, %mul3A_167 : vector<16xf32>
        %mul3A_169 = arith.mulf %gather3A_162, %gather3A_162 : vector<16xf32>
        %add3A_170 = arith.addf %scan3A_158#12, %mul3A_169 : vector<16xf32>
        %add3A_171 = arith.constant 1 : i32
        %add3A_172 = vector.broadcast %add3A_171 : i32 to vector<16xi32>
        %add3A_173 = arith.addi %scan3A_158#16, %add3A_172 : vector<16xi32>
        %ge3A = arith.cmpi sge, %add3A_173, %add3A_137 : vector<16xi32>
        %sub3A = arith.constant 128 : i32
        %sub3A_174 = vector.broadcast %sub3A : i32 to vector<16xi32>
        %sub3A_175 = arith.subi %add3A_173, %sub3A_174 : vector<16xi32>
        %select_n3A = arith.select %ge3A, %sub3A_175, %add3A_173 : vector<16xi1>, vector<16xi32>
        %add3A_176 = arith.constant 1 : i32
        %add3A_177 = vector.broadcast %add3A_176 : i32 to vector<16xi32>
        %add3A_178 = arith.addi %scan3A_158#17, %add3A_177 : vector<16xi32>
        %ge3A_179 = arith.cmpi sge, %add3A_178, %add3A_151 : vector<16xi32>
        %sub3A_180 = arith.constant 128 : i32
        %sub3A_181 = vector.broadcast %sub3A_180 : i32 to vector<16xi32>
        %sub3A_182 = arith.subi %add3A_178, %sub3A_181 : vector<16xi32>
        %select_n3A_183 = arith.select %ge3A_179, %sub3A_182, %add3A_178 : vector<16xi1>, vector<16xi32>
        %get3A_184 = arith.constant 113 : index
        %get3A_185 = tpu.vector_load %arg6[%get3A_184] {strides = array<i32>} : memref<256xf32, #tpu.memory_space<vmem>>, vector<16xf32>,
        %gather3A_186 = tpu.vector_load_idx %arg8[%select_n3A] : memref<40960xf32, #tpu.memory_space<vmem>>[vector<16xi32>], vector<16xf32>,
        %gather3A_187 = tpu.vector_load_idx %arg8[%select_n3A_183] : memref<40960xf32, #tpu.memory_space<vmem>>[vector<16xi32>], vector<16xf32>,
        %mul3A_188 = arith.mulf %gather3A_186, %get3A_185 : vector<16xf32>
        %add3A_189 = arith.addf %scan3A_158#1, %mul3A_188 : vector<16xf32>
        %mul3A_190 = arith.mulf %gather3A_186, %gather3A_186 : vector<16xf32>
        %add3A_191 = arith.addf %scan3A_158#5, %mul3A_190 : vector<16xf32>
        %mul3A_192 = arith.mulf %gather3A_187, %get3A_185 : vector<16xf32>
        %add3A_193 = arith.addf %scan3A_158#9, %mul3A_192 : vector<16xf32>
        %mul3A_194 = arith.mulf %gather3A_187, %gather3A_187 : vector<16xf32>
        %add3A_195 = arith.addf %scan3A_158#13, %mul3A_194 : vector<16xf32>
        %add3A_196 = arith.constant 1 : i32
        %add3A_197 = vector.broadcast %add3A_196 : i32 to vector<16xi32>
        %add3A_198 = arith.addi %select_n3A, %add3A_197 : vector<16xi32>
        %ge3A_199 = arith.cmpi sge, %add3A_198, %add3A_137 : vector<16xi32>
        %sub3A_200 = arith.constant 128 : i32
        %sub3A_201 = vector.broadcast %sub3A_200 : i32 to vector<16xi32>
        %sub3A_202 = arith.subi %add3A_198, %sub3A_201 : vector<16xi32>
        %select_n3A_203 = arith.select %ge3A_199, %sub3A_202, %add3A_198 : vector<16xi1>, vector<16xi32>
        %add3A_204 = arith.constant 1 : i32
        %add3A_205 = vector.broadcast %add3A_204 : i32 to vector<16xi32>
        %add3A_206 = arith.addi %select_n3A_183, %add3A_205 : vector<16xi32>
        %ge3A_207 = arith.cmpi sge, %add3A_206, %add3A_151 : vector<16xi32>
        %sub3A_208 = arith.constant 128 : i32
        %sub3A_209 = vector.broadcast %sub3A_208 : i32 to vector<16xi32>
        %sub3A_210 = arith.subi %add3A_206, %sub3A_209 : vector<16xi32>
        %select_n3A_211 = arith.select %ge3A_207, %sub3A_210, %add3A_206 : vector<16xi1>, vector<16xi32>
        %get3A_212 = arith.constant 114 : index
        %get3A_213 = tpu.vector_load %arg6[%get3A_212] {strides = array<i32>} : memref<256xf32, #tpu.memory_space<vmem>>, vector<16xf32>,
        %gather3A_214 = tpu.vector_load_idx %arg8[%select_n3A_203] : memref<40960xf32, #tpu.memory_space<vmem>>[vector<16xi32>], vector<16xf32>,
        %gather3A_215 = tpu.vector_load_idx %arg8[%select_n3A_211] : memref<40960xf32, #tpu.memory_space<vmem>>[vector<16xi32>], vector<16xf32>,
        %mul3A_216 = arith.mulf %gather3A_214, %get3A_213 : vector<16xf32>
        %add3A_217 = arith.addf %scan3A_158#2, %mul3A_216 : vector<16xf32>
        %mul3A_218 = arith.mulf %gather3A_214, %gather3A_214 : vector<16xf32>
        %add3A_219 = arith.addf %scan3A_158#6, %mul3A_218 : vector<16xf32>
        %mul3A_220 = arith.mulf %gather3A_215, %get3A_213 : vector<16xf32>
        %add3A_221 = arith.addf %scan3A_158#10, %mul3A_220 : vector<16xf32>
        %mul3A_222 = arith.mulf %gather3A_215, %gather3A_215 : vector<16xf32>
        %add3A_223 = arith.addf %scan3A_158#14, %mul3A_222 : vector<16xf32>
        %add3A_224 = arith.constant 1 : i32
        %add3A_225 = vector.broadcast %add3A_224 : i32 to vector<16xi32>
        %add3A_226 = arith.addi %select_n3A_203, %add3A_225 : vector<16xi32>
        %ge3A_227 = arith.cmpi sge, %add3A_226, %add3A_137 : vector<16xi32>
        %sub3A_228 = arith.constant 128 : i32
        %sub3A_229 = vector.broadcast %sub3A_228 : i32 to vector<16xi32>
        %sub3A_230 = arith.subi %add3A_226, %sub3A_229 : vector<16xi32>
        %select_n3A_231 = arith.select %ge3A_227, %sub3A_230, %add3A_226 : vector<16xi1>, vector<16xi32>
        %add3A_232 = arith.constant 1 : i32
        %add3A_233 = vector.broadcast %add3A_232 : i32 to vector<16xi32>
        %add3A_234 = arith.addi %select_n3A_211, %add3A_233 : vector<16xi32>
        %ge3A_235 = arith.cmpi sge, %add3A_234, %add3A_151 : vector<16xi32>
        %sub3A_236 = arith.constant 128 : i32
        %sub3A_237 = vector.broadcast %sub3A_236 : i32 to vector<16xi32>
        %sub3A_238 = arith.subi %add3A_234, %sub3A_237 : vector<16xi32>
        %select_n3A_239 = arith.select %ge3A_235, %sub3A_238, %add3A_234 : vector<16xi1>, vector<16xi32>
        %get3A_240 = arith.constant 115 : index
        %get3A_241 = tpu.vector_load %arg6[%get3A_240] {strides = array<i32>} : memref<256xf32, #tpu.memory_space<vmem>>, vector<16xf32>,
        %gather3A_242 = tpu.vector_load_idx %arg8[%select_n3A_231] : memref<40960xf32, #tpu.memory_space<vmem>>[vector<16xi32>], vector<16xf32>,
        %gather3A_243 = tpu.vector_load_idx %arg8[%select_n3A_239] : memref<40960xf32, #tpu.memory_space<vmem>>[vector<16xi32>], vector<16xf32>,
        %mul3A_244 = arith.mulf %gather3A_242, %get3A_241 : vector<16xf32>
        %add3A_245 = arith.addf %scan3A_158#3, %mul3A_244 : vector<16xf32>
        %mul3A_246 = arith.mulf %gather3A_242, %gather3A_242 : vector<16xf32>
        %add3A_247 = arith.addf %scan3A_158#7, %mul3A_246 : vector<16xf32>
        %mul3A_248 = arith.mulf %gather3A_243, %get3A_241 : vector<16xf32>
        %add3A_249 = arith.addf %scan3A_158#11, %mul3A_248 : vector<16xf32>
        %mul3A_250 = arith.mulf %gather3A_243, %gather3A_243 : vector<16xf32>
        %add3A_251 = arith.addf %scan3A_158#15, %mul3A_250 : vector<16xf32>
        %add3A_252 = arith.constant 1 : i32
        %add3A_253 = vector.broadcast %add3A_252 : i32 to vector<16xi32>
        %add3A_254 = arith.addi %select_n3A_231, %add3A_253 : vector<16xi32>
        %ge3A_255 = arith.cmpi sge, %add3A_254, %add3A_137 : vector<16xi32>
        %sub3A_256 = arith.constant 128 : i32
        %sub3A_257 = vector.broadcast %sub3A_256 : i32 to vector<16xi32>
        %sub3A_258 = arith.subi %add3A_254, %sub3A_257 : vector<16xi32>
        %select_n3A_259 = arith.select %ge3A_255, %sub3A_258, %add3A_254 : vector<16xi1>, vector<16xi32>
        %add3A_260 = arith.constant 1 : i32
        %add3A_261 = vector.broadcast %add3A_260 : i32 to vector<16xi32>
        %add3A_262 = arith.addi %select_n3A_239, %add3A_261 : vector<16xi32>
        %ge3A_263 = arith.cmpi sge, %add3A_262, %add3A_151 : vector<16xi32>
        %sub3A_264 = arith.constant 128 : i32
        %sub3A_265 = vector.broadcast %sub3A_264 : i32 to vector<16xi32>
        %sub3A_266 = arith.subi %add3A_262, %sub3A_265 : vector<16xi32>
        %select_n3A_267 = arith.select %ge3A_263, %sub3A_266, %add3A_262 : vector<16xi1>, vector<16xi32>
        %get3A_268 = arith.constant 116 : index
        %get3A_269 = tpu.vector_load %arg6[%get3A_268] {strides = array<i32>} : memref<256xf32, #tpu.memory_space<vmem>>, vector<16xf32>,
        %gather3A_270 = tpu.vector_load_idx %arg8[%select_n3A_259] : memref<40960xf32, #tpu.memory_space<vmem>>[vector<16xi32>], vector<16xf32>,
        %gather3A_271 = tpu.vector_load_idx %arg8[%select_n3A_267] : memref<40960xf32, #tpu.memory_space<vmem>>[vector<16xi32>], vector<16xf32>,
        %mul3A_272 = arith.mulf %gather3A_270, %get3A_269 : vector<16xf32>
        %add3A_273 = arith.addf %add3A_164, %mul3A_272 : vector<16xf32>
        %mul3A_274 = arith.mulf %gather3A_270, %gather3A_270 : vector<16xf32>
        %add3A_275 = arith.addf %add3A_166, %mul3A_274 : vector<16xf32>
        %mul3A_276 = arith.mulf %gather3A_271, %get3A_269 : vector<16xf32>
        %add3A_277 = arith.addf %add3A_168, %mul3A_276 : vector<16xf32>
        %mul3A_278 = arith.mulf %gather3A_271, %gather3A_271 : vector<16xf32>
        %add3A_279 = arith.addf %add3A_170, %mul3A_278 : vector<16xf32>
        %add3A_280 = arith.constant 1 : i32
        %add3A_281 = vector.broadcast %add3A_280 : i32 to vector<16xi32>
        %add3A_282 = arith.addi %select_n3A_259, %add3A_281 : vector<16xi32>
        %ge3A_283 = arith.cmpi sge, %add3A_282, %add3A_137 : vector<16xi32>
        %sub3A_284 = arith.constant 128 : i32
        %sub3A_285 = vector.broadcast %sub3A_284 : i32 to vector<16xi32>
        %sub3A_286 = arith.subi %add3A_282, %sub3A_285 : vector<16xi32>
        %select_n3A_287 = arith.select %ge3A_283, %sub3A_286, %add3A_282 : vector<16xi1>, vector<16xi32>
        %add3A_288 = arith.constant 1 : i32
        %add3A_289 = vector.broadcast %add3A_288 : i32 to vector<16xi32>
        %add3A_290 = arith.addi %select_n3A_267, %add3A_289 : vector<16xi32>
        %ge3A_291 = arith.cmpi sge, %add3A_290, %add3A_151 : vector<16xi32>
        %sub3A_292 = arith.constant 128 : i32
        %sub3A_293 = vector.broadcast %sub3A_292 : i32 to vector<16xi32>
        %sub3A_294 = arith.subi %add3A_290, %sub3A_293 : vector<16xi32>
        %select_n3A_295 = arith.select %ge3A_291, %sub3A_294, %add3A_290 : vector<16xi1>, vector<16xi32>
        %get3A_296 = arith.constant 117 : index
        %get3A_297 = tpu.vector_load %arg6[%get3A_296] {strides = array<i32>} : memref<256xf32, #tpu.memory_space<vmem>>, vector<16xf32>,
        %gather3A_298 = tpu.vector_load_idx %arg8[%select_n3A_287] : memref<40960xf32, #tpu.memory_space<vmem>>[vector<16xi32>], vector<16xf32>,
        %gather3A_299 = tpu.vector_load_idx %arg8[%select_n3A_295] : memref<40960xf32, #tpu.memory_space<vmem>>[vector<16xi32>], vector<16xf32>,
        %mul3A_300 = arith.mulf %gather3A_298, %get3A_297 : vector<16xf32>
        %add3A_301 = arith.addf %add3A_189, %mul3A_300 : vector<16xf32>
        %mul3A_302 = arith.mulf %gather3A_298, %gather3A_298 : vector<16xf32>
        %add3A_303 = arith.addf %add3A_191, %mul3A_302 : vector<16xf32>
        %mul3A_304 = arith.mulf %gather3A_299, %get3A_297 : vector<16xf32>
        %add3A_305 = arith.addf %add3A_193, %mul3A_304 : vector<16xf32>
        %mul3A_306 = arith.mulf %gather3A_299, %gather3A_299 : vector<16xf32>
        %add3A_307 = arith.addf %add3A_195, %mul3A_306 : vector<16xf32>
        %add3A_308 = arith.constant 1 : i32
        %add3A_309 = vector.broadcast %add3A_308 : i32 to vector<16xi32>
        %add3A_310 = arith.addi %select_n3A_287, %add3A_309 : vector<16xi32>
        %ge3A_311 = arith.cmpi sge, %add3A_310, %add3A_137 : vector<16xi32>
        %sub3A_312 = arith.constant 128 : i32
        %sub3A_313 = vector.broadcast %sub3A_312 : i32 to vector<16xi32>
        %sub3A_314 = arith.subi %add3A_310, %sub3A_313 : vector<16xi32>
        %select_n3A_315 = arith.select %ge3A_311, %sub3A_314, %add3A_310 : vector<16xi1>, vector<16xi32>
        %add3A_316 = arith.constant 1 : i32
        %add3A_317 = vector.broadcast %add3A_316 : i32 to vector<16xi32>
        %add3A_318 = arith.addi %select_n3A_295, %add3A_317 : vector<16xi32>
        %ge3A_319 = arith.cmpi sge, %add3A_318, %add3A_151 : vector<16xi32>
        %sub3A_320 = arith.constant 128 : i32
        %sub3A_321 = vector.broadcast %sub3A_320 : i32 to vector<16xi32>
        %sub3A_322 = arith.subi %add3A_318, %sub3A_321 : vector<16xi32>
        %select_n3A_323 = arith.select %ge3A_319, %sub3A_322, %add3A_318 : vector<16xi1>, vector<16xi32>
        %get3A_324 = arith.constant 118 : index
        %get3A_325 = tpu.vector_load %arg6[%get3A_324] {strides = array<i32>} : memref<256xf32, #tpu.memory_space<vmem>>, vector<16xf32>,
        %gather3A_326 = tpu.vector_load_idx %arg8[%select_n3A_315] : memref<40960xf32, #tpu.memory_space<vmem>>[vector<16xi32>], vector<16xf32>,
        %gather3A_327 = tpu.vector_load_idx %arg8[%select_n3A_323] : memref<40960xf32, #tpu.memory_space<vmem>>[vector<16xi32>], vector<16xf32>,
        %mul3A_328 = arith.mulf %gather3A_326, %get3A_325 : vector<16xf32>
        %add3A_329 = arith.addf %add3A_217, %mul3A_328 : vector<16xf32>
        %mul3A_330 = arith.mulf %gather3A_326, %gather3A_326 : vector<16xf32>
        %add3A_331 = arith.addf %add3A_219, %mul3A_330 : vector<16xf32>
        %mul3A_332 = arith.mulf %gather3A_327, %get3A_325 : vector<16xf32>
        %add3A_333 = arith.addf %add3A_221, %mul3A_332 : vector<16xf32>
        %mul3A_334 = arith.mulf %gather3A_327, %gather3A_327 : vector<16xf32>
        %add3A_335 = arith.addf %add3A_223, %mul3A_334 : vector<16xf32>
        %add3A_336 = arith.constant 1 : i32
        %add3A_337 = vector.broadcast %add3A_336 : i32 to vector<16xi32>
        %add3A_338 = arith.addi %select_n3A_315, %add3A_337 : vector<16xi32>
        %ge3A_339 = arith.cmpi sge, %add3A_338, %add3A_137 : vector<16xi32>
        %sub3A_340 = arith.constant 128 : i32
        %sub3A_341 = vector.broadcast %sub3A_340 : i32 to vector<16xi32>
        %sub3A_342 = arith.subi %add3A_338, %sub3A_341 : vector<16xi32>
        %select_n3A_343 = arith.select %ge3A_339, %sub3A_342, %add3A_338 : vector<16xi1>, vector<16xi32>
        %add3A_344 = arith.constant 1 : i32
        %add3A_345 = vector.broadcast %add3A_344 : i32 to vector<16xi32>
        %add3A_346 = arith.addi %select_n3A_323, %add3A_345 : vector<16xi32>
        %ge3A_347 = arith.cmpi sge, %add3A_346, %add3A_151 : vector<16xi32>
        %sub3A_348 = arith.constant 128 : i32
        %sub3A_349 = vector.broadcast %sub3A_348 : i32 to vector<16xi32>
        %sub3A_350 = arith.subi %add3A_346, %sub3A_349 : vector<16xi32>
        %select_n3A_351 = arith.select %ge3A_347, %sub3A_350, %add3A_346 : vector<16xi1>, vector<16xi32>
        %get3A_352 = arith.constant 119 : index
        %get3A_353 = tpu.vector_load %arg6[%get3A_352] {strides = array<i32>} : memref<256xf32, #tpu.memory_space<vmem>>, vector<16xf32>,
        %gather3A_354 = tpu.vector_load_idx %arg8[%select_n3A_343] : memref<40960xf32, #tpu.memory_space<vmem>>[vector<16xi32>], vector<16xf32>,
        %gather3A_355 = tpu.vector_load_idx %arg8[%select_n3A_351] : memref<40960xf32, #tpu.memory_space<vmem>>[vector<16xi32>], vector<16xf32>,
        %mul3A_356 = arith.mulf %gather3A_354, %get3A_353 : vector<16xf32>
        %add3A_357 = arith.addf %add3A_245, %mul3A_356 : vector<16xf32>
        %mul3A_358 = arith.mulf %gather3A_354, %gather3A_354 : vector<16xf32>
        %add3A_359 = arith.addf %add3A_247, %mul3A_358 : vector<16xf32>
        %mul3A_360 = arith.mulf %gather3A_355, %get3A_353 : vector<16xf32>
        %add3A_361 = arith.addf %add3A_249, %mul3A_360 : vector<16xf32>
        %mul3A_362 = arith.mulf %gather3A_355, %gather3A_355 : vector<16xf32>
        %add3A_363 = arith.addf %add3A_251, %mul3A_362 : vector<16xf32>
        %add3A_364 = arith.constant 1 : i32
        %add3A_365 = vector.broadcast %add3A_364 : i32 to vector<16xi32>
        %add3A_366 = arith.addi %select_n3A_343, %add3A_365 : vector<16xi32>
        %ge3A_367 = arith.cmpi sge, %add3A_366, %add3A_137 : vector<16xi32>
        %sub3A_368 = arith.constant 128 : i32
        %sub3A_369 = vector.broadcast %sub3A_368 : i32 to vector<16xi32>
        %sub3A_370 = arith.subi %add3A_366, %sub3A_369 : vector<16xi32>
        %select_n3A_371 = arith.select %ge3A_367, %sub3A_370, %add3A_366 : vector<16xi1>, vector<16xi32>
        %add3A_372 = arith.constant 1 : i32
        %add3A_373 = vector.broadcast %add3A_372 : i32 to vector<16xi32>
        %add3A_374 = arith.addi %select_n3A_351, %add3A_373 : vector<16xi32>
        %ge3A_375 = arith.cmpi sge, %add3A_374, %add3A_151 : vector<16xi32>
        %sub3A_376 = arith.constant 128 : i32
        %sub3A_377 = vector.broadcast %sub3A_376 : i32 to vector<16xi32>
        %sub3A_378 = arith.subi %add3A_374, %sub3A_377 : vector<16xi32>
        %select_n3A_379 = arith.select %ge3A_375, %sub3A_378, %add3A_374 : vector<16xi1>, vector<16xi32>
        %get3A_380 = arith.constant 120 : index
        %get3A_381 = tpu.vector_load %arg6[%get3A_380] {strides = array<i32>} : memref<256xf32, #tpu.memory_space<vmem>>, vector<16xf32>,
        %gather3A_382 = tpu.vector_load_idx %arg8[%select_n3A_371] : memref<40960xf32, #tpu.memory_space<vmem>>[vector<16xi32>], vector<16xf32>,
        %gather3A_383 = tpu.vector_load_idx %arg8[%select_n3A_379] : memref<40960xf32, #tpu.memory_space<vmem>>[vector<16xi32>], vector<16xf32>,
        %mul3A_384 = arith.mulf %gather3A_382, %get3A_381 : vector<16xf32>
        %add3A_385 = arith.addf %add3A_273, %mul3A_384 : vector<16xf32>
        %mul3A_386 = arith.mulf %gather3A_382, %gather3A_382 : vector<16xf32>
        %add3A_387 = arith.addf %add3A_275, %mul3A_386 : vector<16xf32>
        %mul3A_388 = arith.mulf %gather3A_383, %get3A_381 : vector<16xf32>
        %add3A_389 = arith.addf %add3A_277, %mul3A_388 : vector<16xf32>
        %mul3A_390 = arith.mulf %gather3A_383, %gather3A_383 : vector<16xf32>
        %add3A_391 = arith.addf %add3A_279, %mul3A_390 : vector<16xf32>
        %add3A_392 = arith.constant 1 : i32
        %add3A_393 = vector.broadcast %add3A_392 : i32 to vector<16xi32>
        %add3A_394 = arith.addi %select_n3A_371, %add3A_393 : vector<16xi32>
        %ge3A_395 = arith.cmpi sge, %add3A_394, %add3A_137 : vector<16xi32>
        %sub3A_396 = arith.constant 128 : i32
        %sub3A_397 = vector.broadcast %sub3A_396 : i32 to vector<16xi32>
        %sub3A_398 = arith.subi %add3A_394, %sub3A_397 : vector<16xi32>
        %select_n3A_399 = arith.select %ge3A_395, %sub3A_398, %add3A_394 : vector<16xi1>, vector<16xi32>
        %add3A_400 = arith.constant 1 : i32
        %add3A_401 = vector.broadcast %add3A_400 : i32 to vector<16xi32>
        %add3A_402 = arith.addi %select_n3A_379, %add3A_401 : vector<16xi32>
        %ge3A_403 = arith.cmpi sge, %add3A_402, %add3A_151 : vector<16xi32>
        %sub3A_404 = arith.constant 128 : i32
        %sub3A_405 = vector.broadcast %sub3A_404 : i32 to vector<16xi32>
        %sub3A_406 = arith.subi %add3A_402, %sub3A_405 : vector<16xi32>
        %select_n3A_407 = arith.select %ge3A_403, %sub3A_406, %add3A_402 : vector<16xi1>, vector<16xi32>
        %get3A_408 = arith.constant 121 : index
        %get3A_409 = tpu.vector_load %arg6[%get3A_408] {strides = array<i32>} : memref<256xf32, #tpu.memory_space<vmem>>, vector<16xf32>,
        %gather3A_410 = tpu.vector_load_idx %arg8[%select_n3A_399] : memref<40960xf32, #tpu.memory_space<vmem>>[vector<16xi32>], vector<16xf32>,
        %gather3A_411 = tpu.vector_load_idx %arg8[%select_n3A_407] : memref<40960xf32, #tpu.memory_space<vmem>>[vector<16xi32>], vector<16xf32>,
        %mul3A_412 = arith.mulf %gather3A_410, %get3A_409 : vector<16xf32>
        %add3A_413 = arith.addf %add3A_301, %mul3A_412 : vector<16xf32>
        %mul3A_414 = arith.mulf %gather3A_410, %gather3A_410 : vector<16xf32>
        %add3A_415 = arith.addf %add3A_303, %mul3A_414 : vector<16xf32>
        %mul3A_416 = arith.mulf %gather3A_411, %get3A_409 : vector<16xf32>
        %add3A_417 = arith.addf %add3A_305, %mul3A_416 : vector<16xf32>
        %mul3A_418 = arith.mulf %gather3A_411, %gather3A_411 : vector<16xf32>
        %add3A_419 = arith.addf %add3A_307, %mul3A_418 : vector<16xf32>
        %add3A_420 = arith.constant 1 : i32
        %add3A_421 = vector.broadcast %add3A_420 : i32 to vector<16xi32>
        %add3A_422 = arith.addi %select_n3A_399, %add3A_421 : vector<16xi32>
        %ge3A_423 = arith.cmpi sge, %add3A_422, %add3A_137 : vector<16xi32>
        %sub3A_424 = arith.constant 128 : i32
        %sub3A_425 = vector.broadcast %sub3A_424 : i32 to vector<16xi32>
        %sub3A_426 = arith.subi %add3A_422, %sub3A_425 : vector<16xi32>
        %select_n3A_427 = arith.select %ge3A_423, %sub3A_426, %add3A_422 : vector<16xi1>, vector<16xi32>
        %add3A_428 = arith.constant 1 : i32
        %add3A_429 = vector.broadcast %add3A_428 : i32 to vector<16xi32>
        %add3A_430 = arith.addi %select_n3A_407, %add3A_429 : vector<16xi32>
        %ge3A_431 = arith.cmpi sge, %add3A_430, %add3A_151 : vector<16xi32>
        %sub3A_432 = arith.constant 128 : i32
        %sub3A_433 = vector.broadcast %sub3A_432 : i32 to vector<16xi32>
        %sub3A_434 = arith.subi %add3A_430, %sub3A_433 : vector<16xi32>
        %select_n3A_435 = arith.select %ge3A_431, %sub3A_434, %add3A_430 : vector<16xi1>, vector<16xi32>
        %get3A_436 = arith.constant 122 : index
        %get3A_437 = tpu.vector_load %arg6[%get3A_436] {strides = array<i32>} : memref<256xf32, #tpu.memory_space<vmem>>, vector<16xf32>,
        %gather3A_438 = tpu.vector_load_idx %arg8[%select_n3A_427] : memref<40960xf32, #tpu.memory_space<vmem>>[vector<16xi32>], vector<16xf32>,
        %gather3A_439 = tpu.vector_load_idx %arg8[%select_n3A_435] : memref<40960xf32, #tpu.memory_space<vmem>>[vector<16xi32>], vector<16xf32>,
        %mul3A_440 = arith.mulf %gather3A_438, %get3A_437 : vector<16xf32>
        %add3A_441 = arith.addf %add3A_329, %mul3A_440 : vector<16xf32>
        %mul3A_442 = arith.mulf %gather3A_438, %gather3A_438 : vector<16xf32>
        %add3A_443 = arith.addf %add3A_331, %mul3A_442 : vector<16xf32>
        %mul3A_444 = arith.mulf %gather3A_439, %get3A_437 : vector<16xf32>
        %add3A_445 = arith.addf %add3A_333, %mul3A_444 : vector<16xf32>
        %mul3A_446 = arith.mulf %gather3A_439, %gather3A_439 : vector<16xf32>
        %add3A_447 = arith.addf %add3A_335, %mul3A_446 : vector<16xf32>
        %add3A_448 = arith.constant 1 : i32
        %add3A_449 = vector.broadcast %add3A_448 : i32 to vector<16xi32>
        %add3A_450 = arith.addi %select_n3A_427, %add3A_449 : vector<16xi32>
        %ge3A_451 = arith.cmpi sge, %add3A_450, %add3A_137 : vector<16xi32>
        %sub3A_452 = arith.constant 128 : i32
        %sub3A_453 = vector.broadcast %sub3A_452 : i32 to vector<16xi32>
        %sub3A_454 = arith.subi %add3A_450, %sub3A_453 : vector<16xi32>
        %select_n3A_455 = arith.select %ge3A_451, %sub3A_454, %add3A_450 : vector<16xi1>, vector<16xi32>
        %add3A_456 = arith.constant 1 : i32
        %add3A_457 = vector.broadcast %add3A_456 : i32 to vector<16xi32>
        %add3A_458 = arith.addi %select_n3A_435, %add3A_457 : vector<16xi32>
        %ge3A_459 = arith.cmpi sge, %add3A_458, %add3A_151 : vector<16xi32>
        %sub3A_460 = arith.constant 128 : i32
        %sub3A_461 = vector.broadcast %sub3A_460 : i32 to vector<16xi32>
        %sub3A_462 = arith.subi %add3A_458, %sub3A_461 : vector<16xi32>
        %select_n3A_463 = arith.select %ge3A_459, %sub3A_462, %add3A_458 : vector<16xi1>, vector<16xi32>
        %get3A_464 = arith.constant 123 : index
        %get3A_465 = tpu.vector_load %arg6[%get3A_464] {strides = array<i32>} : memref<256xf32, #tpu.memory_space<vmem>>, vector<16xf32>,
        %gather3A_466 = tpu.vector_load_idx %arg8[%select_n3A_455] : memref<40960xf32, #tpu.memory_space<vmem>>[vector<16xi32>], vector<16xf32>,
        %gather3A_467 = tpu.vector_load_idx %arg8[%select_n3A_463] : memref<40960xf32, #tpu.memory_space<vmem>>[vector<16xi32>], vector<16xf32>,
        %mul3A_468 = arith.mulf %gather3A_466, %get3A_465 : vector<16xf32>
        %add3A_469 = arith.addf %add3A_357, %mul3A_468 : vector<16xf32>
        %mul3A_470 = arith.mulf %gather3A_466, %gather3A_466 : vector<16xf32>
        %add3A_471 = arith.addf %add3A_359, %mul3A_470 : vector<16xf32>
        %mul3A_472 = arith.mulf %gather3A_467, %get3A_465 : vector<16xf32>
        %add3A_473 = arith.addf %add3A_361, %mul3A_472 : vector<16xf32>
        %mul3A_474 = arith.mulf %gather3A_467, %gather3A_467 : vector<16xf32>
        %add3A_475 = arith.addf %add3A_363, %mul3A_474 : vector<16xf32>
        %add3A_476 = arith.constant 1 : i32
        %add3A_477 = vector.broadcast %add3A_476 : i32 to vector<16xi32>
        %add3A_478 = arith.addi %select_n3A_455, %add3A_477 : vector<16xi32>
        %ge3A_479 = arith.cmpi sge, %add3A_478, %add3A_137 : vector<16xi32>
        %sub3A_480 = arith.constant 128 : i32
        %sub3A_481 = vector.broadcast %sub3A_480 : i32 to vector<16xi32>
        %sub3A_482 = arith.subi %add3A_478, %sub3A_481 : vector<16xi32>
        %select_n3A_483 = arith.select %ge3A_479, %sub3A_482, %add3A_478 : vector<16xi1>, vector<16xi32>
        %add3A_484 = arith.constant 1 : i32
        %add3A_485 = vector.broadcast %add3A_484 : i32 to vector<16xi32>
        %add3A_486 = arith.addi %select_n3A_463, %add3A_485 : vector<16xi32>
        %ge3A_487 = arith.cmpi sge, %add3A_486, %add3A_151 : vector<16xi32>
        %sub3A_488 = arith.constant 128 : i32
        %sub3A_489 = vector.broadcast %sub3A_488 : i32 to vector<16xi32>
        %sub3A_490 = arith.subi %add3A_486, %sub3A_489 : vector<16xi32>
        %select_n3A_491 = arith.select %ge3A_487, %sub3A_490, %add3A_486 : vector<16xi1>, vector<16xi32>
        %get3A_492 = arith.constant 124 : index
        %get3A_493 = tpu.vector_load %arg6[%get3A_492] {strides = array<i32>} : memref<256xf32, #tpu.memory_space<vmem>>, vector<16xf32>,
        %gather3A_494 = tpu.vector_load_idx %arg8[%select_n3A_483] : memref<40960xf32, #tpu.memory_space<vmem>>[vector<16xi32>], vector<16xf32>,
        %gather3A_495 = tpu.vector_load_idx %arg8[%select_n3A_491] : memref<40960xf32, #tpu.memory_space<vmem>>[vector<16xi32>], vector<16xf32>,
        %mul3A_496 = arith.mulf %gather3A_494, %get3A_493 : vector<16xf32>
        %add3A_497 = arith.addf %add3A_385, %mul3A_496 : vector<16xf32>
        %mul3A_498 = arith.mulf %gather3A_494, %gather3A_494 : vector<16xf32>
        %add3A_499 = arith.addf %add3A_387, %mul3A_498 : vector<16xf32>
        %mul3A_500 = arith.mulf %gather3A_495, %get3A_493 : vector<16xf32>
        %add3A_501 = arith.addf %add3A_389, %mul3A_500 : vector<16xf32>
        %mul3A_502 = arith.mulf %gather3A_495, %gather3A_495 : vector<16xf32>
        %add3A_503 = arith.addf %add3A_391, %mul3A_502 : vector<16xf32>
        %add3A_504 = arith.constant 1 : i32
        %add3A_505 = vector.broadcast %add3A_504 : i32 to vector<16xi32>
        %add3A_506 = arith.addi %select_n3A_483, %add3A_505 : vector<16xi32>
        %ge3A_507 = arith.cmpi sge, %add3A_506, %add3A_137 : vector<16xi32>
        %sub3A_508 = arith.constant 128 : i32
        %sub3A_509 = vector.broadcast %sub3A_508 : i32 to vector<16xi32>
        %sub3A_510 = arith.subi %add3A_506, %sub3A_509 : vector<16xi32>
        %select_n3A_511 = arith.select %ge3A_507, %sub3A_510, %add3A_506 : vector<16xi1>, vector<16xi32>
        %add3A_512 = arith.constant 1 : i32
        %add3A_513 = vector.broadcast %add3A_512 : i32 to vector<16xi32>
        %add3A_514 = arith.addi %select_n3A_491, %add3A_513 : vector<16xi32>
        %ge3A_515 = arith.cmpi sge, %add3A_514, %add3A_151 : vector<16xi32>
        %sub3A_516 = arith.constant 128 : i32
        %sub3A_517 = vector.broadcast %sub3A_516 : i32 to vector<16xi32>
        %sub3A_518 = arith.subi %add3A_514, %sub3A_517 : vector<16xi32>
        %select_n3A_519 = arith.select %ge3A_515, %sub3A_518, %add3A_514 : vector<16xi1>, vector<16xi32>
        %get3A_520 = arith.constant 125 : index
        %get3A_521 = tpu.vector_load %arg6[%get3A_520] {strides = array<i32>} : memref<256xf32, #tpu.memory_space<vmem>>, vector<16xf32>,
        %gather3A_522 = tpu.vector_load_idx %arg8[%select_n3A_511] : memref<40960xf32, #tpu.memory_space<vmem>>[vector<16xi32>], vector<16xf32>,
        %gather3A_523 = tpu.vector_load_idx %arg8[%select_n3A_519] : memref<40960xf32, #tpu.memory_space<vmem>>[vector<16xi32>], vector<16xf32>,
        %mul3A_524 = arith.mulf %gather3A_522, %get3A_521 : vector<16xf32>
        %add3A_525 = arith.addf %add3A_413, %mul3A_524 : vector<16xf32>
        %mul3A_526 = arith.mulf %gather3A_522, %gather3A_522 : vector<16xf32>
        %add3A_527 = arith.addf %add3A_415, %mul3A_526 : vector<16xf32>
        %mul3A_528 = arith.mulf %gather3A_523, %get3A_521 : vector<16xf32>
        %add3A_529 = arith.addf %add3A_417, %mul3A_528 : vector<16xf32>
        %mul3A_530 = arith.mulf %gather3A_523, %gather3A_523 : vector<16xf32>
        %add3A_531 = arith.addf %add3A_419, %mul3A_530 : vector<16xf32>
        %add3A_532 = arith.constant 1 : i32
        %add3A_533 = vector.broadcast %add3A_532 : i32 to vector<16xi32>
        %add3A_534 = arith.addi %select_n3A_511, %add3A_533 : vector<16xi32>
        %ge3A_535 = arith.cmpi sge, %add3A_534, %add3A_137 : vector<16xi32>
        %sub3A_536 = arith.constant 128 : i32
        %sub3A_537 = vector.broadcast %sub3A_536 : i32 to vector<16xi32>
        %sub3A_538 = arith.subi %add3A_534, %sub3A_537 : vector<16xi32>
        %select_n3A_539 = arith.select %ge3A_535, %sub3A_538, %add3A_534 : vector<16xi1>, vector<16xi32>
        %add3A_540 = arith.constant 1 : i32
        %add3A_541 = vector.broadcast %add3A_540 : i32 to vector<16xi32>
        %add3A_542 = arith.addi %select_n3A_519, %add3A_541 : vector<16xi32>
        %ge3A_543 = arith.cmpi sge, %add3A_542, %add3A_151 : vector<16xi32>
        %sub3A_544 = arith.constant 128 : i32
        %sub3A_545 = vector.broadcast %sub3A_544 : i32 to vector<16xi32>
        %sub3A_546 = arith.subi %add3A_542, %sub3A_545 : vector<16xi32>
        %select_n3A_547 = arith.select %ge3A_543, %sub3A_546, %add3A_542 : vector<16xi1>, vector<16xi32>
        %get3A_548 = arith.constant 126 : index
        %get3A_549 = tpu.vector_load %arg6[%get3A_548] {strides = array<i32>} : memref<256xf32, #tpu.memory_space<vmem>>, vector<16xf32>,
        %gather3A_550 = tpu.vector_load_idx %arg8[%select_n3A_539] : memref<40960xf32, #tpu.memory_space<vmem>>[vector<16xi32>], vector<16xf32>,
        %gather3A_551 = tpu.vector_load_idx %arg8[%select_n3A_547] : memref<40960xf32, #tpu.memory_space<vmem>>[vector<16xi32>], vector<16xf32>,
        %mul3A_552 = arith.mulf %gather3A_550, %get3A_549 : vector<16xf32>
        %add3A_553 = arith.addf %add3A_441, %mul3A_552 : vector<16xf32>
        %mul3A_554 = arith.mulf %gather3A_550, %gather3A_550 : vector<16xf32>
        %add3A_555 = arith.addf %add3A_443, %mul3A_554 : vector<16xf32>
        %mul3A_556 = arith.mulf %gather3A_551, %get3A_549 : vector<16xf32>
        %add3A_557 = arith.addf %add3A_445, %mul3A_556 : vector<16xf32>
        %mul3A_558 = arith.mulf %gather3A_551, %gather3A_551 : vector<16xf32>
        %add3A_559 = arith.addf %add3A_447, %mul3A_558 : vector<16xf32>
        %add3A_560 = arith.constant 1 : i32
        %add3A_561 = vector.broadcast %add3A_560 : i32 to vector<16xi32>
        %add3A_562 = arith.addi %select_n3A_539, %add3A_561 : vector<16xi32>
        %ge3A_563 = arith.cmpi sge, %add3A_562, %add3A_137 : vector<16xi32>
        %sub3A_564 = arith.constant 128 : i32
        %sub3A_565 = vector.broadcast %sub3A_564 : i32 to vector<16xi32>
        %sub3A_566 = arith.subi %add3A_562, %sub3A_565 : vector<16xi32>
        %select_n3A_567 = arith.select %ge3A_563, %sub3A_566, %add3A_562 : vector<16xi1>, vector<16xi32>
        %add3A_568 = arith.constant 1 : i32
        %add3A_569 = vector.broadcast %add3A_568 : i32 to vector<16xi32>
        %add3A_570 = arith.addi %select_n3A_547, %add3A_569 : vector<16xi32>
        %ge3A_571 = arith.cmpi sge, %add3A_570, %add3A_151 : vector<16xi32>
        %sub3A_572 = arith.constant 128 : i32
        %sub3A_573 = vector.broadcast %sub3A_572 : i32 to vector<16xi32>
        %sub3A_574 = arith.subi %add3A_570, %sub3A_573 : vector<16xi32>
        %select_n3A_575 = arith.select %ge3A_571, %sub3A_574, %add3A_570 : vector<16xi1>, vector<16xi32>
        %get3A_576 = arith.constant 127 : index
        %get3A_577 = tpu.vector_load %arg6[%get3A_576] {strides = array<i32>} : memref<256xf32, #tpu.memory_space<vmem>>, vector<16xf32>,
        %gather3A_578 = tpu.vector_load_idx %arg8[%select_n3A_567] : memref<40960xf32, #tpu.memory_space<vmem>>[vector<16xi32>], vector<16xf32>,
        %gather3A_579 = tpu.vector_load_idx %arg8[%select_n3A_575] : memref<40960xf32, #tpu.memory_space<vmem>>[vector<16xi32>], vector<16xf32>,
        %mul3A_580 = arith.mulf %gather3A_578, %get3A_577 : vector<16xf32>
        %add3A_581 = arith.addf %add3A_469, %mul3A_580 : vector<16xf32>
        %mul3A_582 = arith.mulf %gather3A_578, %gather3A_578 : vector<16xf32>
        %add3A_583 = arith.addf %add3A_471, %mul3A_582 : vector<16xf32>
        %mul3A_584 = arith.mulf %gather3A_579, %get3A_577 : vector<16xf32>
        %add3A_585 = arith.addf %add3A_473, %mul3A_584 : vector<16xf32>
        %mul3A_586 = arith.mulf %gather3A_579, %gather3A_579 : vector<16xf32>
        %add3A_587 = arith.addf %add3A_475, %mul3A_586 : vector<16xf32>
        %add3A_588 = arith.constant 1 : i32
        %add3A_589 = vector.broadcast %add3A_588 : i32 to vector<16xi32>
        %add3A_590 = arith.addi %select_n3A_567, %add3A_589 : vector<16xi32>
        %ge3A_591 = arith.cmpi sge, %add3A_590, %add3A_137 : vector<16xi32>
        %sub3A_592 = arith.constant 128 : i32
        %sub3A_593 = vector.broadcast %sub3A_592 : i32 to vector<16xi32>
        %sub3A_594 = arith.subi %add3A_590, %sub3A_593 : vector<16xi32>
        %select_n3A_595 = arith.select %ge3A_591, %sub3A_594, %add3A_590 : vector<16xi1>, vector<16xi32>
        %add3A_596 = arith.constant 1 : i32
        %add3A_597 = vector.broadcast %add3A_596 : i32 to vector<16xi32>
        %add3A_598 = arith.addi %select_n3A_575, %add3A_597 : vector<16xi32>
        %ge3A_599 = arith.cmpi sge, %add3A_598, %add3A_151 : vector<16xi32>
        %sub3A_600 = arith.constant 128 : i32
        %sub3A_601 = vector.broadcast %sub3A_600 : i32 to vector<16xi32>
        %sub3A_602 = arith.subi %add3A_598, %sub3A_601 : vector<16xi32>
        %select_n3A_603 = arith.select %ge3A_599, %sub3A_602, %add3A_598 : vector<16xi1>, vector<16xi32>
        %add3A_604 = arith.addf %add3A_497, %add3A_525 : vector<16xf32>
        %add3A_605 = arith.addf %add3A_553, %add3A_581 : vector<16xf32>
        %add3A_606 = arith.addf %add3A_604, %add3A_605 : vector<16xf32>
        %add3A_607 = arith.addf %add3A_499, %add3A_527 : vector<16xf32>
        %add3A_608 = arith.addf %add3A_555, %add3A_583 : vector<16xf32>
        %add3A_609 = arith.addf %add3A_607, %add3A_608 : vector<16xf32>
        %sign3A = tpu.bitcast %add3A_606 : vector<16xf32> -> vector<16xi32>
        %sign3A_610 = arith.constant -2147483648 : i32
        %sign3A_611 = vector.broadcast %sign3A_610 : i32 to vector<16xi32>
        %sign3A_612 = arith.andi %sign3A, %sign3A_611 : vector<16xi32>
        %sign3A_613 = arith.constant 1065353216 : i32
        %sign3A_614 = vector.broadcast %sign3A_613 : i32 to vector<16xi32>
        %sign3A_615 = arith.ori %sign3A_614, %sign3A_612 : vector<16xi32>
        %sign3A_616 = tpu.bitcast %sign3A_615 : vector<16xi32> -> vector<16xf32>
        %sign3A_617 = math.absf %add3A_606 : vector<16xf32>
        %sign3A_618 = arith.constant 0.000000e+00 : f32
        %sign3A_619 = vector.broadcast %sign3A_618 : f32 to vector<16xf32>
        %sign3A_620 = arith.cmpf ogt, %sign3A_617, %sign3A_619 : vector<16xf32>
        %sign3A_621 = arith.select %sign3A_620, %sign3A_616, %add3A_606 : vector<16xi1>, vector<16xf32>
        %mul3A_622 = arith.mulf %sign3A_621, %add3A_606 : vector<16xf32>
        %mul3A_623 = arith.mulf %mul3A_622, %add3A_606 : vector<16xf32>
        %max3A = arith.constant 1.000000e-30 : f32
        %max3A_624 = vector.broadcast %max3A : f32 to vector<16xf32>
        %max3A_625 = arith.maximumf %add3A_609, %max3A_624 : vector<16xf32>
        %div3A = arith.divf %mul3A_623, %max3A_625 : vector<16xf32>
        %mul3A_626 = arith.constant 2 : i32
        %mul3A_627 = arith.muli %mul3A_626, %scan3A_103 : i32
        %add3A_628 = arith.constant 0 : i32
        %add3A_629 = arith.addi %mul3A_627, %add3A_628 : i32
        %mul3A_630 = arith.constant 16 : i32
        %mul3A_631 = arith.muli %add3A_629, %mul3A_630 : i32
        %add3A_632 = arith.addi %mul3A_90, %mul3A_631 : i32
        %add3A_633 = vector.broadcast %add3A_632 : i32 to vector<16xi32>
        %add3A_634 = arith.addi %add3A_633, %iota3A : vector<16xi32>
        %gt3A = arith.cmpf ogt, %div3A, %scan3A_104 : vector<16xf32>
        %select_n3A_635 = arith.select %gt3A, %div3A, %scan3A_104 : vector<16xi1>, vector<16xf32>
        %select_n3A_636 = arith.select %gt3A, %add3A_634, %scan3A_105 : vector<16xi1>, vector<16xi32>
        %add3A_637 = arith.addf %add3A_501, %add3A_529 : vector<16xf32>
        %add3A_638 = arith.addf %add3A_557, %add3A_585 : vector<16xf32>
        %add3A_639 = arith.addf %add3A_637, %add3A_638 : vector<16xf32>
        %add3A_640 = arith.addf %add3A_503, %add3A_531 : vector<16xf32>
        %add3A_641 = arith.addf %add3A_559, %add3A_587 : vector<16xf32>
        %add3A_642 = arith.addf %add3A_640, %add3A_641 : vector<16xf32>
        %sign3A_643 = tpu.bitcast %add3A_639 : vector<16xf32> -> vector<16xi32>
        %sign3A_644 = arith.constant -2147483648 : i32
        %sign3A_645 = vector.broadcast %sign3A_644 : i32 to vector<16xi32>
        %sign3A_646 = arith.andi %sign3A_643, %sign3A_645 : vector<16xi32>
        %sign3A_647 = arith.constant 1065353216 : i32
        %sign3A_648 = vector.broadcast %sign3A_647 : i32 to vector<16xi32>
        %sign3A_649 = arith.ori %sign3A_648, %sign3A_646 : vector<16xi32>
        %sign3A_650 = tpu.bitcast %sign3A_649 : vector<16xi32> -> vector<16xf32>
        %sign3A_651 = math.absf %add3A_639 : vector<16xf32>
        %sign3A_652 = arith.constant 0.000000e+00 : f32
        %sign3A_653 = vector.broadcast %sign3A_652 : f32 to vector<16xf32>
        %sign3A_654 = arith.cmpf ogt, %sign3A_651, %sign3A_653 : vector<16xf32>
        %sign3A_655 = arith.select %sign3A_654, %sign3A_650, %add3A_639 : vector<16xi1>, vector<16xf32>
        %mul3A_656 = arith.mulf %sign3A_655, %add3A_639 : vector<16xf32>
        %mul3A_657 = arith.mulf %mul3A_656, %add3A_639 : vector<16xf32>
        %max3A_658 = arith.constant 1.000000e-30 : f32
        %max3A_659 = vector.broadcast %max3A_658 : f32 to vector<16xf32>
        %max3A_660 = arith.maximumf %add3A_642, %max3A_659 : vector<16xf32>
        %div3A_661 = arith.divf %mul3A_657, %max3A_660 : vector<16xf32>
        %mul3A_662 = arith.constant 2 : i32
        %mul3A_663 = arith.muli %mul3A_662, %scan3A_103 : i32
        %add3A_664 = arith.constant 1 : i32
        %add3A_665 = arith.addi %mul3A_663, %add3A_664 : i32
        %mul3A_666 = arith.constant 16 : i32
        %mul3A_667 = arith.muli %add3A_665, %mul3A_666 : i32
        %add3A_668 = arith.addi %mul3A_90, %mul3A_667 : i32
        %add3A_669 = vector.broadcast %add3A_668 : i32 to vector<16xi32>
        %add3A_670 = arith.addi %add3A_669, %iota3A : vector<16xi32>
        %gt3A_671 = arith.cmpf ogt, %div3A_661, %select_n3A_635 : vector<16xf32>
        %select_n3A_672 = arith.select %gt3A_671, %div3A_661, %select_n3A_635 : vector<16xi1>, vector<16xf32>
        %select_n3A_673 = arith.select %gt3A_671, %add3A_670, %select_n3A_636 : vector<16xi1>, vector<16xi32>
        scf.yield %select_n3A_672, %select_n3A_673 : vector<16xf32>, vector<16xi32>
      }
      %scan3A_98 = arith.constant 10 : i32
      %swap3A_99 = arith.constant 0 : index
      %swap3A_100 = tpu.vector_load %arg9[%swap3A_99] {strides = array<i32>} : memref<16xf32, #tpu.memory_space<vmem>>, vector<16xf32>,
      tpu.vector_store %arg9[%swap3A_99], %scan3A_97#0 {strides = array<i32>} : memref<16xf32, #tpu.memory_space<vmem>>, vector<16xf32>,
      %swap3A_101 = arith.constant 0 : index
      %swap3A_102 = tpu.vector_load %arg10[%swap3A_101] {strides = array<i32>} : memref<16xi32, #tpu.memory_space<vmem>>, vector<16xi32>,
      tpu.vector_store %arg10[%swap3A_101], %scan3A_97#1 {strides = array<i32>} : memref<16xi32, #tpu.memory_space<vmem>>, vector<16xi32>,
    } else {
    }
    %add3A_54 = arith.constant 64 : i32
    %add3A_55 = arith.addi %add3A, %add3A_54 : i32
    %lt3A_56 = arith.constant 125 : i32
    %lt3A_57 = arith.cmpi slt, %add3A_55, %lt3A_56 : i32
    %convert_element_type3A_58 = arith.extui %lt3A_57 : i1 to i32
    %cond3A_59 = arith.constant 0 : i32
    %cond3A_60 = arith.cmpi ne, %convert_element_type3A_58, %cond3A_59 : i32
    scf.if %cond3A_60 {
      %mul3A_89 = arith.constant 40960 : i32
      %mul3A_90 = arith.muli %add3A_55, %mul3A_89 : i32
      %multiple_of3A = tpu.assume_multiple %mul3A_90, 8 : i32
      %dma_wait3A = tpu.memref_slice %arg3[%multiple_of3A] : memref<12800000xf32, #tpu.memory_space<hbm>> -> memref<40960xf32, #tpu.memory_space<hbm>>
      %dma_wait3A_91 = tpu.memref_slice %arg3[%multiple_of3A] : memref<12800000xf32, #tpu.memory_space<hbm>> -> memref<40960xf32, #tpu.memory_space<hbm>>
      tpu.wait_dma2 semaphore(%arg11 : memref<!tpu.dma_semaphore, #tpu.memory_space<semaphore_mem>>) src(%dma_wait3A_91 : memref<40960xf32, #tpu.memory_space<hbm>>) dst(%arg7 : memref<40960xf32, #tpu.memory_space<vmem>>)
    } else {
    }
    %add3A_61 = arith.constant 96 : i32
    %add3A_62 = arith.addi %add3A, %add3A_61 : i32
    %lt3A_63 = arith.constant 125 : i32
    %lt3A_64 = arith.cmpi slt, %add3A_62, %lt3A_63 : i32
    %convert_element_type3A_65 = arith.extui %lt3A_64 : i1 to i32
    %cond3A_66 = arith.constant 0 : i32
    %cond3A_67 = arith.cmpi ne, %convert_element_type3A_65, %cond3A_66 : i32
    scf.if %cond3A_67 {
      %mul3A_89 = arith.constant 40960 : i32
      %mul3A_90 = arith.muli %add3A_62, %mul3A_89 : i32
      %multiple_of3A = tpu.assume_multiple %mul3A_90, 8 : i32
      %dma_start3A = tpu.memref_slice %arg3[%multiple_of3A] : memref<12800000xf32, #tpu.memory_space<hbm>> -> memref<40960xf32, #tpu.memory_space<hbm>>
      %dma_start3A_91 = tpu.memref_slice %arg3[%multiple_of3A] : memref<12800000xf32, #tpu.memory_space<hbm>> -> memref<40960xf32, #tpu.memory_space<hbm>>
      tpu.enqueue_dma source(%dma_start3A_91 : memref<40960xf32, #tpu.memory_space<hbm>>) target(%arg8 : memref<40960xf32, #tpu.memory_space<vmem>>) target_semaphore(%arg12 : memref<!tpu.dma_semaphore, #tpu.memory_space<semaphore_mem>>)
    } else {
    }
    %add3A_68 = arith.constant 64 : i32
    %add3A_69 = arith.addi %add3A, %add3A_68 : i32
    %lt3A_70 = arith.constant 125 : i32
    %lt3A_71 = arith.cmpi slt, %add3A_69, %lt3A_70 : i32
    %convert_element_type3A_72 = arith.extui %lt3A_71 : i1 to i32
    %cond3A_73 = arith.constant 0 : i32
    %cond3A_74 = arith.cmpi ne, %convert_element_type3A_72, %cond3A_73 : i32
    scf.if %cond3A_74 {
      %mul3A_89 = arith.constant 320 : i32
      %mul3A_90 = arith.muli %add3A_69, %mul3A_89 : i32
      %get3A = arith.constant 0 : index
      %get3A_91 = tpu.vector_load %arg9[%get3A] {strides = array<i32>} : memref<16xf32, #tpu.memory_space<vmem>>, vector<16xf32>,
      %get3A_92 = arith.constant 0 : index
      %get3A_93 = tpu.vector_load %arg10[%get3A_92] {strides = array<i32>} : memref<16xi32, #tpu.memory_space<vmem>>, vector<16xi32>,
      %scan3A = arith.constant 0 : i32
      %scan3A_94 = arith.constant 10 : i32
      %scan3A_95 = arith.addi %scan3A, %scan3A_94 : i32
      %scan3A_96 = arith.constant 1 : i32
      %scan3A_97:2 = scf.for %scan3A_103 = %scan3A to %scan3A_95 step %scan3A_96 iter_args(%scan3A_104 = %get3A_91, %scan3A_105 = %get3A_93) -> (vector<16xf32>, vector<16xi32>)  : i32 {
        %mul3A_106 = arith.constant 2 : i32
        %mul3A_107 = arith.muli %mul3A_106, %scan3A_103 : i32
        %mul3A_108 = arith.constant 2048 : i32
        %mul3A_109 = arith.muli %mul3A_107, %mul3A_108 : i32
        %mul3A_110 = arith.constant 129 : i32
        %mul3A_111 = vector.broadcast %mul3A_110 : i32 to vector<16xi32>
        %mul3A_112 = arith.muli %iota3A, %mul3A_111 : vector<16xi32>
        %add3A_113 = vector.broadcast %mul3A_109 : i32 to vector<16xi32>
        %add3A_114 = arith.addi %add3A_113, %mul3A_112 : vector<16xi32>
        %mul3A_115 = arith.constant 2 : i32
        %mul3A_116 = arith.muli %mul3A_115, %scan3A_103 : i32
        %add3A_117 = arith.constant 1 : i32
        %add3A_118 = arith.addi %mul3A_116, %add3A_117 : i32
        %mul3A_119 = arith.constant 2048 : i32
        %mul3A_120 = arith.muli %add3A_118, %mul3A_119 : i32
        %mul3A_121 = arith.constant 129 : i32
        %mul3A_122 = vector.broadcast %mul3A_121 : i32 to vector<16xi32>
        %mul3A_123 = arith.muli %iota3A, %mul3A_122 : vector<16xi32>
        %add3A_124 = vector.broadcast %mul3A_120 : i32 to vector<16xi32>
        %add3A_125 = arith.addi %add3A_124, %mul3A_123 : vector<16xi32>
        %mul3A_126 = arith.constant 2 : i32
        %mul3A_127 = arith.muli %mul3A_126, %scan3A_103 : i32
        %mul3A_128 = arith.constant 2048 : i32
        %mul3A_129 = arith.muli %mul3A_127, %mul3A_128 : i32
        %mul3A_130 = arith.constant 128 : i32
        %mul3A_131 = vector.broadcast %mul3A_130 : i32 to vector<16xi32>
        %mul3A_132 = arith.muli %iota3A, %mul3A_131 : vector<16xi32>
        %add3A_133 = vector.broadcast %mul3A_129 : i32 to vector<16xi32>
        %add3A_134 = arith.addi %add3A_133, %mul3A_132 : vector<16xi32>
        %add3A_135 = arith.constant 128 : i32
        %add3A_136 = vector.broadcast %add3A_135 : i32 to vector<16xi32>
        %add3A_137 = arith.addi %add3A_134, %add3A_136 : vector<16xi32>
        %mul3A_138 = arith.constant 2 : i32
        %mul3A_139 = arith.muli %mul3A_138, %scan3A_103 : i32
        %add3A_140 = arith.constant 1 : i32
        %add3A_141 = arith.addi %mul3A_139, %add3A_140 : i32
        %mul3A_142 = arith.constant 2048 : i32
        %mul3A_143 = arith.muli %add3A_141, %mul3A_142 : i32
        %mul3A_144 = arith.constant 128 : i32
        %mul3A_145 = vector.broadcast %mul3A_144 : i32 to vector<16xi32>
        %mul3A_146 = arith.muli %iota3A, %mul3A_145 : vector<16xi32>
        %add3A_147 = vector.broadcast %mul3A_143 : i32 to vector<16xi32>
        %add3A_148 = arith.addi %add3A_147, %mul3A_146 : vector<16xi32>
        %add3A_149 = arith.constant 128 : i32
        %add3A_150 = vector.broadcast %add3A_149 : i32 to vector<16xi32>
        %add3A_151 = arith.addi %add3A_148, %add3A_150 : vector<16xi32>
        %broadcast_in_dim3A_152 = arith.constant 0.000000e+00 : f32
        %broadcast_in_dim3A_153 = vector.broadcast %broadcast_in_dim3A_152 : f32 to vector<16xf32>
        %scan3A_154 = arith.constant 0 : i32
        %scan3A_155 = arith.constant 7 : i32
        %scan3A_156 = arith.addi %scan3A_154, %scan3A_155 : i32
        %scan3A_157 = arith.constant 1 : i32
        %scan3A_158:18 = scf.for %scan3A_674 = %scan3A_154 to %scan3A_156 step %scan3A_157 iter_args(%scan3A_675 = %broadcast_in_dim3A_153, %scan3A_676 = %broadcast_in_dim3A_153, %scan3A_677 = %broadcast_in_dim3A_153, %scan3A_678 = %broadcast_in_dim3A_153, %scan3A_679 = %broadcast_in_dim3A_153, %scan3A_680 = %broadcast_in_dim3A_153, %scan3A_681 = %broadcast_in_dim3A_153, %scan3A_682 = %broadcast_in_dim3A_153, %scan3A_683 = %broadcast_in_dim3A_153, %scan3A_684 = %broadcast_in_dim3A_153, %scan3A_685 = %broadcast_in_dim3A_153, %scan3A_686 = %broadcast_in_dim3A_153, %scan3A_687 = %broadcast_in_dim3A_153, %scan3A_688 = %broadcast_in_dim3A_153, %scan3A_689 = %broadcast_in_dim3A_153, %scan3A_690 = %broadcast_in_dim3A_153, %scan3A_691 = %add3A_114, %scan3A_692 = %add3A_125) -> (vector<16xf32>, vector<16xf32>, vector<16xf32>, vector<16xf32>, vector<16xf32>, vector<16xf32>, vector<16xf32>, vector<16xf32>, vector<16xf32>, vector<16xf32>, vector<16xf32>, vector<16xf32>, vector<16xf32>, vector<16xf32>, vector<16xf32>, vector<16xf32>, vector<16xi32>, vector<16xi32>)  : i32 {
          %mul3A_693 = arith.constant 16 : i32
          %mul3A_694 = arith.muli %scan3A_674, %mul3A_693 : i32
          %add3A_695 = arith.constant 0 : i32
          %add3A_696 = arith.addi %mul3A_694, %add3A_695 : i32
          %get3A_697 = arith.index_cast %add3A_696 : i32 to index
          %get3A_698 = tpu.vector_load %arg6[%get3A_697] {strides = array<i32>} : memref<256xf32, #tpu.memory_space<vmem>>, vector<16xf32>,
          %gather3A_699 = tpu.vector_load_idx %arg7[%scan3A_691] : memref<40960xf32, #tpu.memory_space<vmem>>[vector<16xi32>], vector<16xf32>,
          %gather3A_700 = tpu.vector_load_idx %arg7[%scan3A_692] : memref<40960xf32, #tpu.memory_space<vmem>>[vector<16xi32>], vector<16xf32>,
          %mul3A_701 = arith.mulf %gather3A_699, %get3A_698 : vector<16xf32>
          %add3A_702 = arith.addf %scan3A_675, %mul3A_701 : vector<16xf32>
          %mul3A_703 = arith.mulf %gather3A_699, %gather3A_699 : vector<16xf32>
          %add3A_704 = arith.addf %scan3A_679, %mul3A_703 : vector<16xf32>
          %mul3A_705 = arith.mulf %gather3A_700, %get3A_698 : vector<16xf32>
          %add3A_706 = arith.addf %scan3A_683, %mul3A_705 : vector<16xf32>
          %mul3A_707 = arith.mulf %gather3A_700, %gather3A_700 : vector<16xf32>
          %add3A_708 = arith.addf %scan3A_687, %mul3A_707 : vector<16xf32>
          %add3A_709 = arith.constant 1 : i32
          %add3A_710 = vector.broadcast %add3A_709 : i32 to vector<16xi32>
          %add3A_711 = arith.addi %scan3A_691, %add3A_710 : vector<16xi32>
          %add3A_712 = arith.constant 1 : i32
          %add3A_713 = vector.broadcast %add3A_712 : i32 to vector<16xi32>
          %add3A_714 = arith.addi %scan3A_692, %add3A_713 : vector<16xi32>
          %mul3A_715 = arith.constant 16 : i32
          %mul3A_716 = arith.muli %scan3A_674, %mul3A_715 : i32
          %add3A_717 = arith.constant 1 : i32
          %add3A_718 = arith.addi %mul3A_716, %add3A_717 : i32
          %get3A_719 = arith.index_cast %add3A_718 : i32 to index
          %get3A_720 = tpu.vector_load %arg6[%get3A_719] {strides = array<i32>} : memref<256xf32, #tpu.memory_space<vmem>>, vector<16xf32>,
          %gather3A_721 = tpu.vector_load_idx %arg7[%add3A_711] : memref<40960xf32, #tpu.memory_space<vmem>>[vector<16xi32>], vector<16xf32>,
          %gather3A_722 = tpu.vector_load_idx %arg7[%add3A_714] : memref<40960xf32, #tpu.memory_space<vmem>>[vector<16xi32>], vector<16xf32>,
          %mul3A_723 = arith.mulf %gather3A_721, %get3A_720 : vector<16xf32>
          %add3A_724 = arith.addf %scan3A_676, %mul3A_723 : vector<16xf32>
          %mul3A_725 = arith.mulf %gather3A_721, %gather3A_721 : vector<16xf32>
          %add3A_726 = arith.addf %scan3A_680, %mul3A_725 : vector<16xf32>
          %mul3A_727 = arith.mulf %gather3A_722, %get3A_720 : vector<16xf32>
          %add3A_728 = arith.addf %scan3A_684, %mul3A_727 : vector<16xf32>
          %mul3A_729 = arith.mulf %gather3A_722, %gather3A_722 : vector<16xf32>
          %add3A_730 = arith.addf %scan3A_688, %mul3A_729 : vector<16xf32>
          %add3A_731 = arith.constant 1 : i32
          %add3A_732 = vector.broadcast %add3A_731 : i32 to vector<16xi32>
          %add3A_733 = arith.addi %add3A_711, %add3A_732 : vector<16xi32>
          %add3A_734 = arith.constant 1 : i32
          %add3A_735 = vector.broadcast %add3A_734 : i32 to vector<16xi32>
          %add3A_736 = arith.addi %add3A_714, %add3A_735 : vector<16xi32>
          %mul3A_737 = arith.constant 16 : i32
          %mul3A_738 = arith.muli %scan3A_674, %mul3A_737 : i32
          %add3A_739 = arith.constant 2 : i32
          %add3A_740 = arith.addi %mul3A_738, %add3A_739 : i32
          %get3A_741 = arith.index_cast %add3A_740 : i32 to index
          %get3A_742 = tpu.vector_load %arg6[%get3A_741] {strides = array<i32>} : memref<256xf32, #tpu.memory_space<vmem>>, vector<16xf32>,
          %gather3A_743 = tpu.vector_load_idx %arg7[%add3A_733] : memref<40960xf32, #tpu.memory_space<vmem>>[vector<16xi32>], vector<16xf32>,
          %gather3A_744 = tpu.vector_load_idx %arg7[%add3A_736] : memref<40960xf32, #tpu.memory_space<vmem>>[vector<16xi32>], vector<16xf32>,
          %mul3A_745 = arith.mulf %gather3A_743, %get3A_742 : vector<16xf32>
          %add3A_746 = arith.addf %scan3A_677, %mul3A_745 : vector<16xf32>
          %mul3A_747 = arith.mulf %gather3A_743, %gather3A_743 : vector<16xf32>
          %add3A_748 = arith.addf %scan3A_681, %mul3A_747 : vector<16xf32>
          %mul3A_749 = arith.mulf %gather3A_744, %get3A_742 : vector<16xf32>
          %add3A_750 = arith.addf %scan3A_685, %mul3A_749 : vector<16xf32>
          %mul3A_751 = arith.mulf %gather3A_744, %gather3A_744 : vector<16xf32>
          %add3A_752 = arith.addf %scan3A_689, %mul3A_751 : vector<16xf32>
          %add3A_753 = arith.constant 1 : i32
          %add3A_754 = vector.broadcast %add3A_753 : i32 to vector<16xi32>
          %add3A_755 = arith.addi %add3A_733, %add3A_754 : vector<16xi32>
          %add3A_756 = arith.constant 1 : i32
          %add3A_757 = vector.broadcast %add3A_756 : i32 to vector<16xi32>
          %add3A_758 = arith.addi %add3A_736, %add3A_757 : vector<16xi32>
          %mul3A_759 = arith.constant 16 : i32
          %mul3A_760 = arith.muli %scan3A_674, %mul3A_759 : i32
          %add3A_761 = arith.constant 3 : i32
          %add3A_762 = arith.addi %mul3A_760, %add3A_761 : i32
          %get3A_763 = arith.index_cast %add3A_762 : i32 to index
          %get3A_764 = tpu.vector_load %arg6[%get3A_763] {strides = array<i32>} : memref<256xf32, #tpu.memory_space<vmem>>, vector<16xf32>,
          %gather3A_765 = tpu.vector_load_idx %arg7[%add3A_755] : memref<40960xf32, #tpu.memory_space<vmem>>[vector<16xi32>], vector<16xf32>,
          %gather3A_766 = tpu.vector_load_idx %arg7[%add3A_758] : memref<40960xf32, #tpu.memory_space<vmem>>[vector<16xi32>], vector<16xf32>,
          %mul3A_767 = arith.mulf %gather3A_765, %get3A_764 : vector<16xf32>
          %add3A_768 = arith.addf %scan3A_678, %mul3A_767 : vector<16xf32>
          %mul3A_769 = arith.mulf %gather3A_765, %gather3A_765 : vector<16xf32>
          %add3A_770 = arith.addf %scan3A_682, %mul3A_769 : vector<16xf32>
          %mul3A_771 = arith.mulf %gather3A_766, %get3A_764 : vector<16xf32>
          %add3A_772 = arith.addf %scan3A_686, %mul3A_771 : vector<16xf32>
          %mul3A_773 = arith.mulf %gather3A_766, %gather3A_766 : vector<16xf32>
          %add3A_774 = arith.addf %scan3A_690, %mul3A_773 : vector<16xf32>
          %add3A_775 = arith.constant 1 : i32
          %add3A_776 = vector.broadcast %add3A_775 : i32 to vector<16xi32>
          %add3A_777 = arith.addi %add3A_755, %add3A_776 : vector<16xi32>
          %add3A_778 = arith.constant 1 : i32
          %add3A_779 = vector.broadcast %add3A_778 : i32 to vector<16xi32>
          %add3A_780 = arith.addi %add3A_758, %add3A_779 : vector<16xi32>
          %mul3A_781 = arith.constant 16 : i32
          %mul3A_782 = arith.muli %scan3A_674, %mul3A_781 : i32
          %add3A_783 = arith.constant 4 : i32
          %add3A_784 = arith.addi %mul3A_782, %add3A_783 : i32
          %get3A_785 = arith.index_cast %add3A_784 : i32 to index
          %get3A_786 = tpu.vector_load %arg6[%get3A_785] {strides = array<i32>} : memref<256xf32, #tpu.memory_space<vmem>>, vector<16xf32>,
          %gather3A_787 = tpu.vector_load_idx %arg7[%add3A_777] : memref<40960xf32, #tpu.memory_space<vmem>>[vector<16xi32>], vector<16xf32>,
          %gather3A_788 = tpu.vector_load_idx %arg7[%add3A_780] : memref<40960xf32, #tpu.memory_space<vmem>>[vector<16xi32>], vector<16xf32>,
          %mul3A_789 = arith.mulf %gather3A_787, %get3A_786 : vector<16xf32>
          %add3A_790 = arith.addf %add3A_702, %mul3A_789 : vector<16xf32>
          %mul3A_791 = arith.mulf %gather3A_787, %gather3A_787 : vector<16xf32>
          %add3A_792 = arith.addf %add3A_704, %mul3A_791 : vector<16xf32>
          %mul3A_793 = arith.mulf %gather3A_788, %get3A_786 : vector<16xf32>
          %add3A_794 = arith.addf %add3A_706, %mul3A_793 : vector<16xf32>
          %mul3A_795 = arith.mulf %gather3A_788, %gather3A_788 : vector<16xf32>
          %add3A_796 = arith.addf %add3A_708, %mul3A_795 : vector<16xf32>
          %add3A_797 = arith.constant 1 : i32
          %add3A_798 = vector.broadcast %add3A_797 : i32 to vector<16xi32>
          %add3A_799 = arith.addi %add3A_777, %add3A_798 : vector<16xi32>
          %add3A_800 = arith.constant 1 : i32
          %add3A_801 = vector.broadcast %add3A_800 : i32 to vector<16xi32>
          %add3A_802 = arith.addi %add3A_780, %add3A_801 : vector<16xi32>
          %mul3A_803 = arith.constant 16 : i32
          %mul3A_804 = arith.muli %scan3A_674, %mul3A_803 : i32
          %add3A_805 = arith.constant 5 : i32
          %add3A_806 = arith.addi %mul3A_804, %add3A_805 : i32
          %get3A_807 = arith.index_cast %add3A_806 : i32 to index
          %get3A_808 = tpu.vector_load %arg6[%get3A_807] {strides = array<i32>} : memref<256xf32, #tpu.memory_space<vmem>>, vector<16xf32>,
          %gather3A_809 = tpu.vector_load_idx %arg7[%add3A_799] : memref<40960xf32, #tpu.memory_space<vmem>>[vector<16xi32>], vector<16xf32>,
          %gather3A_810 = tpu.vector_load_idx %arg7[%add3A_802] : memref<40960xf32, #tpu.memory_space<vmem>>[vector<16xi32>], vector<16xf32>,
          %mul3A_811 = arith.mulf %gather3A_809, %get3A_808 : vector<16xf32>
          %add3A_812 = arith.addf %add3A_724, %mul3A_811 : vector<16xf32>
          %mul3A_813 = arith.mulf %gather3A_809, %gather3A_809 : vector<16xf32>
          %add3A_814 = arith.addf %add3A_726, %mul3A_813 : vector<16xf32>
          %mul3A_815 = arith.mulf %gather3A_810, %get3A_808 : vector<16xf32>
          %add3A_816 = arith.addf %add3A_728, %mul3A_815 : vector<16xf32>
          %mul3A_817 = arith.mulf %gather3A_810, %gather3A_810 : vector<16xf32>
          %add3A_818 = arith.addf %add3A_730, %mul3A_817 : vector<16xf32>
          %add3A_819 = arith.constant 1 : i32
          %add3A_820 = vector.broadcast %add3A_819 : i32 to vector<16xi32>
          %add3A_821 = arith.addi %add3A_799, %add3A_820 : vector<16xi32>
          %add3A_822 = arith.constant 1 : i32
          %add3A_823 = vector.broadcast %add3A_822 : i32 to vector<16xi32>
          %add3A_824 = arith.addi %add3A_802, %add3A_823 : vector<16xi32>
          %mul3A_825 = arith.constant 16 : i32
          %mul3A_826 = arith.muli %scan3A_674, %mul3A_825 : i32
          %add3A_827 = arith.constant 6 : i32
          %add3A_828 = arith.addi %mul3A_826, %add3A_827 : i32
          %get3A_829 = arith.index_cast %add3A_828 : i32 to index
          %get3A_830 = tpu.vector_load %arg6[%get3A_829] {strides = array<i32>} : memref<256xf32, #tpu.memory_space<vmem>>, vector<16xf32>,
          %gather3A_831 = tpu.vector_load_idx %arg7[%add3A_821] : memref<40960xf32, #tpu.memory_space<vmem>>[vector<16xi32>], vector<16xf32>,
          %gather3A_832 = tpu.vector_load_idx %arg7[%add3A_824] : memref<40960xf32, #tpu.memory_space<vmem>>[vector<16xi32>], vector<16xf32>,
          %mul3A_833 = arith.mulf %gather3A_831, %get3A_830 : vector<16xf32>
          %add3A_834 = arith.addf %add3A_746, %mul3A_833 : vector<16xf32>
          %mul3A_835 = arith.mulf %gather3A_831, %gather3A_831 : vector<16xf32>
          %add3A_836 = arith.addf %add3A_748, %mul3A_835 : vector<16xf32>
          %mul3A_837 = arith.mulf %gather3A_832, %get3A_830 : vector<16xf32>
          %add3A_838 = arith.addf %add3A_750, %mul3A_837 : vector<16xf32>
          %mul3A_839 = arith.mulf %gather3A_832, %gather3A_832 : vector<16xf32>
          %add3A_840 = arith.addf %add3A_752, %mul3A_839 : vector<16xf32>
          %add3A_841 = arith.constant 1 : i32
          %add3A_842 = vector.broadcast %add3A_841 : i32 to vector<16xi32>
          %add3A_843 = arith.addi %add3A_821, %add3A_842 : vector<16xi32>
          %add3A_844 = arith.constant 1 : i32
          %add3A_845 = vector.broadcast %add3A_844 : i32 to vector<16xi32>
          %add3A_846 = arith.addi %add3A_824, %add3A_845 : vector<16xi32>
          %mul3A_847 = arith.constant 16 : i32
          %mul3A_848 = arith.muli %scan3A_674, %mul3A_847 : i32
          %add3A_849 = arith.constant 7 : i32
          %add3A_850 = arith.addi %mul3A_848, %add3A_849 : i32
          %get3A_851 = arith.index_cast %add3A_850 : i32 to index
          %get3A_852 = tpu.vector_load %arg6[%get3A_851] {strides = array<i32>} : memref<256xf32, #tpu.memory_space<vmem>>, vector<16xf32>,
          %gather3A_853 = tpu.vector_load_idx %arg7[%add3A_843] : memref<40960xf32, #tpu.memory_space<vmem>>[vector<16xi32>], vector<16xf32>,
          %gather3A_854 = tpu.vector_load_idx %arg7[%add3A_846] : memref<40960xf32, #tpu.memory_space<vmem>>[vector<16xi32>], vector<16xf32>,
          %mul3A_855 = arith.mulf %gather3A_853, %get3A_852 : vector<16xf32>
          %add3A_856 = arith.addf %add3A_768, %mul3A_855 : vector<16xf32>
          %mul3A_857 = arith.mulf %gather3A_853, %gather3A_853 : vector<16xf32>
          %add3A_858 = arith.addf %add3A_770, %mul3A_857 : vector<16xf32>
          %mul3A_859 = arith.mulf %gather3A_854, %get3A_852 : vector<16xf32>
          %add3A_860 = arith.addf %add3A_772, %mul3A_859 : vector<16xf32>
          %mul3A_861 = arith.mulf %gather3A_854, %gather3A_854 : vector<16xf32>
          %add3A_862 = arith.addf %add3A_774, %mul3A_861 : vector<16xf32>
          %add3A_863 = arith.constant 1 : i32
          %add3A_864 = vector.broadcast %add3A_863 : i32 to vector<16xi32>
          %add3A_865 = arith.addi %add3A_843, %add3A_864 : vector<16xi32>
          %add3A_866 = arith.constant 1 : i32
          %add3A_867 = vector.broadcast %add3A_866 : i32 to vector<16xi32>
          %add3A_868 = arith.addi %add3A_846, %add3A_867 : vector<16xi32>
          %mul3A_869 = arith.constant 16 : i32
          %mul3A_870 = arith.muli %scan3A_674, %mul3A_869 : i32
          %add3A_871 = arith.constant 8 : i32
          %add3A_872 = arith.addi %mul3A_870, %add3A_871 : i32
          %get3A_873 = arith.index_cast %add3A_872 : i32 to index
          %get3A_874 = tpu.vector_load %arg6[%get3A_873] {strides = array<i32>} : memref<256xf32, #tpu.memory_space<vmem>>, vector<16xf32>,
          %gather3A_875 = tpu.vector_load_idx %arg7[%add3A_865] : memref<40960xf32, #tpu.memory_space<vmem>>[vector<16xi32>], vector<16xf32>,
          %gather3A_876 = tpu.vector_load_idx %arg7[%add3A_868] : memref<40960xf32, #tpu.memory_space<vmem>>[vector<16xi32>], vector<16xf32>,
          %mul3A_877 = arith.mulf %gather3A_875, %get3A_874 : vector<16xf32>
          %add3A_878 = arith.addf %add3A_790, %mul3A_877 : vector<16xf32>
          %mul3A_879 = arith.mulf %gather3A_875, %gather3A_875 : vector<16xf32>
          %add3A_880 = arith.addf %add3A_792, %mul3A_879 : vector<16xf32>
          %mul3A_881 = arith.mulf %gather3A_876, %get3A_874 : vector<16xf32>
          %add3A_882 = arith.addf %add3A_794, %mul3A_881 : vector<16xf32>
          %mul3A_883 = arith.mulf %gather3A_876, %gather3A_876 : vector<16xf32>
          %add3A_884 = arith.addf %add3A_796, %mul3A_883 : vector<16xf32>
          %add3A_885 = arith.constant 1 : i32
          %add3A_886 = vector.broadcast %add3A_885 : i32 to vector<16xi32>
          %add3A_887 = arith.addi %add3A_865, %add3A_886 : vector<16xi32>
          %add3A_888 = arith.constant 1 : i32
          %add3A_889 = vector.broadcast %add3A_888 : i32 to vector<16xi32>
          %add3A_890 = arith.addi %add3A_868, %add3A_889 : vector<16xi32>
          %mul3A_891 = arith.constant 16 : i32
          %mul3A_892 = arith.muli %scan3A_674, %mul3A_891 : i32
          %add3A_893 = arith.constant 9 : i32
          %add3A_894 = arith.addi %mul3A_892, %add3A_893 : i32
          %get3A_895 = arith.index_cast %add3A_894 : i32 to index
          %get3A_896 = tpu.vector_load %arg6[%get3A_895] {strides = array<i32>} : memref<256xf32, #tpu.memory_space<vmem>>, vector<16xf32>,
          %gather3A_897 = tpu.vector_load_idx %arg7[%add3A_887] : memref<40960xf32, #tpu.memory_space<vmem>>[vector<16xi32>], vector<16xf32>,
          %gather3A_898 = tpu.vector_load_idx %arg7[%add3A_890] : memref<40960xf32, #tpu.memory_space<vmem>>[vector<16xi32>], vector<16xf32>,
          %mul3A_899 = arith.mulf %gather3A_897, %get3A_896 : vector<16xf32>
          %add3A_900 = arith.addf %add3A_812, %mul3A_899 : vector<16xf32>
          %mul3A_901 = arith.mulf %gather3A_897, %gather3A_897 : vector<16xf32>
          %add3A_902 = arith.addf %add3A_814, %mul3A_901 : vector<16xf32>
          %mul3A_903 = arith.mulf %gather3A_898, %get3A_896 : vector<16xf32>
          %add3A_904 = arith.addf %add3A_816, %mul3A_903 : vector<16xf32>
          %mul3A_905 = arith.mulf %gather3A_898, %gather3A_898 : vector<16xf32>
          %add3A_906 = arith.addf %add3A_818, %mul3A_905 : vector<16xf32>
          %add3A_907 = arith.constant 1 : i32
          %add3A_908 = vector.broadcast %add3A_907 : i32 to vector<16xi32>
          %add3A_909 = arith.addi %add3A_887, %add3A_908 : vector<16xi32>
          %add3A_910 = arith.constant 1 : i32
          %add3A_911 = vector.broadcast %add3A_910 : i32 to vector<16xi32>
          %add3A_912 = arith.addi %add3A_890, %add3A_911 : vector<16xi32>
          %mul3A_913 = arith.constant 16 : i32
          %mul3A_914 = arith.muli %scan3A_674, %mul3A_913 : i32
          %add3A_915 = arith.constant 10 : i32
          %add3A_916 = arith.addi %mul3A_914, %add3A_915 : i32
          %get3A_917 = arith.index_cast %add3A_916 : i32 to index
          %get3A_918 = tpu.vector_load %arg6[%get3A_917] {strides = array<i32>} : memref<256xf32, #tpu.memory_space<vmem>>, vector<16xf32>,
          %gather3A_919 = tpu.vector_load_idx %arg7[%add3A_909] : memref<40960xf32, #tpu.memory_space<vmem>>[vector<16xi32>], vector<16xf32>,
          %gather3A_920 = tpu.vector_load_idx %arg7[%add3A_912] : memref<40960xf32, #tpu.memory_space<vmem>>[vector<16xi32>], vector<16xf32>,
          %mul3A_921 = arith.mulf %gather3A_919, %get3A_918 : vector<16xf32>
          %add3A_922 = arith.addf %add3A_834, %mul3A_921 : vector<16xf32>
          %mul3A_923 = arith.mulf %gather3A_919, %gather3A_919 : vector<16xf32>
          %add3A_924 = arith.addf %add3A_836, %mul3A_923 : vector<16xf32>
          %mul3A_925 = arith.mulf %gather3A_920, %get3A_918 : vector<16xf32>
          %add3A_926 = arith.addf %add3A_838, %mul3A_925 : vector<16xf32>
          %mul3A_927 = arith.mulf %gather3A_920, %gather3A_920 : vector<16xf32>
          %add3A_928 = arith.addf %add3A_840, %mul3A_927 : vector<16xf32>
          %add3A_929 = arith.constant 1 : i32
          %add3A_930 = vector.broadcast %add3A_929 : i32 to vector<16xi32>
          %add3A_931 = arith.addi %add3A_909, %add3A_930 : vector<16xi32>
          %add3A_932 = arith.constant 1 : i32
          %add3A_933 = vector.broadcast %add3A_932 : i32 to vector<16xi32>
          %add3A_934 = arith.addi %add3A_912, %add3A_933 : vector<16xi32>
          %mul3A_935 = arith.constant 16 : i32
          %mul3A_936 = arith.muli %scan3A_674, %mul3A_935 : i32
          %add3A_937 = arith.constant 11 : i32
          %add3A_938 = arith.addi %mul3A_936, %add3A_937 : i32
          %get3A_939 = arith.index_cast %add3A_938 : i32 to index
          %get3A_940 = tpu.vector_load %arg6[%get3A_939] {strides = array<i32>} : memref<256xf32, #tpu.memory_space<vmem>>, vector<16xf32>,
          %gather3A_941 = tpu.vector_load_idx %arg7[%add3A_931] : memref<40960xf32, #tpu.memory_space<vmem>>[vector<16xi32>], vector<16xf32>,
          %gather3A_942 = tpu.vector_load_idx %arg7[%add3A_934] : memref<40960xf32, #tpu.memory_space<vmem>>[vector<16xi32>], vector<16xf32>,
          %mul3A_943 = arith.mulf %gather3A_941, %get3A_940 : vector<16xf32>
          %add3A_944 = arith.addf %add3A_856, %mul3A_943 : vector<16xf32>
          %mul3A_945 = arith.mulf %gather3A_941, %gather3A_941 : vector<16xf32>
          %add3A_946 = arith.addf %add3A_858, %mul3A_945 : vector<16xf32>
          %mul3A_947 = arith.mulf %gather3A_942, %get3A_940 : vector<16xf32>
          %add3A_948 = arith.addf %add3A_860, %mul3A_947 : vector<16xf32>
          %mul3A_949 = arith.mulf %gather3A_942, %gather3A_942 : vector<16xf32>
          %add3A_950 = arith.addf %add3A_862, %mul3A_949 : vector<16xf32>
          %add3A_951 = arith.constant 1 : i32
          %add3A_952 = vector.broadcast %add3A_951 : i32 to vector<16xi32>
          %add3A_953 = arith.addi %add3A_931, %add3A_952 : vector<16xi32>
          %add3A_954 = arith.constant 1 : i32
          %add3A_955 = vector.broadcast %add3A_954 : i32 to vector<16xi32>
          %add3A_956 = arith.addi %add3A_934, %add3A_955 : vector<16xi32>
          %mul3A_957 = arith.constant 16 : i32
          %mul3A_958 = arith.muli %scan3A_674, %mul3A_957 : i32
          %add3A_959 = arith.constant 12 : i32
          %add3A_960 = arith.addi %mul3A_958, %add3A_959 : i32
          %get3A_961 = arith.index_cast %add3A_960 : i32 to index
          %get3A_962 = tpu.vector_load %arg6[%get3A_961] {strides = array<i32>} : memref<256xf32, #tpu.memory_space<vmem>>, vector<16xf32>,
          %gather3A_963 = tpu.vector_load_idx %arg7[%add3A_953] : memref<40960xf32, #tpu.memory_space<vmem>>[vector<16xi32>], vector<16xf32>,
          %gather3A_964 = tpu.vector_load_idx %arg7[%add3A_956] : memref<40960xf32, #tpu.memory_space<vmem>>[vector<16xi32>], vector<16xf32>,
          %mul3A_965 = arith.mulf %gather3A_963, %get3A_962 : vector<16xf32>
          %add3A_966 = arith.addf %add3A_878, %mul3A_965 : vector<16xf32>
          %mul3A_967 = arith.mulf %gather3A_963, %gather3A_963 : vector<16xf32>
          %add3A_968 = arith.addf %add3A_880, %mul3A_967 : vector<16xf32>
          %mul3A_969 = arith.mulf %gather3A_964, %get3A_962 : vector<16xf32>
          %add3A_970 = arith.addf %add3A_882, %mul3A_969 : vector<16xf32>
          %mul3A_971 = arith.mulf %gather3A_964, %gather3A_964 : vector<16xf32>
          %add3A_972 = arith.addf %add3A_884, %mul3A_971 : vector<16xf32>
          %add3A_973 = arith.constant 1 : i32
          %add3A_974 = vector.broadcast %add3A_973 : i32 to vector<16xi32>
          %add3A_975 = arith.addi %add3A_953, %add3A_974 : vector<16xi32>
          %add3A_976 = arith.constant 1 : i32
          %add3A_977 = vector.broadcast %add3A_976 : i32 to vector<16xi32>
          %add3A_978 = arith.addi %add3A_956, %add3A_977 : vector<16xi32>
          %mul3A_979 = arith.constant 16 : i32
          %mul3A_980 = arith.muli %scan3A_674, %mul3A_979 : i32
          %add3A_981 = arith.constant 13 : i32
          %add3A_982 = arith.addi %mul3A_980, %add3A_981 : i32
          %get3A_983 = arith.index_cast %add3A_982 : i32 to index
          %get3A_984 = tpu.vector_load %arg6[%get3A_983] {strides = array<i32>} : memref<256xf32, #tpu.memory_space<vmem>>, vector<16xf32>,
          %gather3A_985 = tpu.vector_load_idx %arg7[%add3A_975] : memref<40960xf32, #tpu.memory_space<vmem>>[vector<16xi32>], vector<16xf32>,
          %gather3A_986 = tpu.vector_load_idx %arg7[%add3A_978] : memref<40960xf32, #tpu.memory_space<vmem>>[vector<16xi32>], vector<16xf32>,
          %mul3A_987 = arith.mulf %gather3A_985, %get3A_984 : vector<16xf32>
          %add3A_988 = arith.addf %add3A_900, %mul3A_987 : vector<16xf32>
          %mul3A_989 = arith.mulf %gather3A_985, %gather3A_985 : vector<16xf32>
          %add3A_990 = arith.addf %add3A_902, %mul3A_989 : vector<16xf32>
          %mul3A_991 = arith.mulf %gather3A_986, %get3A_984 : vector<16xf32>
          %add3A_992 = arith.addf %add3A_904, %mul3A_991 : vector<16xf32>
          %mul3A_993 = arith.mulf %gather3A_986, %gather3A_986 : vector<16xf32>
          %add3A_994 = arith.addf %add3A_906, %mul3A_993 : vector<16xf32>
          %add3A_995 = arith.constant 1 : i32
          %add3A_996 = vector.broadcast %add3A_995 : i32 to vector<16xi32>
          %add3A_997 = arith.addi %add3A_975, %add3A_996 : vector<16xi32>
          %add3A_998 = arith.constant 1 : i32
          %add3A_999 = vector.broadcast %add3A_998 : i32 to vector<16xi32>
          %add3A_1000 = arith.addi %add3A_978, %add3A_999 : vector<16xi32>
          %mul3A_1001 = arith.constant 16 : i32
          %mul3A_1002 = arith.muli %scan3A_674, %mul3A_1001 : i32
          %add3A_1003 = arith.constant 14 : i32
          %add3A_1004 = arith.addi %mul3A_1002, %add3A_1003 : i32
          %get3A_1005 = arith.index_cast %add3A_1004 : i32 to index
          %get3A_1006 = tpu.vector_load %arg6[%get3A_1005] {strides = array<i32>} : memref<256xf32, #tpu.memory_space<vmem>>, vector<16xf32>,
          %gather3A_1007 = tpu.vector_load_idx %arg7[%add3A_997] : memref<40960xf32, #tpu.memory_space<vmem>>[vector<16xi32>], vector<16xf32>,
          %gather3A_1008 = tpu.vector_load_idx %arg7[%add3A_1000] : memref<40960xf32, #tpu.memory_space<vmem>>[vector<16xi32>], vector<16xf32>,
          %mul3A_1009 = arith.mulf %gather3A_1007, %get3A_1006 : vector<16xf32>
          %add3A_1010 = arith.addf %add3A_922, %mul3A_1009 : vector<16xf32>
          %mul3A_1011 = arith.mulf %gather3A_1007, %gather3A_1007 : vector<16xf32>
          %add3A_1012 = arith.addf %add3A_924, %mul3A_1011 : vector<16xf32>
          %mul3A_1013 = arith.mulf %gather3A_1008, %get3A_1006 : vector<16xf32>
          %add3A_1014 = arith.addf %add3A_926, %mul3A_1013 : vector<16xf32>
          %mul3A_1015 = arith.mulf %gather3A_1008, %gather3A_1008 : vector<16xf32>
          %add3A_1016 = arith.addf %add3A_928, %mul3A_1015 : vector<16xf32>
          %add3A_1017 = arith.constant 1 : i32
          %add3A_1018 = vector.broadcast %add3A_1017 : i32 to vector<16xi32>
          %add3A_1019 = arith.addi %add3A_997, %add3A_1018 : vector<16xi32>
          %add3A_1020 = arith.constant 1 : i32
          %add3A_1021 = vector.broadcast %add3A_1020 : i32 to vector<16xi32>
          %add3A_1022 = arith.addi %add3A_1000, %add3A_1021 : vector<16xi32>
          %mul3A_1023 = arith.constant 16 : i32
          %mul3A_1024 = arith.muli %scan3A_674, %mul3A_1023 : i32
          %add3A_1025 = arith.constant 15 : i32
          %add3A_1026 = arith.addi %mul3A_1024, %add3A_1025 : i32
          %get3A_1027 = arith.index_cast %add3A_1026 : i32 to index
          %get3A_1028 = tpu.vector_load %arg6[%get3A_1027] {strides = array<i32>} : memref<256xf32, #tpu.memory_space<vmem>>, vector<16xf32>,
          %gather3A_1029 = tpu.vector_load_idx %arg7[%add3A_1019] : memref<40960xf32, #tpu.memory_space<vmem>>[vector<16xi32>], vector<16xf32>,
          %gather3A_1030 = tpu.vector_load_idx %arg7[%add3A_1022] : memref<40960xf32, #tpu.memory_space<vmem>>[vector<16xi32>], vector<16xf32>,
          %mul3A_1031 = arith.mulf %gather3A_1029, %get3A_1028 : vector<16xf32>
          %add3A_1032 = arith.addf %add3A_944, %mul3A_1031 : vector<16xf32>
          %mul3A_1033 = arith.mulf %gather3A_1029, %gather3A_1029 : vector<16xf32>
          %add3A_1034 = arith.addf %add3A_946, %mul3A_1033 : vector<16xf32>
          %mul3A_1035 = arith.mulf %gather3A_1030, %get3A_1028 : vector<16xf32>
          %add3A_1036 = arith.addf %add3A_948, %mul3A_1035 : vector<16xf32>
          %mul3A_1037 = arith.mulf %gather3A_1030, %gather3A_1030 : vector<16xf32>
          %add3A_1038 = arith.addf %add3A_950, %mul3A_1037 : vector<16xf32>
          %add3A_1039 = arith.constant 1 : i32
          %add3A_1040 = vector.broadcast %add3A_1039 : i32 to vector<16xi32>
          %add3A_1041 = arith.addi %add3A_1019, %add3A_1040 : vector<16xi32>
          %add3A_1042 = arith.constant 1 : i32
          %add3A_1043 = vector.broadcast %add3A_1042 : i32 to vector<16xi32>
          %add3A_1044 = arith.addi %add3A_1022, %add3A_1043 : vector<16xi32>
          scf.yield %add3A_966, %add3A_988, %add3A_1010, %add3A_1032, %add3A_968, %add3A_990, %add3A_1012, %add3A_1034, %add3A_970, %add3A_992, %add3A_1014, %add3A_1036, %add3A_972, %add3A_994, %add3A_1016, %add3A_1038, %add3A_1041, %add3A_1044 : vector<16xf32>, vector<16xf32>, vector<16xf32>, vector<16xf32>, vector<16xf32>, vector<16xf32>, vector<16xf32>, vector<16xf32>, vector<16xf32>, vector<16xf32>, vector<16xf32>, vector<16xf32>, vector<16xf32>, vector<16xf32>, vector<16xf32>, vector<16xf32>, vector<16xi32>, vector<16xi32>
        }
        %scan3A_159 = arith.constant 7 : i32
        %get3A_160 = arith.constant 112 : index
        %get3A_161 = tpu.vector_load %arg6[%get3A_160] {strides = array<i32>} : memref<256xf32, #tpu.memory_space<vmem>>, vector<16xf32>,
        %gather3A = tpu.vector_load_idx %arg7[%scan3A_158#16] : memref<40960xf32, #tpu.memory_space<vmem>>[vector<16xi32>], vector<16xf32>,
        %gather3A_162 = tpu.vector_load_idx %arg7[%scan3A_158#17] : memref<40960xf32, #tpu.memory_space<vmem>>[vector<16xi32>], vector<16xf32>,
        %mul3A_163 = arith.mulf %gather3A, %get3A_161 : vector<16xf32>
        %add3A_164 = arith.addf %scan3A_158#0, %mul3A_163 : vector<16xf32>
        %mul3A_165 = arith.mulf %gather3A, %gather3A : vector<16xf32>
        %add3A_166 = arith.addf %scan3A_158#4, %mul3A_165 : vector<16xf32>
        %mul3A_167 = arith.mulf %gather3A_162, %get3A_161 : vector<16xf32>
        %add3A_168 = arith.addf %scan3A_158#8, %mul3A_167 : vector<16xf32>
        %mul3A_169 = arith.mulf %gather3A_162, %gather3A_162 : vector<16xf32>
        %add3A_170 = arith.addf %scan3A_158#12, %mul3A_169 : vector<16xf32>
        %add3A_171 = arith.constant 1 : i32
        %add3A_172 = vector.broadcast %add3A_171 : i32 to vector<16xi32>
        %add3A_173 = arith.addi %scan3A_158#16, %add3A_172 : vector<16xi32>
        %ge3A = arith.cmpi sge, %add3A_173, %add3A_137 : vector<16xi32>
        %sub3A = arith.constant 128 : i32
        %sub3A_174 = vector.broadcast %sub3A : i32 to vector<16xi32>
        %sub3A_175 = arith.subi %add3A_173, %sub3A_174 : vector<16xi32>
        %select_n3A = arith.select %ge3A, %sub3A_175, %add3A_173 : vector<16xi1>, vector<16xi32>
        %add3A_176 = arith.constant 1 : i32
        %add3A_177 = vector.broadcast %add3A_176 : i32 to vector<16xi32>
        %add3A_178 = arith.addi %scan3A_158#17, %add3A_177 : vector<16xi32>
        %ge3A_179 = arith.cmpi sge, %add3A_178, %add3A_151 : vector<16xi32>
        %sub3A_180 = arith.constant 128 : i32
        %sub3A_181 = vector.broadcast %sub3A_180 : i32 to vector<16xi32>
        %sub3A_182 = arith.subi %add3A_178, %sub3A_181 : vector<16xi32>
        %select_n3A_183 = arith.select %ge3A_179, %sub3A_182, %add3A_178 : vector<16xi1>, vector<16xi32>
        %get3A_184 = arith.constant 113 : index
        %get3A_185 = tpu.vector_load %arg6[%get3A_184] {strides = array<i32>} : memref<256xf32, #tpu.memory_space<vmem>>, vector<16xf32>,
        %gather3A_186 = tpu.vector_load_idx %arg7[%select_n3A] : memref<40960xf32, #tpu.memory_space<vmem>>[vector<16xi32>], vector<16xf32>,
        %gather3A_187 = tpu.vector_load_idx %arg7[%select_n3A_183] : memref<40960xf32, #tpu.memory_space<vmem>>[vector<16xi32>], vector<16xf32>,
        %mul3A_188 = arith.mulf %gather3A_186, %get3A_185 : vector<16xf32>
        %add3A_189 = arith.addf %scan3A_158#1, %mul3A_188 : vector<16xf32>
        %mul3A_190 = arith.mulf %gather3A_186, %gather3A_186 : vector<16xf32>
        %add3A_191 = arith.addf %scan3A_158#5, %mul3A_190 : vector<16xf32>
        %mul3A_192 = arith.mulf %gather3A_187, %get3A_185 : vector<16xf32>
        %add3A_193 = arith.addf %scan3A_158#9, %mul3A_192 : vector<16xf32>
        %mul3A_194 = arith.mulf %gather3A_187, %gather3A_187 : vector<16xf32>
        %add3A_195 = arith.addf %scan3A_158#13, %mul3A_194 : vector<16xf32>
        %add3A_196 = arith.constant 1 : i32
        %add3A_197 = vector.broadcast %add3A_196 : i32 to vector<16xi32>
        %add3A_198 = arith.addi %select_n3A, %add3A_197 : vector<16xi32>
        %ge3A_199 = arith.cmpi sge, %add3A_198, %add3A_137 : vector<16xi32>
        %sub3A_200 = arith.constant 128 : i32
        %sub3A_201 = vector.broadcast %sub3A_200 : i32 to vector<16xi32>
        %sub3A_202 = arith.subi %add3A_198, %sub3A_201 : vector<16xi32>
        %select_n3A_203 = arith.select %ge3A_199, %sub3A_202, %add3A_198 : vector<16xi1>, vector<16xi32>
        %add3A_204 = arith.constant 1 : i32
        %add3A_205 = vector.broadcast %add3A_204 : i32 to vector<16xi32>
        %add3A_206 = arith.addi %select_n3A_183, %add3A_205 : vector<16xi32>
        %ge3A_207 = arith.cmpi sge, %add3A_206, %add3A_151 : vector<16xi32>
        %sub3A_208 = arith.constant 128 : i32
        %sub3A_209 = vector.broadcast %sub3A_208 : i32 to vector<16xi32>
        %sub3A_210 = arith.subi %add3A_206, %sub3A_209 : vector<16xi32>
        %select_n3A_211 = arith.select %ge3A_207, %sub3A_210, %add3A_206 : vector<16xi1>, vector<16xi32>
        %get3A_212 = arith.constant 114 : index
        %get3A_213 = tpu.vector_load %arg6[%get3A_212] {strides = array<i32>} : memref<256xf32, #tpu.memory_space<vmem>>, vector<16xf32>,
        %gather3A_214 = tpu.vector_load_idx %arg7[%select_n3A_203] : memref<40960xf32, #tpu.memory_space<vmem>>[vector<16xi32>], vector<16xf32>,
        %gather3A_215 = tpu.vector_load_idx %arg7[%select_n3A_211] : memref<40960xf32, #tpu.memory_space<vmem>>[vector<16xi32>], vector<16xf32>,
        %mul3A_216 = arith.mulf %gather3A_214, %get3A_213 : vector<16xf32>
        %add3A_217 = arith.addf %scan3A_158#2, %mul3A_216 : vector<16xf32>
        %mul3A_218 = arith.mulf %gather3A_214, %gather3A_214 : vector<16xf32>
        %add3A_219 = arith.addf %scan3A_158#6, %mul3A_218 : vector<16xf32>
        %mul3A_220 = arith.mulf %gather3A_215, %get3A_213 : vector<16xf32>
        %add3A_221 = arith.addf %scan3A_158#10, %mul3A_220 : vector<16xf32>
        %mul3A_222 = arith.mulf %gather3A_215, %gather3A_215 : vector<16xf32>
        %add3A_223 = arith.addf %scan3A_158#14, %mul3A_222 : vector<16xf32>
        %add3A_224 = arith.constant 1 : i32
        %add3A_225 = vector.broadcast %add3A_224 : i32 to vector<16xi32>
        %add3A_226 = arith.addi %select_n3A_203, %add3A_225 : vector<16xi32>
        %ge3A_227 = arith.cmpi sge, %add3A_226, %add3A_137 : vector<16xi32>
        %sub3A_228 = arith.constant 128 : i32
        %sub3A_229 = vector.broadcast %sub3A_228 : i32 to vector<16xi32>
        %sub3A_230 = arith.subi %add3A_226, %sub3A_229 : vector<16xi32>
        %select_n3A_231 = arith.select %ge3A_227, %sub3A_230, %add3A_226 : vector<16xi1>, vector<16xi32>
        %add3A_232 = arith.constant 1 : i32
        %add3A_233 = vector.broadcast %add3A_232 : i32 to vector<16xi32>
        %add3A_234 = arith.addi %select_n3A_211, %add3A_233 : vector<16xi32>
        %ge3A_235 = arith.cmpi sge, %add3A_234, %add3A_151 : vector<16xi32>
        %sub3A_236 = arith.constant 128 : i32
        %sub3A_237 = vector.broadcast %sub3A_236 : i32 to vector<16xi32>
        %sub3A_238 = arith.subi %add3A_234, %sub3A_237 : vector<16xi32>
        %select_n3A_239 = arith.select %ge3A_235, %sub3A_238, %add3A_234 : vector<16xi1>, vector<16xi32>
        %get3A_240 = arith.constant 115 : index
        %get3A_241 = tpu.vector_load %arg6[%get3A_240] {strides = array<i32>} : memref<256xf32, #tpu.memory_space<vmem>>, vector<16xf32>,
        %gather3A_242 = tpu.vector_load_idx %arg7[%select_n3A_231] : memref<40960xf32, #tpu.memory_space<vmem>>[vector<16xi32>], vector<16xf32>,
        %gather3A_243 = tpu.vector_load_idx %arg7[%select_n3A_239] : memref<40960xf32, #tpu.memory_space<vmem>>[vector<16xi32>], vector<16xf32>,
        %mul3A_244 = arith.mulf %gather3A_242, %get3A_241 : vector<16xf32>
        %add3A_245 = arith.addf %scan3A_158#3, %mul3A_244 : vector<16xf32>
        %mul3A_246 = arith.mulf %gather3A_242, %gather3A_242 : vector<16xf32>
        %add3A_247 = arith.addf %scan3A_158#7, %mul3A_246 : vector<16xf32>
        %mul3A_248 = arith.mulf %gather3A_243, %get3A_241 : vector<16xf32>
        %add3A_249 = arith.addf %scan3A_158#11, %mul3A_248 : vector<16xf32>
        %mul3A_250 = arith.mulf %gather3A_243, %gather3A_243 : vector<16xf32>
        %add3A_251 = arith.addf %scan3A_158#15, %mul3A_250 : vector<16xf32>
        %add3A_252 = arith.constant 1 : i32
        %add3A_253 = vector.broadcast %add3A_252 : i32 to vector<16xi32>
        %add3A_254 = arith.addi %select_n3A_231, %add3A_253 : vector<16xi32>
        %ge3A_255 = arith.cmpi sge, %add3A_254, %add3A_137 : vector<16xi32>
        %sub3A_256 = arith.constant 128 : i32
        %sub3A_257 = vector.broadcast %sub3A_256 : i32 to vector<16xi32>
        %sub3A_258 = arith.subi %add3A_254, %sub3A_257 : vector<16xi32>
        %select_n3A_259 = arith.select %ge3A_255, %sub3A_258, %add3A_254 : vector<16xi1>, vector<16xi32>
        %add3A_260 = arith.constant 1 : i32
        %add3A_261 = vector.broadcast %add3A_260 : i32 to vector<16xi32>
        %add3A_262 = arith.addi %select_n3A_239, %add3A_261 : vector<16xi32>
        %ge3A_263 = arith.cmpi sge, %add3A_262, %add3A_151 : vector<16xi32>
        %sub3A_264 = arith.constant 128 : i32
        %sub3A_265 = vector.broadcast %sub3A_264 : i32 to vector<16xi32>
        %sub3A_266 = arith.subi %add3A_262, %sub3A_265 : vector<16xi32>
        %select_n3A_267 = arith.select %ge3A_263, %sub3A_266, %add3A_262 : vector<16xi1>, vector<16xi32>
        %get3A_268 = arith.constant 116 : index
        %get3A_269 = tpu.vector_load %arg6[%get3A_268] {strides = array<i32>} : memref<256xf32, #tpu.memory_space<vmem>>, vector<16xf32>,
        %gather3A_270 = tpu.vector_load_idx %arg7[%select_n3A_259] : memref<40960xf32, #tpu.memory_space<vmem>>[vector<16xi32>], vector<16xf32>,
        %gather3A_271 = tpu.vector_load_idx %arg7[%select_n3A_267] : memref<40960xf32, #tpu.memory_space<vmem>>[vector<16xi32>], vector<16xf32>,
        %mul3A_272 = arith.mulf %gather3A_270, %get3A_269 : vector<16xf32>
        %add3A_273 = arith.addf %add3A_164, %mul3A_272 : vector<16xf32>
        %mul3A_274 = arith.mulf %gather3A_270, %gather3A_270 : vector<16xf32>
        %add3A_275 = arith.addf %add3A_166, %mul3A_274 : vector<16xf32>
        %mul3A_276 = arith.mulf %gather3A_271, %get3A_269 : vector<16xf32>
        %add3A_277 = arith.addf %add3A_168, %mul3A_276 : vector<16xf32>
        %mul3A_278 = arith.mulf %gather3A_271, %gather3A_271 : vector<16xf32>
        %add3A_279 = arith.addf %add3A_170, %mul3A_278 : vector<16xf32>
        %add3A_280 = arith.constant 1 : i32
        %add3A_281 = vector.broadcast %add3A_280 : i32 to vector<16xi32>
        %add3A_282 = arith.addi %select_n3A_259, %add3A_281 : vector<16xi32>
        %ge3A_283 = arith.cmpi sge, %add3A_282, %add3A_137 : vector<16xi32>
        %sub3A_284 = arith.constant 128 : i32
        %sub3A_285 = vector.broadcast %sub3A_284 : i32 to vector<16xi32>
        %sub3A_286 = arith.subi %add3A_282, %sub3A_285 : vector<16xi32>
        %select_n3A_287 = arith.select %ge3A_283, %sub3A_286, %add3A_282 : vector<16xi1>, vector<16xi32>
        %add3A_288 = arith.constant 1 : i32
        %add3A_289 = vector.broadcast %add3A_288 : i32 to vector<16xi32>
        %add3A_290 = arith.addi %select_n3A_267, %add3A_289 : vector<16xi32>
        %ge3A_291 = arith.cmpi sge, %add3A_290, %add3A_151 : vector<16xi32>
        %sub3A_292 = arith.constant 128 : i32
        %sub3A_293 = vector.broadcast %sub3A_292 : i32 to vector<16xi32>
        %sub3A_294 = arith.subi %add3A_290, %sub3A_293 : vector<16xi32>
        %select_n3A_295 = arith.select %ge3A_291, %sub3A_294, %add3A_290 : vector<16xi1>, vector<16xi32>
        %get3A_296 = arith.constant 117 : index
        %get3A_297 = tpu.vector_load %arg6[%get3A_296] {strides = array<i32>} : memref<256xf32, #tpu.memory_space<vmem>>, vector<16xf32>,
        %gather3A_298 = tpu.vector_load_idx %arg7[%select_n3A_287] : memref<40960xf32, #tpu.memory_space<vmem>>[vector<16xi32>], vector<16xf32>,
        %gather3A_299 = tpu.vector_load_idx %arg7[%select_n3A_295] : memref<40960xf32, #tpu.memory_space<vmem>>[vector<16xi32>], vector<16xf32>,
        %mul3A_300 = arith.mulf %gather3A_298, %get3A_297 : vector<16xf32>
        %add3A_301 = arith.addf %add3A_189, %mul3A_300 : vector<16xf32>
        %mul3A_302 = arith.mulf %gather3A_298, %gather3A_298 : vector<16xf32>
        %add3A_303 = arith.addf %add3A_191, %mul3A_302 : vector<16xf32>
        %mul3A_304 = arith.mulf %gather3A_299, %get3A_297 : vector<16xf32>
        %add3A_305 = arith.addf %add3A_193, %mul3A_304 : vector<16xf32>
        %mul3A_306 = arith.mulf %gather3A_299, %gather3A_299 : vector<16xf32>
        %add3A_307 = arith.addf %add3A_195, %mul3A_306 : vector<16xf32>
        %add3A_308 = arith.constant 1 : i32
        %add3A_309 = vector.broadcast %add3A_308 : i32 to vector<16xi32>
        %add3A_310 = arith.addi %select_n3A_287, %add3A_309 : vector<16xi32>
        %ge3A_311 = arith.cmpi sge, %add3A_310, %add3A_137 : vector<16xi32>
        %sub3A_312 = arith.constant 128 : i32
        %sub3A_313 = vector.broadcast %sub3A_312 : i32 to vector<16xi32>
        %sub3A_314 = arith.subi %add3A_310, %sub3A_313 : vector<16xi32>
        %select_n3A_315 = arith.select %ge3A_311, %sub3A_314, %add3A_310 : vector<16xi1>, vector<16xi32>
        %add3A_316 = arith.constant 1 : i32
        %add3A_317 = vector.broadcast %add3A_316 : i32 to vector<16xi32>
        %add3A_318 = arith.addi %select_n3A_295, %add3A_317 : vector<16xi32>
        %ge3A_319 = arith.cmpi sge, %add3A_318, %add3A_151 : vector<16xi32>
        %sub3A_320 = arith.constant 128 : i32
        %sub3A_321 = vector.broadcast %sub3A_320 : i32 to vector<16xi32>
        %sub3A_322 = arith.subi %add3A_318, %sub3A_321 : vector<16xi32>
        %select_n3A_323 = arith.select %ge3A_319, %sub3A_322, %add3A_318 : vector<16xi1>, vector<16xi32>
        %get3A_324 = arith.constant 118 : index
        %get3A_325 = tpu.vector_load %arg6[%get3A_324] {strides = array<i32>} : memref<256xf32, #tpu.memory_space<vmem>>, vector<16xf32>,
        %gather3A_326 = tpu.vector_load_idx %arg7[%select_n3A_315] : memref<40960xf32, #tpu.memory_space<vmem>>[vector<16xi32>], vector<16xf32>,
        %gather3A_327 = tpu.vector_load_idx %arg7[%select_n3A_323] : memref<40960xf32, #tpu.memory_space<vmem>>[vector<16xi32>], vector<16xf32>,
        %mul3A_328 = arith.mulf %gather3A_326, %get3A_325 : vector<16xf32>
        %add3A_329 = arith.addf %add3A_217, %mul3A_328 : vector<16xf32>
        %mul3A_330 = arith.mulf %gather3A_326, %gather3A_326 : vector<16xf32>
        %add3A_331 = arith.addf %add3A_219, %mul3A_330 : vector<16xf32>
        %mul3A_332 = arith.mulf %gather3A_327, %get3A_325 : vector<16xf32>
        %add3A_333 = arith.addf %add3A_221, %mul3A_332 : vector<16xf32>
        %mul3A_334 = arith.mulf %gather3A_327, %gather3A_327 : vector<16xf32>
        %add3A_335 = arith.addf %add3A_223, %mul3A_334 : vector<16xf32>
        %add3A_336 = arith.constant 1 : i32
        %add3A_337 = vector.broadcast %add3A_336 : i32 to vector<16xi32>
        %add3A_338 = arith.addi %select_n3A_315, %add3A_337 : vector<16xi32>
        %ge3A_339 = arith.cmpi sge, %add3A_338, %add3A_137 : vector<16xi32>
        %sub3A_340 = arith.constant 128 : i32
        %sub3A_341 = vector.broadcast %sub3A_340 : i32 to vector<16xi32>
        %sub3A_342 = arith.subi %add3A_338, %sub3A_341 : vector<16xi32>
        %select_n3A_343 = arith.select %ge3A_339, %sub3A_342, %add3A_338 : vector<16xi1>, vector<16xi32>
        %add3A_344 = arith.constant 1 : i32
        %add3A_345 = vector.broadcast %add3A_344 : i32 to vector<16xi32>
        %add3A_346 = arith.addi %select_n3A_323, %add3A_345 : vector<16xi32>
        %ge3A_347 = arith.cmpi sge, %add3A_346, %add3A_151 : vector<16xi32>
        %sub3A_348 = arith.constant 128 : i32
        %sub3A_349 = vector.broadcast %sub3A_348 : i32 to vector<16xi32>
        %sub3A_350 = arith.subi %add3A_346, %sub3A_349 : vector<16xi32>
        %select_n3A_351 = arith.select %ge3A_347, %sub3A_350, %add3A_346 : vector<16xi1>, vector<16xi32>
        %get3A_352 = arith.constant 119 : index
        %get3A_353 = tpu.vector_load %arg6[%get3A_352] {strides = array<i32>} : memref<256xf32, #tpu.memory_space<vmem>>, vector<16xf32>,
        %gather3A_354 = tpu.vector_load_idx %arg7[%select_n3A_343] : memref<40960xf32, #tpu.memory_space<vmem>>[vector<16xi32>], vector<16xf32>,
        %gather3A_355 = tpu.vector_load_idx %arg7[%select_n3A_351] : memref<40960xf32, #tpu.memory_space<vmem>>[vector<16xi32>], vector<16xf32>,
        %mul3A_356 = arith.mulf %gather3A_354, %get3A_353 : vector<16xf32>
        %add3A_357 = arith.addf %add3A_245, %mul3A_356 : vector<16xf32>
        %mul3A_358 = arith.mulf %gather3A_354, %gather3A_354 : vector<16xf32>
        %add3A_359 = arith.addf %add3A_247, %mul3A_358 : vector<16xf32>
        %mul3A_360 = arith.mulf %gather3A_355, %get3A_353 : vector<16xf32>
        %add3A_361 = arith.addf %add3A_249, %mul3A_360 : vector<16xf32>
        %mul3A_362 = arith.mulf %gather3A_355, %gather3A_355 : vector<16xf32>
        %add3A_363 = arith.addf %add3A_251, %mul3A_362 : vector<16xf32>
        %add3A_364 = arith.constant 1 : i32
        %add3A_365 = vector.broadcast %add3A_364 : i32 to vector<16xi32>
        %add3A_366 = arith.addi %select_n3A_343, %add3A_365 : vector<16xi32>
        %ge3A_367 = arith.cmpi sge, %add3A_366, %add3A_137 : vector<16xi32>
        %sub3A_368 = arith.constant 128 : i32
        %sub3A_369 = vector.broadcast %sub3A_368 : i32 to vector<16xi32>
        %sub3A_370 = arith.subi %add3A_366, %sub3A_369 : vector<16xi32>
        %select_n3A_371 = arith.select %ge3A_367, %sub3A_370, %add3A_366 : vector<16xi1>, vector<16xi32>
        %add3A_372 = arith.constant 1 : i32
        %add3A_373 = vector.broadcast %add3A_372 : i32 to vector<16xi32>
        %add3A_374 = arith.addi %select_n3A_351, %add3A_373 : vector<16xi32>
        %ge3A_375 = arith.cmpi sge, %add3A_374, %add3A_151 : vector<16xi32>
        %sub3A_376 = arith.constant 128 : i32
        %sub3A_377 = vector.broadcast %sub3A_376 : i32 to vector<16xi32>
        %sub3A_378 = arith.subi %add3A_374, %sub3A_377 : vector<16xi32>
        %select_n3A_379 = arith.select %ge3A_375, %sub3A_378, %add3A_374 : vector<16xi1>, vector<16xi32>
        %get3A_380 = arith.constant 120 : index
        %get3A_381 = tpu.vector_load %arg6[%get3A_380] {strides = array<i32>} : memref<256xf32, #tpu.memory_space<vmem>>, vector<16xf32>,
        %gather3A_382 = tpu.vector_load_idx %arg7[%select_n3A_371] : memref<40960xf32, #tpu.memory_space<vmem>>[vector<16xi32>], vector<16xf32>,
        %gather3A_383 = tpu.vector_load_idx %arg7[%select_n3A_379] : memref<40960xf32, #tpu.memory_space<vmem>>[vector<16xi32>], vector<16xf32>,
        %mul3A_384 = arith.mulf %gather3A_382, %get3A_381 : vector<16xf32>
        %add3A_385 = arith.addf %add3A_273, %mul3A_384 : vector<16xf32>
        %mul3A_386 = arith.mulf %gather3A_382, %gather3A_382 : vector<16xf32>
        %add3A_387 = arith.addf %add3A_275, %mul3A_386 : vector<16xf32>
        %mul3A_388 = arith.mulf %gather3A_383, %get3A_381 : vector<16xf32>
        %add3A_389 = arith.addf %add3A_277, %mul3A_388 : vector<16xf32>
        %mul3A_390 = arith.mulf %gather3A_383, %gather3A_383 : vector<16xf32>
        %add3A_391 = arith.addf %add3A_279, %mul3A_390 : vector<16xf32>
        %add3A_392 = arith.constant 1 : i32
        %add3A_393 = vector.broadcast %add3A_392 : i32 to vector<16xi32>
        %add3A_394 = arith.addi %select_n3A_371, %add3A_393 : vector<16xi32>
        %ge3A_395 = arith.cmpi sge, %add3A_394, %add3A_137 : vector<16xi32>
        %sub3A_396 = arith.constant 128 : i32
        %sub3A_397 = vector.broadcast %sub3A_396 : i32 to vector<16xi32>
        %sub3A_398 = arith.subi %add3A_394, %sub3A_397 : vector<16xi32>
        %select_n3A_399 = arith.select %ge3A_395, %sub3A_398, %add3A_394 : vector<16xi1>, vector<16xi32>
        %add3A_400 = arith.constant 1 : i32
        %add3A_401 = vector.broadcast %add3A_400 : i32 to vector<16xi32>
        %add3A_402 = arith.addi %select_n3A_379, %add3A_401 : vector<16xi32>
        %ge3A_403 = arith.cmpi sge, %add3A_402, %add3A_151 : vector<16xi32>
        %sub3A_404 = arith.constant 128 : i32
        %sub3A_405 = vector.broadcast %sub3A_404 : i32 to vector<16xi32>
        %sub3A_406 = arith.subi %add3A_402, %sub3A_405 : vector<16xi32>
        %select_n3A_407 = arith.select %ge3A_403, %sub3A_406, %add3A_402 : vector<16xi1>, vector<16xi32>
        %get3A_408 = arith.constant 121 : index
        %get3A_409 = tpu.vector_load %arg6[%get3A_408] {strides = array<i32>} : memref<256xf32, #tpu.memory_space<vmem>>, vector<16xf32>,
        %gather3A_410 = tpu.vector_load_idx %arg7[%select_n3A_399] : memref<40960xf32, #tpu.memory_space<vmem>>[vector<16xi32>], vector<16xf32>,
        %gather3A_411 = tpu.vector_load_idx %arg7[%select_n3A_407] : memref<40960xf32, #tpu.memory_space<vmem>>[vector<16xi32>], vector<16xf32>,
        %mul3A_412 = arith.mulf %gather3A_410, %get3A_409 : vector<16xf32>
        %add3A_413 = arith.addf %add3A_301, %mul3A_412 : vector<16xf32>
        %mul3A_414 = arith.mulf %gather3A_410, %gather3A_410 : vector<16xf32>
        %add3A_415 = arith.addf %add3A_303, %mul3A_414 : vector<16xf32>
        %mul3A_416 = arith.mulf %gather3A_411, %get3A_409 : vector<16xf32>
        %add3A_417 = arith.addf %add3A_305, %mul3A_416 : vector<16xf32>
        %mul3A_418 = arith.mulf %gather3A_411, %gather3A_411 : vector<16xf32>
        %add3A_419 = arith.addf %add3A_307, %mul3A_418 : vector<16xf32>
        %add3A_420 = arith.constant 1 : i32
        %add3A_421 = vector.broadcast %add3A_420 : i32 to vector<16xi32>
        %add3A_422 = arith.addi %select_n3A_399, %add3A_421 : vector<16xi32>
        %ge3A_423 = arith.cmpi sge, %add3A_422, %add3A_137 : vector<16xi32>
        %sub3A_424 = arith.constant 128 : i32
        %sub3A_425 = vector.broadcast %sub3A_424 : i32 to vector<16xi32>
        %sub3A_426 = arith.subi %add3A_422, %sub3A_425 : vector<16xi32>
        %select_n3A_427 = arith.select %ge3A_423, %sub3A_426, %add3A_422 : vector<16xi1>, vector<16xi32>
        %add3A_428 = arith.constant 1 : i32
        %add3A_429 = vector.broadcast %add3A_428 : i32 to vector<16xi32>
        %add3A_430 = arith.addi %select_n3A_407, %add3A_429 : vector<16xi32>
        %ge3A_431 = arith.cmpi sge, %add3A_430, %add3A_151 : vector<16xi32>
        %sub3A_432 = arith.constant 128 : i32
        %sub3A_433 = vector.broadcast %sub3A_432 : i32 to vector<16xi32>
        %sub3A_434 = arith.subi %add3A_430, %sub3A_433 : vector<16xi32>
        %select_n3A_435 = arith.select %ge3A_431, %sub3A_434, %add3A_430 : vector<16xi1>, vector<16xi32>
        %get3A_436 = arith.constant 122 : index
        %get3A_437 = tpu.vector_load %arg6[%get3A_436] {strides = array<i32>} : memref<256xf32, #tpu.memory_space<vmem>>, vector<16xf32>,
        %gather3A_438 = tpu.vector_load_idx %arg7[%select_n3A_427] : memref<40960xf32, #tpu.memory_space<vmem>>[vector<16xi32>], vector<16xf32>,
        %gather3A_439 = tpu.vector_load_idx %arg7[%select_n3A_435] : memref<40960xf32, #tpu.memory_space<vmem>>[vector<16xi32>], vector<16xf32>,
        %mul3A_440 = arith.mulf %gather3A_438, %get3A_437 : vector<16xf32>
        %add3A_441 = arith.addf %add3A_329, %mul3A_440 : vector<16xf32>
        %mul3A_442 = arith.mulf %gather3A_438, %gather3A_438 : vector<16xf32>
        %add3A_443 = arith.addf %add3A_331, %mul3A_442 : vector<16xf32>
        %mul3A_444 = arith.mulf %gather3A_439, %get3A_437 : vector<16xf32>
        %add3A_445 = arith.addf %add3A_333, %mul3A_444 : vector<16xf32>
        %mul3A_446 = arith.mulf %gather3A_439, %gather3A_439 : vector<16xf32>
        %add3A_447 = arith.addf %add3A_335, %mul3A_446 : vector<16xf32>
        %add3A_448 = arith.constant 1 : i32
        %add3A_449 = vector.broadcast %add3A_448 : i32 to vector<16xi32>
        %add3A_450 = arith.addi %select_n3A_427, %add3A_449 : vector<16xi32>
        %ge3A_451 = arith.cmpi sge, %add3A_450, %add3A_137 : vector<16xi32>
        %sub3A_452 = arith.constant 128 : i32
        %sub3A_453 = vector.broadcast %sub3A_452 : i32 to vector<16xi32>
        %sub3A_454 = arith.subi %add3A_450, %sub3A_453 : vector<16xi32>
        %select_n3A_455 = arith.select %ge3A_451, %sub3A_454, %add3A_450 : vector<16xi1>, vector<16xi32>
        %add3A_456 = arith.constant 1 : i32
        %add3A_457 = vector.broadcast %add3A_456 : i32 to vector<16xi32>
        %add3A_458 = arith.addi %select_n3A_435, %add3A_457 : vector<16xi32>
        %ge3A_459 = arith.cmpi sge, %add3A_458, %add3A_151 : vector<16xi32>
        %sub3A_460 = arith.constant 128 : i32
        %sub3A_461 = vector.broadcast %sub3A_460 : i32 to vector<16xi32>
        %sub3A_462 = arith.subi %add3A_458, %sub3A_461 : vector<16xi32>
        %select_n3A_463 = arith.select %ge3A_459, %sub3A_462, %add3A_458 : vector<16xi1>, vector<16xi32>
        %get3A_464 = arith.constant 123 : index
        %get3A_465 = tpu.vector_load %arg6[%get3A_464] {strides = array<i32>} : memref<256xf32, #tpu.memory_space<vmem>>, vector<16xf32>,
        %gather3A_466 = tpu.vector_load_idx %arg7[%select_n3A_455] : memref<40960xf32, #tpu.memory_space<vmem>>[vector<16xi32>], vector<16xf32>,
        %gather3A_467 = tpu.vector_load_idx %arg7[%select_n3A_463] : memref<40960xf32, #tpu.memory_space<vmem>>[vector<16xi32>], vector<16xf32>,
        %mul3A_468 = arith.mulf %gather3A_466, %get3A_465 : vector<16xf32>
        %add3A_469 = arith.addf %add3A_357, %mul3A_468 : vector<16xf32>
        %mul3A_470 = arith.mulf %gather3A_466, %gather3A_466 : vector<16xf32>
        %add3A_471 = arith.addf %add3A_359, %mul3A_470 : vector<16xf32>
        %mul3A_472 = arith.mulf %gather3A_467, %get3A_465 : vector<16xf32>
        %add3A_473 = arith.addf %add3A_361, %mul3A_472 : vector<16xf32>
        %mul3A_474 = arith.mulf %gather3A_467, %gather3A_467 : vector<16xf32>
        %add3A_475 = arith.addf %add3A_363, %mul3A_474 : vector<16xf32>
        %add3A_476 = arith.constant 1 : i32
        %add3A_477 = vector.broadcast %add3A_476 : i32 to vector<16xi32>
        %add3A_478 = arith.addi %select_n3A_455, %add3A_477 : vector<16xi32>
        %ge3A_479 = arith.cmpi sge, %add3A_478, %add3A_137 : vector<16xi32>
        %sub3A_480 = arith.constant 128 : i32
        %sub3A_481 = vector.broadcast %sub3A_480 : i32 to vector<16xi32>
        %sub3A_482 = arith.subi %add3A_478, %sub3A_481 : vector<16xi32>
        %select_n3A_483 = arith.select %ge3A_479, %sub3A_482, %add3A_478 : vector<16xi1>, vector<16xi32>
        %add3A_484 = arith.constant 1 : i32
        %add3A_485 = vector.broadcast %add3A_484 : i32 to vector<16xi32>
        %add3A_486 = arith.addi %select_n3A_463, %add3A_485 : vector<16xi32>
        %ge3A_487 = arith.cmpi sge, %add3A_486, %add3A_151 : vector<16xi32>
        %sub3A_488 = arith.constant 128 : i32
        %sub3A_489 = vector.broadcast %sub3A_488 : i32 to vector<16xi32>
        %sub3A_490 = arith.subi %add3A_486, %sub3A_489 : vector<16xi32>
        %select_n3A_491 = arith.select %ge3A_487, %sub3A_490, %add3A_486 : vector<16xi1>, vector<16xi32>
        %get3A_492 = arith.constant 124 : index
        %get3A_493 = tpu.vector_load %arg6[%get3A_492] {strides = array<i32>} : memref<256xf32, #tpu.memory_space<vmem>>, vector<16xf32>,
        %gather3A_494 = tpu.vector_load_idx %arg7[%select_n3A_483] : memref<40960xf32, #tpu.memory_space<vmem>>[vector<16xi32>], vector<16xf32>,
        %gather3A_495 = tpu.vector_load_idx %arg7[%select_n3A_491] : memref<40960xf32, #tpu.memory_space<vmem>>[vector<16xi32>], vector<16xf32>,
        %mul3A_496 = arith.mulf %gather3A_494, %get3A_493 : vector<16xf32>
        %add3A_497 = arith.addf %add3A_385, %mul3A_496 : vector<16xf32>
        %mul3A_498 = arith.mulf %gather3A_494, %gather3A_494 : vector<16xf32>
        %add3A_499 = arith.addf %add3A_387, %mul3A_498 : vector<16xf32>
        %mul3A_500 = arith.mulf %gather3A_495, %get3A_493 : vector<16xf32>
        %add3A_501 = arith.addf %add3A_389, %mul3A_500 : vector<16xf32>
        %mul3A_502 = arith.mulf %gather3A_495, %gather3A_495 : vector<16xf32>
        %add3A_503 = arith.addf %add3A_391, %mul3A_502 : vector<16xf32>
        %add3A_504 = arith.constant 1 : i32
        %add3A_505 = vector.broadcast %add3A_504 : i32 to vector<16xi32>
        %add3A_506 = arith.addi %select_n3A_483, %add3A_505 : vector<16xi32>
        %ge3A_507 = arith.cmpi sge, %add3A_506, %add3A_137 : vector<16xi32>
        %sub3A_508 = arith.constant 128 : i32
        %sub3A_509 = vector.broadcast %sub3A_508 : i32 to vector<16xi32>
        %sub3A_510 = arith.subi %add3A_506, %sub3A_509 : vector<16xi32>
        %select_n3A_511 = arith.select %ge3A_507, %sub3A_510, %add3A_506 : vector<16xi1>, vector<16xi32>
        %add3A_512 = arith.constant 1 : i32
        %add3A_513 = vector.broadcast %add3A_512 : i32 to vector<16xi32>
        %add3A_514 = arith.addi %select_n3A_491, %add3A_513 : vector<16xi32>
        %ge3A_515 = arith.cmpi sge, %add3A_514, %add3A_151 : vector<16xi32>
        %sub3A_516 = arith.constant 128 : i32
        %sub3A_517 = vector.broadcast %sub3A_516 : i32 to vector<16xi32>
        %sub3A_518 = arith.subi %add3A_514, %sub3A_517 : vector<16xi32>
        %select_n3A_519 = arith.select %ge3A_515, %sub3A_518, %add3A_514 : vector<16xi1>, vector<16xi32>
        %get3A_520 = arith.constant 125 : index
        %get3A_521 = tpu.vector_load %arg6[%get3A_520] {strides = array<i32>} : memref<256xf32, #tpu.memory_space<vmem>>, vector<16xf32>,
        %gather3A_522 = tpu.vector_load_idx %arg7[%select_n3A_511] : memref<40960xf32, #tpu.memory_space<vmem>>[vector<16xi32>], vector<16xf32>,
        %gather3A_523 = tpu.vector_load_idx %arg7[%select_n3A_519] : memref<40960xf32, #tpu.memory_space<vmem>>[vector<16xi32>], vector<16xf32>,
        %mul3A_524 = arith.mulf %gather3A_522, %get3A_521 : vector<16xf32>
        %add3A_525 = arith.addf %add3A_413, %mul3A_524 : vector<16xf32>
        %mul3A_526 = arith.mulf %gather3A_522, %gather3A_522 : vector<16xf32>
        %add3A_527 = arith.addf %add3A_415, %mul3A_526 : vector<16xf32>
        %mul3A_528 = arith.mulf %gather3A_523, %get3A_521 : vector<16xf32>
        %add3A_529 = arith.addf %add3A_417, %mul3A_528 : vector<16xf32>
        %mul3A_530 = arith.mulf %gather3A_523, %gather3A_523 : vector<16xf32>
        %add3A_531 = arith.addf %add3A_419, %mul3A_530 : vector<16xf32>
        %add3A_532 = arith.constant 1 : i32
        %add3A_533 = vector.broadcast %add3A_532 : i32 to vector<16xi32>
        %add3A_534 = arith.addi %select_n3A_511, %add3A_533 : vector<16xi32>
        %ge3A_535 = arith.cmpi sge, %add3A_534, %add3A_137 : vector<16xi32>
        %sub3A_536 = arith.constant 128 : i32
        %sub3A_537 = vector.broadcast %sub3A_536 : i32 to vector<16xi32>
        %sub3A_538 = arith.subi %add3A_534, %sub3A_537 : vector<16xi32>
        %select_n3A_539 = arith.select %ge3A_535, %sub3A_538, %add3A_534 : vector<16xi1>, vector<16xi32>
        %add3A_540 = arith.constant 1 : i32
        %add3A_541 = vector.broadcast %add3A_540 : i32 to vector<16xi32>
        %add3A_542 = arith.addi %select_n3A_519, %add3A_541 : vector<16xi32>
        %ge3A_543 = arith.cmpi sge, %add3A_542, %add3A_151 : vector<16xi32>
        %sub3A_544 = arith.constant 128 : i32
        %sub3A_545 = vector.broadcast %sub3A_544 : i32 to vector<16xi32>
        %sub3A_546 = arith.subi %add3A_542, %sub3A_545 : vector<16xi32>
        %select_n3A_547 = arith.select %ge3A_543, %sub3A_546, %add3A_542 : vector<16xi1>, vector<16xi32>
        %get3A_548 = arith.constant 126 : index
        %get3A_549 = tpu.vector_load %arg6[%get3A_548] {strides = array<i32>} : memref<256xf32, #tpu.memory_space<vmem>>, vector<16xf32>,
        %gather3A_550 = tpu.vector_load_idx %arg7[%select_n3A_539] : memref<40960xf32, #tpu.memory_space<vmem>>[vector<16xi32>], vector<16xf32>,
        %gather3A_551 = tpu.vector_load_idx %arg7[%select_n3A_547] : memref<40960xf32, #tpu.memory_space<vmem>>[vector<16xi32>], vector<16xf32>,
        %mul3A_552 = arith.mulf %gather3A_550, %get3A_549 : vector<16xf32>
        %add3A_553 = arith.addf %add3A_441, %mul3A_552 : vector<16xf32>
        %mul3A_554 = arith.mulf %gather3A_550, %gather3A_550 : vector<16xf32>
        %add3A_555 = arith.addf %add3A_443, %mul3A_554 : vector<16xf32>
        %mul3A_556 = arith.mulf %gather3A_551, %get3A_549 : vector<16xf32>
        %add3A_557 = arith.addf %add3A_445, %mul3A_556 : vector<16xf32>
        %mul3A_558 = arith.mulf %gather3A_551, %gather3A_551 : vector<16xf32>
        %add3A_559 = arith.addf %add3A_447, %mul3A_558 : vector<16xf32>
        %add3A_560 = arith.constant 1 : i32
        %add3A_561 = vector.broadcast %add3A_560 : i32 to vector<16xi32>
        %add3A_562 = arith.addi %select_n3A_539, %add3A_561 : vector<16xi32>
        %ge3A_563 = arith.cmpi sge, %add3A_562, %add3A_137 : vector<16xi32>
        %sub3A_564 = arith.constant 128 : i32
        %sub3A_565 = vector.broadcast %sub3A_564 : i32 to vector<16xi32>
        %sub3A_566 = arith.subi %add3A_562, %sub3A_565 : vector<16xi32>
        %select_n3A_567 = arith.select %ge3A_563, %sub3A_566, %add3A_562 : vector<16xi1>, vector<16xi32>
        %add3A_568 = arith.constant 1 : i32
        %add3A_569 = vector.broadcast %add3A_568 : i32 to vector<16xi32>
        %add3A_570 = arith.addi %select_n3A_547, %add3A_569 : vector<16xi32>
        %ge3A_571 = arith.cmpi sge, %add3A_570, %add3A_151 : vector<16xi32>
        %sub3A_572 = arith.constant 128 : i32
        %sub3A_573 = vector.broadcast %sub3A_572 : i32 to vector<16xi32>
        %sub3A_574 = arith.subi %add3A_570, %sub3A_573 : vector<16xi32>
        %select_n3A_575 = arith.select %ge3A_571, %sub3A_574, %add3A_570 : vector<16xi1>, vector<16xi32>
        %get3A_576 = arith.constant 127 : index
        %get3A_577 = tpu.vector_load %arg6[%get3A_576] {strides = array<i32>} : memref<256xf32, #tpu.memory_space<vmem>>, vector<16xf32>,
        %gather3A_578 = tpu.vector_load_idx %arg7[%select_n3A_567] : memref<40960xf32, #tpu.memory_space<vmem>>[vector<16xi32>], vector<16xf32>,
        %gather3A_579 = tpu.vector_load_idx %arg7[%select_n3A_575] : memref<40960xf32, #tpu.memory_space<vmem>>[vector<16xi32>], vector<16xf32>,
        %mul3A_580 = arith.mulf %gather3A_578, %get3A_577 : vector<16xf32>
        %add3A_581 = arith.addf %add3A_469, %mul3A_580 : vector<16xf32>
        %mul3A_582 = arith.mulf %gather3A_578, %gather3A_578 : vector<16xf32>
        %add3A_583 = arith.addf %add3A_471, %mul3A_582 : vector<16xf32>
        %mul3A_584 = arith.mulf %gather3A_579, %get3A_577 : vector<16xf32>
        %add3A_585 = arith.addf %add3A_473, %mul3A_584 : vector<16xf32>
        %mul3A_586 = arith.mulf %gather3A_579, %gather3A_579 : vector<16xf32>
        %add3A_587 = arith.addf %add3A_475, %mul3A_586 : vector<16xf32>
        %add3A_588 = arith.constant 1 : i32
        %add3A_589 = vector.broadcast %add3A_588 : i32 to vector<16xi32>
        %add3A_590 = arith.addi %select_n3A_567, %add3A_589 : vector<16xi32>
        %ge3A_591 = arith.cmpi sge, %add3A_590, %add3A_137 : vector<16xi32>
        %sub3A_592 = arith.constant 128 : i32
        %sub3A_593 = vector.broadcast %sub3A_592 : i32 to vector<16xi32>
        %sub3A_594 = arith.subi %add3A_590, %sub3A_593 : vector<16xi32>
        %select_n3A_595 = arith.select %ge3A_591, %sub3A_594, %add3A_590 : vector<16xi1>, vector<16xi32>
        %add3A_596 = arith.constant 1 : i32
        %add3A_597 = vector.broadcast %add3A_596 : i32 to vector<16xi32>
        %add3A_598 = arith.addi %select_n3A_575, %add3A_597 : vector<16xi32>
        %ge3A_599 = arith.cmpi sge, %add3A_598, %add3A_151 : vector<16xi32>
        %sub3A_600 = arith.constant 128 : i32
        %sub3A_601 = vector.broadcast %sub3A_600 : i32 to vector<16xi32>
        %sub3A_602 = arith.subi %add3A_598, %sub3A_601 : vector<16xi32>
        %select_n3A_603 = arith.select %ge3A_599, %sub3A_602, %add3A_598 : vector<16xi1>, vector<16xi32>
        %add3A_604 = arith.addf %add3A_497, %add3A_525 : vector<16xf32>
        %add3A_605 = arith.addf %add3A_553, %add3A_581 : vector<16xf32>
        %add3A_606 = arith.addf %add3A_604, %add3A_605 : vector<16xf32>
        %add3A_607 = arith.addf %add3A_499, %add3A_527 : vector<16xf32>
        %add3A_608 = arith.addf %add3A_555, %add3A_583 : vector<16xf32>
        %add3A_609 = arith.addf %add3A_607, %add3A_608 : vector<16xf32>
        %sign3A = tpu.bitcast %add3A_606 : vector<16xf32> -> vector<16xi32>
        %sign3A_610 = arith.constant -2147483648 : i32
        %sign3A_611 = vector.broadcast %sign3A_610 : i32 to vector<16xi32>
        %sign3A_612 = arith.andi %sign3A, %sign3A_611 : vector<16xi32>
        %sign3A_613 = arith.constant 1065353216 : i32
        %sign3A_614 = vector.broadcast %sign3A_613 : i32 to vector<16xi32>
        %sign3A_615 = arith.ori %sign3A_614, %sign3A_612 : vector<16xi32>
        %sign3A_616 = tpu.bitcast %sign3A_615 : vector<16xi32> -> vector<16xf32>
        %sign3A_617 = math.absf %add3A_606 : vector<16xf32>
        %sign3A_618 = arith.constant 0.000000e+00 : f32
        %sign3A_619 = vector.broadcast %sign3A_618 : f32 to vector<16xf32>
        %sign3A_620 = arith.cmpf ogt, %sign3A_617, %sign3A_619 : vector<16xf32>
        %sign3A_621 = arith.select %sign3A_620, %sign3A_616, %add3A_606 : vector<16xi1>, vector<16xf32>
        %mul3A_622 = arith.mulf %sign3A_621, %add3A_606 : vector<16xf32>
        %mul3A_623 = arith.mulf %mul3A_622, %add3A_606 : vector<16xf32>
        %max3A = arith.constant 1.000000e-30 : f32
        %max3A_624 = vector.broadcast %max3A : f32 to vector<16xf32>
        %max3A_625 = arith.maximumf %add3A_609, %max3A_624 : vector<16xf32>
        %div3A = arith.divf %mul3A_623, %max3A_625 : vector<16xf32>
        %mul3A_626 = arith.constant 2 : i32
        %mul3A_627 = arith.muli %mul3A_626, %scan3A_103 : i32
        %add3A_628 = arith.constant 0 : i32
        %add3A_629 = arith.addi %mul3A_627, %add3A_628 : i32
        %mul3A_630 = arith.constant 16 : i32
        %mul3A_631 = arith.muli %add3A_629, %mul3A_630 : i32
        %add3A_632 = arith.addi %mul3A_90, %mul3A_631 : i32
        %add3A_633 = vector.broadcast %add3A_632 : i32 to vector<16xi32>
        %add3A_634 = arith.addi %add3A_633, %iota3A : vector<16xi32>
        %gt3A = arith.cmpf ogt, %div3A, %scan3A_104 : vector<16xf32>
        %select_n3A_635 = arith.select %gt3A, %div3A, %scan3A_104 : vector<16xi1>, vector<16xf32>
        %select_n3A_636 = arith.select %gt3A, %add3A_634, %scan3A_105 : vector<16xi1>, vector<16xi32>
        %add3A_637 = arith.addf %add3A_501, %add3A_529 : vector<16xf32>
        %add3A_638 = arith.addf %add3A_557, %add3A_585 : vector<16xf32>
        %add3A_639 = arith.addf %add3A_637, %add3A_638 : vector<16xf32>
        %add3A_640 = arith.addf %add3A_503, %add3A_531 : vector<16xf32>
        %add3A_641 = arith.addf %add3A_559, %add3A_587 : vector<16xf32>
        %add3A_642 = arith.addf %add3A_640, %add3A_641 : vector<16xf32>
        %sign3A_643 = tpu.bitcast %add3A_639 : vector<16xf32> -> vector<16xi32>
        %sign3A_644 = arith.constant -2147483648 : i32
        %sign3A_645 = vector.broadcast %sign3A_644 : i32 to vector<16xi32>
        %sign3A_646 = arith.andi %sign3A_643, %sign3A_645 : vector<16xi32>
        %sign3A_647 = arith.constant 1065353216 : i32
        %sign3A_648 = vector.broadcast %sign3A_647 : i32 to vector<16xi32>
        %sign3A_649 = arith.ori %sign3A_648, %sign3A_646 : vector<16xi32>
        %sign3A_650 = tpu.bitcast %sign3A_649 : vector<16xi32> -> vector<16xf32>
        %sign3A_651 = math.absf %add3A_639 : vector<16xf32>
        %sign3A_652 = arith.constant 0.000000e+00 : f32
        %sign3A_653 = vector.broadcast %sign3A_652 : f32 to vector<16xf32>
        %sign3A_654 = arith.cmpf ogt, %sign3A_651, %sign3A_653 : vector<16xf32>
        %sign3A_655 = arith.select %sign3A_654, %sign3A_650, %add3A_639 : vector<16xi1>, vector<16xf32>
        %mul3A_656 = arith.mulf %sign3A_655, %add3A_639 : vector<16xf32>
        %mul3A_657 = arith.mulf %mul3A_656, %add3A_639 : vector<16xf32>
        %max3A_658 = arith.constant 1.000000e-30 : f32
        %max3A_659 = vector.broadcast %max3A_658 : f32 to vector<16xf32>
        %max3A_660 = arith.maximumf %add3A_642, %max3A_659 : vector<16xf32>
        %div3A_661 = arith.divf %mul3A_657, %max3A_660 : vector<16xf32>
        %mul3A_662 = arith.constant 2 : i32
        %mul3A_663 = arith.muli %mul3A_662, %scan3A_103 : i32
        %add3A_664 = arith.constant 1 : i32
        %add3A_665 = arith.addi %mul3A_663, %add3A_664 : i32
        %mul3A_666 = arith.constant 16 : i32
        %mul3A_667 = arith.muli %add3A_665, %mul3A_666 : i32
        %add3A_668 = arith.addi %mul3A_90, %mul3A_667 : i32
        %add3A_669 = vector.broadcast %add3A_668 : i32 to vector<16xi32>
        %add3A_670 = arith.addi %add3A_669, %iota3A : vector<16xi32>
        %gt3A_671 = arith.cmpf ogt, %div3A_661, %select_n3A_635 : vector<16xf32>
        %select_n3A_672 = arith.select %gt3A_671, %div3A_661, %select_n3A_635 : vector<16xi1>, vector<16xf32>
        %select_n3A_673 = arith.select %gt3A_671, %add3A_670, %select_n3A_636 : vector<16xi1>, vector<16xi32>
        scf.yield %select_n3A_672, %select_n3A_673 : vector<16xf32>, vector<16xi32>
      }
      %scan3A_98 = arith.constant 10 : i32
      %swap3A_99 = arith.constant 0 : index
      %swap3A_100 = tpu.vector_load %arg9[%swap3A_99] {strides = array<i32>} : memref<16xf32, #tpu.memory_space<vmem>>, vector<16xf32>,
      tpu.vector_store %arg9[%swap3A_99], %scan3A_97#0 {strides = array<i32>} : memref<16xf32, #tpu.memory_space<vmem>>, vector<16xf32>,
      %swap3A_101 = arith.constant 0 : index
      %swap3A_102 = tpu.vector_load %arg10[%swap3A_101] {strides = array<i32>} : memref<16xi32, #tpu.memory_space<vmem>>, vector<16xi32>,
      tpu.vector_store %arg10[%swap3A_101], %scan3A_97#1 {strides = array<i32>} : memref<16xi32, #tpu.memory_space<vmem>>, vector<16xi32>,
    } else {
    }
    %add3A_75 = arith.constant 96 : i32
    %add3A_76 = arith.addi %add3A, %add3A_75 : i32
    %lt3A_77 = arith.constant 125 : i32
    %lt3A_78 = arith.cmpi slt, %add3A_76, %lt3A_77 : i32
    %convert_element_type3A_79 = arith.extui %lt3A_78 : i1 to i32
    %cond3A_80 = arith.constant 0 : i32
    %cond3A_81 = arith.cmpi ne, %convert_element_type3A_79, %cond3A_80 : i32
    scf.if %cond3A_81 {
      %mul3A_89 = arith.constant 40960 : i32
      %mul3A_90 = arith.muli %add3A_76, %mul3A_89 : i32
      %multiple_of3A = tpu.assume_multiple %mul3A_90, 8 : i32
      %dma_wait3A = tpu.memref_slice %arg3[%multiple_of3A] : memref<12800000xf32, #tpu.memory_space<hbm>> -> memref<40960xf32, #tpu.memory_space<hbm>>
      %dma_wait3A_91 = tpu.memref_slice %arg3[%multiple_of3A] : memref<12800000xf32, #tpu.memory_space<hbm>> -> memref<40960xf32, #tpu.memory_space<hbm>>
      tpu.wait_dma2 semaphore(%arg12 : memref<!tpu.dma_semaphore, #tpu.memory_space<semaphore_mem>>) src(%dma_wait3A_91 : memref<40960xf32, #tpu.memory_space<hbm>>) dst(%arg8 : memref<40960xf32, #tpu.memory_space<vmem>>)
    } else {
    }
    %add3A_82 = arith.constant 96 : i32
    %add3A_83 = arith.addi %add3A, %add3A_82 : i32
    %lt3A_84 = arith.constant 125 : i32
    %lt3A_85 = arith.cmpi slt, %add3A_83, %lt3A_84 : i32
    %convert_element_type3A_86 = arith.extui %lt3A_85 : i1 to i32
    %cond3A_87 = arith.constant 0 : i32
    %cond3A_88 = arith.cmpi ne, %convert_element_type3A_86, %cond3A_87 : i32
    scf.if %cond3A_88 {
      %mul3A_89 = arith.constant 320 : i32
      %mul3A_90 = arith.muli %add3A_83, %mul3A_89 : i32
      %get3A = arith.constant 0 : index
      %get3A_91 = tpu.vector_load %arg9[%get3A] {strides = array<i32>} : memref<16xf32, #tpu.memory_space<vmem>>, vector<16xf32>,
      %get3A_92 = arith.constant 0 : index
      %get3A_93 = tpu.vector_load %arg10[%get3A_92] {strides = array<i32>} : memref<16xi32, #tpu.memory_space<vmem>>, vector<16xi32>,
      %scan3A = arith.constant 0 : i32
      %scan3A_94 = arith.constant 10 : i32
      %scan3A_95 = arith.addi %scan3A, %scan3A_94 : i32
      %scan3A_96 = arith.constant 1 : i32
      %scan3A_97:2 = scf.for %scan3A_103 = %scan3A to %scan3A_95 step %scan3A_96 iter_args(%scan3A_104 = %get3A_91, %scan3A_105 = %get3A_93) -> (vector<16xf32>, vector<16xi32>)  : i32 {
        %mul3A_106 = arith.constant 2 : i32
        %mul3A_107 = arith.muli %mul3A_106, %scan3A_103 : i32
        %mul3A_108 = arith.constant 2048 : i32
        %mul3A_109 = arith.muli %mul3A_107, %mul3A_108 : i32
        %mul3A_110 = arith.constant 129 : i32
        %mul3A_111 = vector.broadcast %mul3A_110 : i32 to vector<16xi32>
        %mul3A_112 = arith.muli %iota3A, %mul3A_111 : vector<16xi32>
        %add3A_113 = vector.broadcast %mul3A_109 : i32 to vector<16xi32>
        %add3A_114 = arith.addi %add3A_113, %mul3A_112 : vector<16xi32>
        %mul3A_115 = arith.constant 2 : i32
        %mul3A_116 = arith.muli %mul3A_115, %scan3A_103 : i32
        %add3A_117 = arith.constant 1 : i32
        %add3A_118 = arith.addi %mul3A_116, %add3A_117 : i32
        %mul3A_119 = arith.constant 2048 : i32
        %mul3A_120 = arith.muli %add3A_118, %mul3A_119 : i32
        %mul3A_121 = arith.constant 129 : i32
        %mul3A_122 = vector.broadcast %mul3A_121 : i32 to vector<16xi32>
        %mul3A_123 = arith.muli %iota3A, %mul3A_122 : vector<16xi32>
        %add3A_124 = vector.broadcast %mul3A_120 : i32 to vector<16xi32>
        %add3A_125 = arith.addi %add3A_124, %mul3A_123 : vector<16xi32>
        %mul3A_126 = arith.constant 2 : i32
        %mul3A_127 = arith.muli %mul3A_126, %scan3A_103 : i32
        %mul3A_128 = arith.constant 2048 : i32
        %mul3A_129 = arith.muli %mul3A_127, %mul3A_128 : i32
        %mul3A_130 = arith.constant 128 : i32
        %mul3A_131 = vector.broadcast %mul3A_130 : i32 to vector<16xi32>
        %mul3A_132 = arith.muli %iota3A, %mul3A_131 : vector<16xi32>
        %add3A_133 = vector.broadcast %mul3A_129 : i32 to vector<16xi32>
        %add3A_134 = arith.addi %add3A_133, %mul3A_132 : vector<16xi32>
        %add3A_135 = arith.constant 128 : i32
        %add3A_136 = vector.broadcast %add3A_135 : i32 to vector<16xi32>
        %add3A_137 = arith.addi %add3A_134, %add3A_136 : vector<16xi32>
        %mul3A_138 = arith.constant 2 : i32
        %mul3A_139 = arith.muli %mul3A_138, %scan3A_103 : i32
        %add3A_140 = arith.constant 1 : i32
        %add3A_141 = arith.addi %mul3A_139, %add3A_140 : i32
        %mul3A_142 = arith.constant 2048 : i32
        %mul3A_143 = arith.muli %add3A_141, %mul3A_142 : i32
        %mul3A_144 = arith.constant 128 : i32
        %mul3A_145 = vector.broadcast %mul3A_144 : i32 to vector<16xi32>
        %mul3A_146 = arith.muli %iota3A, %mul3A_145 : vector<16xi32>
        %add3A_147 = vector.broadcast %mul3A_143 : i32 to vector<16xi32>
        %add3A_148 = arith.addi %add3A_147, %mul3A_146 : vector<16xi32>
        %add3A_149 = arith.constant 128 : i32
        %add3A_150 = vector.broadcast %add3A_149 : i32 to vector<16xi32>
        %add3A_151 = arith.addi %add3A_148, %add3A_150 : vector<16xi32>
        %broadcast_in_dim3A_152 = arith.constant 0.000000e+00 : f32
        %broadcast_in_dim3A_153 = vector.broadcast %broadcast_in_dim3A_152 : f32 to vector<16xf32>
        %scan3A_154 = arith.constant 0 : i32
        %scan3A_155 = arith.constant 7 : i32
        %scan3A_156 = arith.addi %scan3A_154, %scan3A_155 : i32
        %scan3A_157 = arith.constant 1 : i32
        %scan3A_158:18 = scf.for %scan3A_674 = %scan3A_154 to %scan3A_156 step %scan3A_157 iter_args(%scan3A_675 = %broadcast_in_dim3A_153, %scan3A_676 = %broadcast_in_dim3A_153, %scan3A_677 = %broadcast_in_dim3A_153, %scan3A_678 = %broadcast_in_dim3A_153, %scan3A_679 = %broadcast_in_dim3A_153, %scan3A_680 = %broadcast_in_dim3A_153, %scan3A_681 = %broadcast_in_dim3A_153, %scan3A_682 = %broadcast_in_dim3A_153, %scan3A_683 = %broadcast_in_dim3A_153, %scan3A_684 = %broadcast_in_dim3A_153, %scan3A_685 = %broadcast_in_dim3A_153, %scan3A_686 = %broadcast_in_dim3A_153, %scan3A_687 = %broadcast_in_dim3A_153, %scan3A_688 = %broadcast_in_dim3A_153, %scan3A_689 = %broadcast_in_dim3A_153, %scan3A_690 = %broadcast_in_dim3A_153, %scan3A_691 = %add3A_114, %scan3A_692 = %add3A_125) -> (vector<16xf32>, vector<16xf32>, vector<16xf32>, vector<16xf32>, vector<16xf32>, vector<16xf32>, vector<16xf32>, vector<16xf32>, vector<16xf32>, vector<16xf32>, vector<16xf32>, vector<16xf32>, vector<16xf32>, vector<16xf32>, vector<16xf32>, vector<16xf32>, vector<16xi32>, vector<16xi32>)  : i32 {
          %mul3A_693 = arith.constant 16 : i32
          %mul3A_694 = arith.muli %scan3A_674, %mul3A_693 : i32
          %add3A_695 = arith.constant 0 : i32
          %add3A_696 = arith.addi %mul3A_694, %add3A_695 : i32
          %get3A_697 = arith.index_cast %add3A_696 : i32 to index
          %get3A_698 = tpu.vector_load %arg6[%get3A_697] {strides = array<i32>} : memref<256xf32, #tpu.memory_space<vmem>>, vector<16xf32>,
          %gather3A_699 = tpu.vector_load_idx %arg8[%scan3A_691] : memref<40960xf32, #tpu.memory_space<vmem>>[vector<16xi32>], vector<16xf32>,
          %gather3A_700 = tpu.vector_load_idx %arg8[%scan3A_692] : memref<40960xf32, #tpu.memory_space<vmem>>[vector<16xi32>], vector<16xf32>,
          %mul3A_701 = arith.mulf %gather3A_699, %get3A_698 : vector<16xf32>
          %add3A_702 = arith.addf %scan3A_675, %mul3A_701 : vector<16xf32>
          %mul3A_703 = arith.mulf %gather3A_699, %gather3A_699 : vector<16xf32>
          %add3A_704 = arith.addf %scan3A_679, %mul3A_703 : vector<16xf32>
          %mul3A_705 = arith.mulf %gather3A_700, %get3A_698 : vector<16xf32>
          %add3A_706 = arith.addf %scan3A_683, %mul3A_705 : vector<16xf32>
          %mul3A_707 = arith.mulf %gather3A_700, %gather3A_700 : vector<16xf32>
          %add3A_708 = arith.addf %scan3A_687, %mul3A_707 : vector<16xf32>
          %add3A_709 = arith.constant 1 : i32
          %add3A_710 = vector.broadcast %add3A_709 : i32 to vector<16xi32>
          %add3A_711 = arith.addi %scan3A_691, %add3A_710 : vector<16xi32>
          %add3A_712 = arith.constant 1 : i32
          %add3A_713 = vector.broadcast %add3A_712 : i32 to vector<16xi32>
          %add3A_714 = arith.addi %scan3A_692, %add3A_713 : vector<16xi32>
          %mul3A_715 = arith.constant 16 : i32
          %mul3A_716 = arith.muli %scan3A_674, %mul3A_715 : i32
          %add3A_717 = arith.constant 1 : i32
          %add3A_718 = arith.addi %mul3A_716, %add3A_717 : i32
          %get3A_719 = arith.index_cast %add3A_718 : i32 to index
          %get3A_720 = tpu.vector_load %arg6[%get3A_719] {strides = array<i32>} : memref<256xf32, #tpu.memory_space<vmem>>, vector<16xf32>,
          %gather3A_721 = tpu.vector_load_idx %arg8[%add3A_711] : memref<40960xf32, #tpu.memory_space<vmem>>[vector<16xi32>], vector<16xf32>,
          %gather3A_722 = tpu.vector_load_idx %arg8[%add3A_714] : memref<40960xf32, #tpu.memory_space<vmem>>[vector<16xi32>], vector<16xf32>,
          %mul3A_723 = arith.mulf %gather3A_721, %get3A_720 : vector<16xf32>
          %add3A_724 = arith.addf %scan3A_676, %mul3A_723 : vector<16xf32>
          %mul3A_725 = arith.mulf %gather3A_721, %gather3A_721 : vector<16xf32>
          %add3A_726 = arith.addf %scan3A_680, %mul3A_725 : vector<16xf32>
          %mul3A_727 = arith.mulf %gather3A_722, %get3A_720 : vector<16xf32>
          %add3A_728 = arith.addf %scan3A_684, %mul3A_727 : vector<16xf32>
          %mul3A_729 = arith.mulf %gather3A_722, %gather3A_722 : vector<16xf32>
          %add3A_730 = arith.addf %scan3A_688, %mul3A_729 : vector<16xf32>
          %add3A_731 = arith.constant 1 : i32
          %add3A_732 = vector.broadcast %add3A_731 : i32 to vector<16xi32>
          %add3A_733 = arith.addi %add3A_711, %add3A_732 : vector<16xi32>
          %add3A_734 = arith.constant 1 : i32
          %add3A_735 = vector.broadcast %add3A_734 : i32 to vector<16xi32>
          %add3A_736 = arith.addi %add3A_714, %add3A_735 : vector<16xi32>
          %mul3A_737 = arith.constant 16 : i32
          %mul3A_738 = arith.muli %scan3A_674, %mul3A_737 : i32
          %add3A_739 = arith.constant 2 : i32
          %add3A_740 = arith.addi %mul3A_738, %add3A_739 : i32
          %get3A_741 = arith.index_cast %add3A_740 : i32 to index
          %get3A_742 = tpu.vector_load %arg6[%get3A_741] {strides = array<i32>} : memref<256xf32, #tpu.memory_space<vmem>>, vector<16xf32>,
          %gather3A_743 = tpu.vector_load_idx %arg8[%add3A_733] : memref<40960xf32, #tpu.memory_space<vmem>>[vector<16xi32>], vector<16xf32>,
          %gather3A_744 = tpu.vector_load_idx %arg8[%add3A_736] : memref<40960xf32, #tpu.memory_space<vmem>>[vector<16xi32>], vector<16xf32>,
          %mul3A_745 = arith.mulf %gather3A_743, %get3A_742 : vector<16xf32>
          %add3A_746 = arith.addf %scan3A_677, %mul3A_745 : vector<16xf32>
          %mul3A_747 = arith.mulf %gather3A_743, %gather3A_743 : vector<16xf32>
          %add3A_748 = arith.addf %scan3A_681, %mul3A_747 : vector<16xf32>
          %mul3A_749 = arith.mulf %gather3A_744, %get3A_742 : vector<16xf32>
          %add3A_750 = arith.addf %scan3A_685, %mul3A_749 : vector<16xf32>
          %mul3A_751 = arith.mulf %gather3A_744, %gather3A_744 : vector<16xf32>
          %add3A_752 = arith.addf %scan3A_689, %mul3A_751 : vector<16xf32>
          %add3A_753 = arith.constant 1 : i32
          %add3A_754 = vector.broadcast %add3A_753 : i32 to vector<16xi32>
          %add3A_755 = arith.addi %add3A_733, %add3A_754 : vector<16xi32>
          %add3A_756 = arith.constant 1 : i32
          %add3A_757 = vector.broadcast %add3A_756 : i32 to vector<16xi32>
          %add3A_758 = arith.addi %add3A_736, %add3A_757 : vector<16xi32>
          %mul3A_759 = arith.constant 16 : i32
          %mul3A_760 = arith.muli %scan3A_674, %mul3A_759 : i32
          %add3A_761 = arith.constant 3 : i32
          %add3A_762 = arith.addi %mul3A_760, %add3A_761 : i32
          %get3A_763 = arith.index_cast %add3A_762 : i32 to index
          %get3A_764 = tpu.vector_load %arg6[%get3A_763] {strides = array<i32>} : memref<256xf32, #tpu.memory_space<vmem>>, vector<16xf32>,
          %gather3A_765 = tpu.vector_load_idx %arg8[%add3A_755] : memref<40960xf32, #tpu.memory_space<vmem>>[vector<16xi32>], vector<16xf32>,
          %gather3A_766 = tpu.vector_load_idx %arg8[%add3A_758] : memref<40960xf32, #tpu.memory_space<vmem>>[vector<16xi32>], vector<16xf32>,
          %mul3A_767 = arith.mulf %gather3A_765, %get3A_764 : vector<16xf32>
          %add3A_768 = arith.addf %scan3A_678, %mul3A_767 : vector<16xf32>
          %mul3A_769 = arith.mulf %gather3A_765, %gather3A_765 : vector<16xf32>
          %add3A_770 = arith.addf %scan3A_682, %mul3A_769 : vector<16xf32>
          %mul3A_771 = arith.mulf %gather3A_766, %get3A_764 : vector<16xf32>
          %add3A_772 = arith.addf %scan3A_686, %mul3A_771 : vector<16xf32>
          %mul3A_773 = arith.mulf %gather3A_766, %gather3A_766 : vector<16xf32>
          %add3A_774 = arith.addf %scan3A_690, %mul3A_773 : vector<16xf32>
          %add3A_775 = arith.constant 1 : i32
          %add3A_776 = vector.broadcast %add3A_775 : i32 to vector<16xi32>
          %add3A_777 = arith.addi %add3A_755, %add3A_776 : vector<16xi32>
          %add3A_778 = arith.constant 1 : i32
          %add3A_779 = vector.broadcast %add3A_778 : i32 to vector<16xi32>
          %add3A_780 = arith.addi %add3A_758, %add3A_779 : vector<16xi32>
          %mul3A_781 = arith.constant 16 : i32
          %mul3A_782 = arith.muli %scan3A_674, %mul3A_781 : i32
          %add3A_783 = arith.constant 4 : i32
          %add3A_784 = arith.addi %mul3A_782, %add3A_783 : i32
          %get3A_785 = arith.index_cast %add3A_784 : i32 to index
          %get3A_786 = tpu.vector_load %arg6[%get3A_785] {strides = array<i32>} : memref<256xf32, #tpu.memory_space<vmem>>, vector<16xf32>,
          %gather3A_787 = tpu.vector_load_idx %arg8[%add3A_777] : memref<40960xf32, #tpu.memory_space<vmem>>[vector<16xi32>], vector<16xf32>,
          %gather3A_788 = tpu.vector_load_idx %arg8[%add3A_780] : memref<40960xf32, #tpu.memory_space<vmem>>[vector<16xi32>], vector<16xf32>,
          %mul3A_789 = arith.mulf %gather3A_787, %get3A_786 : vector<16xf32>
          %add3A_790 = arith.addf %add3A_702, %mul3A_789 : vector<16xf32>
          %mul3A_791 = arith.mulf %gather3A_787, %gather3A_787 : vector<16xf32>
          %add3A_792 = arith.addf %add3A_704, %mul3A_791 : vector<16xf32>
          %mul3A_793 = arith.mulf %gather3A_788, %get3A_786 : vector<16xf32>
          %add3A_794 = arith.addf %add3A_706, %mul3A_793 : vector<16xf32>
          %mul3A_795 = arith.mulf %gather3A_788, %gather3A_788 : vector<16xf32>
          %add3A_796 = arith.addf %add3A_708, %mul3A_795 : vector<16xf32>
          %add3A_797 = arith.constant 1 : i32
          %add3A_798 = vector.broadcast %add3A_797 : i32 to vector<16xi32>
          %add3A_799 = arith.addi %add3A_777, %add3A_798 : vector<16xi32>
          %add3A_800 = arith.constant 1 : i32
          %add3A_801 = vector.broadcast %add3A_800 : i32 to vector<16xi32>
          %add3A_802 = arith.addi %add3A_780, %add3A_801 : vector<16xi32>
          %mul3A_803 = arith.constant 16 : i32
          %mul3A_804 = arith.muli %scan3A_674, %mul3A_803 : i32
          %add3A_805 = arith.constant 5 : i32
          %add3A_806 = arith.addi %mul3A_804, %add3A_805 : i32
          %get3A_807 = arith.index_cast %add3A_806 : i32 to index
          %get3A_808 = tpu.vector_load %arg6[%get3A_807] {strides = array<i32>} : memref<256xf32, #tpu.memory_space<vmem>>, vector<16xf32>,
          %gather3A_809 = tpu.vector_load_idx %arg8[%add3A_799] : memref<40960xf32, #tpu.memory_space<vmem>>[vector<16xi32>], vector<16xf32>,
          %gather3A_810 = tpu.vector_load_idx %arg8[%add3A_802] : memref<40960xf32, #tpu.memory_space<vmem>>[vector<16xi32>], vector<16xf32>,
          %mul3A_811 = arith.mulf %gather3A_809, %get3A_808 : vector<16xf32>
          %add3A_812 = arith.addf %add3A_724, %mul3A_811 : vector<16xf32>
          %mul3A_813 = arith.mulf %gather3A_809, %gather3A_809 : vector<16xf32>
          %add3A_814 = arith.addf %add3A_726, %mul3A_813 : vector<16xf32>
          %mul3A_815 = arith.mulf %gather3A_810, %get3A_808 : vector<16xf32>
          %add3A_816 = arith.addf %add3A_728, %mul3A_815 : vector<16xf32>
          %mul3A_817 = arith.mulf %gather3A_810, %gather3A_810 : vector<16xf32>
          %add3A_818 = arith.addf %add3A_730, %mul3A_817 : vector<16xf32>
          %add3A_819 = arith.constant 1 : i32
          %add3A_820 = vector.broadcast %add3A_819 : i32 to vector<16xi32>
          %add3A_821 = arith.addi %add3A_799, %add3A_820 : vector<16xi32>
          %add3A_822 = arith.constant 1 : i32
          %add3A_823 = vector.broadcast %add3A_822 : i32 to vector<16xi32>
          %add3A_824 = arith.addi %add3A_802, %add3A_823 : vector<16xi32>
          %mul3A_825 = arith.constant 16 : i32
          %mul3A_826 = arith.muli %scan3A_674, %mul3A_825 : i32
          %add3A_827 = arith.constant 6 : i32
          %add3A_828 = arith.addi %mul3A_826, %add3A_827 : i32
          %get3A_829 = arith.index_cast %add3A_828 : i32 to index
          %get3A_830 = tpu.vector_load %arg6[%get3A_829] {strides = array<i32>} : memref<256xf32, #tpu.memory_space<vmem>>, vector<16xf32>,
          %gather3A_831 = tpu.vector_load_idx %arg8[%add3A_821] : memref<40960xf32, #tpu.memory_space<vmem>>[vector<16xi32>], vector<16xf32>,
          %gather3A_832 = tpu.vector_load_idx %arg8[%add3A_824] : memref<40960xf32, #tpu.memory_space<vmem>>[vector<16xi32>], vector<16xf32>,
          %mul3A_833 = arith.mulf %gather3A_831, %get3A_830 : vector<16xf32>
          %add3A_834 = arith.addf %add3A_746, %mul3A_833 : vector<16xf32>
          %mul3A_835 = arith.mulf %gather3A_831, %gather3A_831 : vector<16xf32>
          %add3A_836 = arith.addf %add3A_748, %mul3A_835 : vector<16xf32>
          %mul3A_837 = arith.mulf %gather3A_832, %get3A_830 : vector<16xf32>
          %add3A_838 = arith.addf %add3A_750, %mul3A_837 : vector<16xf32>
          %mul3A_839 = arith.mulf %gather3A_832, %gather3A_832 : vector<16xf32>
          %add3A_840 = arith.addf %add3A_752, %mul3A_839 : vector<16xf32>
          %add3A_841 = arith.constant 1 : i32
          %add3A_842 = vector.broadcast %add3A_841 : i32 to vector<16xi32>
          %add3A_843 = arith.addi %add3A_821, %add3A_842 : vector<16xi32>
          %add3A_844 = arith.constant 1 : i32
          %add3A_845 = vector.broadcast %add3A_844 : i32 to vector<16xi32>
          %add3A_846 = arith.addi %add3A_824, %add3A_845 : vector<16xi32>
          %mul3A_847 = arith.constant 16 : i32
          %mul3A_848 = arith.muli %scan3A_674, %mul3A_847 : i32
          %add3A_849 = arith.constant 7 : i32
          %add3A_850 = arith.addi %mul3A_848, %add3A_849 : i32
          %get3A_851 = arith.index_cast %add3A_850 : i32 to index
          %get3A_852 = tpu.vector_load %arg6[%get3A_851] {strides = array<i32>} : memref<256xf32, #tpu.memory_space<vmem>>, vector<16xf32>,
          %gather3A_853 = tpu.vector_load_idx %arg8[%add3A_843] : memref<40960xf32, #tpu.memory_space<vmem>>[vector<16xi32>], vector<16xf32>,
          %gather3A_854 = tpu.vector_load_idx %arg8[%add3A_846] : memref<40960xf32, #tpu.memory_space<vmem>>[vector<16xi32>], vector<16xf32>,
          %mul3A_855 = arith.mulf %gather3A_853, %get3A_852 : vector<16xf32>
          %add3A_856 = arith.addf %add3A_768, %mul3A_855 : vector<16xf32>
          %mul3A_857 = arith.mulf %gather3A_853, %gather3A_853 : vector<16xf32>
          %add3A_858 = arith.addf %add3A_770, %mul3A_857 : vector<16xf32>
          %mul3A_859 = arith.mulf %gather3A_854, %get3A_852 : vector<16xf32>
          %add3A_860 = arith.addf %add3A_772, %mul3A_859 : vector<16xf32>
          %mul3A_861 = arith.mulf %gather3A_854, %gather3A_854 : vector<16xf32>
          %add3A_862 = arith.addf %add3A_774, %mul3A_861 : vector<16xf32>
          %add3A_863 = arith.constant 1 : i32
          %add3A_864 = vector.broadcast %add3A_863 : i32 to vector<16xi32>
          %add3A_865 = arith.addi %add3A_843, %add3A_864 : vector<16xi32>
          %add3A_866 = arith.constant 1 : i32
          %add3A_867 = vector.broadcast %add3A_866 : i32 to vector<16xi32>
          %add3A_868 = arith.addi %add3A_846, %add3A_867 : vector<16xi32>
          %mul3A_869 = arith.constant 16 : i32
          %mul3A_870 = arith.muli %scan3A_674, %mul3A_869 : i32
          %add3A_871 = arith.constant 8 : i32
          %add3A_872 = arith.addi %mul3A_870, %add3A_871 : i32
          %get3A_873 = arith.index_cast %add3A_872 : i32 to index
          %get3A_874 = tpu.vector_load %arg6[%get3A_873] {strides = array<i32>} : memref<256xf32, #tpu.memory_space<vmem>>, vector<16xf32>,
          %gather3A_875 = tpu.vector_load_idx %arg8[%add3A_865] : memref<40960xf32, #tpu.memory_space<vmem>>[vector<16xi32>], vector<16xf32>,
          %gather3A_876 = tpu.vector_load_idx %arg8[%add3A_868] : memref<40960xf32, #tpu.memory_space<vmem>>[vector<16xi32>], vector<16xf32>,
          %mul3A_877 = arith.mulf %gather3A_875, %get3A_874 : vector<16xf32>
          %add3A_878 = arith.addf %add3A_790, %mul3A_877 : vector<16xf32>
          %mul3A_879 = arith.mulf %gather3A_875, %gather3A_875 : vector<16xf32>
          %add3A_880 = arith.addf %add3A_792, %mul3A_879 : vector<16xf32>
          %mul3A_881 = arith.mulf %gather3A_876, %get3A_874 : vector<16xf32>
          %add3A_882 = arith.addf %add3A_794, %mul3A_881 : vector<16xf32>
          %mul3A_883 = arith.mulf %gather3A_876, %gather3A_876 : vector<16xf32>
          %add3A_884 = arith.addf %add3A_796, %mul3A_883 : vector<16xf32>
          %add3A_885 = arith.constant 1 : i32
          %add3A_886 = vector.broadcast %add3A_885 : i32 to vector<16xi32>
          %add3A_887 = arith.addi %add3A_865, %add3A_886 : vector<16xi32>
          %add3A_888 = arith.constant 1 : i32
          %add3A_889 = vector.broadcast %add3A_888 : i32 to vector<16xi32>
          %add3A_890 = arith.addi %add3A_868, %add3A_889 : vector<16xi32>
          %mul3A_891 = arith.constant 16 : i32
          %mul3A_892 = arith.muli %scan3A_674, %mul3A_891 : i32
          %add3A_893 = arith.constant 9 : i32
          %add3A_894 = arith.addi %mul3A_892, %add3A_893 : i32
          %get3A_895 = arith.index_cast %add3A_894 : i32 to index
          %get3A_896 = tpu.vector_load %arg6[%get3A_895] {strides = array<i32>} : memref<256xf32, #tpu.memory_space<vmem>>, vector<16xf32>,
          %gather3A_897 = tpu.vector_load_idx %arg8[%add3A_887] : memref<40960xf32, #tpu.memory_space<vmem>>[vector<16xi32>], vector<16xf32>,
          %gather3A_898 = tpu.vector_load_idx %arg8[%add3A_890] : memref<40960xf32, #tpu.memory_space<vmem>>[vector<16xi32>], vector<16xf32>,
          %mul3A_899 = arith.mulf %gather3A_897, %get3A_896 : vector<16xf32>
          %add3A_900 = arith.addf %add3A_812, %mul3A_899 : vector<16xf32>
          %mul3A_901 = arith.mulf %gather3A_897, %gather3A_897 : vector<16xf32>
          %add3A_902 = arith.addf %add3A_814, %mul3A_901 : vector<16xf32>
          %mul3A_903 = arith.mulf %gather3A_898, %get3A_896 : vector<16xf32>
          %add3A_904 = arith.addf %add3A_816, %mul3A_903 : vector<16xf32>
          %mul3A_905 = arith.mulf %gather3A_898, %gather3A_898 : vector<16xf32>
          %add3A_906 = arith.addf %add3A_818, %mul3A_905 : vector<16xf32>
          %add3A_907 = arith.constant 1 : i32
          %add3A_908 = vector.broadcast %add3A_907 : i32 to vector<16xi32>
          %add3A_909 = arith.addi %add3A_887, %add3A_908 : vector<16xi32>
          %add3A_910 = arith.constant 1 : i32
          %add3A_911 = vector.broadcast %add3A_910 : i32 to vector<16xi32>
          %add3A_912 = arith.addi %add3A_890, %add3A_911 : vector<16xi32>
          %mul3A_913 = arith.constant 16 : i32
          %mul3A_914 = arith.muli %scan3A_674, %mul3A_913 : i32
          %add3A_915 = arith.constant 10 : i32
          %add3A_916 = arith.addi %mul3A_914, %add3A_915 : i32
          %get3A_917 = arith.index_cast %add3A_916 : i32 to index
          %get3A_918 = tpu.vector_load %arg6[%get3A_917] {strides = array<i32>} : memref<256xf32, #tpu.memory_space<vmem>>, vector<16xf32>,
          %gather3A_919 = tpu.vector_load_idx %arg8[%add3A_909] : memref<40960xf32, #tpu.memory_space<vmem>>[vector<16xi32>], vector<16xf32>,
          %gather3A_920 = tpu.vector_load_idx %arg8[%add3A_912] : memref<40960xf32, #tpu.memory_space<vmem>>[vector<16xi32>], vector<16xf32>,
          %mul3A_921 = arith.mulf %gather3A_919, %get3A_918 : vector<16xf32>
          %add3A_922 = arith.addf %add3A_834, %mul3A_921 : vector<16xf32>
          %mul3A_923 = arith.mulf %gather3A_919, %gather3A_919 : vector<16xf32>
          %add3A_924 = arith.addf %add3A_836, %mul3A_923 : vector<16xf32>
          %mul3A_925 = arith.mulf %gather3A_920, %get3A_918 : vector<16xf32>
          %add3A_926 = arith.addf %add3A_838, %mul3A_925 : vector<16xf32>
          %mul3A_927 = arith.mulf %gather3A_920, %gather3A_920 : vector<16xf32>
          %add3A_928 = arith.addf %add3A_840, %mul3A_927 : vector<16xf32>
          %add3A_929 = arith.constant 1 : i32
          %add3A_930 = vector.broadcast %add3A_929 : i32 to vector<16xi32>
          %add3A_931 = arith.addi %add3A_909, %add3A_930 : vector<16xi32>
          %add3A_932 = arith.constant 1 : i32
          %add3A_933 = vector.broadcast %add3A_932 : i32 to vector<16xi32>
          %add3A_934 = arith.addi %add3A_912, %add3A_933 : vector<16xi32>
          %mul3A_935 = arith.constant 16 : i32
          %mul3A_936 = arith.muli %scan3A_674, %mul3A_935 : i32
          %add3A_937 = arith.constant 11 : i32
          %add3A_938 = arith.addi %mul3A_936, %add3A_937 : i32
          %get3A_939 = arith.index_cast %add3A_938 : i32 to index
          %get3A_940 = tpu.vector_load %arg6[%get3A_939] {strides = array<i32>} : memref<256xf32, #tpu.memory_space<vmem>>, vector<16xf32>,
          %gather3A_941 = tpu.vector_load_idx %arg8[%add3A_931] : memref<40960xf32, #tpu.memory_space<vmem>>[vector<16xi32>], vector<16xf32>,
          %gather3A_942 = tpu.vector_load_idx %arg8[%add3A_934] : memref<40960xf32, #tpu.memory_space<vmem>>[vector<16xi32>], vector<16xf32>,
          %mul3A_943 = arith.mulf %gather3A_941, %get3A_940 : vector<16xf32>
          %add3A_944 = arith.addf %add3A_856, %mul3A_943 : vector<16xf32>
          %mul3A_945 = arith.mulf %gather3A_941, %gather3A_941 : vector<16xf32>
          %add3A_946 = arith.addf %add3A_858, %mul3A_945 : vector<16xf32>
          %mul3A_947 = arith.mulf %gather3A_942, %get3A_940 : vector<16xf32>
          %add3A_948 = arith.addf %add3A_860, %mul3A_947 : vector<16xf32>
          %mul3A_949 = arith.mulf %gather3A_942, %gather3A_942 : vector<16xf32>
          %add3A_950 = arith.addf %add3A_862, %mul3A_949 : vector<16xf32>
          %add3A_951 = arith.constant 1 : i32
          %add3A_952 = vector.broadcast %add3A_951 : i32 to vector<16xi32>
          %add3A_953 = arith.addi %add3A_931, %add3A_952 : vector<16xi32>
          %add3A_954 = arith.constant 1 : i32
          %add3A_955 = vector.broadcast %add3A_954 : i32 to vector<16xi32>
          %add3A_956 = arith.addi %add3A_934, %add3A_955 : vector<16xi32>
          %mul3A_957 = arith.constant 16 : i32
          %mul3A_958 = arith.muli %scan3A_674, %mul3A_957 : i32
          %add3A_959 = arith.constant 12 : i32
          %add3A_960 = arith.addi %mul3A_958, %add3A_959 : i32
          %get3A_961 = arith.index_cast %add3A_960 : i32 to index
          %get3A_962 = tpu.vector_load %arg6[%get3A_961] {strides = array<i32>} : memref<256xf32, #tpu.memory_space<vmem>>, vector<16xf32>,
          %gather3A_963 = tpu.vector_load_idx %arg8[%add3A_953] : memref<40960xf32, #tpu.memory_space<vmem>>[vector<16xi32>], vector<16xf32>,
          %gather3A_964 = tpu.vector_load_idx %arg8[%add3A_956] : memref<40960xf32, #tpu.memory_space<vmem>>[vector<16xi32>], vector<16xf32>,
          %mul3A_965 = arith.mulf %gather3A_963, %get3A_962 : vector<16xf32>
          %add3A_966 = arith.addf %add3A_878, %mul3A_965 : vector<16xf32>
          %mul3A_967 = arith.mulf %gather3A_963, %gather3A_963 : vector<16xf32>
          %add3A_968 = arith.addf %add3A_880, %mul3A_967 : vector<16xf32>
          %mul3A_969 = arith.mulf %gather3A_964, %get3A_962 : vector<16xf32>
          %add3A_970 = arith.addf %add3A_882, %mul3A_969 : vector<16xf32>
          %mul3A_971 = arith.mulf %gather3A_964, %gather3A_964 : vector<16xf32>
          %add3A_972 = arith.addf %add3A_884, %mul3A_971 : vector<16xf32>
          %add3A_973 = arith.constant 1 : i32
          %add3A_974 = vector.broadcast %add3A_973 : i32 to vector<16xi32>
          %add3A_975 = arith.addi %add3A_953, %add3A_974 : vector<16xi32>
          %add3A_976 = arith.constant 1 : i32
          %add3A_977 = vector.broadcast %add3A_976 : i32 to vector<16xi32>
          %add3A_978 = arith.addi %add3A_956, %add3A_977 : vector<16xi32>
          %mul3A_979 = arith.constant 16 : i32
          %mul3A_980 = arith.muli %scan3A_674, %mul3A_979 : i32
          %add3A_981 = arith.constant 13 : i32
          %add3A_982 = arith.addi %mul3A_980, %add3A_981 : i32
          %get3A_983 = arith.index_cast %add3A_982 : i32 to index
          %get3A_984 = tpu.vector_load %arg6[%get3A_983] {strides = array<i32>} : memref<256xf32, #tpu.memory_space<vmem>>, vector<16xf32>,
          %gather3A_985 = tpu.vector_load_idx %arg8[%add3A_975] : memref<40960xf32, #tpu.memory_space<vmem>>[vector<16xi32>], vector<16xf32>,
          %gather3A_986 = tpu.vector_load_idx %arg8[%add3A_978] : memref<40960xf32, #tpu.memory_space<vmem>>[vector<16xi32>], vector<16xf32>,
          %mul3A_987 = arith.mulf %gather3A_985, %get3A_984 : vector<16xf32>
          %add3A_988 = arith.addf %add3A_900, %mul3A_987 : vector<16xf32>
          %mul3A_989 = arith.mulf %gather3A_985, %gather3A_985 : vector<16xf32>
          %add3A_990 = arith.addf %add3A_902, %mul3A_989 : vector<16xf32>
          %mul3A_991 = arith.mulf %gather3A_986, %get3A_984 : vector<16xf32>
          %add3A_992 = arith.addf %add3A_904, %mul3A_991 : vector<16xf32>
          %mul3A_993 = arith.mulf %gather3A_986, %gather3A_986 : vector<16xf32>
          %add3A_994 = arith.addf %add3A_906, %mul3A_993 : vector<16xf32>
          %add3A_995 = arith.constant 1 : i32
          %add3A_996 = vector.broadcast %add3A_995 : i32 to vector<16xi32>
          %add3A_997 = arith.addi %add3A_975, %add3A_996 : vector<16xi32>
          %add3A_998 = arith.constant 1 : i32
          %add3A_999 = vector.broadcast %add3A_998 : i32 to vector<16xi32>
          %add3A_1000 = arith.addi %add3A_978, %add3A_999 : vector<16xi32>
          %mul3A_1001 = arith.constant 16 : i32
          %mul3A_1002 = arith.muli %scan3A_674, %mul3A_1001 : i32
          %add3A_1003 = arith.constant 14 : i32
          %add3A_1004 = arith.addi %mul3A_1002, %add3A_1003 : i32
          %get3A_1005 = arith.index_cast %add3A_1004 : i32 to index
          %get3A_1006 = tpu.vector_load %arg6[%get3A_1005] {strides = array<i32>} : memref<256xf32, #tpu.memory_space<vmem>>, vector<16xf32>,
          %gather3A_1007 = tpu.vector_load_idx %arg8[%add3A_997] : memref<40960xf32, #tpu.memory_space<vmem>>[vector<16xi32>], vector<16xf32>,
          %gather3A_1008 = tpu.vector_load_idx %arg8[%add3A_1000] : memref<40960xf32, #tpu.memory_space<vmem>>[vector<16xi32>], vector<16xf32>,
          %mul3A_1009 = arith.mulf %gather3A_1007, %get3A_1006 : vector<16xf32>
          %add3A_1010 = arith.addf %add3A_922, %mul3A_1009 : vector<16xf32>
          %mul3A_1011 = arith.mulf %gather3A_1007, %gather3A_1007 : vector<16xf32>
          %add3A_1012 = arith.addf %add3A_924, %mul3A_1011 : vector<16xf32>
          %mul3A_1013 = arith.mulf %gather3A_1008, %get3A_1006 : vector<16xf32>
          %add3A_1014 = arith.addf %add3A_926, %mul3A_1013 : vector<16xf32>
          %mul3A_1015 = arith.mulf %gather3A_1008, %gather3A_1008 : vector<16xf32>
          %add3A_1016 = arith.addf %add3A_928, %mul3A_1015 : vector<16xf32>
          %add3A_1017 = arith.constant 1 : i32
          %add3A_1018 = vector.broadcast %add3A_1017 : i32 to vector<16xi32>
          %add3A_1019 = arith.addi %add3A_997, %add3A_1018 : vector<16xi32>
          %add3A_1020 = arith.constant 1 : i32
          %add3A_1021 = vector.broadcast %add3A_1020 : i32 to vector<16xi32>
          %add3A_1022 = arith.addi %add3A_1000, %add3A_1021 : vector<16xi32>
          %mul3A_1023 = arith.constant 16 : i32
          %mul3A_1024 = arith.muli %scan3A_674, %mul3A_1023 : i32
          %add3A_1025 = arith.constant 15 : i32
          %add3A_1026 = arith.addi %mul3A_1024, %add3A_1025 : i32
          %get3A_1027 = arith.index_cast %add3A_1026 : i32 to index
          %get3A_1028 = tpu.vector_load %arg6[%get3A_1027] {strides = array<i32>} : memref<256xf32, #tpu.memory_space<vmem>>, vector<16xf32>,
          %gather3A_1029 = tpu.vector_load_idx %arg8[%add3A_1019] : memref<40960xf32, #tpu.memory_space<vmem>>[vector<16xi32>], vector<16xf32>,
          %gather3A_1030 = tpu.vector_load_idx %arg8[%add3A_1022] : memref<40960xf32, #tpu.memory_space<vmem>>[vector<16xi32>], vector<16xf32>,
          %mul3A_1031 = arith.mulf %gather3A_1029, %get3A_1028 : vector<16xf32>
          %add3A_1032 = arith.addf %add3A_944, %mul3A_1031 : vector<16xf32>
          %mul3A_1033 = arith.mulf %gather3A_1029, %gather3A_1029 : vector<16xf32>
          %add3A_1034 = arith.addf %add3A_946, %mul3A_1033 : vector<16xf32>
          %mul3A_1035 = arith.mulf %gather3A_1030, %get3A_1028 : vector<16xf32>
          %add3A_1036 = arith.addf %add3A_948, %mul3A_1035 : vector<16xf32>
          %mul3A_1037 = arith.mulf %gather3A_1030, %gather3A_1030 : vector<16xf32>
          %add3A_1038 = arith.addf %add3A_950, %mul3A_1037 : vector<16xf32>
          %add3A_1039 = arith.constant 1 : i32
          %add3A_1040 = vector.broadcast %add3A_1039 : i32 to vector<16xi32>
          %add3A_1041 = arith.addi %add3A_1019, %add3A_1040 : vector<16xi32>
          %add3A_1042 = arith.constant 1 : i32
          %add3A_1043 = vector.broadcast %add3A_1042 : i32 to vector<16xi32>
          %add3A_1044 = arith.addi %add3A_1022, %add3A_1043 : vector<16xi32>
          scf.yield %add3A_966, %add3A_988, %add3A_1010, %add3A_1032, %add3A_968, %add3A_990, %add3A_1012, %add3A_1034, %add3A_970, %add3A_992, %add3A_1014, %add3A_1036, %add3A_972, %add3A_994, %add3A_1016, %add3A_1038, %add3A_1041, %add3A_1044 : vector<16xf32>, vector<16xf32>, vector<16xf32>, vector<16xf32>, vector<16xf32>, vector<16xf32>, vector<16xf32>, vector<16xf32>, vector<16xf32>, vector<16xf32>, vector<16xf32>, vector<16xf32>, vector<16xf32>, vector<16xf32>, vector<16xf32>, vector<16xf32>, vector<16xi32>, vector<16xi32>
        }
        %scan3A_159 = arith.constant 7 : i32
        %get3A_160 = arith.constant 112 : index
        %get3A_161 = tpu.vector_load %arg6[%get3A_160] {strides = array<i32>} : memref<256xf32, #tpu.memory_space<vmem>>, vector<16xf32>,
        %gather3A = tpu.vector_load_idx %arg8[%scan3A_158#16] : memref<40960xf32, #tpu.memory_space<vmem>>[vector<16xi32>], vector<16xf32>,
        %gather3A_162 = tpu.vector_load_idx %arg8[%scan3A_158#17] : memref<40960xf32, #tpu.memory_space<vmem>>[vector<16xi32>], vector<16xf32>,
        %mul3A_163 = arith.mulf %gather3A, %get3A_161 : vector<16xf32>
        %add3A_164 = arith.addf %scan3A_158#0, %mul3A_163 : vector<16xf32>
        %mul3A_165 = arith.mulf %gather3A, %gather3A : vector<16xf32>
        %add3A_166 = arith.addf %scan3A_158#4, %mul3A_165 : vector<16xf32>
        %mul3A_167 = arith.mulf %gather3A_162, %get3A_161 : vector<16xf32>
        %add3A_168 = arith.addf %scan3A_158#8, %mul3A_167 : vector<16xf32>
        %mul3A_169 = arith.mulf %gather3A_162, %gather3A_162 : vector<16xf32>
        %add3A_170 = arith.addf %scan3A_158#12, %mul3A_169 : vector<16xf32>
        %add3A_171 = arith.constant 1 : i32
        %add3A_172 = vector.broadcast %add3A_171 : i32 to vector<16xi32>
        %add3A_173 = arith.addi %scan3A_158#16, %add3A_172 : vector<16xi32>
        %ge3A = arith.cmpi sge, %add3A_173, %add3A_137 : vector<16xi32>
        %sub3A = arith.constant 128 : i32
        %sub3A_174 = vector.broadcast %sub3A : i32 to vector<16xi32>
        %sub3A_175 = arith.subi %add3A_173, %sub3A_174 : vector<16xi32>
        %select_n3A = arith.select %ge3A, %sub3A_175, %add3A_173 : vector<16xi1>, vector<16xi32>
        %add3A_176 = arith.constant 1 : i32
        %add3A_177 = vector.broadcast %add3A_176 : i32 to vector<16xi32>
        %add3A_178 = arith.addi %scan3A_158#17, %add3A_177 : vector<16xi32>
        %ge3A_179 = arith.cmpi sge, %add3A_178, %add3A_151 : vector<16xi32>
        %sub3A_180 = arith.constant 128 : i32
        %sub3A_181 = vector.broadcast %sub3A_180 : i32 to vector<16xi32>
        %sub3A_182 = arith.subi %add3A_178, %sub3A_181 : vector<16xi32>
        %select_n3A_183 = arith.select %ge3A_179, %sub3A_182, %add3A_178 : vector<16xi1>, vector<16xi32>
        %get3A_184 = arith.constant 113 : index
        %get3A_185 = tpu.vector_load %arg6[%get3A_184] {strides = array<i32>} : memref<256xf32, #tpu.memory_space<vmem>>, vector<16xf32>,
        %gather3A_186 = tpu.vector_load_idx %arg8[%select_n3A] : memref<40960xf32, #tpu.memory_space<vmem>>[vector<16xi32>], vector<16xf32>,
        %gather3A_187 = tpu.vector_load_idx %arg8[%select_n3A_183] : memref<40960xf32, #tpu.memory_space<vmem>>[vector<16xi32>], vector<16xf32>,
        %mul3A_188 = arith.mulf %gather3A_186, %get3A_185 : vector<16xf32>
        %add3A_189 = arith.addf %scan3A_158#1, %mul3A_188 : vector<16xf32>
        %mul3A_190 = arith.mulf %gather3A_186, %gather3A_186 : vector<16xf32>
        %add3A_191 = arith.addf %scan3A_158#5, %mul3A_190 : vector<16xf32>
        %mul3A_192 = arith.mulf %gather3A_187, %get3A_185 : vector<16xf32>
        %add3A_193 = arith.addf %scan3A_158#9, %mul3A_192 : vector<16xf32>
        %mul3A_194 = arith.mulf %gather3A_187, %gather3A_187 : vector<16xf32>
        %add3A_195 = arith.addf %scan3A_158#13, %mul3A_194 : vector<16xf32>
        %add3A_196 = arith.constant 1 : i32
        %add3A_197 = vector.broadcast %add3A_196 : i32 to vector<16xi32>
        %add3A_198 = arith.addi %select_n3A, %add3A_197 : vector<16xi32>
        %ge3A_199 = arith.cmpi sge, %add3A_198, %add3A_137 : vector<16xi32>
        %sub3A_200 = arith.constant 128 : i32
        %sub3A_201 = vector.broadcast %sub3A_200 : i32 to vector<16xi32>
        %sub3A_202 = arith.subi %add3A_198, %sub3A_201 : vector<16xi32>
        %select_n3A_203 = arith.select %ge3A_199, %sub3A_202, %add3A_198 : vector<16xi1>, vector<16xi32>
        %add3A_204 = arith.constant 1 : i32
        %add3A_205 = vector.broadcast %add3A_204 : i32 to vector<16xi32>
        %add3A_206 = arith.addi %select_n3A_183, %add3A_205 : vector<16xi32>
        %ge3A_207 = arith.cmpi sge, %add3A_206, %add3A_151 : vector<16xi32>
        %sub3A_208 = arith.constant 128 : i32
        %sub3A_209 = vector.broadcast %sub3A_208 : i32 to vector<16xi32>
        %sub3A_210 = arith.subi %add3A_206, %sub3A_209 : vector<16xi32>
        %select_n3A_211 = arith.select %ge3A_207, %sub3A_210, %add3A_206 : vector<16xi1>, vector<16xi32>
        %get3A_212 = arith.constant 114 : index
        %get3A_213 = tpu.vector_load %arg6[%get3A_212] {strides = array<i32>} : memref<256xf32, #tpu.memory_space<vmem>>, vector<16xf32>,
        %gather3A_214 = tpu.vector_load_idx %arg8[%select_n3A_203] : memref<40960xf32, #tpu.memory_space<vmem>>[vector<16xi32>], vector<16xf32>,
        %gather3A_215 = tpu.vector_load_idx %arg8[%select_n3A_211] : memref<40960xf32, #tpu.memory_space<vmem>>[vector<16xi32>], vector<16xf32>,
        %mul3A_216 = arith.mulf %gather3A_214, %get3A_213 : vector<16xf32>
        %add3A_217 = arith.addf %scan3A_158#2, %mul3A_216 : vector<16xf32>
        %mul3A_218 = arith.mulf %gather3A_214, %gather3A_214 : vector<16xf32>
        %add3A_219 = arith.addf %scan3A_158#6, %mul3A_218 : vector<16xf32>
        %mul3A_220 = arith.mulf %gather3A_215, %get3A_213 : vector<16xf32>
        %add3A_221 = arith.addf %scan3A_158#10, %mul3A_220 : vector<16xf32>
        %mul3A_222 = arith.mulf %gather3A_215, %gather3A_215 : vector<16xf32>
        %add3A_223 = arith.addf %scan3A_158#14, %mul3A_222 : vector<16xf32>
        %add3A_224 = arith.constant 1 : i32
        %add3A_225 = vector.broadcast %add3A_224 : i32 to vector<16xi32>
        %add3A_226 = arith.addi %select_n3A_203, %add3A_225 : vector<16xi32>
        %ge3A_227 = arith.cmpi sge, %add3A_226, %add3A_137 : vector<16xi32>
        %sub3A_228 = arith.constant 128 : i32
        %sub3A_229 = vector.broadcast %sub3A_228 : i32 to vector<16xi32>
        %sub3A_230 = arith.subi %add3A_226, %sub3A_229 : vector<16xi32>
        %select_n3A_231 = arith.select %ge3A_227, %sub3A_230, %add3A_226 : vector<16xi1>, vector<16xi32>
        %add3A_232 = arith.constant 1 : i32
        %add3A_233 = vector.broadcast %add3A_232 : i32 to vector<16xi32>
        %add3A_234 = arith.addi %select_n3A_211, %add3A_233 : vector<16xi32>
        %ge3A_235 = arith.cmpi sge, %add3A_234, %add3A_151 : vector<16xi32>
        %sub3A_236 = arith.constant 128 : i32
        %sub3A_237 = vector.broadcast %sub3A_236 : i32 to vector<16xi32>
        %sub3A_238 = arith.subi %add3A_234, %sub3A_237 : vector<16xi32>
        %select_n3A_239 = arith.select %ge3A_235, %sub3A_238, %add3A_234 : vector<16xi1>, vector<16xi32>
        %get3A_240 = arith.constant 115 : index
        %get3A_241 = tpu.vector_load %arg6[%get3A_240] {strides = array<i32>} : memref<256xf32, #tpu.memory_space<vmem>>, vector<16xf32>,
        %gather3A_242 = tpu.vector_load_idx %arg8[%select_n3A_231] : memref<40960xf32, #tpu.memory_space<vmem>>[vector<16xi32>], vector<16xf32>,
        %gather3A_243 = tpu.vector_load_idx %arg8[%select_n3A_239] : memref<40960xf32, #tpu.memory_space<vmem>>[vector<16xi32>], vector<16xf32>,
        %mul3A_244 = arith.mulf %gather3A_242, %get3A_241 : vector<16xf32>
        %add3A_245 = arith.addf %scan3A_158#3, %mul3A_244 : vector<16xf32>
        %mul3A_246 = arith.mulf %gather3A_242, %gather3A_242 : vector<16xf32>
        %add3A_247 = arith.addf %scan3A_158#7, %mul3A_246 : vector<16xf32>
        %mul3A_248 = arith.mulf %gather3A_243, %get3A_241 : vector<16xf32>
        %add3A_249 = arith.addf %scan3A_158#11, %mul3A_248 : vector<16xf32>
        %mul3A_250 = arith.mulf %gather3A_243, %gather3A_243 : vector<16xf32>
        %add3A_251 = arith.addf %scan3A_158#15, %mul3A_250 : vector<16xf32>
        %add3A_252 = arith.constant 1 : i32
        %add3A_253 = vector.broadcast %add3A_252 : i32 to vector<16xi32>
        %add3A_254 = arith.addi %select_n3A_231, %add3A_253 : vector<16xi32>
        %ge3A_255 = arith.cmpi sge, %add3A_254, %add3A_137 : vector<16xi32>
        %sub3A_256 = arith.constant 128 : i32
        %sub3A_257 = vector.broadcast %sub3A_256 : i32 to vector<16xi32>
        %sub3A_258 = arith.subi %add3A_254, %sub3A_257 : vector<16xi32>
        %select_n3A_259 = arith.select %ge3A_255, %sub3A_258, %add3A_254 : vector<16xi1>, vector<16xi32>
        %add3A_260 = arith.constant 1 : i32
        %add3A_261 = vector.broadcast %add3A_260 : i32 to vector<16xi32>
        %add3A_262 = arith.addi %select_n3A_239, %add3A_261 : vector<16xi32>
        %ge3A_263 = arith.cmpi sge, %add3A_262, %add3A_151 : vector<16xi32>
        %sub3A_264 = arith.constant 128 : i32
        %sub3A_265 = vector.broadcast %sub3A_264 : i32 to vector<16xi32>
        %sub3A_266 = arith.subi %add3A_262, %sub3A_265 : vector<16xi32>
        %select_n3A_267 = arith.select %ge3A_263, %sub3A_266, %add3A_262 : vector<16xi1>, vector<16xi32>
        %get3A_268 = arith.constant 116 : index
        %get3A_269 = tpu.vector_load %arg6[%get3A_268] {strides = array<i32>} : memref<256xf32, #tpu.memory_space<vmem>>, vector<16xf32>,
        %gather3A_270 = tpu.vector_load_idx %arg8[%select_n3A_259] : memref<40960xf32, #tpu.memory_space<vmem>>[vector<16xi32>], vector<16xf32>,
        %gather3A_271 = tpu.vector_load_idx %arg8[%select_n3A_267] : memref<40960xf32, #tpu.memory_space<vmem>>[vector<16xi32>], vector<16xf32>,
        %mul3A_272 = arith.mulf %gather3A_270, %get3A_269 : vector<16xf32>
        %add3A_273 = arith.addf %add3A_164, %mul3A_272 : vector<16xf32>
        %mul3A_274 = arith.mulf %gather3A_270, %gather3A_270 : vector<16xf32>
        %add3A_275 = arith.addf %add3A_166, %mul3A_274 : vector<16xf32>
        %mul3A_276 = arith.mulf %gather3A_271, %get3A_269 : vector<16xf32>
        %add3A_277 = arith.addf %add3A_168, %mul3A_276 : vector<16xf32>
        %mul3A_278 = arith.mulf %gather3A_271, %gather3A_271 : vector<16xf32>
        %add3A_279 = arith.addf %add3A_170, %mul3A_278 : vector<16xf32>
        %add3A_280 = arith.constant 1 : i32
        %add3A_281 = vector.broadcast %add3A_280 : i32 to vector<16xi32>
        %add3A_282 = arith.addi %select_n3A_259, %add3A_281 : vector<16xi32>
        %ge3A_283 = arith.cmpi sge, %add3A_282, %add3A_137 : vector<16xi32>
        %sub3A_284 = arith.constant 128 : i32
        %sub3A_285 = vector.broadcast %sub3A_284 : i32 to vector<16xi32>
        %sub3A_286 = arith.subi %add3A_282, %sub3A_285 : vector<16xi32>
        %select_n3A_287 = arith.select %ge3A_283, %sub3A_286, %add3A_282 : vector<16xi1>, vector<16xi32>
        %add3A_288 = arith.constant 1 : i32
        %add3A_289 = vector.broadcast %add3A_288 : i32 to vector<16xi32>
        %add3A_290 = arith.addi %select_n3A_267, %add3A_289 : vector<16xi32>
        %ge3A_291 = arith.cmpi sge, %add3A_290, %add3A_151 : vector<16xi32>
        %sub3A_292 = arith.constant 128 : i32
        %sub3A_293 = vector.broadcast %sub3A_292 : i32 to vector<16xi32>
        %sub3A_294 = arith.subi %add3A_290, %sub3A_293 : vector<16xi32>
        %select_n3A_295 = arith.select %ge3A_291, %sub3A_294, %add3A_290 : vector<16xi1>, vector<16xi32>
        %get3A_296 = arith.constant 117 : index
        %get3A_297 = tpu.vector_load %arg6[%get3A_296] {strides = array<i32>} : memref<256xf32, #tpu.memory_space<vmem>>, vector<16xf32>,
        %gather3A_298 = tpu.vector_load_idx %arg8[%select_n3A_287] : memref<40960xf32, #tpu.memory_space<vmem>>[vector<16xi32>], vector<16xf32>,
        %gather3A_299 = tpu.vector_load_idx %arg8[%select_n3A_295] : memref<40960xf32, #tpu.memory_space<vmem>>[vector<16xi32>], vector<16xf32>,
        %mul3A_300 = arith.mulf %gather3A_298, %get3A_297 : vector<16xf32>
        %add3A_301 = arith.addf %add3A_189, %mul3A_300 : vector<16xf32>
        %mul3A_302 = arith.mulf %gather3A_298, %gather3A_298 : vector<16xf32>
        %add3A_303 = arith.addf %add3A_191, %mul3A_302 : vector<16xf32>
        %mul3A_304 = arith.mulf %gather3A_299, %get3A_297 : vector<16xf32>
        %add3A_305 = arith.addf %add3A_193, %mul3A_304 : vector<16xf32>
        %mul3A_306 = arith.mulf %gather3A_299, %gather3A_299 : vector<16xf32>
        %add3A_307 = arith.addf %add3A_195, %mul3A_306 : vector<16xf32>
        %add3A_308 = arith.constant 1 : i32
        %add3A_309 = vector.broadcast %add3A_308 : i32 to vector<16xi32>
        %add3A_310 = arith.addi %select_n3A_287, %add3A_309 : vector<16xi32>
        %ge3A_311 = arith.cmpi sge, %add3A_310, %add3A_137 : vector<16xi32>
        %sub3A_312 = arith.constant 128 : i32
        %sub3A_313 = vector.broadcast %sub3A_312 : i32 to vector<16xi32>
        %sub3A_314 = arith.subi %add3A_310, %sub3A_313 : vector<16xi32>
        %select_n3A_315 = arith.select %ge3A_311, %sub3A_314, %add3A_310 : vector<16xi1>, vector<16xi32>
        %add3A_316 = arith.constant 1 : i32
        %add3A_317 = vector.broadcast %add3A_316 : i32 to vector<16xi32>
        %add3A_318 = arith.addi %select_n3A_295, %add3A_317 : vector<16xi32>
        %ge3A_319 = arith.cmpi sge, %add3A_318, %add3A_151 : vector<16xi32>
        %sub3A_320 = arith.constant 128 : i32
        %sub3A_321 = vector.broadcast %sub3A_320 : i32 to vector<16xi32>
        %sub3A_322 = arith.subi %add3A_318, %sub3A_321 : vector<16xi32>
        %select_n3A_323 = arith.select %ge3A_319, %sub3A_322, %add3A_318 : vector<16xi1>, vector<16xi32>
        %get3A_324 = arith.constant 118 : index
        %get3A_325 = tpu.vector_load %arg6[%get3A_324] {strides = array<i32>} : memref<256xf32, #tpu.memory_space<vmem>>, vector<16xf32>,
        %gather3A_326 = tpu.vector_load_idx %arg8[%select_n3A_315] : memref<40960xf32, #tpu.memory_space<vmem>>[vector<16xi32>], vector<16xf32>,
        %gather3A_327 = tpu.vector_load_idx %arg8[%select_n3A_323] : memref<40960xf32, #tpu.memory_space<vmem>>[vector<16xi32>], vector<16xf32>,
        %mul3A_328 = arith.mulf %gather3A_326, %get3A_325 : vector<16xf32>
        %add3A_329 = arith.addf %add3A_217, %mul3A_328 : vector<16xf32>
        %mul3A_330 = arith.mulf %gather3A_326, %gather3A_326 : vector<16xf32>
        %add3A_331 = arith.addf %add3A_219, %mul3A_330 : vector<16xf32>
        %mul3A_332 = arith.mulf %gather3A_327, %get3A_325 : vector<16xf32>
        %add3A_333 = arith.addf %add3A_221, %mul3A_332 : vector<16xf32>
        %mul3A_334 = arith.mulf %gather3A_327, %gather3A_327 : vector<16xf32>
        %add3A_335 = arith.addf %add3A_223, %mul3A_334 : vector<16xf32>
        %add3A_336 = arith.constant 1 : i32
        %add3A_337 = vector.broadcast %add3A_336 : i32 to vector<16xi32>
        %add3A_338 = arith.addi %select_n3A_315, %add3A_337 : vector<16xi32>
        %ge3A_339 = arith.cmpi sge, %add3A_338, %add3A_137 : vector<16xi32>
        %sub3A_340 = arith.constant 128 : i32
        %sub3A_341 = vector.broadcast %sub3A_340 : i32 to vector<16xi32>
        %sub3A_342 = arith.subi %add3A_338, %sub3A_341 : vector<16xi32>
        %select_n3A_343 = arith.select %ge3A_339, %sub3A_342, %add3A_338 : vector<16xi1>, vector<16xi32>
        %add3A_344 = arith.constant 1 : i32
        %add3A_345 = vector.broadcast %add3A_344 : i32 to vector<16xi32>
        %add3A_346 = arith.addi %select_n3A_323, %add3A_345 : vector<16xi32>
        %ge3A_347 = arith.cmpi sge, %add3A_346, %add3A_151 : vector<16xi32>
        %sub3A_348 = arith.constant 128 : i32
        %sub3A_349 = vector.broadcast %sub3A_348 : i32 to vector<16xi32>
        %sub3A_350 = arith.subi %add3A_346, %sub3A_349 : vector<16xi32>
        %select_n3A_351 = arith.select %ge3A_347, %sub3A_350, %add3A_346 : vector<16xi1>, vector<16xi32>
        %get3A_352 = arith.constant 119 : index
        %get3A_353 = tpu.vector_load %arg6[%get3A_352] {strides = array<i32>} : memref<256xf32, #tpu.memory_space<vmem>>, vector<16xf32>,
        %gather3A_354 = tpu.vector_load_idx %arg8[%select_n3A_343] : memref<40960xf32, #tpu.memory_space<vmem>>[vector<16xi32>], vector<16xf32>,
        %gather3A_355 = tpu.vector_load_idx %arg8[%select_n3A_351] : memref<40960xf32, #tpu.memory_space<vmem>>[vector<16xi32>], vector<16xf32>,
        %mul3A_356 = arith.mulf %gather3A_354, %get3A_353 : vector<16xf32>
        %add3A_357 = arith.addf %add3A_245, %mul3A_356 : vector<16xf32>
        %mul3A_358 = arith.mulf %gather3A_354, %gather3A_354 : vector<16xf32>
        %add3A_359 = arith.addf %add3A_247, %mul3A_358 : vector<16xf32>
        %mul3A_360 = arith.mulf %gather3A_355, %get3A_353 : vector<16xf32>
        %add3A_361 = arith.addf %add3A_249, %mul3A_360 : vector<16xf32>
        %mul3A_362 = arith.mulf %gather3A_355, %gather3A_355 : vector<16xf32>
        %add3A_363 = arith.addf %add3A_251, %mul3A_362 : vector<16xf32>
        %add3A_364 = arith.constant 1 : i32
        %add3A_365 = vector.broadcast %add3A_364 : i32 to vector<16xi32>
        %add3A_366 = arith.addi %select_n3A_343, %add3A_365 : vector<16xi32>
        %ge3A_367 = arith.cmpi sge, %add3A_366, %add3A_137 : vector<16xi32>
        %sub3A_368 = arith.constant 128 : i32
        %sub3A_369 = vector.broadcast %sub3A_368 : i32 to vector<16xi32>
        %sub3A_370 = arith.subi %add3A_366, %sub3A_369 : vector<16xi32>
        %select_n3A_371 = arith.select %ge3A_367, %sub3A_370, %add3A_366 : vector<16xi1>, vector<16xi32>
        %add3A_372 = arith.constant 1 : i32
        %add3A_373 = vector.broadcast %add3A_372 : i32 to vector<16xi32>
        %add3A_374 = arith.addi %select_n3A_351, %add3A_373 : vector<16xi32>
        %ge3A_375 = arith.cmpi sge, %add3A_374, %add3A_151 : vector<16xi32>
        %sub3A_376 = arith.constant 128 : i32
        %sub3A_377 = vector.broadcast %sub3A_376 : i32 to vector<16xi32>
        %sub3A_378 = arith.subi %add3A_374, %sub3A_377 : vector<16xi32>
        %select_n3A_379 = arith.select %ge3A_375, %sub3A_378, %add3A_374 : vector<16xi1>, vector<16xi32>
        %get3A_380 = arith.constant 120 : index
        %get3A_381 = tpu.vector_load %arg6[%get3A_380] {strides = array<i32>} : memref<256xf32, #tpu.memory_space<vmem>>, vector<16xf32>,
        %gather3A_382 = tpu.vector_load_idx %arg8[%select_n3A_371] : memref<40960xf32, #tpu.memory_space<vmem>>[vector<16xi32>], vector<16xf32>,
        %gather3A_383 = tpu.vector_load_idx %arg8[%select_n3A_379] : memref<40960xf32, #tpu.memory_space<vmem>>[vector<16xi32>], vector<16xf32>,
        %mul3A_384 = arith.mulf %gather3A_382, %get3A_381 : vector<16xf32>
        %add3A_385 = arith.addf %add3A_273, %mul3A_384 : vector<16xf32>
        %mul3A_386 = arith.mulf %gather3A_382, %gather3A_382 : vector<16xf32>
        %add3A_387 = arith.addf %add3A_275, %mul3A_386 : vector<16xf32>
        %mul3A_388 = arith.mulf %gather3A_383, %get3A_381 : vector<16xf32>
        %add3A_389 = arith.addf %add3A_277, %mul3A_388 : vector<16xf32>
        %mul3A_390 = arith.mulf %gather3A_383, %gather3A_383 : vector<16xf32>
        %add3A_391 = arith.addf %add3A_279, %mul3A_390 : vector<16xf32>
        %add3A_392 = arith.constant 1 : i32
        %add3A_393 = vector.broadcast %add3A_392 : i32 to vector<16xi32>
        %add3A_394 = arith.addi %select_n3A_371, %add3A_393 : vector<16xi32>
        %ge3A_395 = arith.cmpi sge, %add3A_394, %add3A_137 : vector<16xi32>
        %sub3A_396 = arith.constant 128 : i32
        %sub3A_397 = vector.broadcast %sub3A_396 : i32 to vector<16xi32>
        %sub3A_398 = arith.subi %add3A_394, %sub3A_397 : vector<16xi32>
        %select_n3A_399 = arith.select %ge3A_395, %sub3A_398, %add3A_394 : vector<16xi1>, vector<16xi32>
        %add3A_400 = arith.constant 1 : i32
        %add3A_401 = vector.broadcast %add3A_400 : i32 to vector<16xi32>
        %add3A_402 = arith.addi %select_n3A_379, %add3A_401 : vector<16xi32>
        %ge3A_403 = arith.cmpi sge, %add3A_402, %add3A_151 : vector<16xi32>
        %sub3A_404 = arith.constant 128 : i32
        %sub3A_405 = vector.broadcast %sub3A_404 : i32 to vector<16xi32>
        %sub3A_406 = arith.subi %add3A_402, %sub3A_405 : vector<16xi32>
        %select_n3A_407 = arith.select %ge3A_403, %sub3A_406, %add3A_402 : vector<16xi1>, vector<16xi32>
        %get3A_408 = arith.constant 121 : index
        %get3A_409 = tpu.vector_load %arg6[%get3A_408] {strides = array<i32>} : memref<256xf32, #tpu.memory_space<vmem>>, vector<16xf32>,
        %gather3A_410 = tpu.vector_load_idx %arg8[%select_n3A_399] : memref<40960xf32, #tpu.memory_space<vmem>>[vector<16xi32>], vector<16xf32>,
        %gather3A_411 = tpu.vector_load_idx %arg8[%select_n3A_407] : memref<40960xf32, #tpu.memory_space<vmem>>[vector<16xi32>], vector<16xf32>,
        %mul3A_412 = arith.mulf %gather3A_410, %get3A_409 : vector<16xf32>
        %add3A_413 = arith.addf %add3A_301, %mul3A_412 : vector<16xf32>
        %mul3A_414 = arith.mulf %gather3A_410, %gather3A_410 : vector<16xf32>
        %add3A_415 = arith.addf %add3A_303, %mul3A_414 : vector<16xf32>
        %mul3A_416 = arith.mulf %gather3A_411, %get3A_409 : vector<16xf32>
        %add3A_417 = arith.addf %add3A_305, %mul3A_416 : vector<16xf32>
        %mul3A_418 = arith.mulf %gather3A_411, %gather3A_411 : vector<16xf32>
        %add3A_419 = arith.addf %add3A_307, %mul3A_418 : vector<16xf32>
        %add3A_420 = arith.constant 1 : i32
        %add3A_421 = vector.broadcast %add3A_420 : i32 to vector<16xi32>
        %add3A_422 = arith.addi %select_n3A_399, %add3A_421 : vector<16xi32>
        %ge3A_423 = arith.cmpi sge, %add3A_422, %add3A_137 : vector<16xi32>
        %sub3A_424 = arith.constant 128 : i32
        %sub3A_425 = vector.broadcast %sub3A_424 : i32 to vector<16xi32>
        %sub3A_426 = arith.subi %add3A_422, %sub3A_425 : vector<16xi32>
        %select_n3A_427 = arith.select %ge3A_423, %sub3A_426, %add3A_422 : vector<16xi1>, vector<16xi32>
        %add3A_428 = arith.constant 1 : i32
        %add3A_429 = vector.broadcast %add3A_428 : i32 to vector<16xi32>
        %add3A_430 = arith.addi %select_n3A_407, %add3A_429 : vector<16xi32>
        %ge3A_431 = arith.cmpi sge, %add3A_430, %add3A_151 : vector<16xi32>
        %sub3A_432 = arith.constant 128 : i32
        %sub3A_433 = vector.broadcast %sub3A_432 : i32 to vector<16xi32>
        %sub3A_434 = arith.subi %add3A_430, %sub3A_433 : vector<16xi32>
        %select_n3A_435 = arith.select %ge3A_431, %sub3A_434, %add3A_430 : vector<16xi1>, vector<16xi32>
        %get3A_436 = arith.constant 122 : index
        %get3A_437 = tpu.vector_load %arg6[%get3A_436] {strides = array<i32>} : memref<256xf32, #tpu.memory_space<vmem>>, vector<16xf32>,
        %gather3A_438 = tpu.vector_load_idx %arg8[%select_n3A_427] : memref<40960xf32, #tpu.memory_space<vmem>>[vector<16xi32>], vector<16xf32>,
        %gather3A_439 = tpu.vector_load_idx %arg8[%select_n3A_435] : memref<40960xf32, #tpu.memory_space<vmem>>[vector<16xi32>], vector<16xf32>,
        %mul3A_440 = arith.mulf %gather3A_438, %get3A_437 : vector<16xf32>
        %add3A_441 = arith.addf %add3A_329, %mul3A_440 : vector<16xf32>
        %mul3A_442 = arith.mulf %gather3A_438, %gather3A_438 : vector<16xf32>
        %add3A_443 = arith.addf %add3A_331, %mul3A_442 : vector<16xf32>
        %mul3A_444 = arith.mulf %gather3A_439, %get3A_437 : vector<16xf32>
        %add3A_445 = arith.addf %add3A_333, %mul3A_444 : vector<16xf32>
        %mul3A_446 = arith.mulf %gather3A_439, %gather3A_439 : vector<16xf32>
        %add3A_447 = arith.addf %add3A_335, %mul3A_446 : vector<16xf32>
        %add3A_448 = arith.constant 1 : i32
        %add3A_449 = vector.broadcast %add3A_448 : i32 to vector<16xi32>
        %add3A_450 = arith.addi %select_n3A_427, %add3A_449 : vector<16xi32>
        %ge3A_451 = arith.cmpi sge, %add3A_450, %add3A_137 : vector<16xi32>
        %sub3A_452 = arith.constant 128 : i32
        %sub3A_453 = vector.broadcast %sub3A_452 : i32 to vector<16xi32>
        %sub3A_454 = arith.subi %add3A_450, %sub3A_453 : vector<16xi32>
        %select_n3A_455 = arith.select %ge3A_451, %sub3A_454, %add3A_450 : vector<16xi1>, vector<16xi32>
        %add3A_456 = arith.constant 1 : i32
        %add3A_457 = vector.broadcast %add3A_456 : i32 to vector<16xi32>
        %add3A_458 = arith.addi %select_n3A_435, %add3A_457 : vector<16xi32>
        %ge3A_459 = arith.cmpi sge, %add3A_458, %add3A_151 : vector<16xi32>
        %sub3A_460 = arith.constant 128 : i32
        %sub3A_461 = vector.broadcast %sub3A_460 : i32 to vector<16xi32>
        %sub3A_462 = arith.subi %add3A_458, %sub3A_461 : vector<16xi32>
        %select_n3A_463 = arith.select %ge3A_459, %sub3A_462, %add3A_458 : vector<16xi1>, vector<16xi32>
        %get3A_464 = arith.constant 123 : index
        %get3A_465 = tpu.vector_load %arg6[%get3A_464] {strides = array<i32>} : memref<256xf32, #tpu.memory_space<vmem>>, vector<16xf32>,
        %gather3A_466 = tpu.vector_load_idx %arg8[%select_n3A_455] : memref<40960xf32, #tpu.memory_space<vmem>>[vector<16xi32>], vector<16xf32>,
        %gather3A_467 = tpu.vector_load_idx %arg8[%select_n3A_463] : memref<40960xf32, #tpu.memory_space<vmem>>[vector<16xi32>], vector<16xf32>,
        %mul3A_468 = arith.mulf %gather3A_466, %get3A_465 : vector<16xf32>
        %add3A_469 = arith.addf %add3A_357, %mul3A_468 : vector<16xf32>
        %mul3A_470 = arith.mulf %gather3A_466, %gather3A_466 : vector<16xf32>
        %add3A_471 = arith.addf %add3A_359, %mul3A_470 : vector<16xf32>
        %mul3A_472 = arith.mulf %gather3A_467, %get3A_465 : vector<16xf32>
        %add3A_473 = arith.addf %add3A_361, %mul3A_472 : vector<16xf32>
        %mul3A_474 = arith.mulf %gather3A_467, %gather3A_467 : vector<16xf32>
        %add3A_475 = arith.addf %add3A_363, %mul3A_474 : vector<16xf32>
        %add3A_476 = arith.constant 1 : i32
        %add3A_477 = vector.broadcast %add3A_476 : i32 to vector<16xi32>
        %add3A_478 = arith.addi %select_n3A_455, %add3A_477 : vector<16xi32>
        %ge3A_479 = arith.cmpi sge, %add3A_478, %add3A_137 : vector<16xi32>
        %sub3A_480 = arith.constant 128 : i32
        %sub3A_481 = vector.broadcast %sub3A_480 : i32 to vector<16xi32>
        %sub3A_482 = arith.subi %add3A_478, %sub3A_481 : vector<16xi32>
        %select_n3A_483 = arith.select %ge3A_479, %sub3A_482, %add3A_478 : vector<16xi1>, vector<16xi32>
        %add3A_484 = arith.constant 1 : i32
        %add3A_485 = vector.broadcast %add3A_484 : i32 to vector<16xi32>
        %add3A_486 = arith.addi %select_n3A_463, %add3A_485 : vector<16xi32>
        %ge3A_487 = arith.cmpi sge, %add3A_486, %add3A_151 : vector<16xi32>
        %sub3A_488 = arith.constant 128 : i32
        %sub3A_489 = vector.broadcast %sub3A_488 : i32 to vector<16xi32>
        %sub3A_490 = arith.subi %add3A_486, %sub3A_489 : vector<16xi32>
        %select_n3A_491 = arith.select %ge3A_487, %sub3A_490, %add3A_486 : vector<16xi1>, vector<16xi32>
        %get3A_492 = arith.constant 124 : index
        %get3A_493 = tpu.vector_load %arg6[%get3A_492] {strides = array<i32>} : memref<256xf32, #tpu.memory_space<vmem>>, vector<16xf32>,
        %gather3A_494 = tpu.vector_load_idx %arg8[%select_n3A_483] : memref<40960xf32, #tpu.memory_space<vmem>>[vector<16xi32>], vector<16xf32>,
        %gather3A_495 = tpu.vector_load_idx %arg8[%select_n3A_491] : memref<40960xf32, #tpu.memory_space<vmem>>[vector<16xi32>], vector<16xf32>,
        %mul3A_496 = arith.mulf %gather3A_494, %get3A_493 : vector<16xf32>
        %add3A_497 = arith.addf %add3A_385, %mul3A_496 : vector<16xf32>
        %mul3A_498 = arith.mulf %gather3A_494, %gather3A_494 : vector<16xf32>
        %add3A_499 = arith.addf %add3A_387, %mul3A_498 : vector<16xf32>
        %mul3A_500 = arith.mulf %gather3A_495, %get3A_493 : vector<16xf32>
        %add3A_501 = arith.addf %add3A_389, %mul3A_500 : vector<16xf32>
        %mul3A_502 = arith.mulf %gather3A_495, %gather3A_495 : vector<16xf32>
        %add3A_503 = arith.addf %add3A_391, %mul3A_502 : vector<16xf32>
        %add3A_504 = arith.constant 1 : i32
        %add3A_505 = vector.broadcast %add3A_504 : i32 to vector<16xi32>
        %add3A_506 = arith.addi %select_n3A_483, %add3A_505 : vector<16xi32>
        %ge3A_507 = arith.cmpi sge, %add3A_506, %add3A_137 : vector<16xi32>
        %sub3A_508 = arith.constant 128 : i32
        %sub3A_509 = vector.broadcast %sub3A_508 : i32 to vector<16xi32>
        %sub3A_510 = arith.subi %add3A_506, %sub3A_509 : vector<16xi32>
        %select_n3A_511 = arith.select %ge3A_507, %sub3A_510, %add3A_506 : vector<16xi1>, vector<16xi32>
        %add3A_512 = arith.constant 1 : i32
        %add3A_513 = vector.broadcast %add3A_512 : i32 to vector<16xi32>
        %add3A_514 = arith.addi %select_n3A_491, %add3A_513 : vector<16xi32>
        %ge3A_515 = arith.cmpi sge, %add3A_514, %add3A_151 : vector<16xi32>
        %sub3A_516 = arith.constant 128 : i32
        %sub3A_517 = vector.broadcast %sub3A_516 : i32 to vector<16xi32>
        %sub3A_518 = arith.subi %add3A_514, %sub3A_517 : vector<16xi32>
        %select_n3A_519 = arith.select %ge3A_515, %sub3A_518, %add3A_514 : vector<16xi1>, vector<16xi32>
        %get3A_520 = arith.constant 125 : index
        %get3A_521 = tpu.vector_load %arg6[%get3A_520] {strides = array<i32>} : memref<256xf32, #tpu.memory_space<vmem>>, vector<16xf32>,
        %gather3A_522 = tpu.vector_load_idx %arg8[%select_n3A_511] : memref<40960xf32, #tpu.memory_space<vmem>>[vector<16xi32>], vector<16xf32>,
        %gather3A_523 = tpu.vector_load_idx %arg8[%select_n3A_519] : memref<40960xf32, #tpu.memory_space<vmem>>[vector<16xi32>], vector<16xf32>,
        %mul3A_524 = arith.mulf %gather3A_522, %get3A_521 : vector<16xf32>
        %add3A_525 = arith.addf %add3A_413, %mul3A_524 : vector<16xf32>
        %mul3A_526 = arith.mulf %gather3A_522, %gather3A_522 : vector<16xf32>
        %add3A_527 = arith.addf %add3A_415, %mul3A_526 : vector<16xf32>
        %mul3A_528 = arith.mulf %gather3A_523, %get3A_521 : vector<16xf32>
        %add3A_529 = arith.addf %add3A_417, %mul3A_528 : vector<16xf32>
        %mul3A_530 = arith.mulf %gather3A_523, %gather3A_523 : vector<16xf32>
        %add3A_531 = arith.addf %add3A_419, %mul3A_530 : vector<16xf32>
        %add3A_532 = arith.constant 1 : i32
        %add3A_533 = vector.broadcast %add3A_532 : i32 to vector<16xi32>
        %add3A_534 = arith.addi %select_n3A_511, %add3A_533 : vector<16xi32>
        %ge3A_535 = arith.cmpi sge, %add3A_534, %add3A_137 : vector<16xi32>
        %sub3A_536 = arith.constant 128 : i32
        %sub3A_537 = vector.broadcast %sub3A_536 : i32 to vector<16xi32>
        %sub3A_538 = arith.subi %add3A_534, %sub3A_537 : vector<16xi32>
        %select_n3A_539 = arith.select %ge3A_535, %sub3A_538, %add3A_534 : vector<16xi1>, vector<16xi32>
        %add3A_540 = arith.constant 1 : i32
        %add3A_541 = vector.broadcast %add3A_540 : i32 to vector<16xi32>
        %add3A_542 = arith.addi %select_n3A_519, %add3A_541 : vector<16xi32>
        %ge3A_543 = arith.cmpi sge, %add3A_542, %add3A_151 : vector<16xi32>
        %sub3A_544 = arith.constant 128 : i32
        %sub3A_545 = vector.broadcast %sub3A_544 : i32 to vector<16xi32>
        %sub3A_546 = arith.subi %add3A_542, %sub3A_545 : vector<16xi32>
        %select_n3A_547 = arith.select %ge3A_543, %sub3A_546, %add3A_542 : vector<16xi1>, vector<16xi32>
        %get3A_548 = arith.constant 126 : index
        %get3A_549 = tpu.vector_load %arg6[%get3A_548] {strides = array<i32>} : memref<256xf32, #tpu.memory_space<vmem>>, vector<16xf32>,
        %gather3A_550 = tpu.vector_load_idx %arg8[%select_n3A_539] : memref<40960xf32, #tpu.memory_space<vmem>>[vector<16xi32>], vector<16xf32>,
        %gather3A_551 = tpu.vector_load_idx %arg8[%select_n3A_547] : memref<40960xf32, #tpu.memory_space<vmem>>[vector<16xi32>], vector<16xf32>,
        %mul3A_552 = arith.mulf %gather3A_550, %get3A_549 : vector<16xf32>
        %add3A_553 = arith.addf %add3A_441, %mul3A_552 : vector<16xf32>
        %mul3A_554 = arith.mulf %gather3A_550, %gather3A_550 : vector<16xf32>
        %add3A_555 = arith.addf %add3A_443, %mul3A_554 : vector<16xf32>
        %mul3A_556 = arith.mulf %gather3A_551, %get3A_549 : vector<16xf32>
        %add3A_557 = arith.addf %add3A_445, %mul3A_556 : vector<16xf32>
        %mul3A_558 = arith.mulf %gather3A_551, %gather3A_551 : vector<16xf32>
        %add3A_559 = arith.addf %add3A_447, %mul3A_558 : vector<16xf32>
        %add3A_560 = arith.constant 1 : i32
        %add3A_561 = vector.broadcast %add3A_560 : i32 to vector<16xi32>
        %add3A_562 = arith.addi %select_n3A_539, %add3A_561 : vector<16xi32>
        %ge3A_563 = arith.cmpi sge, %add3A_562, %add3A_137 : vector<16xi32>
        %sub3A_564 = arith.constant 128 : i32
        %sub3A_565 = vector.broadcast %sub3A_564 : i32 to vector<16xi32>
        %sub3A_566 = arith.subi %add3A_562, %sub3A_565 : vector<16xi32>
        %select_n3A_567 = arith.select %ge3A_563, %sub3A_566, %add3A_562 : vector<16xi1>, vector<16xi32>
        %add3A_568 = arith.constant 1 : i32
        %add3A_569 = vector.broadcast %add3A_568 : i32 to vector<16xi32>
        %add3A_570 = arith.addi %select_n3A_547, %add3A_569 : vector<16xi32>
        %ge3A_571 = arith.cmpi sge, %add3A_570, %add3A_151 : vector<16xi32>
        %sub3A_572 = arith.constant 128 : i32
        %sub3A_573 = vector.broadcast %sub3A_572 : i32 to vector<16xi32>
        %sub3A_574 = arith.subi %add3A_570, %sub3A_573 : vector<16xi32>
        %select_n3A_575 = arith.select %ge3A_571, %sub3A_574, %add3A_570 : vector<16xi1>, vector<16xi32>
        %get3A_576 = arith.constant 127 : index
        %get3A_577 = tpu.vector_load %arg6[%get3A_576] {strides = array<i32>} : memref<256xf32, #tpu.memory_space<vmem>>, vector<16xf32>,
        %gather3A_578 = tpu.vector_load_idx %arg8[%select_n3A_567] : memref<40960xf32, #tpu.memory_space<vmem>>[vector<16xi32>], vector<16xf32>,
        %gather3A_579 = tpu.vector_load_idx %arg8[%select_n3A_575] : memref<40960xf32, #tpu.memory_space<vmem>>[vector<16xi32>], vector<16xf32>,
        %mul3A_580 = arith.mulf %gather3A_578, %get3A_577 : vector<16xf32>
        %add3A_581 = arith.addf %add3A_469, %mul3A_580 : vector<16xf32>
        %mul3A_582 = arith.mulf %gather3A_578, %gather3A_578 : vector<16xf32>
        %add3A_583 = arith.addf %add3A_471, %mul3A_582 : vector<16xf32>
        %mul3A_584 = arith.mulf %gather3A_579, %get3A_577 : vector<16xf32>
        %add3A_585 = arith.addf %add3A_473, %mul3A_584 : vector<16xf32>
        %mul3A_586 = arith.mulf %gather3A_579, %gather3A_579 : vector<16xf32>
        %add3A_587 = arith.addf %add3A_475, %mul3A_586 : vector<16xf32>
        %add3A_588 = arith.constant 1 : i32
        %add3A_589 = vector.broadcast %add3A_588 : i32 to vector<16xi32>
        %add3A_590 = arith.addi %select_n3A_567, %add3A_589 : vector<16xi32>
        %ge3A_591 = arith.cmpi sge, %add3A_590, %add3A_137 : vector<16xi32>
        %sub3A_592 = arith.constant 128 : i32
        %sub3A_593 = vector.broadcast %sub3A_592 : i32 to vector<16xi32>
        %sub3A_594 = arith.subi %add3A_590, %sub3A_593 : vector<16xi32>
        %select_n3A_595 = arith.select %ge3A_591, %sub3A_594, %add3A_590 : vector<16xi1>, vector<16xi32>
        %add3A_596 = arith.constant 1 : i32
        %add3A_597 = vector.broadcast %add3A_596 : i32 to vector<16xi32>
        %add3A_598 = arith.addi %select_n3A_575, %add3A_597 : vector<16xi32>
        %ge3A_599 = arith.cmpi sge, %add3A_598, %add3A_151 : vector<16xi32>
        %sub3A_600 = arith.constant 128 : i32
        %sub3A_601 = vector.broadcast %sub3A_600 : i32 to vector<16xi32>
        %sub3A_602 = arith.subi %add3A_598, %sub3A_601 : vector<16xi32>
        %select_n3A_603 = arith.select %ge3A_599, %sub3A_602, %add3A_598 : vector<16xi1>, vector<16xi32>
        %add3A_604 = arith.addf %add3A_497, %add3A_525 : vector<16xf32>
        %add3A_605 = arith.addf %add3A_553, %add3A_581 : vector<16xf32>
        %add3A_606 = arith.addf %add3A_604, %add3A_605 : vector<16xf32>
        %add3A_607 = arith.addf %add3A_499, %add3A_527 : vector<16xf32>
        %add3A_608 = arith.addf %add3A_555, %add3A_583 : vector<16xf32>
        %add3A_609 = arith.addf %add3A_607, %add3A_608 : vector<16xf32>
        %sign3A = tpu.bitcast %add3A_606 : vector<16xf32> -> vector<16xi32>
        %sign3A_610 = arith.constant -2147483648 : i32
        %sign3A_611 = vector.broadcast %sign3A_610 : i32 to vector<16xi32>
        %sign3A_612 = arith.andi %sign3A, %sign3A_611 : vector<16xi32>
        %sign3A_613 = arith.constant 1065353216 : i32
        %sign3A_614 = vector.broadcast %sign3A_613 : i32 to vector<16xi32>
        %sign3A_615 = arith.ori %sign3A_614, %sign3A_612 : vector<16xi32>
        %sign3A_616 = tpu.bitcast %sign3A_615 : vector<16xi32> -> vector<16xf32>
        %sign3A_617 = math.absf %add3A_606 : vector<16xf32>
        %sign3A_618 = arith.constant 0.000000e+00 : f32
        %sign3A_619 = vector.broadcast %sign3A_618 : f32 to vector<16xf32>
        %sign3A_620 = arith.cmpf ogt, %sign3A_617, %sign3A_619 : vector<16xf32>
        %sign3A_621 = arith.select %sign3A_620, %sign3A_616, %add3A_606 : vector<16xi1>, vector<16xf32>
        %mul3A_622 = arith.mulf %sign3A_621, %add3A_606 : vector<16xf32>
        %mul3A_623 = arith.mulf %mul3A_622, %add3A_606 : vector<16xf32>
        %max3A = arith.constant 1.000000e-30 : f32
        %max3A_624 = vector.broadcast %max3A : f32 to vector<16xf32>
        %max3A_625 = arith.maximumf %add3A_609, %max3A_624 : vector<16xf32>
        %div3A = arith.divf %mul3A_623, %max3A_625 : vector<16xf32>
        %mul3A_626 = arith.constant 2 : i32
        %mul3A_627 = arith.muli %mul3A_626, %scan3A_103 : i32
        %add3A_628 = arith.constant 0 : i32
        %add3A_629 = arith.addi %mul3A_627, %add3A_628 : i32
        %mul3A_630 = arith.constant 16 : i32
        %mul3A_631 = arith.muli %add3A_629, %mul3A_630 : i32
        %add3A_632 = arith.addi %mul3A_90, %mul3A_631 : i32
        %add3A_633 = vector.broadcast %add3A_632 : i32 to vector<16xi32>
        %add3A_634 = arith.addi %add3A_633, %iota3A : vector<16xi32>
        %gt3A = arith.cmpf ogt, %div3A, %scan3A_104 : vector<16xf32>
        %select_n3A_635 = arith.select %gt3A, %div3A, %scan3A_104 : vector<16xi1>, vector<16xf32>
        %select_n3A_636 = arith.select %gt3A, %add3A_634, %scan3A_105 : vector<16xi1>, vector<16xi32>
        %add3A_637 = arith.addf %add3A_501, %add3A_529 : vector<16xf32>
        %add3A_638 = arith.addf %add3A_557, %add3A_585 : vector<16xf32>
        %add3A_639 = arith.addf %add3A_637, %add3A_638 : vector<16xf32>
        %add3A_640 = arith.addf %add3A_503, %add3A_531 : vector<16xf32>
        %add3A_641 = arith.addf %add3A_559, %add3A_587 : vector<16xf32>
        %add3A_642 = arith.addf %add3A_640, %add3A_641 : vector<16xf32>
        %sign3A_643 = tpu.bitcast %add3A_639 : vector<16xf32> -> vector<16xi32>
        %sign3A_644 = arith.constant -2147483648 : i32
        %sign3A_645 = vector.broadcast %sign3A_644 : i32 to vector<16xi32>
        %sign3A_646 = arith.andi %sign3A_643, %sign3A_645 : vector<16xi32>
        %sign3A_647 = arith.constant 1065353216 : i32
        %sign3A_648 = vector.broadcast %sign3A_647 : i32 to vector<16xi32>
        %sign3A_649 = arith.ori %sign3A_648, %sign3A_646 : vector<16xi32>
        %sign3A_650 = tpu.bitcast %sign3A_649 : vector<16xi32> -> vector<16xf32>
        %sign3A_651 = math.absf %add3A_639 : vector<16xf32>
        %sign3A_652 = arith.constant 0.000000e+00 : f32
        %sign3A_653 = vector.broadcast %sign3A_652 : f32 to vector<16xf32>
        %sign3A_654 = arith.cmpf ogt, %sign3A_651, %sign3A_653 : vector<16xf32>
        %sign3A_655 = arith.select %sign3A_654, %sign3A_650, %add3A_639 : vector<16xi1>, vector<16xf32>
        %mul3A_656 = arith.mulf %sign3A_655, %add3A_639 : vector<16xf32>
        %mul3A_657 = arith.mulf %mul3A_656, %add3A_639 : vector<16xf32>
        %max3A_658 = arith.constant 1.000000e-30 : f32
        %max3A_659 = vector.broadcast %max3A_658 : f32 to vector<16xf32>
        %max3A_660 = arith.maximumf %add3A_642, %max3A_659 : vector<16xf32>
        %div3A_661 = arith.divf %mul3A_657, %max3A_660 : vector<16xf32>
        %mul3A_662 = arith.constant 2 : i32
        %mul3A_663 = arith.muli %mul3A_662, %scan3A_103 : i32
        %add3A_664 = arith.constant 1 : i32
        %add3A_665 = arith.addi %mul3A_663, %add3A_664 : i32
        %mul3A_666 = arith.constant 16 : i32
        %mul3A_667 = arith.muli %add3A_665, %mul3A_666 : i32
        %add3A_668 = arith.addi %mul3A_90, %mul3A_667 : i32
        %add3A_669 = vector.broadcast %add3A_668 : i32 to vector<16xi32>
        %add3A_670 = arith.addi %add3A_669, %iota3A : vector<16xi32>
        %gt3A_671 = arith.cmpf ogt, %div3A_661, %select_n3A_635 : vector<16xf32>
        %select_n3A_672 = arith.select %gt3A_671, %div3A_661, %select_n3A_635 : vector<16xi1>, vector<16xf32>
        %select_n3A_673 = arith.select %gt3A_671, %add3A_670, %select_n3A_636 : vector<16xi1>, vector<16xi32>
        scf.yield %select_n3A_672, %select_n3A_673 : vector<16xf32>, vector<16xi32>
      }
      %scan3A_98 = arith.constant 10 : i32
      %swap3A_99 = arith.constant 0 : index
      %swap3A_100 = tpu.vector_load %arg9[%swap3A_99] {strides = array<i32>} : memref<16xf32, #tpu.memory_space<vmem>>, vector<16xf32>,
      tpu.vector_store %arg9[%swap3A_99], %scan3A_97#0 {strides = array<i32>} : memref<16xf32, #tpu.memory_space<vmem>>, vector<16xf32>,
      %swap3A_101 = arith.constant 0 : index
      %swap3A_102 = tpu.vector_load %arg10[%swap3A_101] {strides = array<i32>} : memref<16xi32, #tpu.memory_space<vmem>>, vector<16xi32>,
      tpu.vector_store %arg10[%swap3A_101], %scan3A_97#1 {strides = array<i32>} : memref<16xi32, #tpu.memory_space<vmem>>, vector<16xi32>,
    } else {
    }
    "tpu.region"() ({
      %run_scoped3A_89 = tpu.sem_alloc : memref<!tpu.dma_semaphore, #tpu.memory_space<semaphore_mem>>
      %dma_start3A = arith.constant 0 : i32
      %dma_start3A_90 = tpu.memref_slice %arg4[%add3A, %dma_start3A] : memref<32x16xf32, #tpu.memory_space<hbm>> -> memref<1x16xf32, #tpu.memory_space<hbm>>
      %dma_start3A_91 = tpu.memref_squeeze %dma_start3A_90 : memref<1x16xf32, #tpu.memory_space<hbm>> -> memref<16xf32, #tpu.memory_space<hbm>>
      %dma_start3A_92 = arith.constant 0 : i32
      %dma_start3A_93 = tpu.memref_slice %arg4[%add3A, %dma_start3A_92] : memref<32x16xf32, #tpu.memory_space<hbm>> -> memref<1x16xf32, #tpu.memory_space<hbm>>
      %dma_start3A_94 = tpu.memref_squeeze %dma_start3A_93 : memref<1x16xf32, #tpu.memory_space<hbm>> -> memref<16xf32, #tpu.memory_space<hbm>>
      tpu.enqueue_dma source(%arg9 : memref<16xf32, #tpu.memory_space<vmem>>) target(%dma_start3A_94 : memref<16xf32, #tpu.memory_space<hbm>>) target_semaphore(%run_scoped3A_89 : memref<!tpu.dma_semaphore, #tpu.memory_space<semaphore_mem>>)
      %dma_wait3A = arith.constant 0 : i32
      %dma_wait3A_95 = tpu.memref_slice %arg4[%add3A, %dma_wait3A] : memref<32x16xf32, #tpu.memory_space<hbm>> -> memref<1x16xf32, #tpu.memory_space<hbm>>
      %dma_wait3A_96 = tpu.memref_squeeze %dma_wait3A_95 : memref<1x16xf32, #tpu.memory_space<hbm>> -> memref<16xf32, #tpu.memory_space<hbm>>
      %dma_wait3A_97 = arith.constant 0 : i32
      %dma_wait3A_98 = tpu.memref_slice %arg4[%add3A, %dma_wait3A_97] : memref<32x16xf32, #tpu.memory_space<hbm>> -> memref<1x16xf32, #tpu.memory_space<hbm>>
      %dma_wait3A_99 = tpu.memref_squeeze %dma_wait3A_98 : memref<1x16xf32, #tpu.memory_space<hbm>> -> memref<16xf32, #tpu.memory_space<hbm>>
      tpu.wait_dma2 semaphore(%run_scoped3A_89 : memref<!tpu.dma_semaphore, #tpu.memory_space<semaphore_mem>>) src(%arg9 : memref<16xf32, #tpu.memory_space<vmem>>) dst(%dma_wait3A_99 : memref<16xf32, #tpu.memory_space<hbm>>)
      tpu.yield
    }) : () -> ()
    "tpu.region"() ({
      %run_scoped3A_89 = tpu.sem_alloc : memref<!tpu.dma_semaphore, #tpu.memory_space<semaphore_mem>>
      %dma_start3A = arith.constant 0 : i32
      %dma_start3A_90 = tpu.memref_slice %arg5[%add3A, %dma_start3A] : memref<32x16xi32, #tpu.memory_space<hbm>> -> memref<1x16xi32, #tpu.memory_space<hbm>>
      %dma_start3A_91 = tpu.memref_squeeze %dma_start3A_90 : memref<1x16xi32, #tpu.memory_space<hbm>> -> memref<16xi32, #tpu.memory_space<hbm>>
      %dma_start3A_92 = arith.constant 0 : i32
      %dma_start3A_93 = tpu.memref_slice %arg5[%add3A, %dma_start3A_92] : memref<32x16xi32, #tpu.memory_space<hbm>> -> memref<1x16xi32, #tpu.memory_space<hbm>>
      %dma_start3A_94 = tpu.memref_squeeze %dma_start3A_93 : memref<1x16xi32, #tpu.memory_space<hbm>> -> memref<16xi32, #tpu.memory_space<hbm>>
      tpu.enqueue_dma source(%arg10 : memref<16xi32, #tpu.memory_space<vmem>>) target(%dma_start3A_94 : memref<16xi32, #tpu.memory_space<hbm>>) target_semaphore(%run_scoped3A_89 : memref<!tpu.dma_semaphore, #tpu.memory_space<semaphore_mem>>)
      %dma_wait3A = arith.constant 0 : i32
      %dma_wait3A_95 = tpu.memref_slice %arg5[%add3A, %dma_wait3A] : memref<32x16xi32, #tpu.memory_space<hbm>> -> memref<1x16xi32, #tpu.memory_space<hbm>>
      %dma_wait3A_96 = tpu.memref_squeeze %dma_wait3A_95 : memref<1x16xi32, #tpu.memory_space<hbm>> -> memref<16xi32, #tpu.memory_space<hbm>>
      %dma_wait3A_97 = arith.constant 0 : i32
      %dma_wait3A_98 = tpu.memref_slice %arg5[%add3A, %dma_wait3A_97] : memref<32x16xi32, #tpu.memory_space<hbm>> -> memref<1x16xi32, #tpu.memory_space<hbm>>
      %dma_wait3A_99 = tpu.memref_squeeze %dma_wait3A_98 : memref<1x16xi32, #tpu.memory_space<hbm>> -> memref<16xi32, #tpu.memory_space<hbm>>
      tpu.wait_dma2 semaphore(%run_scoped3A_89 : memref<!tpu.dma_semaphore, #tpu.memory_space<semaphore_mem>>) src(%arg10 : memref<16xi32, #tpu.memory_space<vmem>>) dst(%dma_wait3A_99 : memref<16xi32, #tpu.memory_space<hbm>>)
      tpu.yield
    }) : () -> ()
    return
  }
}

module attributes {stable_mosaic.version = 14 : i64} {
  func.func @_finish(%arg0: memref<1x128xf32, #tpu.memory_space<vmem>>, %arg1: memref<1x128xf32, #tpu.memory_space<vmem>>, %arg2: memref<1x128xf32, #tpu.memory_space<vmem>>, %arg3: memref<32x16xf32, #tpu.memory_space<vmem>>, %arg4: memref<32x16xi32, #tpu.memory_space<vmem>>, %arg5: memref<1x1xf32, #tpu.memory_space<smem>>, %arg6: memref<1x1xi32, #tpu.memory_space<smem>>, %arg7: memref<128x128xf32, #tpu.memory_space<vmem>>, %arg8: memref<100000x128xf32, #tpu.memory_space<any>>, %arg9: memref<1x128xf32, #tpu.memory_space<vmem>>, %arg10: memref<1x128xf32, #tpu.memory_space<vmem>>, %arg11: memref<!tpu.dma_semaphore, #tpu.memory_space<semaphore_mem>>) attributes {dimension_semantics = [], scalar_prefetch = 0 : i64, scratch_operands = 2 : i64, tpu.core_type = #tpu.core_type<tc>} {
    %get3A = arith.constant 0 : index
    %get3A_0 = arith.constant 0 : index
    %get3A_1 = vector.load %arg3[%get3A, %get3A_0] : memref<32x16xf32, #tpu.memory_space<vmem>>, vector<32x16xf32>
    %get3A_2 = arith.constant 0 : index
    %get3A_3 = arith.constant 0 : index
    %get3A_4 = vector.load %arg4[%get3A_2, %get3A_3] : memref<32x16xi32, #tpu.memory_space<vmem>>, vector<32x16xi32>
    %reduce_max3A = vector.shape_cast %get3A_1 : vector<32x16xf32> to vector<1x32x16xf32>
    %reduce_max3A_5 = arith.constant dense<0xFF800000> : vector<1xf32>
    %reduce_max3A_6 = vector.multi_reduction <maximumf>, %reduce_max3A, %reduce_max3A_5 [1, 2] : vector<1x32x16xf32> to vector<1xf32>
    %reduce_max3A_7 = vector.shape_cast %reduce_max3A_6 : vector<1xf32> to vector<1x1x1xf32>
    %reduce_max3A_8 = vector.extract %reduce_max3A_7[0, 0, 0] : f32 from vector<1x1x1xf32>
    %ge3A = vector.broadcast %reduce_max3A_8 : f32 to vector<32x16xf32>
    %ge3A_9 = arith.cmpf oge, %get3A_1, %ge3A : vector<32x16xf32>
    %jit3A = arith.constant 2147483647 : i32
    %broadcast_in_dim3A = vector.broadcast %jit3A : i32 to vector<32x16xi32>
    %select_n3A = arith.select %ge3A_9, %get3A_4, %broadcast_in_dim3A : vector<32x16xi1>, vector<32x16xi32>
    %reduce_min3A = vector.shape_cast %select_n3A : vector<32x16xi32> to vector<1x32x16xi32>
    %reduce_min3A_10 = arith.constant dense<2147483647> : vector<1xi32>
    %reduce_min3A_11 = vector.multi_reduction <minsi>, %reduce_min3A, %reduce_min3A_10 [1, 2] : vector<1x32x16xi32> to vector<1xi32>
    %reduce_min3A_12 = vector.shape_cast %reduce_min3A_11 : vector<1xi32> to vector<1x1x1xi32>
    %reduce_min3A_13 = vector.extract %reduce_min3A_12[0, 0, 0] : i32 from vector<1x1x1xi32>
    %get3A_14 = arith.constant 0 : index
    %get3A_15 = arith.constant 0 : index
    %get3A_16 = memref.load %arg5[%get3A_14, %get3A_15] : memref<1x1xf32, #tpu.memory_space<smem>>
    %gt3A = arith.cmpf ogt, %get3A_16, %reduce_max3A_8 : f32
    %get3A_17 = arith.constant 0 : index
    %get3A_18 = arith.constant 0 : index
    %get3A_19 = memref.load %arg6[%get3A_17, %get3A_18] : memref<1x1xi32, #tpu.memory_space<smem>>
    %select_n3A_20 = arith.select %gt3A, %get3A_19, %reduce_min3A_13 : i32
    %dma_start3A = arith.constant 0 : i32
    %dma_start3A_21 = tpu.memref_slice %arg8[%select_n3A_20, %dma_start3A] : memref<100000x128xf32, #tpu.memory_space<any>> -> memref<1x128xf32, #tpu.memory_space<any>>
    tpu.enqueue_dma source(%dma_start3A_21 : memref<1x128xf32, #tpu.memory_space<any>>) target(%arg10 : memref<1x128xf32, #tpu.memory_space<vmem>>) target_semaphore(%arg11 : memref<!tpu.dma_semaphore, #tpu.memory_space<semaphore_mem>>)
    %dma_wait3A = arith.constant 0 : i32
    %dma_wait3A_22 = tpu.memref_slice %arg8[%select_n3A_20, %dma_wait3A] : memref<100000x128xf32, #tpu.memory_space<any>> -> memref<1x128xf32, #tpu.memory_space<any>>
    tpu.wait_dma2 semaphore(%arg11 : memref<!tpu.dma_semaphore, #tpu.memory_space<semaphore_mem>>) src(%dma_wait3A_22 : memref<1x128xf32, #tpu.memory_space<any>>) dst(%arg10 : memref<1x128xf32, #tpu.memory_space<vmem>>)
    %get3A_23 = arith.constant 0 : index
    %get3A_24 = arith.constant 0 : index
    %get3A_25 = vector.load %arg10[%get3A_23, %get3A_24] : memref<1x128xf32, #tpu.memory_space<vmem>>, vector<1x128xf32>
    %get3A_26 = arith.constant 0 : index
    %get3A_27 = arith.constant 0 : index
    %get3A_28 = vector.load %arg0[%get3A_26, %get3A_27] : memref<1x128xf32, #tpu.memory_space<vmem>>, vector<1x128xf32>
    %get3A_29 = arith.constant 0 : index
    %get3A_30 = arith.constant 0 : index
    %get3A_31 = vector.load %arg1[%get3A_29, %get3A_30] : memref<1x128xf32, #tpu.memory_space<vmem>>, vector<1x128xf32>
    %mul3A = arith.mulf %get3A_31, %get3A_25 : vector<1x128xf32>
    %add3A = arith.addf %get3A_28, %mul3A : vector<1x128xf32>
    %get3A_32 = arith.constant 0 : index
    %get3A_33 = arith.constant 0 : index
    %get3A_34 = vector.load %arg2[%get3A_32, %get3A_33] : memref<1x128xf32, #tpu.memory_space<vmem>>, vector<1x128xf32>
    %tanh3A = math.tanh %add3A : vector<1x128xf32>
    %mul3A_35 = arith.mulf %get3A_34, %tanh3A : vector<1x128xf32>
    %get3A_36 = arith.constant 0 : index
    %get3A_37 = arith.constant 0 : index
    %get3A_38 = vector.load %arg7[%get3A_36, %get3A_37] : memref<128x128xf32, #tpu.memory_space<vmem>>, vector<128x128xf32>
    %dot_general3A = arith.constant dense<0.000000e+00> : vector<1x128xf32>
    %dot_general3A_39 = tpu.matmul %mul3A_35, %get3A_38, %dot_general3A {dimension_numbers = #tpu.dot_dimension_numbers<[1], [1], [0], [0], [0, 0, 1, 0], [], []>, transpose_lhs_hint = false} : vector<1x128xf32>, vector<128x128xf32>, vector<1x128xf32> -> vector<1x128xf32>
    %swap3A = arith.constant 0 : index
    %swap3A_40 = arith.constant 0 : index
    %swap3A_41 = vector.load %arg9[%swap3A, %swap3A_40] : memref<1x128xf32, #tpu.memory_space<vmem>>, vector<1x128xf32>
    tpu.vector_store %arg9[%swap3A, %swap3A_40], %dot_general3A_39 {strides = array<i32>} : memref<1x128xf32, #tpu.memory_space<vmem>>, vector<1x128xf32>,
    return
  }
}

module attributes {stable_mosaic.version = 14 : i64} {
  func.func @_tc_scan(%arg0: i32, %arg1: memref<1x128xf32, #tpu.memory_space<vmem>>, %arg2: memref<4000x128xf32, #tpu.memory_space<vmem>>, %arg3: memref<1x1xf32, #tpu.memory_space<smem>>, %arg4: memref<1x1xi32, #tpu.memory_space<smem>>, %arg5: memref<1xf32, #tpu.memory_space<smem>>, %arg6: memref<1xi32, #tpu.memory_space<smem>>) attributes {dimension_semantics = [#tpu.dimension_semantics<arbitrary>], iteration_bounds = array<i64: 15>, scalar_prefetch = 0 : i64, scratch_operands = 2 : i64, tpu.core_type = #tpu.core_type<tc>, window_params = [{pipeline_mode = #tpu.pipeline_mode<synchronous>, transform_indices = @transform_0, window_bounds = array<i64: 1, 128>}, {transform_indices = @transform_1, window_bounds = array<i64: 4000, 128>}, {transform_indices = @transform_2, window_bounds = array<i64: 1, 1>}, {transform_indices = @transform_3, window_bounds = array<i64: 1, 1>}]} {
    %eq3A = arith.constant 0 : i32
    %eq3A_0 = arith.cmpi eq, %arg0, %eq3A : i32
    %convert_element_type3A = arith.extui %eq3A_0 : i1 to i32
    %cond3A = arith.constant 0 : i32
    %cond3A_1 = arith.cmpi ne, %convert_element_type3A, %cond3A : i32
    scf.if %cond3A_1 {
      %swap3A = arith.constant -3.000000e+38 : f32
      %swap3A_52 = arith.constant 0 : index
      %swap3A_53 = memref.load %arg5[%swap3A_52] : memref<1xf32, #tpu.memory_space<smem>>
      memref.store %swap3A, %arg5[%swap3A_52] : memref<1xf32, #tpu.memory_space<smem>>
      %swap3A_54 = arith.constant 0 : i32
      %swap3A_55 = arith.constant 0 : index
      %swap3A_56 = memref.load %arg6[%swap3A_55] : memref<1xi32, #tpu.memory_space<smem>>
      memref.store %swap3A_54, %arg6[%swap3A_55] : memref<1xi32, #tpu.memory_space<smem>>
    } else {
    }
    %get3A = arith.constant 0 : index
    %get3A_2 = arith.constant 0 : index
    %get3A_3 = vector.load %arg2[%get3A, %get3A_2] : memref<4000x128xf32, #tpu.memory_space<vmem>>, vector<4000x128xf32>
    %get3A_4 = arith.constant 0 : index
    %get3A_5 = arith.constant 0 : index
    %get3A_6 = vector.load %arg1[%get3A_4, %get3A_5] : memref<1x128xf32, #tpu.memory_space<vmem>>, vector<1x128xf32>
    %dot_general3A = arith.constant dense<0.000000e+00> : vector<1x4000xf32>
    %dot_general3A_7 = tpu.matmul %get3A_6, %get3A_3, %dot_general3A {dimension_numbers = #tpu.dot_dimension_numbers<[1], [1], [0], [0], [0, 0, 1, 0], [], []>, transpose_lhs_hint = false} : vector<1x128xf32>, vector<4000x128xf32>, vector<1x4000xf32> -> vector<1x4000xf32>
    %broadcast_in_dim3A = arith.constant 1.000000e+00 : f32
    %broadcast_in_dim3A_8 = vector.broadcast %broadcast_in_dim3A : f32 to vector<1x128xf32>
    %mul3A = arith.mulf %get3A_3, %get3A_3 : vector<4000x128xf32>
    %dot_general3A_9 = arith.constant dense<0.000000e+00> : vector<1x4000xf32>
    %dot_general3A_10 = tpu.matmul %broadcast_in_dim3A_8, %mul3A, %dot_general3A_9 {dimension_numbers = #tpu.dot_dimension_numbers<[1], [1], [0], [0], [0, 0, 1, 0], [], []>, transpose_lhs_hint = false} : vector<1x128xf32>, vector<4000x128xf32>, vector<1x4000xf32> -> vector<1x4000xf32>
    %sign3A = tpu.bitcast %dot_general3A_7 : vector<1x4000xf32> -> vector<1x4000xi32>
    %sign3A_11 = arith.constant -2147483648 : i32
    %sign3A_12 = vector.broadcast %sign3A_11 : i32 to vector<1x4000xi32>
    %sign3A_13 = arith.andi %sign3A, %sign3A_12 : vector<1x4000xi32>
    %sign3A_14 = arith.constant 1065353216 : i32
    %sign3A_15 = vector.broadcast %sign3A_14 : i32 to vector<1x4000xi32>
    %sign3A_16 = arith.ori %sign3A_15, %sign3A_13 : vector<1x4000xi32>
    %sign3A_17 = tpu.bitcast %sign3A_16 : vector<1x4000xi32> -> vector<1x4000xf32>
    %sign3A_18 = math.absf %dot_general3A_7 : vector<1x4000xf32>
    %sign3A_19 = arith.constant 0.000000e+00 : f32
    %sign3A_20 = vector.broadcast %sign3A_19 : f32 to vector<1x4000xf32>
    %sign3A_21 = arith.cmpf ogt, %sign3A_18, %sign3A_20 : vector<1x4000xf32>
    %sign3A_22 = arith.select %sign3A_21, %sign3A_17, %dot_general3A_7 : vector<1x4000xi1>, vector<1x4000xf32>
    %mul3A_23 = arith.mulf %sign3A_22, %dot_general3A_7 : vector<1x4000xf32>
    %mul3A_24 = arith.mulf %mul3A_23, %dot_general3A_7 : vector<1x4000xf32>
    %max3A = arith.constant 1.000000e-30 : f32
    %max3A_25 = vector.broadcast %max3A : f32 to vector<1x4000xf32>
    %max3A_26 = arith.maximumf %dot_general3A_10, %max3A_25 : vector<1x4000xf32>
    %div3A = arith.divf %mul3A_24, %max3A_26 : vector<1x4000xf32>
    %reduce_max3A = vector.shape_cast %div3A : vector<1x4000xf32> to vector<1x1x4000xf32>
    %reduce_max3A_27 = arith.constant dense<0xFF800000> : vector<1xf32>
    %reduce_max3A_28 = vector.multi_reduction <maximumf>, %reduce_max3A, %reduce_max3A_27 [1, 2] : vector<1x1x4000xf32> to vector<1xf32>
    %reduce_max3A_29 = vector.shape_cast %reduce_max3A_28 : vector<1xf32> to vector<1x1x1xf32>
    %reduce_max3A_30 = vector.extract %reduce_max3A_29[0, 0, 0] : f32 from vector<1x1x1xf32>
    %iota3A = tpu.iota {dimensions = array<i32: 1>} : vector<1x4000xi32>
    %mul3A_31 = arith.constant 4000 : i32
    %mul3A_32 = arith.muli %arg0, %mul3A_31 : i32
    %add3A = arith.constant 40000 : i32
    %add3A_33 = arith.addi %add3A, %mul3A_32 : i32
    %add3A_34 = vector.broadcast %add3A_33 : i32 to vector<1x4000xi32>
    %add3A_35 = arith.addi %iota3A, %add3A_34 : vector<1x4000xi32>
    %ge3A = vector.broadcast %reduce_max3A_30 : f32 to vector<1x4000xf32>
    %ge3A_36 = arith.cmpf oge, %div3A, %ge3A : vector<1x4000xf32>
    %jit3A = arith.constant 2147483647 : i32
    %broadcast_in_dim3A_37 = vector.broadcast %jit3A : i32 to vector<1x4000xi32>
    %select_n3A = arith.select %ge3A_36, %add3A_35, %broadcast_in_dim3A_37 : vector<1x4000xi1>, vector<1x4000xi32>
    %reduce_min3A = vector.shape_cast %select_n3A : vector<1x4000xi32> to vector<1x1x4000xi32>
    %reduce_min3A_38 = arith.constant dense<2147483647> : vector<1xi32>
    %reduce_min3A_39 = vector.multi_reduction <minsi>, %reduce_min3A, %reduce_min3A_38 [1, 2] : vector<1x1x4000xi32> to vector<1xi32>
    %reduce_min3A_40 = vector.shape_cast %reduce_min3A_39 : vector<1xi32> to vector<1x1x1xi32>
    %reduce_min3A_41 = vector.extract %reduce_min3A_40[0, 0, 0] : i32 from vector<1x1x1xi32>
    %get3A_42 = arith.constant 0 : index
    %get3A_43 = memref.load %arg5[%get3A_42] : memref<1xf32, #tpu.memory_space<smem>>
    %gt3A = arith.cmpf ogt, %reduce_max3A_30, %get3A_43 : f32
    %convert_element_type3A_44 = arith.extui %gt3A : i1 to i32
    %cond3A_45 = arith.constant 0 : i32
    %cond3A_46 = arith.cmpi ne, %convert_element_type3A_44, %cond3A_45 : i32
    scf.if %cond3A_46 {
      %swap3A = arith.constant 0 : index
      %swap3A_52 = memref.load %arg5[%swap3A] : memref<1xf32, #tpu.memory_space<smem>>
      memref.store %reduce_max3A_30, %arg5[%swap3A] : memref<1xf32, #tpu.memory_space<smem>>
      %swap3A_53 = arith.constant 0 : index
      %swap3A_54 = memref.load %arg6[%swap3A_53] : memref<1xi32, #tpu.memory_space<smem>>
      memref.store %reduce_min3A_41, %arg6[%swap3A_53] : memref<1xi32, #tpu.memory_space<smem>>
    } else {
    }
    %eq3A_47 = arith.constant 14 : i32
    %eq3A_48 = arith.cmpi eq, %arg0, %eq3A_47 : i32
    %convert_element_type3A_49 = arith.extui %eq3A_48 : i1 to i32
    %cond3A_50 = arith.constant 0 : i32
    %cond3A_51 = arith.cmpi ne, %convert_element_type3A_49, %cond3A_50 : i32
    scf.if %cond3A_51 {
      %get3A_52 = arith.constant 0 : index
      %get3A_53 = memref.load %arg5[%get3A_52] : memref<1xf32, #tpu.memory_space<smem>>
      %swap3A = arith.constant 0 : index
      %swap3A_54 = arith.constant 0 : index
      %swap3A_55 = memref.load %arg3[%swap3A, %swap3A_54] : memref<1x1xf32, #tpu.memory_space<smem>>
      memref.store %get3A_53, %arg3[%swap3A, %swap3A_54] : memref<1x1xf32, #tpu.memory_space<smem>>
      %get3A_56 = arith.constant 0 : index
      %get3A_57 = memref.load %arg6[%get3A_56] : memref<1xi32, #tpu.memory_space<smem>>
      %swap3A_58 = arith.constant 0 : index
      %swap3A_59 = arith.constant 0 : index
      %swap3A_60 = memref.load %arg4[%swap3A_58, %swap3A_59] : memref<1x1xi32, #tpu.memory_space<smem>>
      memref.store %get3A_57, %arg4[%swap3A_58, %swap3A_59] : memref<1x1xi32, #tpu.memory_space<smem>>
    } else {
    }
    return
  }
  func.func @transform_0(%arg0: i32) -> (i32, i32) {
    %c0_i32 = arith.constant 0 : i32
    %c0_i32_0 = arith.constant 0 : i32
    %c0_i32_1 = arith.constant 0 : i32
    return %c0_i32, %c0_i32_0 : i32, i32
  }
  func.func @transform_1(%arg0: i32) -> (i32, i32) {
    %add3A = arith.constant 10 : i32
    %add3A_0 = arith.addi %add3A, %arg0 : i32
    %c0_i32 = arith.constant 0 : i32
    %c0_i32_1 = arith.constant 0 : i32
    return %add3A_0, %c0_i32 : i32, i32
  }
  func.func @transform_2(%arg0: i32) -> (i32, i32) {
    %c0_i32 = arith.constant 0 : i32
    %c0_i32_0 = arith.constant 0 : i32
    %c0_i32_1 = arith.constant 0 : i32
    return %c0_i32, %c0_i32_0 : i32, i32
  }
  func.func @transform_3(%arg0: i32) -> (i32, i32) {
    %c0_i32 = arith.constant 0 : i32
    %c0_i32_0 = arith.constant 0 : i32
    %c0_i32_1 = arith.constant 0 : i32
    return %c0_i32, %c0_i32_0 : i32, i32
  }
}

module attributes {stable_mosaic.version = 14 : i64} {
  func.func @_lstm_front(%arg0: memref<1x512xf32, #tpu.memory_space<vmem>>, %arg1: memref<1x128xf32, #tpu.memory_space<vmem>>, %arg2: memref<1x128xf32, #tpu.memory_space<vmem>>, %arg3: memref<640x512xf32, #tpu.memory_space<vmem>>, %arg4: memref<640xf32, #tpu.memory_space<vmem>>, %arg5: memref<640x128xf32, #tpu.memory_space<vmem>>, %arg6: memref<640xf32, #tpu.memory_space<vmem>>, %arg7: memref<1x128xf32, #tpu.memory_space<vmem>>, %arg8: memref<1x128xf32, #tpu.memory_space<vmem>>, %arg9: memref<1x128xf32, #tpu.memory_space<vmem>>) attributes {dimension_semantics = [], scalar_prefetch = 0 : i64, scratch_operands = 0 : i64, tpu.core_type = #tpu.core_type<tc>} {
    %get3A = arith.constant 0 : index
    %get3A_0 = arith.constant 0 : index
    %get3A_1 = vector.load %arg0[%get3A, %get3A_0] : memref<1x512xf32, #tpu.memory_space<vmem>>, vector<1x512xf32>
    %get3A_2 = arith.constant 0 : index
    %get3A_3 = arith.constant 0 : index
    %get3A_4 = vector.load %arg3[%get3A_2, %get3A_3] : memref<640x512xf32, #tpu.memory_space<vmem>>, vector<640x512xf32>
    %dot_general3A = arith.constant dense<0.000000e+00> : vector<1x640xf32>
    %dot_general3A_5 = tpu.matmul %get3A_1, %get3A_4, %dot_general3A {dimension_numbers = #tpu.dot_dimension_numbers<[1], [1], [0], [0], [0, 0, 1, 0], [], []>, transpose_lhs_hint = false} : vector<1x512xf32>, vector<640x512xf32>, vector<1x640xf32> -> vector<1x640xf32>
    %get3A_6 = arith.constant 0 : index
    %get3A_7 = arith.constant 0 : index
    %get3A_8 = vector.load %arg1[%get3A_6, %get3A_7] : memref<1x128xf32, #tpu.memory_space<vmem>>, vector<1x128xf32>
    %get3A_9 = arith.constant 0 : index
    %get3A_10 = arith.constant 0 : index
    %get3A_11 = vector.load %arg5[%get3A_9, %get3A_10] : memref<640x128xf32, #tpu.memory_space<vmem>>, vector<640x128xf32>
    %dot_general3A_12 = arith.constant dense<0.000000e+00> : vector<1x640xf32>
    %dot_general3A_13 = tpu.matmul %get3A_8, %get3A_11, %dot_general3A_12 {dimension_numbers = #tpu.dot_dimension_numbers<[1], [1], [0], [0], [0, 0, 1, 0], [], []>, transpose_lhs_hint = false} : vector<1x128xf32>, vector<640x128xf32>, vector<1x640xf32> -> vector<1x640xf32>
    %add3A = arith.addf %dot_general3A_5, %dot_general3A_13 : vector<1x640xf32>
    %get3A_14 = arith.constant 0 : index
    %get3A_15 = vector.load %arg4[%get3A_14] : memref<640xf32, #tpu.memory_space<vmem>>, vector<640xf32>
    %reshape3A = vector.shape_cast %get3A_15 : vector<640xf32> to vector<1x640xf32>
    %add3A_16 = arith.addf %add3A, %reshape3A : vector<1x640xf32>
    %get3A_17 = arith.constant 0 : index
    %get3A_18 = vector.load %arg6[%get3A_17] : memref<640xf32, #tpu.memory_space<vmem>>, vector<640xf32>
    %reshape3A_19 = vector.shape_cast %get3A_18 : vector<640xf32> to vector<1x640xf32>
    %add3A_20 = arith.addf %add3A_16, %reshape3A_19 : vector<1x640xf32>
    %slice3A = vector.extract_strided_slice %add3A_20 {offsets = [0, 0], sizes = [1, 512], strides = [1, 1]} : vector<1x640xf32> to vector<1x512xf32>
    %logistic3A = arith.negf %slice3A : vector<1x512xf32>
    %logistic3A_21 = math.exp %logistic3A : vector<1x512xf32>
    %logistic3A_22 = arith.constant 1.000000e+00 : f32
    %logistic3A_23 = vector.broadcast %logistic3A_22 : f32 to vector<1x512xf32>
    %logistic3A_24 = arith.addf %logistic3A_23, %logistic3A_21 : vector<1x512xf32>
    %logistic3A_25 = arith.divf %logistic3A_23, %logistic3A_24 : vector<1x512xf32>
    %slice3A_26 = vector.extract_strided_slice %logistic3A_25 {offsets = [0, 0], sizes = [1, 128], strides = [1, 1]} : vector<1x512xf32> to vector<1x128xf32>
    %slice3A_27 = vector.extract_strided_slice %logistic3A_25 {offsets = [0, 128], sizes = [1, 128], strides = [1, 1]} : vector<1x512xf32> to vector<1x128xf32>
    %slice3A_28 = vector.extract_strided_slice %logistic3A_25 {offsets = [0, 256], sizes = [1, 128], strides = [1, 1]} : vector<1x512xf32> to vector<1x128xf32>
    %slice3A_29 = vector.extract_strided_slice %logistic3A_25 {offsets = [0, 384], sizes = [1, 128], strides = [1, 1]} : vector<1x512xf32> to vector<1x128xf32>
    %slice3A_30 = vector.extract_strided_slice %add3A_20 {offsets = [0, 512], sizes = [1, 128], strides = [1, 1]} : vector<1x640xf32> to vector<1x128xf32>
    %tanh3A = math.tanh %slice3A_30 : vector<1x128xf32>
    %get3A_31 = arith.constant 0 : index
    %get3A_32 = arith.constant 0 : index
    %get3A_33 = vector.load %arg2[%get3A_31, %get3A_32] : memref<1x128xf32, #tpu.memory_space<vmem>>, vector<1x128xf32>
    %mul3A = arith.mulf %slice3A_26, %get3A_33 : vector<1x128xf32>
    %mul3A_34 = arith.mulf %slice3A_27, %tanh3A : vector<1x128xf32>
    %add3A_35 = arith.addf %mul3A, %mul3A_34 : vector<1x128xf32>
    %swap3A = arith.constant 0 : index
    %swap3A_36 = arith.constant 0 : index
    %swap3A_37 = vector.load %arg7[%swap3A, %swap3A_36] : memref<1x128xf32, #tpu.memory_space<vmem>>, vector<1x128xf32>
    tpu.vector_store %arg7[%swap3A, %swap3A_36], %add3A_35 {strides = array<i32>} : memref<1x128xf32, #tpu.memory_space<vmem>>, vector<1x128xf32>,
    %swap3A_38 = arith.constant 0 : index
    %swap3A_39 = arith.constant 0 : index
    %swap3A_40 = vector.load %arg8[%swap3A_38, %swap3A_39] : memref<1x128xf32, #tpu.memory_space<vmem>>, vector<1x128xf32>
    tpu.vector_store %arg8[%swap3A_38, %swap3A_39], %slice3A_29 {strides = array<i32>} : memref<1x128xf32, #tpu.memory_space<vmem>>, vector<1x128xf32>,
    %swap3A_41 = arith.constant 0 : index
    %swap3A_42 = arith.constant 0 : index
    %swap3A_43 = vector.load %arg9[%swap3A_41, %swap3A_42] : memref<1x128xf32, #tpu.memory_space<vmem>>, vector<1x128xf32>
    tpu.vector_store %arg9[%swap3A_41, %swap3A_42], %slice3A_28 {strides = array<i32>} : memref<1x128xf32, #tpu.memory_space<vmem>>, vector<1x128xf32>,
    return
  }
}

</mosaic_0001>

<sc_bundles>
// kernel: kernel.6.cloned.1.call-start
scs
__scs_entry_jumppad:
0x0: {  	(pc) =	sbr.rel $0x88, $3  }
0x1: {  	(tag) =	ssettag $0x0;
	lr =	simm.s32 $0x1  }
0x2: {  	[smem:$0x3F97] =	sst lr;
	_ =	strace $0xD0000000  }
0x3: {  	_ = 	snop  }
0x4: {  	_ = 	snop  }
0x5: {  	_ = 	snop  }
0x6: {  	_ = 	snop  }
0x7: {  	_ = 	snop  }
__scs_overlays_trampoline_lowered:
0x8: {  	[smem:$0x3FA6] =	sst s0  }
0x9: {  	[smem:$0x3FA7] =	sst s1  }
0xa: {  	[smem:$0x3FA8] =	sst s2  }
0xb: {  	[smem:$0x3FA9] =	sst s3  }
0xc: {  	[smem:$0x3FAA] =	sst s4  }
0xd: {  	[smem:$0x3FAB] =	sst s5  }
0xe: {  	[smem:$0x3FAC] =	sst s6  }
0xf: {  	[smem:$0x3FAD] =	sst s7  }
0x10: {  	[smem:$0x3FAE] =	sst s8  }
0x11: {  	[smem:$0x3FAF] =	sst s9;
	s0 =	simm.s32 @!p0 $0x0  }
0x12: {  	s1 =	sld [smem:$0x3F95];
	s0 =	simm.s32 @p0 $0x1  }
0x13: {  	[smem:$0x3FB0] =	sst s0;
	s0 =	simm.s32 @!p1 $0x0  }
0x14: {  	s2 =	sld [smem:$0x3F94];
	s0 =	simm.s32 @p1 $0x1  }
0x15: {  	[smem:$0x3FB1] =	sst s0;
	s0 =	simm.s32 @!p2 $0x0  }
0x16: {  	s3 =	sld [smem:$0x3FDB];
	s0 =	simm.s32 @p2 $0x1  }
0x17: {  	s4 =	simm.s32 $0x1BF5;
	[smem:$0x3FB3] =	sst s0  }
0x18: {  	s0 =	sld [smem:$0x3F96];
	_ =	swait.ge [sflag:s4], $0x0  }
0x19: {  	s7 =	sld [smem:$0x3F97]  }
0x1a: {  	s8 =	sadd.s32 $0xFFFFE003, lr  }
0x1b: {  	s9 =	sadd.s32 $0xFFFFFEF7, lr;
	s5 =	simm.s32 $0xFFFFFFFF;
	p2 =	slt.u32 s8, $0xFFFFF086  }
0x1c: {  	p1 =	slt.u32 s9, $0xF7A;
	s5 =	simm.s32 @!p2 $0x0  }
0x1d: {  	s5 =	simm.s32 @p1 $0x1;
	p0 =	seq.s32 s7, s2  }
0x1e: {  	s7 =	smul.u32 @!p0 $0xF7A, s2;
	p2 =	seq.s32 @!p0 s5, $0x0  }
0x1f: {  	s9 =	smul.u32 $0xF7A, s1;
	s8 =	simm.s32 @!p0 $0x1BF5;
	p2 =	por !p2, p0  }
0x20: {  	[sflag:s8] =	ssyncset.s32 @!p0 $0xFFFFF086;
	s6 =	sadd.s32 @!p0 s3, s7;
	s7 =	simm.s32 @!p0 $0x108  }
0x21: {  	s3 =	sadd.s32 s3, s9;
	s6 =	sadd.s32 @!p0 $0x88, s6;
	s7 =	simm.s32 @p2 $0x1082  }
0x22: {  	[simem:s7], [sflag:s8] =	dma.local @!p0 [hbm:s6], $0xF7A  }
0x23: {  	s9 =	sor.u32 $0xD0000000, s2;
	s6 =	simm.s32 $0x108;
	_ =	swait.ge @!p0 [sflag:s8], $0x0  }
0x24: {  	s3 =	sadd.s32 $0x88, s3;
	s6 =	simm.s32 @!p1 $0x1082;
	[sflag:s4] =	ssyncset.s32 $0xFFFFF086  }
0x25: {  	[simem:s6], [sflag:s4] =	dma.local [hbm:s3], $0xF7A  }
0x26: {  	[smem:$0x3F97] =	sst s1;
	(tag) =	ssettag s2;
	_ =	strace s9  }
0x27: {  	s1 =	sld [smem:$0x3FA7]  }
0x28: {  	s2 =	sld [smem:$0x3FA8]  }
0x29: {  	s4 =	sld [smem:$0x3FAA]  }
0x2a: {  	p0 =	seq.s32 s5, $0x0;
	s5 =	sld [smem:$0x3FAB]  }
0x2b: {  	s6 =	sld [smem:$0x3FAC]  }
0x2c: {  	s7 =	sld [smem:$0x3FAD]  }
0x2d: {  	s3 =	simm.s32 $0x108;
	s8 =	sld [smem:$0x3FAE]  }
0x2e: {  	s3 =	simm.s32 @!p0 $0x1082;
	s9 =	sld [smem:$0x3FAF]  }
0x2f: {  	lr =	sadd.s32 s0, s3;
	s0 =	sld [smem:$0x3FA6]  }
0x30: {  	s3 =	sld [smem:$0x3FA9]  }
0x31: {  	[smem:$0x3FB2] =	sst s10  }
0x32: {  	s10 =	sld [smem:$0x3FB0];
	_ =	sdelay $0x3  }
0x33: {  	p0 =	seq.s32 s10, $0x1;
	s10 =	sld [smem:$0x3FB2];
	_ =	sdelay $0x3  }
0x34: {  	[smem:$0x3FB2] =	sst s10  }
0x35: {  	s10 =	sld [smem:$0x3FB1];
	_ =	sdelay $0x3  }
0x36: {  	p1 =	seq.s32 s10, $0x1;
	s10 =	sld [smem:$0x3FB2];
	_ =	sdelay $0x3  }
0x37: {  	[smem:$0x3FB2] =	sst s10  }
0x38: {  	s10 =	sld [smem:$0x3FB3]  }
0x39: {  	_ = 	snop;
	(pc) =	sbr.ind lr, $3  }
0x3a: {  	_ = 	snop  }
0x3b: {  	_ = 	snop  }
0x3c: {  	p2 =	seq.s32 s10, $0x1;
	s10 =	sld [smem:$0x3FB2]  }
0x3d: {  	_ =	shalt  }
0x3e: {  	_ =	shalt  }
0x3f: {  	_ =	shalt  }
0x40: {  	_ =	shalt  }
0x41: {  	_ =	shalt  }
0x42: {  	_ =	shalt  }
0x43: {  	_ =	shalt  }
0x44: {  	_ =	shalt  }
0x45: {  	_ =	shalt  }
0x46: {  	_ =	shalt  }
0x47: {  	_ =	shalt  }
0x48: {  	_ =	shalt  }
0x49: {  	_ =	shalt  }
0x4a: {  	_ =	shalt  }
0x4b: {  	_ =	shalt  }
0x4c: {  	_ =	shalt  }
0x4d: {  	_ =	shalt  }
0x4e: {  	_ =	shalt  }
0x4f: {  	_ =	shalt  }
0x50: {  	_ =	shalt  }
0x51: {  	_ =	shalt  }
0x52: {  	_ =	shalt  }
0x53: {  	_ =	shalt  }
0x54: {  	_ =	shalt  }
0x55: {  	_ =	shalt  }
0x56: {  	_ =	shalt  }
0x57: {  	_ =	shalt  }
0x58: {  	_ =	shalt  }
0x59: {  	_ =	shalt  }
0x5a: {  	_ =	shalt  }
0x5b: {  	_ =	shalt  }
0x5c: {  	_ =	shalt  }
0x5d: {  	_ =	shalt  }
0x5e: {  	_ =	shalt  }
0x5f: {  	_ =	shalt  }
0x60: {  	_ =	shalt  }
0x61: {  	_ =	shalt  }
0x62: {  	_ =	shalt  }
0x63: {  	_ =	shalt  }
0x64: {  	_ =	shalt  }
0x65: {  	_ =	shalt  }
0x66: {  	_ =	shalt  }
0x67: {  	_ =	shalt  }
0x68: {  	_ =	shalt  }
0x69: {  	_ =	shalt  }
0x6a: {  	_ =	shalt  }
0x6b: {  	_ =	shalt  }
0x6c: {  	_ =	shalt  }
0x6d: {  	_ =	shalt  }
0x6e: {  	_ =	shalt  }
0x6f: {  	_ =	shalt  }
0x70: {  	_ =	shalt  }
0x71: {  	_ =	shalt  }
0x72: {  	_ =	shalt  }
0x73: {  	_ =	shalt  }
0x74: {  	_ =	shalt  }
0x75: {  	_ =	shalt  }
0x76: {  	_ =	shalt  }
0x77: {  	_ =	shalt  }
0x78: {  	_ =	shalt  }
0x79: {  	_ =	shalt  }
0x7a: {  	_ =	shalt  }
0x7b: {  	_ =	shalt  }
0x7c: {  	_ =	shalt  }
0x7d: {  	_ =	shalt  }
0x7e: {  	_ =	shalt  }
0x7f: {  	_ =	shalt  }
0x80: {  	_ =	shalt  }
0x81: {  	_ =	shalt  }
0x82: {  	_ =	shalt  }
0x83: {  	_ =	shalt  }
0x84: {  	_ =	shalt  }
0x85: {  	_ =	shalt  }
0x86: {  	_ =	shalt  }
0x87: {  	_ =	shalt  }
.Lfunc_end0:
.L_simem_size_0:
called_computation_lowered:
.L_overlay_start_0:
0x88: {  	s2 =	sld [smem:$0x3FD9]  }
0x89: {  	s3 =	sld [smem:$0x3FFE];
	_ =	sdelay $0x1  }
0x8a: {  	s1 =	srdreg.scid  }
0x8b: {  	s0 =	sand.u32 $0x1, s1  }
0x8c: {  	s17 =	sshll.u32 s0, $0xA;
	s2 =	sadd.s32 s3, s2  }
0x8d: {  	s2 =	sadd.s32 s2, s17  }
0x8e: {  	[smem:$0x3FBE] =	sst s2  }
0x8f: {  	_ = 	snop  }
0x90: {  	s2 =	sld [smem:$0x3FC1]  }
0x91: {  	s18 =	sld [smem:$0x3FD0];
	(tm) =	ssettm $0x1  }
0x92: {  	s4 =	sld [smem:$0x3FFB];
	_ =	sdelay $0x3  }
0x93: {  	_ =	strace s4  }
0x94: {  	s4 =	sld [smem:$0x3FFC];
	_ =	sdelay $0x3  }
0x95: {  	_ =	strace s4  }
0x96: {  	s4 =	sld [smem:$0x3FFD];
	_ =	sdelay $0x3  }
0x97: {  	_ =	strace s4  }
0x98: {  	_ =	strace $0x8FFFFFFF  }
0x99: {  	s19 =	sld [smem:$0x3FDB];
	_ =	sdelay $0x1  }
0x9a: {  	s5 =	simm.s32 $_scs_section_size  }
0x9b: {  	s6 =	simm.s32 $_size__tile_overlayer_lowered;
	s7 =	simm.s32 $_tile_overlayer_lowered  }
0x9c: {  	s22 =	simm.s32 $0x1BFF;
	s21 =	sshll.u32 s7, $0x1;
	s4 =	sadd.s32 s5, s19  }
0x9d: {  	s8 =	simm.s32 $0x0;
	s20 =	sshll.u32 s6, $0x1;
	s6 =	sadd.s32 s21, s4  }
0x9e: {  	[timem:s8], [sflag:s22] =	dma.local [hbm:s6], s20  }
0x9f: {  	_ =	swait.ge [sflag:s22], s20  }
0xa0: {  	s5 =	ssub.s32 $0x0, s20;
	[sflag:s22] =	ssyncset.done $0x0  }
0xa1: {  	[sflag:s22] =	ssyncadd.s32 s5;
	_ =	sdelay $0x1  }
0xa2: {  	s23 =	simm.s32 $0x1B8B  }
0xa3: {  	_ =	swait.ge [sflag:s23], $0x1  }
0xa4: {  	[sflag:s23] =	ssyncset.done $0x0  }
0xa5: {  	s25 =	simm.s32 $0x1B8E;
	s24 =	sld [smem:$0x3FFE];
	[sflag:s23] =	ssyncadd.s32 $0xFFFFFFFF  }
0xa6: {  	s26 =	simm.s32 $execute0_lowered;
	[smem:$0x3FD2] =	sst s25  }
0xa7: {  	s6 =	sshll.u32 s26, $0x1;
	_ =	strace $0x80000046;
	[dreg:$0x1] =	wrdreg $0xFFFFFFFF  }
0xa8: {  	s28 =	simm.s32 $_size_execute0_lowered;
	s4 =	sadd.s32 s4, s6;
	[dreg:$0x0] =	wrdreg $0x0  }
0xa9: {  	s6 =	sshll.u32 s28, $0x1;
	[dreg:$0x2] =	wrdreg s4  }
0xaa: {  	[dreg:$0x3] =	wrdreg s6  }
0xab: {  	[dreg:$0x4] =	wrdreg $0xC0  }
0xac: {  	_ =	task [dreg:s8], $0x5FFFF  }
0xad: {  	[dreg:$0x1] =	wrdreg $0xFFFFFFFF  }
0xae: {  	[dreg:$0x0] =	wrdreg $0x60  }
0xaf: {  	[dreg:$0x2] =	wrdreg s18  }
0xb0: {  	[dreg:$0x3] =	wrdreg s2  }
0xb1: {  	[dreg:$0x4] =	wrdreg s24  }
0xb2: {  	[dreg:$0x5] =	wrdreg $0x9  }
0xb3: {  	_ =	task.clear_ibuf [dreg:s8], $0x6FFFF;
	_ =	strace $0x90000046  }
0xb4: {  	s29 =	simm.s32 $0x9;
	_ =	strace $0x80000048  }
0xb5: {  	_ =	swait.ge [sflag:s29], $0x1  }
0xb6: {  	[sflag:s29] =	ssyncadd.s32 $0xFFFFFFFF  }
0xb7: {  	_ =	strace $0x90000048  }
0xb8: {  	_ =	sfence  }
0xb9: {  	s30 =	sld [smem:$0x0];
	_ =	sdelay $0x2  }
0xba: {  	s31 =	sshll.u32 s1, $0xD;
	s1 =	sshrl.u32 s1, $0x2  }
0xbb: {  	s3 =	sand.u32 $0x4000, s31;
	s1 =	sadd.s32 s1, s30  }
0xbc: {  	s0 =	sor.u32 s3, s0;
	s1 =	sshll.u32 s1, $0x11  }
0xbd: {  	s0 =	sor.u32 s1, s0  }
0xbe: {  	s0 =	sadd.s32 $0x8F2B, s0  }
0xbf: {  	[sflag:s0] =	ssyncadd.remote.s32 $0x1  }
0xc0: {  	_ =	sfence.sel $0xFFFF  }
0xc1: {  	[dreg:$0x0] =	wrdreg $0xFFFFFFFF;
	(pc) =	sbr.abs _section_cstart, $3  }
0xc2: {  	[dreg:$0x1] =	wrdreg $0xFFFFFFFF  }
0xc3: {  	_ =	task.clear_ibuf [dreg:s8], $0x2FFFF;
	_ =	strace $0x9FFFFFFF  }
0xc4: {  	(tm) =	ssettm $0x7FFFFFFF  }
0xc5: {  	_ =	shalt  }
tec
execute0_lowered:
.L_overlay_start_1:
0x0: {  	(tag) =	ssettag $0x1  }
0x1: {  	s1 =	rddreg [dreg:$0x0]  }
0x2: {  	s10 =	rddreg [dreg:$0x1]  }
0x3: {  	s2 =	srdreg.scid;
	s0 =	stileid.u32  }
0x4: {  	s5 =	rddreg [dreg:$0x2];
	s3 =	simm.s32 $0x0;
	s17 =	simm.s32 $0x100  }
0x5: {  	s18 =	simm.s32 $0x1;
	s6 =	sand.u32 $0x1, s2;
	s4 =	sshll.u32 s0, $0x1  }
0x6: {  	s19 =	simm.s32 $0xA100;
	s20 =	simm.s32 $0x2;
	s21 =	sor.u32 s6, s4  }
0x7: {  	s22 =	simm.s32 $0x14180;
	s23 =	simm.s32 $0x0;
	s7 =	smul.u32 $0x1400, s21  }
0x8: {  	s2 =	rddreg [dreg:$0x3];
	s8 =	sor.u32 $0x20, s21;
	s4 =	smul.u32 $0x140, s21  }
0x9: {  	[smem:$0x7FF] =	sst s3;
	s12 =	sor.u32 $0x40, s21;
	s9 =	smul.u32 $0x1400, s8  }
0xa: {  	s6 =	ssub.s32 $0x2, s6;
	s11 =	sshll.u32 s21, $0x4;
	s31 =	smul.u32 $0x1400, s12  }
0xb: {  	s15 =	sor.u32 $0x60, s21;
	s13 =	sadd.s32 s11, s5;
	s5 =	smul.u32 $0x140, s8  }
0xc: {  	_ =	strace $0x80000047;
	s14 =	sshrl.u32 s6, $0x1;
	s16 =	smul.u32 $0x1400, s15  }
.Ltmp0:
0xd: {  	p0 =	sgt.u32 s21, $0x1C;
	s21 =	simm.s32 $0x14100;
	(pc) =	sbr.rel .LBB2_1-.Ltmp0, $4  }
0xe: {  	v0 =	vlaneseq.u32;
	v4 =	vimm.f32 $1.000000000e+00;
	s14 =	ssub.s32 s6, s14;
	s11 =	smul.u32 $0x140, s15;
	s15 =	simm.s32 $0x3  }
0xf: {  	v0 =	vmul.u32 $0x81, v0;
	v63 =	vand.u32 $0x7FFFFFFF, v4;
	s6 =	sadd.s32 s10, s7;
	s14 =	smax.u32 s14, $0x1;
	s7 =	sadd.s32 s10, s9  }
0x10: {  	[tilespmem:$0x1FFF0] =	vst v63;
	s8 =	sadd.s32 s10, s31;
	s9 =	smul.u32 $0x140, s12;
	s10 =	sadd.s32 s10, s16  }
0x11: {  	[tilespmem:$0x1FFE0] =	vst v0;
	s12 =	sadd.s32 $0x2400, s13;
	s13 =	sadd.s32 $0x2600, s13;
	s16 =	simm.s32 $0x80  }
.LBB2_19:
0x12: {  	[hbm4b:s12+s3] =	stream.linear.scatter [tilespmem:s21], [sflag:$0x3], $0x80, $0x38;
	[tilespmem:$0x14200] =	vst v63  }
0x13: {  	s23 =	sadd.s32 $0x1, s23;
	_ =	swait.ge [sflag:s15], $0x80  }
0x14: {  	p1 =	sne.s32 s23, s14;
	[sflag:s15] =	ssyncset.done $0x0  }
.Ltmp1:
0x15: {  	[sflag:s15] =	ssyncadd.s32 $0xFFFFFF80;
	(pc) =	sbr.rel @!p1 .LBB2_20-.Ltmp1, $4  }
0x16: {  	[hbm4b:s13+s3] =	stream.linear.scatter [tilespmem:s22], [sflag:$0x3], $0x80, $0x38;
	[tilespmem:$0x14200] =	vst v63  }
0x17: {  	_ =	swait.ge [sflag:s15], $0x80  }
0x18: {  	[sflag:s15] =	ssyncset.done $0x0  }
0x19: {  	[sflag:s15] =	ssyncadd.s32 $0xFFFFFF80  }
.LBB2_1:
0x1a: {  	[tilespmem:s3], [sflag:$0x3] =	stream.linear.gather [hbm4b:s1+s3], $0x80, $0x38;
	[tilespmem:$0x14200] =	vst v63  }
0x1b: {  	_ =	swait.ge [sflag:s15], $0x80  }
0x1c: {  	[sflag:s15] =	ssyncset.done $0x0  }
0x1d: {  	[sflag:s15] =	ssyncadd.s32 $0xFFFFFF80  }
0x1e: {  	[tilespmem:s16], [sflag:$0x3] =	stream.linear.gather [hbm4b:s1+s3], $0x80, $0x38;
	[tilespmem:$0x14200] =	vst v63  }
0x1f: {  	_ =	swait.ge [sflag:s15], $0x80  }
0x20: {  	[sflag:s15] =	ssyncset.done $0x0  }
0x21: {  	v0 =	vimm.f32 $-3.000000010e+38;
	[sflag:s15] =	ssyncadd.s32 $0xFFFFFF80  }
0x22: {  	[tilespmem:$0x14100] =	vst v0;
	v0 =	vimm.s32 $0x0  }
0x23: {  	[tilespmem:$0x14180] =	vst v0  }
0x24: {  	[tilespmem:s17], [sflag:$0x1] =	stream.linear.gather [hbm4b:s6+s3], $0xA000, $0x38;
	[tilespmem:$0x14200] =	vst v63  }
0x25: {  	_ =	swait.ge [sflag:s18], $0xA000  }
0x26: {  	[sflag:s18] =	ssyncset.done $0x0  }
0x27: {  	[sflag:s18] =	ssyncadd.s32 $0xFFFF6000  }
0x28: {  	[tilespmem:s19], [sflag:$0x2] =	stream.linear.gather [hbm4b:s7+s3], $0xA000, $0x38;
	[tilespmem:$0x14200] =	vst v63  }
0x29: {  	v1 =	vld [tilespmem:$0x14100]  }
0x2a: {  	s24 =	simm.s32 $0x0;
	v0 =	vld [tilespmem:$0x14180]  }
.LBB2_2:
0x2b: {  	s26 =	simm.s32 $0x0;
	v60 =	vld [tilespmem:$0x1FFE0]  }
0x2c: {  	v15 =	vld [tilespmem:s26+$0xC]  }
0x2d: {  	v16 =	vld [tilespmem:s26+$0xD]  }
0x2e: {  	v17 =	vld [tilespmem:s26+$0xE]  }
0x2f: {  	v63 =	vld [tilespmem:s26+$0xF]  }
0x30: {  	s28 =	sshll.u32 s24, $0xC;
	s25 =	sshllo.u32 s24, $0x1;
	v20 =	vld [tilespmem:s26+$0x8]  }
0x31: {  	s29 =	sshll.u32 s25, $0xB;
	v22 =	vld [tilespmem:s26+$0x9];
	v19 =	vor.u32 s28, v60  }
0x32: {  	v28 =	vld [tilespmem:s26+$0xA];
	v21 =	vor.u32 s29, v60  }
0x33: {  	v4 =	vld [tilespmem:s26+$0xB];
	v11 =	vadd.s32 $0xC, v19  }
0x34: {  	v18 =	vld [tilespmem:s26+$0x0];
	v14 =	vadd.s32 $0xC, v21  }
0x35: {  	v5 =	vld [tilespmem:s26+$0x4];
	v23 =	vadd.s32 $0xD, v19  }
0x36: {  	v25 =	vadd.s32 $0xD, v21;
	v24 =	vld.idx.msk [tilespmem:v19+s17+$0x0], $0xffff  }
0x37: {  	v10 =	vimm.f32 $0.0e+00;
	v13 =	vimm.f32 $0.0e+00;
	v30 =	vadd.s32 $0xE, v21;
	v26 =	vld.idx.msk [tilespmem:v21+s17+$0x0], $0xffff  }
0x38: {  	v61 =	vmov s28;
	v62 =	vmov s29;
	v31 =	vadd.s32 $0xF, v19;
	v32 =	vld.idx.msk [tilespmem:v11+s17+$0x0], $0xffff  }
0x39: {  	v27 =	vadd.s32 $0xE, v19;
	v12 =	vadd.s32 $0x10, v19;
	v33 =	vadd.s32 $0x8, v19;
	v34 =	vld.idx.msk [tilespmem:v14+s17+$0x0], $0xffff  }
0x3a: {  	v35 =	vadd.s32 $0x8, v21;
	v29 =	vadd.s32 $0xF, v21;
	v36 =	vadd.s32 $0x9, v19;
	v37 =	vld.idx.msk [tilespmem:v23+s17+$0x0], $0xffff  }
0x3b: {  	v41 =	vadd.s32 $0x9, v21;
	v42 =	vadd.s32 $0xA, v19;
	v45 =	vadd.s32 $0xA, v21;
	v25 =	vld.idx.msk [tilespmem:v25+s17+$0x0], $0xffff  }
0x3c: {  	v46 =	vadd.s32 $0xB, v19;
	v47 =	vadd.s32 $0x4, v21;
	v30 =	vld.idx.msk [tilespmem:v30+s17+$0x0], $0xffff;
	v43 =	vmul.f32 v24, v18  }
0x3d: {  	v48 =	vadd.s32 $0x5, v19;
	v31 =	vld.idx.msk [tilespmem:v31+s17+$0x0], $0xffff;
	v44 =	vmul.f32 v24, v24;
	v50 =	vmul.f32 v26, v18  }
0x3e: {  	v56 =	vadd.s32 $0x5, v21;
	v33 =	vld.idx.msk [tilespmem:v33+s17+$0x0], $0xffff;
	v51 =	vmul.f32 v26, v26;
	v57 =	vmul.f32 v32, v15  }
0x3f: {  	v59 =	vadd.s32 $0x6, v19;
	v35 =	vld.idx.msk [tilespmem:v35+s17+$0x0], $0xffff;
	v58 =	vmul.f32 v32, v32;
	v15 =	vmul.f32 v34, v15  }
0x40: {  	v6 =	vadd.s32 $0x6, v21;
	v41 =	vld.idx.msk [tilespmem:v41+s17+$0x0], $0xffff;
	v34 =	vmul.f32 v34, v34;
	v39 =	vmul.f32 v37, v16  }
0x41: {  	[tilespmem:$0x1FF50] =	vst v0;
	v0 =	vadd.s32 $0x1, v21;
	v54 =	vld.idx.msk [tilespmem:v46+s17+$0x0], $0xffff;
	v37 =	vmul.f32 v37, v37;
	v40 =	vmul.f32 v25, v16  }
0x42: {  	[tilespmem:$0x1FF40] =	vst v1;
	v1 =	vadd.s32 $0x2, v21;
	v18 =	vld.idx.msk [tilespmem:v27+s17+$0x0], $0xffff;
	v38 =	vmul.f32 v25, v25;
	v27 =	vmul.f32 v30, v17  }
0x43: {  	[tilespmem:$0x1FF80] =	vst v63;
	v55 =	vadd.s32 $0x3, v19;
	v2 =	vld.idx.msk [tilespmem:v47+s17+$0x0], $0xffff;
	v25 =	vmul.f32 v30, v30;
	v63 =	vmul.f32 v31, v63  }
0x44: {  	v32 =	vadd.s32 $0x4, v19;
	v7 =	vmul.f32 v31, v31;
	v16 =	vld.idx.msk [tilespmem:v45+s17+$0x0], $0xffff;
	v60 =	vmul.f32 v33, v20  }
0x45: {  	[tilespmem:$0x1FF60] =	vst v61;
	v11 =	vadd.s32 $0x10, v21;
	v36 =	vld.idx.msk [tilespmem:v36+s17+$0x0], $0xffff;
	v61 =	vmul.f32 v33, v33;
	v20 =	vmul.f32 v35, v20  }
0x46: {  	v23 =	vadd.s32 $0xB, v21;
	v35 =	vmul.f32 v35, v35;
	v53 =	vmul.f32 v41, v22  }
0x47: {  	[tilespmem:$0x1FF70] =	vst v62;
	v31 =	vadd.s32 $0x7, v19;
	v52 =	vmul.f32 v41, v41;
	v30 =	vmovc v4;
	v33 =	vmul.f32 v54, v4  }
0x48: {  	v4 =	vmul.f32 v2, v5;
	[tilespmem:$0x1FFA0] =	vst v7;
	v7 =	vadd.s32 $0x1, v19;
	v26 =	vmul.f32 v18, v17;
	v17 =	vld.idx.msk [tilespmem:v42+s17+$0x0], $0xffff  }
0x49: {  	v62 =	vld.idx.msk [tilespmem:v32+s17+$0x0], $0xffff;
	v49 =	vmul.f32 v16, v28;
	v47 =	vmul.f32 v16, v16;
	v16 =	vadd.f32 v50, v10  }
0x4a: {  	v3 =	vld [tilespmem:s26+$0x5];
	v45 =	vadd.s32 $0x7, v21;
	v2 =	vmul.f32 v2, v2;
	[tilespmem:$0x1FF90] =	vst v63;
	v63 =	vmul.f32 v36, v22  }
0x4b: {  	v41 =	vld.idx.msk [tilespmem:v48+s17+$0x0], $0xffff;
	v36 =	vmul.f32 v36, v36;
	v22 =	vadd.s32 $0x2, v19;
	v4 =	vadd.f32 v4, v16  }
0x4c: {  	v19 =	vld [tilespmem:s26+$0x1];
	v42 =	vadd.f32 v43, v10;
	v43 =	vadd.f32 v44, v10;
	v32 =	vmul.f32 v54, v54  }
0x4d: {  	v48 =	vmul.f32 v17, v28;
	v46 =	vmul.f32 v17, v17;
	v17 =	vld.idx.msk [tilespmem:v7+s17+$0x0], $0xffff;
	v20 =	vadd.f32 v20, v4  }
0x4e: {  	v0 =	vld.idx.msk [tilespmem:v0+s17+$0x0], $0xffff;
	v54 =	vadd.s32 $0x3, v21;
	v21 =	vmul.f32 v62, v5;
	v28 =	vmul.f32 v62, v62  }
0x4f: {  	v24 =	vmul.f32 v18, v18;
	v44 =	vld.idx.msk [tilespmem:v59+s17+$0x0], $0xffff;
	v62 =	vadd.f32 v51, v10;
	v20 =	vadd.f32 v15, v20  }
0x50: {  	v59 =	vld.idx.msk [tilespmem:v31+s17+$0x0], $0xffff;
	v31 =	vimm.f32 $0.0e+00;
	v21 =	vadd.f32 v21, v42;
	v28 =	vadd.f32 v28, v43  }
0x51: {  	v42 =	vld.idx.msk [tilespmem:v56+s17+$0x0], $0xffff;
	v43 =	vmul.f32 v41, v3;
	v2 =	vadd.f32 v2, v62;
	v41 =	vmul.f32 v41, v41  }
0x52: {  	v50 =	vld.idx.msk [tilespmem:v22+s17+$0x0], $0xffff;
	v21 =	vadd.f32 v60, v21;
	v16 =	vmul.f32 v17, v19;
	v28 =	vadd.f32 v61, v28  }
0x53: {  	v56 =	vld [tilespmem:s26+$0x6];
	v17 =	vmul.f32 v17, v17;
	v2 =	vadd.f32 v35, v2;
	v35 =	vimm.f32 $0.0e+00  }
0x54: {  	v51 =	vld [tilespmem:s26+$0x2];
	v60 =	vadd.f32 v57, v21;
	v21 =	vmul.f32 v0, v19;
	v61 =	vadd.f32 v58, v28  }
0x55: {  	v0 =	vmul.f32 v0, v0;
	v2 =	vadd.f32 v34, v2;
	v62 =	vadd.f32 v16, v10  }
0x56: {  	v22 =	vadd.f32 v17, v10;
	v58 =	vmul.f32 v44, v44;
	v3 =	vmul.f32 v42, v3  }
0x57: {  	v28 =	vmul.f32 v42, v42;
	v21 =	vadd.f32 v21, v10;
	v0 =	vadd.f32 v0, v10  }
0x58: {  	v57 =	vmul.f32 v44, v56;
	[tilespmem:$0x1FFD0] =	vst v2;
	v2 =	vadd.f32 v43, v62;
	v22 =	vadd.f32 v41, v22  }
0x59: {  	v62 =	vmul.f32 v50, v51;
	v43 =	vadd.f32 v3, v21;
	v41 =	vadd.f32 v28, v0  }
0x5a: {  	[tilespmem:$0x1FFC0] =	vst v61;
	v61 =	vld.idx.msk [tilespmem:v1+s17+$0x0], $0xffff;
	v44 =	vadd.f32 v63, v2;
	v42 =	vadd.f32 v36, v22;
	v36 =	vimm.f32 $0.0e+00  }
0x5b: {  	s28 =	simm.s32 $0x40;
	[tilespmem:$0x1FFB0] =	vst v60;
	v60 =	vld.idx.msk [tilespmem:v6+s17+$0x0], $0xffff;
	v22 =	vimm.f32 $0.0e+00;
	v63 =	vimm.f32 $0.0e+00;
	v28 =	vimm.f32 $0.0e+00  }
.LBB2_3:
0x5c: {  	v1 =	vld [tilespmem:s26+$0x7]  }
0x5d: {  	v23 =	vld.idx.msk [tilespmem:v23+s17+$0x0], $0xffff  }
0x5e: {  	v18 =	vld.idx.msk [tilespmem:v11+s17+$0x0], $0xffff  }
0x5f: {  	v2 =	vadd.f32 v53, v43;
	v53 =	vld.idx.msk [tilespmem:v55+s17+$0x0], $0xffff  }
0x60: {  	v0 =	vmul.f32 v50, v50;
	v4 =	vadd.f32 v39, v44;
	v39 =	vld [tilespmem:s26+$0x3]  }
0x61: {  	v50 =	vmov v12;
	v3 =	vadd.f32 v52, v41;
	v16 =	vadd.f32 v37, v42;
	v55 =	vld.idx.msk [tilespmem:v54+s17+$0x0], $0xffff  }
0x62: {  	v43 =	vadd.f32 v62, v10;
	v62 =	vld.idx.msk [tilespmem:v45+s17+$0x0], $0xffff;
	v54 =	vadd.s32 $0x4, v50;
	v34 =	vmul.f32 v61, v51  }
0x63: {  	s26 =	sshra.s32 s28, $0x2;
	v52 =	vld.idx.msk [tilespmem:v29+s17+$0x0], $0xffff;
	v17 =	vmul.f32 v61, v61;
	v0 =	vadd.f32 v0, v13;
	v2 =	vadd.f32 v40, v2  }
0x64: {  	v45 =	vld [tilespmem:s26+$0x8];
	v44 =	vadd.f32 v38, v3;
	v38 =	vadd.s32 $0x8, v50;
	v13 =	vmul.f32 v60, v56  }
0x65: {  	v29 =	vld [tilespmem:s26+$0xB];
	v34 =	vadd.f32 v34, v36;
	v35 =	vadd.f32 v17, v35;
	v17 =	vmul.f32 v53, v39  }
0x66: {  	v61 =	vmul.f32 v60, v60;
	v0 =	vadd.f32 v58, v0;
	v58 =	vld [tilespmem:$0x1FF80];
	v3 =	vmul.f32 v55, v55  }
0x67: {  	[tilespmem:$0x1FF10] =	vst v16;
	v16 =	vmul.f32 v59, v59;
	v60 =	vld [tilespmem:$0x1FFA0];
	v6 =	vmul.f32 v59, v1;
	v14 =	vadd.f32 v17, v22  }
0x68: {  	[tilespmem:$0x1FF20] =	vst v2;
	v2 =	vadd.f32 v57, v43;
	v59 =	vld [tilespmem:$0x1FF90];
	v3 =	vadd.f32 v3, v28;
	v28 =	vmul.f32 v62, v62  }
0x69: {  	v5 =	vmul.f32 v23, v30;
	v0 =	vadd.f32 v46, v0;
	v46 =	vld [tilespmem:s26+$0x9];
	v14 =	vadd.f32 v6, v14  }
0x6a: {  	v23 =	vmul.f32 v23, v23;
	v7 =	vadd.f32 v61, v35;
	v61 =	vld [tilespmem:s26+$0x0];
	v3 =	vadd.f32 v28, v3  }
0x6b: {  	v39 =	vmul.f32 v55, v39;
	v15 =	vld.idx.msk [tilespmem:v54+s17+$0x0], $0xffff;
	v2 =	vadd.f32 v48, v2;
	v14 =	vadd.f32 v33, v14  }
0x6c: {  	v48 =	vmul.f32 v53, v53;
	v53 =	vld [tilespmem:s26+$0xF];
	v3 =	vadd.f32 v23, v3;
	v23 =	vadd.s32 $0xC, v12  }
0x6d: {  	v42 =	vadd.f32 v24, v0;
	v24 =	vld [tilespmem:s26+$0xD];
	v41 =	vadd.f32 v59, v14;
	v14 =	vadd.s32 $0xC, v11  }
0x6e: {  	v37 =	vadd.s32 $0xF, v50;
	v13 =	vadd.f32 v13, v34;
	v47 =	vadd.f32 v47, v7;
	v17 =	vld.idx.msk [tilespmem:v38+s17+$0x0], $0xffff  }
0x6f: {  	v1 =	vmul.f32 v62, v1;
	v43 =	vadd.f32 v26, v2;
	v2 =	vld [tilespmem:s26+$0xC];
	v26 =	vadd.f32 v39, v31  }
0x70: {  	v51 =	vmovc v11;
	v62 =	vadd.s32 $0xD, v12;
	v35 =	vadd.f32 v25, v47;
	v25 =	vadd.f32 v48, v63;
	v63 =	vld.idx.msk [tilespmem:v12+s17+$0x0], $0xffff  }
0x71: {  	v0 =	vmul.f32 v52, v52;
	v6 =	vadd.s32 $0x8, v51;
	v1 =	vadd.f32 v1, v26;
	v26 =	vld.idx.msk [tilespmem:v23+s17+$0x0], $0xffff  }
0x72: {  	v7 =	vadd.s32 $0x9, v50;
	v9 =	vmul.f32 v52, v58;
	v25 =	vadd.f32 v16, v25;
	v33 =	vld.idx.msk [tilespmem:v14+s17+$0x0], $0xffff  }
0x73: {  	v52 =	vadd.s32 $0xB, v50;
	v47 =	vadd.s32 $0x9, v51;
	v1 =	vadd.f32 v5, v1;
	v5 =	vmovc v53;
	v53 =	vld.idx.msk [tilespmem:v37+s17+$0x0], $0xffff  }
0x74: {  	v16 =	vadd.s32 $0xD, v11;
	v25 =	vadd.f32 v32, v25;
	v32 =	vld [tilespmem:s26+$0xA];
	v31 =	vadd.f32 v0, v3  }
0x75: {  	v0 =	vmul.f32 v18, v61;
	v34 =	vadd.f32 v9, v1;
	v1 =	vld.idx.msk [tilespmem:v62+s17+$0x0], $0xffff;
	v57 =	vmul.f32 v63, v61  }
0x76: {  	v48 =	vadd.s32 $0xA, v50;
	v3 =	vmul.f32 v63, v63;
	v62 =	vld.idx.msk [tilespmem:v6+s17+$0x0], $0xffff;
	v59 =	vmul.f32 v26, v2  }
0x77: {  	v63 =	vld.idx.msk [tilespmem:v7+s17+$0x0], $0xffff;
	v2 =	vmul.f32 v33, v2;
	v61 =	vmul.f32 v33, v33;
	v33 =	vadd.s32 $0x4, v51  }
0x78: {  	v49 =	vadd.f32 v49, v13;
	v14 =	vld.idx.msk [tilespmem:v52+s17+$0x0], $0xffff  }
0x79: {  	v8 =	vadd.s32 $0x6, v50;
	v55 =	vadd.s32 $0x1, v50;
	v16 =	vld.idx.msk [tilespmem:v16+s17+$0x0], $0xffff  }
0x7a: {  	v36 =	vadd.f32 v27, v49;
	v49 =	vadd.s32 $0xA, v51;
	[tilespmem:$0x1FF80] =	vst v5;
	v47 =	vld.idx.msk [tilespmem:v47+s17+$0x0], $0xffff;
	v5 =	vmul.f32 v53, v5  }
0x7b: {  	[tilespmem:$0x1FF00] =	vst v4;
	v58 =	vmul.f32 v18, v18;
	v10 =	vld.idx.msk [tilespmem:v48+s17+$0x0], $0xffff;
	v4 =	vadd.f32 v60, v25;
	v25 =	vadd.s32 $0xE, v12  }
0x7c: {  	v28 =	vmovc v20;
	v20 =	vadd.s32 $0xF, v51;
	v22 =	vmul.f32 v17, v45;
	v23 =	vadd.s32 $0xE, v11;
	[tilespmem:$0x1FF90] =	vst v5;
	v5 =	vld.idx.msk [tilespmem:v33+s17+$0x0], $0xffff  }
0x7d: {  	v54 =	vadd.s32 $0x3, v51;
	v30 =	vmovc v29;
	v13 =	vmul.f32 v17, v17;
	v33 =	vmul.f32 v14, v29;
	v29 =	vmovc v20;
	v20 =	vld [tilespmem:$0x1FFB0]  }
0x7e: {  	v27 =	vld [tilespmem:s26+$0xE];
	v17 =	vadd.s32 $0x1, v51;
	v6 =	vadd.s32 $0x6, v51;
	v40 =	vmul.f32 v16, v24  }
0x7f: {  	v7 =	vld.idx.msk [tilespmem:v49+s17+$0x0], $0xffff;
	[tilespmem:$0x1FF30] =	vst v4;
	v4 =	vadd.s32 $0x5, v51;
	v38 =	vmul.f32 v16, v16;
	v16 =	vmul.f32 v53, v53  }
0x80: {  	v9 =	vmul.f32 v62, v45;
	v45 =	vadd.s32 $0x7, v51;
	v48 =	vmul.f32 v10, v32;
	v25 =	vld.idx.msk [tilespmem:v25+s17+$0x0], $0xffff  }
0x81: {  	v18 =	vld.idx.msk [tilespmem:v23+s17+$0x0], $0xffff;
	v23 =	vadd.s32 $0xB, v51;
	v53 =	vmul.f32 v47, v46;
	[tilespmem:$0x1FFA0] =	vst v16;
	v16 =	vmul.f32 v63, v46  }
0x82: {  	v46 =	vmul.f32 v10, v10;
	v10 =	vadd.s32 $0x2, v51;
	v51 =	vadd.f32 v57, v20;
	v20 =	vld [tilespmem:$0x1FFC0]  }
0x83: {  	v56 =	vld [tilespmem:s26+$0x4];
	v39 =	vmul.f32 v1, v24;
	v37 =	vmul.f32 v1, v1  }
0x84: {  	v21 =	vadd.s32 $0x7, v50;
	v19 =	vld [tilespmem:s26+$0x5];
	v52 =	vmul.f32 v47, v47;
	v49 =	vmul.f32 v7, v32  }
0x85: {  	v8 =	vld.idx.msk [tilespmem:v8+s17+$0x0], $0xffff;
	v1 =	vadd.s32 $0x5, v50;
	v60 =	vmul.f32 v26, v26;
	v47 =	vmul.f32 v7, v7  }
0x86: {  	v7 =	vld.idx.msk [tilespmem:v55+s17+$0x0], $0xffff;
	v55 =	vadd.s32 $0x3, v50;
	v32 =	vmul.f32 v14, v14;
	v26 =	vmul.f32 v25, v27  }
0x87: {  	v24 =	vmul.f32 v25, v25;
	v27 =	vmul.f32 v18, v27;
	v3 =	vadd.f32 v3, v20;
	v20 =	vld [tilespmem:$0x1FFD0]  }
0x88: {  	v17 =	vld.idx.msk [tilespmem:v17+s17+$0x0], $0xffff;
	v25 =	vmul.f32 v18, v18;
	v18 =	vadd.s32 $0x2, v50;
	v50 =	vmul.f32 v15, v56  }
0x89: {  	v0 =	vadd.f32 v0, v28;
	v15 =	vmul.f32 v15, v15;
	v14 =	vld [tilespmem:s26+$0x1];
	v56 =	vmul.f32 v5, v56  }
0x8a: {  	[tilespmem:$0x1FEE0] =	vst v12;
	v12 =	vadd.s32 $0x10, v12;
	v4 =	vld.idx.msk [tilespmem:v4+s17+$0x0], $0xffff  }
0x8b: {  	[tilespmem:$0x1FEF0] =	vst v11;
	v11 =	vadd.s32 $0x10, v11;
	v1 =	vld.idx.msk [tilespmem:v1+s17+$0x0], $0xffff;
	v0 =	vadd.f32 v56, v0;
	v3 =	vadd.f32 v15, v3  }
0x8c: {  	v5 =	vmul.f32 v5, v5;
	v50 =	vadd.f32 v50, v51;
	v56 =	vld [tilespmem:s26+$0x6];
	v20 =	vadd.f32 v58, v20  }
0x8d: {  	v62 =	vmul.f32 v62, v62;
	v0 =	vadd.f32 v9, v0;
	v3 =	vadd.f32 v13, v3;
	v13 =	vmovc v42;
	v42 =	vld [tilespmem:$0x1FF10]  }
0x8e: {  	v57 =	vmul.f32 v7, v14;
	v5 =	vadd.f32 v5, v20;
	v20 =	vadd.f32 v22, v50;
	v22 =	vmovc v41;
	v41 =	vld [tilespmem:$0x1FF00]  }
0x8f: {  	v51 =	vld [tilespmem:s26+$0x2];
	v9 =	vmul.f32 v17, v14;
	v17 =	vmul.f32 v17, v17;
	v3 =	vadd.f32 v60, v3  }
0x90: {  	v28 =	vmovc v31;
	v7 =	vmul.f32 v7, v7;
	v15 =	vmul.f32 v1, v19;
	v5 =	vadd.f32 v62, v5;
	v62 =	vld [tilespmem:$0x1FF20]  }
0x91: {  	v31 =	vmov v34;
	v60 =	vld.idx.msk [tilespmem:v6+s17+$0x0], $0xffff;
	[tilespmem:$0x1FFC0] =	vst v3;
	v3 =	vadd.f32 v17, v44;
	v14 =	vadd.f32 v59, v20  }
0x92: {  	p1 =	sne.s32 s28, $0x180;
	v1 =	vmul.f32 v1, v1;
	v50 =	vld.idx.msk [tilespmem:v18+s17+$0x0], $0xffff;
	v20 =	vadd.f32 v2, v0;
	v2 =	vadd.f32 v7, v42  }
.Ltmp2:
0x93: {  	v63 =	vmul.f32 v63, v63;
	v34 =	vadd.f32 v61, v5;
	v61 =	vld.idx.msk [tilespmem:v10+s17+$0x0], $0xffff;
	v0 =	vadd.f32 v57, v41;
	(pc) =	sbr.rel @p1 .LBB2_3-.Ltmp2, $4  }
0x94: {  	v10 =	vmovc v43;
	v43 =	vmul.f32 v4, v19;
	v4 =	vmul.f32 v4, v4;
	v1 =	vadd.f32 v1, v2  }
0x95: {  	v58 =	vmul.f32 v8, v8;
	v59 =	vld.idx.msk [tilespmem:v21+s17+$0x0], $0xffff;
	v7 =	vadd.f32 v9, v62;
	v0 =	vadd.f32 v15, v0  }
0x96: {  	[tilespmem:$0x1FFB0] =	vst v14;
	v57 =	vmul.f32 v8, v56;
	v41 =	vadd.f32 v4, v3;
	v42 =	vadd.f32 v63, v1  }
0x97: {  	s28 =	sadd.s32 $0x40, s28;
	[tilespmem:$0x1FFD0] =	vst v34;
	v63 =	vld [tilespmem:$0x1FF30];
	v62 =	vmul.f32 v50, v51;
	v43 =	vadd.f32 v43, v7;
	v44 =	vadd.f32 v16, v0  }
0x98: {  	_ =	sdelay $0x2  }
0x99: {  	v1 =	vmul.f32 v50, v50;
	v2 =	vld [tilespmem:s26+$0x7];
	v3 =	vadd.f32 v52, v41  }
0x9a: {  	v5 =	vmul.f32 v61, v51;
	v6 =	vld.idx.msk [tilespmem:v55+s17+$0x0], $0xffff;
	v7 =	vadd.f32 v37, v42;
	v0 =	vadd.f32 v53, v43  }
0x9b: {  	v8 =	vmul.f32 v61, v61;
	v9 =	vld [tilespmem:s26+$0x3];
	v4 =	vadd.f32 v39, v44;
	v10 =	vadd.f32 v62, v10  }
0x9c: {  	v14 =	vld.idx.msk [tilespmem:v54+s17+$0x0], $0xffff;
	v15 =	vmul.f32 v60, v60;
	v3 =	vadd.f32 v38, v3;
	v1 =	vadd.f32 v1, v13  }
0x9d: {  	v18 =	vld.idx.msk [tilespmem:v23+s17+$0x0], $0xffff;
	v43 =	vmul.f32 v60, v56;
	v5 =	vadd.f32 v5, v36;
	v8 =	vadd.f32 v8, v35  }
0x9e: {  	v44 =	vld.idx.msk [tilespmem:v45+s17+$0x0], $0xffff;
	v45 =	vmul.f32 v59, v59;
	v35 =	vlaneseq.u32;
	v0 =	vadd.f32 v40, v0  }
0x9f: {  	v10 =	vadd.f32 v57, v10;
	v52 =	vmul.u32 $0x80, v35;
	v1 =	vadd.f32 v58, v1  }
0xa0: {  	v50 =	vld.idx.msk [tilespmem:v29+s17+$0x0], $0xffff;
	v5 =	vadd.f32 v43, v5;
	v16 =	vmul.f32 v59, v2;
	v17 =	vmul.f32 v6, v9  }
0xa1: {  	v56 =	vld [tilespmem:$0x1FF60];
	v8 =	vadd.f32 v15, v8;
	v6 =	vmul.f32 v6, v6;
	v9 =	vmul.f32 v14, v9  }
0xa2: {  	v62 =	vld [tilespmem:$0x1FF80];
	v10 =	vadd.f32 v48, v10;
	v48 =	vmul.f32 v14, v14;
	v53 =	vmul.f32 v18, v30  }
0xa3: {  	v12 =	vld.idx.msk [tilespmem:v12+s17+$0x0], $0xffff;
	v36 =	vadd.s32 $0x80, v52;
	v55 =	vmul.f32 v18, v18;
	v1 =	vadd.f32 v46, v1  }
0xa4: {  	v57 =	vld [tilespmem:$0x70];
	v5 =	vadd.f32 v49, v5;
	v8 =	vadd.f32 v47, v8;
	v2 =	vmul.f32 v44, v2  }
0xa5: {  	v58 =	vld [tilespmem:$0x1FEE0];
	v51 =	vmul.f32 v44, v44;
	v19 =	vadd.f32 v26, v10;
	v49 =	vadd.f32 v17, v22  }
0xa6: {  	v11 =	vld.idx.msk [tilespmem:v11+s17+$0x0], $0xffff;
	v6 =	vadd.f32 v6, v63;
	v9 =	vadd.f32 v9, v31;
	v10 =	vor.u32 v36, v56  }
0xa7: {  	v34 =	vld [tilespmem:$0x1FFC0];
	v63 =	vmul.f32 v50, v62;
	v1 =	vadd.f32 v24, v1;
	v21 =	vadd.f32 v27, v5  }
0xa8: {  	v17 =	vmul.f32 v50, v50;
	v14 =	vadd.f32 v25, v8;
	v5 =	vadd.f32 v48, v28;
	v24 =	vld [tilespmem:$0x1FF70]  }
0xa9: {  	v25 =	vld [tilespmem:$0x1FEF0];
	v30 =	vmul.f32 v12, v57;
	v12 =	vmul.f32 v12, v12;
	v8 =	vadd.f32 v16, v49  }
0xaa: {  	v29 =	vld [tilespmem:$0x1FFA0];
	v6 =	vadd.f32 v45, v6;
	v2 =	vadd.f32 v2, v9;
	v59 =	vadd.s32 $0x11, v58  }
0xab: {  	v46 =	vld [tilespmem:$0x1FFD0];
	v61 =	vadd.s32 $0xFFFFFF91, v58;
	v16 =	vmul.f32 v11, v57;
	vm0 =	vlt.s32 v59, v10  }
0xac: {  	v28 =	vld [tilespmem:$0x1FF90];
	v54 =	vadd.f32 v51, v5;
	v12 =	vadd.f32 v12, v34;
	v18 =	vsel vm0, v59, v61  }
0xad: {  	v11 =	vmul.f32 v11, v11;
	v60 =	vadd.f32 v33, v8;
	v6 =	vadd.f32 v32, v6  }
0xae: {  	v2 =	vadd.f32 v53, v2;
	v8 =	vadd.s32 v36, v24;
	v26 =	vadd.s32 $0x11, v25  }
0xaf: {  	v33 =	vld [tilespmem:$0x1FFB0];
	v16 =	vadd.f32 v16, v20;
	v27 =	vadd.s32 $0xFFFFFF91, v25;
	vm6 =	vlt.s32 v26, v8  }
0xb0: {  	v31 =	vld [tilespmem:$0x71];
	v11 =	vadd.f32 v11, v46;
	v9 =	vadd.f32 v55, v54;
	v13 =	vsel vm6, v26, v27  }
0xb1: {  	v37 =	vadd.s32 $0x1, v18;
	v22 =	vadd.f32 v28, v60;
	v6 =	vadd.f32 v29, v6;
	v32 =	vld.idx.msk [tilespmem:v18+s17+$0x0], $0xffff  }
0xb2: {  	v2 =	vadd.f32 v63, v2;
	vm7 =	vlt.s32 v37, v10;
	v18 =	vadd.s32 $0xFFFFFF81, v18  }
0xb3: {  	v9 =	vadd.f32 v17, v9;
	v39 =	vadd.s32 $0x1, v13;
	v18 =	vsel vm7, v37, v18  }
0xb4: {  	v15 =	vadd.f32 v30, v33;
	vm8 =	vlt.s32 v39, v8;
	v41 =	vadd.s32 $0x1, v18  }
0xb5: {  	v42 =	vadd.s32 $0xFFFFFF81, v18;
	vm9 =	vlt.s32 v41, v10;
	v38 =	vld.idx.msk [tilespmem:v13+s17+$0x0], $0xffff;
	v13 =	vadd.s32 $0xFFFFFF81, v13  }
0xb6: {  	v25 =	vsel vm9, v41, v42;
	v40 =	vmul.f32 v32, v31;
	v13 =	vsel vm8, v39, v13  }
0xb7: {  	v17 =	vmul.f32 v32, v32;
	v47 =	vadd.s32 $0x1, v25;
	v49 =	vadd.s32 $0xFFFFFF81, v25  }
0xb8: {  	v45 =	vld [tilespmem:$0x72];
	v43 =	vadd.s32 $0x1, v13;
	v44 =	vadd.s32 $0xFFFFFF81, v13;
	vm11 =	vlt.s32 v47, v10  }
0xb9: {  	v18 =	vld.idx.msk [tilespmem:v18+s17+$0x0], $0xffff;
	vm10 =	vlt.s32 v43, v8;
	v7 =	vadd.f32 v17, v7;
	v17 =	vsel vm11, v47, v49  }
0xba: {  	v4 =	vadd.f32 v40, v4;
	v26 =	vsel vm10, v43, v44;
	v51 =	vadd.s32 $0x1, v17  }
0xbb: {  	v48 =	vld [tilespmem:$0x73];
	v53 =	vadd.s32 $0xFFFFFF81, v17;
	v24 =	vmul.f32 v38, v31;
	v27 =	vadd.s32 $0x1, v26  }
0xbc: {  	v25 =	vld.idx.msk [tilespmem:v25+s17+$0x0], $0xffff;
	v50 =	vadd.s32 $0xFFFFFF81, v26;
	v23 =	vmul.f32 v38, v38;
	vm13 =	vlt.s32 v51, v10  }
0xbd: {  	v13 =	vld.idx.msk [tilespmem:v13+s17+$0x0], $0xffff;
	vm12 =	vlt.s32 v27, v8;
	v54 =	vsel vm13, v51, v53;
	v0 =	vadd.f32 v24, v0  }
0xbe: {  	v24 =	vsel vm12, v27, v50;
	v52 =	vmul.f32 v18, v45;
	v3 =	vadd.f32 v23, v3  }
0xbf: {  	v56 =	vld [tilespmem:$0x74];
	v18 =	vmul.f32 v18, v18;
	v5 =	vadd.s32 $0x1, v54;
	v23 =	vadd.s32 $0xFFFFFF81, v54  }
0xc0: {  	v17 =	vld.idx.msk [tilespmem:v17+s17+$0x0], $0xffff;
	v60 =	vadd.s32 $0x1, v24;
	v62 =	vadd.s32 $0xFFFFFF81, v24;
	vm15 =	vlt.s32 v5, v10  }
0xc1: {  	v26 =	vld.idx.msk [tilespmem:v26+s17+$0x0], $0xffff;
	v19 =	vadd.f32 v52, v19;
	v57 =	vmul.f32 v25, v48;
	v25 =	vmul.f32 v25, v25  }
0xc2: {  	v1 =	vadd.f32 v18, v1;
	v55 =	vmul.f32 v13, v45;
	v13 =	vmul.f32 v13, v13  }
0xc3: {  	v61 =	vld [tilespmem:$0x75];
	vm14 =	vlt.s32 v60, v8;
	v18 =	vadd.f32 v57, v22;
	v6 =	vadd.f32 v25, v6  }
0xc4: {  	v63 =	vld.idx.msk [tilespmem:v54+s17+$0x0], $0xffff;
	v22 =	vsel vm15, v5, v23;
	v21 =	vadd.f32 v55, v21;
	v13 =	vadd.f32 v13, v14  }
0xc5: {  	v59 =	vld.idx.msk [tilespmem:v24+s17+$0x0], $0xffff;
	v14 =	vsel vm14, v60, v62;
	v32 =	vmul.f32 v17, v56;
	v17 =	vmul.f32 v17, v17  }
0xc6: {  	v41 =	vadd.s32 $0x1, v22;
	v58 =	vmul.f32 v26, v48;
	v26 =	vmul.f32 v26, v26  }
0xc7: {  	v38 =	vadd.s32 $0x1, v14;
	vm5 =	vlt.s32 v41, v10;
	v15 =	vadd.f32 v32, v15  }
0xc8: {  	v12 =	vadd.f32 v17, v12;
	vm4 =	vlt.s32 v38, v8;
	v2 =	vadd.f32 v58, v2  }
0xc9: {  	v39 =	vld [tilespmem:$0x76];
	v9 =	vadd.f32 v26, v9;
	v33 =	vmul.f32 v63, v61;
	v37 =	vmul.f32 v63, v63  }
0xca: {  	v28 =	vmul.f32 v59, v56;
	v20 =	vmul.f32 v59, v59;
	v40 =	vld.idx.msk [tilespmem:v22+s17+$0x0], $0xffff;
	v22 =	vadd.s32 $0xFFFFFF81, v22  }
0xcb: {  	v34 =	vld.idx.msk [tilespmem:v14+s17+$0x0], $0xffff;
	v4 =	vadd.f32 v33, v4;
	v14 =	vadd.s32 $0xFFFFFF81, v14;
	v7 =	vadd.f32 v37, v7  }
0xcc: {  	v22 =	vsel vm5, v41, v22;
	v16 =	vadd.f32 v28, v16;
	v14 =	vsel vm4, v38, v14  }
0xcd: {  	v44 =	vadd.s32 $0x1, v22;
	v45 =	vadd.s32 $0xFFFFFF81, v22;
	v42 =	vadd.s32 $0x1, v14  }
0xce: {  	v43 =	vadd.s32 $0xFFFFFF81, v14;
	vm7 =	vlt.s32 v44, v10;
	vm6 =	vlt.s32 v42, v8  }
0xcf: {  	v11 =	vadd.f32 v20, v11;
	v26 =	vsel vm7, v44, v45;
	v24 =	vsel vm6, v42, v43  }
0xd0: {  	v46 =	vmul.f32 v40, v39;
	v47 =	vmul.f32 v40, v40;
	v53 =	vadd.s32 $0x1, v26  }
0xd1: {  	v48 =	vld [tilespmem:$0x77];
	v55 =	vadd.s32 $0xFFFFFF81, v26;
	v25 =	vmul.f32 v34, v61;
	v20 =	vmul.f32 v34, v34  }
0xd2: {  	v49 =	vadd.s32 $0x1, v24;
	v22 =	vld.idx.msk [tilespmem:v22+s17+$0x0], $0xffff;
	v50 =	vadd.s32 $0xFFFFFF81, v24;
	vm9 =	vlt.s32 v53, v10  }
0xd3: {  	v14 =	vld.idx.msk [tilespmem:v14+s17+$0x0], $0xffff;
	v19 =	vadd.f32 v46, v19;
	vm8 =	vlt.s32 v49, v8;
	v1 =	vadd.f32 v47, v1  }
0xd4: {  	v0 =	vadd.f32 v25, v0;
	v3 =	vadd.f32 v20, v3;
	v52 =	vsel vm8, v49, v50  }
0xd5: {  	v25 =	vsel vm9, v53, v55;
	v56 =	vadd.s32 $0x1, v52;
	v57 =	vadd.s32 $0xFFFFFF81, v52  }
0xd6: {  	v54 =	vld [tilespmem:$0x78];
	v58 =	vadd.s32 $0x1, v25;
	v59 =	vadd.s32 $0xFFFFFF81, v25;
	vm10 =	vlt.s32 v56, v8  }
0xd7: {  	v26 =	vld.idx.msk [tilespmem:v26+s17+$0x0], $0xffff;
	vm11 =	vlt.s32 v58, v10;
	v28 =	vsel vm10, v56, v57;
	v60 =	vmul.f32 v22, v48  }
0xd8: {  	v51 =	vld.idx.msk [tilespmem:v24+s17+$0x0], $0xffff;
	v29 =	vsel vm11, v58, v59;
	v61 =	vmul.f32 v22, v22;
	v17 =	vmul.f32 v14, v39  }
0xd9: {  	v14 =	vmul.f32 v14, v14;
	v34 =	vadd.s32 $0x1, v28;
	v39 =	vadd.s32 $0xFFFFFF81, v28  }
0xda: {  	v63 =	vld [tilespmem:$0x79];
	v44 =	vadd.s32 $0x1, v29;
	v47 =	vadd.s32 $0xFFFFFF81, v29;
	v18 =	vadd.f32 v60, v18  }
0xdb: {  	v24 =	vld.idx.msk [tilespmem:v52+s17+$0x0], $0xffff;
	v6 =	vadd.f32 v61, v6;
	vm12 =	vlt.s32 v34, v8;
	vm13 =	vlt.s32 v44, v10  }
0xdc: {  	v25 =	vld.idx.msk [tilespmem:v25+s17+$0x0], $0xffff;
	v17 =	vadd.f32 v17, v21;
	v32 =	vmul.f32 v26, v54;
	v38 =	vmul.f32 v26, v26  }
0xdd: {  	v13 =	vadd.f32 v14, v13;
	v62 =	vmul.f32 v51, v48;
	v20 =	vmul.f32 v51, v51  }
0xde: {  	v48 =	vsel vm13, v44, v47;
	v15 =	vadd.f32 v32, v15;
	v12 =	vadd.f32 v38, v12  }
0xdf: {  	v50 =	vadd.s32 $0x1, v48;
	v9 =	vadd.f32 v20, v9;
	v20 =	vsel vm12, v34, v39  }
0xe0: {  	v51 =	vadd.s32 $0xFFFFFF81, v48;
	v2 =	vadd.f32 v62, v2;
	v27 =	vmul.f32 v24, v54  }
0xe1: {  	v33 =	vld.idx.msk [tilespmem:v28+s17+$0x0], $0xffff;
	vm15 =	vlt.s32 v50, v10;
	v24 =	vmul.f32 v24, v24;
	v41 =	vmul.f32 v25, v63  }
0xe2: {  	v37 =	vld [tilespmem:$0x7A];
	v25 =	vmul.f32 v25, v25;
	v49 =	vadd.s32 $0x1, v20;
	v22 =	vsel vm15, v50, v51  }
0xe3: {  	v40 =	vld.idx.msk [tilespmem:v29+s17+$0x0], $0xffff;
	vm14 =	vlt.s32 v49, v8;
	v55 =	vadd.s32 $0x1, v22;
	v56 =	vadd.s32 $0xFFFFFF81, v22  }
0xe4: {  	v16 =	vadd.f32 v27, v16;
	v11 =	vadd.f32 v24, v11;
	v45 =	vld.idx.msk [tilespmem:v20+s17+$0x0], $0xffff;
	v20 =	vadd.s32 $0xFFFFFF81, v20  }
0xe5: {  	v4 =	vadd.f32 v41, v4;
	v7 =	vadd.f32 v25, v7;
	v20 =	vsel vm14, v49, v20  }
0xe6: {  	vm5 =	vlt.s32 v55, v10;
	v42 =	vmul.f32 v33, v63;
	v53 =	vadd.s32 $0x1, v20  }
0xe7: {  	v14 =	vmul.f32 v33, v33;
	v54 =	vadd.s32 $0xFFFFFF81, v20;
	vm4 =	vlt.s32 v53, v8  }
0xe8: {  	v43 =	vmul.f32 v40, v37;
	v26 =	vsel vm5, v55, v56;
	v23 =	vsel vm4, v53, v54  }
0xe9: {  	v52 =	vld [tilespmem:$0x7B];
	v59 =	vadd.s32 $0x1, v26;
	v61 =	vadd.s32 $0xFFFFFF81, v26;
	v57 =	vadd.s32 $0x1, v23  }
0xea: {  	v60 =	vld [tilespmem:$0x7C];
	v0 =	vadd.f32 v42, v0;
	v58 =	vadd.s32 $0xFFFFFF81, v23;
	vm6 =	vlt.s32 v57, v8  }
0xeb: {  	v34 =	vld [tilespmem:$0x7D];
	v3 =	vadd.f32 v14, v3;
	vm7 =	vlt.s32 v59, v10;
	v27 =	vsel vm6, v57, v58  }
0xec: {  	v14 =	vld.idx.msk [tilespmem:v48+s17+$0x0], $0xffff;
	v28 =	vsel vm7, v59, v61;
	v21 =	vmul.f32 v45, v37;
	v63 =	vadd.s32 $0x1, v27  }
0xed: {  	v22 =	vld.idx.msk [tilespmem:v22+s17+$0x0], $0xffff;
	v37 =	vadd.s32 $0x1, v28;
	v5 =	vadd.s32 $0xFFFFFF81, v27;
	vm8 =	vlt.s32 v63, v8  }
0xee: {  	v42 =	vld [tilespmem:$0x7E];
	v38 =	vadd.s32 $0xFFFFFF81, v28;
	vm9 =	vlt.s32 v37, v10;
	v29 =	vsel vm8, v63, v5  }
0xef: {  	v46 =	vmul.f32 v40, v40;
	v39 =	vld.idx.msk [tilespmem:v26+s17+$0x0], $0xffff;
	v10 =	vsel vm9, v37, v38;
	v41 =	vadd.s32 $0x1, v29  }
0xf0: {  	v19 =	vadd.f32 v43, v19;
	v20 =	vld.idx.msk [tilespmem:v20+s17+$0x0], $0xffff;
	v43 =	vadd.s32 $0xFFFFFF81, v29;
	vm10 =	vlt.s32 v41, v8  }
0xf1: {  	v25 =	vmul.f32 v45, v45;
	v62 =	vmul.f32 v14, v52;
	v28 =	vld.idx.msk [tilespmem:v28+s17+$0x0], $0xffff;
	v8 =	vsel vm10, v41, v43  }
0xf2: {  	v1 =	vadd.f32 v46, v1;
	v14 =	vmul.f32 v14, v14;
	v44 =	vmul.f32 v22, v60;
	v23 =	vld.idx.msk [tilespmem:v23+s17+$0x0], $0xffff  }
0xf3: {  	v45 =	vmul.f32 v22, v22;
	v17 =	vadd.f32 v21, v17;
	v13 =	vadd.f32 v25, v13;
	v40 =	vld.idx.msk [tilespmem:v27+s17+$0x0], $0xffff  }
0xf4: {  	v18 =	vadd.f32 v62, v18;
	v6 =	vadd.f32 v14, v6;
	v51 =	vmul.f32 v39, v39;
	v10 =	vld.idx.msk [tilespmem:v10+s17+$0x0], $0xffff  }
0xf5: {  	v15 =	vadd.f32 v44, v15;
	v49 =	vmul.f32 v39, v34;
	v24 =	vmul.f32 v20, v52;
	v46 =	vld.idx.msk [tilespmem:v29+s17+$0x0], $0xffff  }
0xf6: {  	v12 =	vadd.f32 v45, v12;
	v20 =	vmul.f32 v20, v20;
	v7 =	vadd.f32 v51, v7;
	v8 =	vld.idx.msk [tilespmem:v8+s17+$0x0], $0xffff  }
0xf7: {  	v50 =	vld [tilespmem:$0x7F];
	v4 =	vadd.f32 v49, v4;
	v54 =	vmul.f32 v28, v42;
	v2 =	vadd.f32 v24, v2  }
0xf8: {  	v55 =	vmul.f32 v28, v28;
	v9 =	vadd.f32 v20, v9;
	v7 =	vadd.f32 v7, v12  }
0xf9: {  	v4 =	vadd.f32 v4, v15;
	v48 =	vmul.f32 v23, v23;
	v19 =	vadd.f32 v54, v19  }
0xfa: {  	v1 =	vadd.f32 v55, v1;
	v53 =	vmul.f32 v40, v40;
	v56 =	vmul.f32 v10, v10  }
0xfb: {  	v11 =	vadd.f32 v48, v11;
	v57 =	vmul.f32 v46, v46;
	v58 =	vmul.f32 v8, v8  }
0xfc: {  	v10 =	vmul.f32 v10, v50;
	v3 =	vadd.f32 v53, v3;
	v6 =	vadd.f32 v56, v6  }
0xfd: {  	v47 =	vmul.f32 v23, v60;
	v13 =	vadd.f32 v57, v13;
	v59 =	vadd.f32 v58, v9  }
0xfe: {  	v10 =	vadd.f32 v10, v18;
	v60 =	vmul.f32 v46, v42;
	v1 =	vadd.f32 v6, v1  }
0xff: {  	v3 =	vadd.f32 v3, v11;
	v61 =	vmul.f32 v8, v50;
	v6 =	vadd.f32 v59, v13  }
0x100: {  	v62 =	vadd.f32 v60, v17;
	v1 =	vadd.f32 v1, v7  }
0x101: {  	v2 =	vadd.f32 v61, v2;
	v3 =	vadd.f32 v6, v3  }
0x102: {  	v52 =	vmul.f32 v40, v34;
	v10 =	vadd.f32 v10, v19;
	v1 =	vmax.f32 v1, $1.000000000e-30  }
0x103: {  	(erf) = vrcp.f32 v1;
	v1 =	vadd.f32 v2, v62;
	v2 =	vmax.f32 v3, $1.000000000e-30;
	v3 =	vld [tilespmem:$0x1FFF0]  }
0x104: {  	v16 =	vadd.f32 v47, v16;
	v0 =	vadd.f32 v52, v0  }
0x105: {  	v4 =	vadd.f32 v10, v4  }
0x106: {  	v0 =	vadd.f32 v0, v16  }
0x107: {  	v63 =	vand.u32 $0x80000000, v4;
	vm11 =	vlt.f32 v4, $0.0e+00;
	vm1 =	vgt.f32 v4, $0.0e+00  }
0x108: {  	vm0 =	vmor vm1, vm11;
	(erf) = vrcp.f32 v2;
	v2 =	vor.u32 v63, v3  }
0x109: {  	v0 =	vadd.f32 v1, v0;
	v1 =	vsel vm0, v2, v4  }
0x10a: {  	v1 =	vmul.f32 v1, v4;
	_ =	sdelay $0x1  }
0x10b: {  	v2 =	vand.u32 $0x80000000, v0;
	v1 =	vmul.f32 v1, v4  }
0x10c: {  	v2 =	vor.u32 v2, v3;
	v3 =	vpop (erf)  }
0x10d: {  	v1 =	vmul.f32 v1, v3;
	v3 =	vld [tilespmem:$0x1FF40]  }
0x10e: {  	vm12 =	vlt.f32 v0, $0.0e+00;
	vm13 =	vgt.f32 v0, $0.0e+00  }
0x10f: {  	vm0 =	vmor vm13, vm12  }
0x110: {  	v2 =	vsel vm0, v2, v0  }
0x111: {  	v2 =	vmul.f32 v2, v0  }
0x112: {  	vm14 =	vgt.f32 v1, v3  }
0x113: {  	s31 =	sshll.u32 s24, $0x5;
	s24 =	sadd.s32 $0x1, s24;
	v1 =	vsel vm14, v1, v3;
	v3 =	vld [tilespmem:$0x1FF50]  }
0x114: {  	p1 =	sne.s32 s24, $0xA;
	v0 =	vmul.f32 v2, v0  }
.Ltmp3:
0x115: {  	v2 =	vpop (erf);
	(pc) =	sbr.rel @p1 .LBB2_2-.Ltmp3, $4  }
0x116: {  	s25 =	sshll.u32 s25, $0x4;
	s26 =	sadd.s32 s4, s31;
	v0 =	vmul.f32 v0, v2  }
0x117: {  	s25 =	sadd.s32 s4, s25;
	v2 =	vor.u32 s26, v35  }
0x118: {  	vm15 =	vgt.f32 v0, v1;
	v2 =	vsel vm14, v2, v3;
	v3 =	vor.u32 s25, v35  }
0x119: {  	v1 =	vsel vm15, v0, v1;
	v0 =	vsel vm15, v3, v2  }
0x11a: {  	[tilespmem:$0x14100] =	vst v1  }
0x11b: {  	[tilespmem:$0x14180] =	vst v0  }
0x11c: {  	_ =	swait.ge [sflag:s20], $0xA000  }
0x11d: {  	[sflag:s20] =	ssyncset.done $0x0  }
0x11e: {  	s24 =	simm.s32 $0x0;
	[sflag:s20] =	ssyncadd.s32 $0xFFFF6000  }
0x11f: {  	[tilespmem:s17], [sflag:$0x1] =	stream.linear.gather [hbm4b:s8+s24], $0xA000, $0x38;
	[tilespmem:$0x14200] =	vst v63  }
0x120: {  	v1 =	vld [tilespmem:$0x14100]  }
0x121: {  	[tilespmem:$0x1FED0] =	vst v36;
	v0 =	vld [tilespmem:$0x14180]  }
.LBB2_6:
0x122: {  	s26 =	simm.s32 $0x0;
	v5 =	vld [tilespmem:$0x1FFE0]  }
0x123: {  	v58 =	vld [tilespmem:s26+$0xC]  }
0x124: {  	v59 =	vld [tilespmem:s26+$0xD]  }
0x125: {  	v2 =	vld [tilespmem:s26+$0xE]  }
0x126: {  	v6 =	vld [tilespmem:s26+$0xF]  }
0x127: {  	s28 =	sshll.u32 s24, $0xC;
	s25 =	sshllo.u32 s24, $0x1;
	v4 =	vld [tilespmem:s26+$0x8]  }
0x128: {  	s29 =	sshll.u32 s25, $0xB;
	v18 =	vld [tilespmem:s26+$0x9];
	v3 =	vor.u32 s28, v5  }
0x129: {  	v20 =	vld [tilespmem:s26+$0xA];
	v16 =	vor.u32 s29, v5  }
0x12a: {  	v7 =	vld [tilespmem:s26+$0xB];
	v11 =	vadd.s32 $0xC, v3  }
0x12b: {  	v17 =	vld [tilespmem:s26+$0x0];
	v15 =	vadd.s32 $0xC, v16  }
0x12c: {  	v5 =	vld [tilespmem:s26+$0x4];
	v19 =	vadd.s32 $0xD, v3  }
0x12d: {  	v22 =	vadd.s32 $0xD, v16;
	v21 =	vld.idx.msk [tilespmem:v3+s19+$0x0], $0xffff  }
0x12e: {  	v10 =	vimm.f32 $0.0e+00;
	v60 =	vmov s28;
	v24 =	vadd.s32 $0xE, v3;
	v23 =	vld.idx.msk [tilespmem:v16+s19+$0x0], $0xffff  }
0x12f: {  	v61 =	vmov s29;
	v25 =	vadd.s32 $0xE, v16;
	v26 =	vadd.s32 $0xF, v3;
	v27 =	vld.idx.msk [tilespmem:v11+s19+$0x0], $0xffff  }
0x130: {  	v12 =	vadd.s32 $0x10, v3;
	v28 =	vadd.s32 $0x8, v3;
	v31 =	vadd.s32 $0x8, v16;
	v30 =	vld.idx.msk [tilespmem:v15+s19+$0x0], $0xffff  }
0x131: {  	v29 =	vadd.s32 $0xF, v16;
	v32 =	vadd.s32 $0x9, v3;
	v33 =	vadd.s32 $0x9, v16;
	v19 =	vld.idx.msk [tilespmem:v19+s19+$0x0], $0xffff  }
0x132: {  	v34 =	vadd.s32 $0xA, v3;
	v36 =	vadd.s32 $0xA, v16;
	v22 =	vld.idx.msk [tilespmem:v22+s19+$0x0], $0xffff;
	v35 =	vmul.f32 v21, v17  }
0x133: {  	v37 =	vadd.s32 $0xB, v3;
	v62 =	vld.idx.msk [tilespmem:v24+s19+$0x0], $0xffff;
	v21 =	vmul.f32 v21, v21;
	v42 =	vmul.f32 v23, v17  }
0x134: {  	v47 =	vadd.s32 $0x4, v3;
	v43 =	vld.idx.msk [tilespmem:v25+s19+$0x0], $0xffff;
	v23 =	vmul.f32 v23, v23;
	v44 =	vmul.f32 v27, v58  }
0x135: {  	[tilespmem:$0x1FE30] =	vst v0;
	v48 =	vadd.s32 $0x4, v16;
	v46 =	vld.idx.msk [tilespmem:v26+s19+$0x0], $0xffff;
	v45 =	vmul.f32 v27, v27;
	v0 =	vmul.f32 v30, v58  }
0x136: {  	v50 =	vadd.s32 $0x5, v3;
	v49 =	vld.idx.msk [tilespmem:v28+s19+$0x0], $0xffff;
	v8 =	vmul.f32 v30, v30;
	v38 =	vmul.f32 v19, v59  }
0x137: {  	[tilespmem:$0x1FE20] =	vst v1;
	v1 =	vadd.s32 $0x5, v16;
	v31 =	vld.idx.msk [tilespmem:v31+s19+$0x0], $0xffff;
	v39 =	vmul.f32 v19, v19;
	v40 =	vmul.f32 v22, v59  }
0x138: {  	[tilespmem:$0x1FE40] =	vst v60;
	v60 =	vadd.s32 $0x7, v3;
	v33 =	vld.idx.msk [tilespmem:v33+s19+$0x0], $0xffff;
	v41 =	vmul.f32 v22, v22;
	v25 =	vmul.f32 v62, v2  }
0x139: {  	v52 =	vadd.s32 $0x1, v3;
	v34 =	vld.idx.msk [tilespmem:v34+s19+$0x0], $0xffff;
	v26 =	vmul.f32 v62, v62;
	v27 =	vmul.f32 v43, v2  }
0x13a: {  	[tilespmem:$0x1FE60] =	vst v6;
	v56 =	vadd.s32 $0x3, v3;
	v36 =	vld.idx.msk [tilespmem:v36+s19+$0x0], $0xffff;
	v28 =	vmul.f32 v43, v43;
	v6 =	vmul.f32 v46, v6  }
0x13b: {  	v11 =	vadd.s32 $0x10, v16;
	v55 =	vld.idx.msk [tilespmem:v37+s19+$0x0], $0xffff;
	v63 =	vmul.f32 v46, v46;
	v43 =	vmul.f32 v49, v4  }
0x13c: {  	v24 =	vadd.s32 $0xB, v16;
	v57 =	vld.idx.msk [tilespmem:v47+s19+$0x0], $0xffff;
	v51 =	vmul.f32 v49, v49;
	v4 =	vmul.f32 v31, v4  }
0x13d: {  	v22 =	vld.idx.msk [tilespmem:v32+s19+$0x0], $0xffff;
	v32 =	vadd.s32 $0x6, v3;
	v31 =	vmul.f32 v31, v31;
	v53 =	vmul.f32 v33, v18  }
0x13e: {  	v2 =	vadd.s32 $0x6, v16;
	v54 =	vmul.f32 v33, v33;
	v47 =	vmul.f32 v34, v20  }
0x13f: {  	v46 =	vadd.s32 $0x7, v16;
	v59 =	vld.idx.msk [tilespmem:v48+s19+$0x0], $0xffff;
	v48 =	vmul.f32 v34, v34;
	v49 =	vmul.f32 v36, v20  }
0x140: {  	v58 =	vadd.s32 $0x1, v16;
	v62 =	vld.idx.msk [tilespmem:v50+s19+$0x0], $0xffff;
	v50 =	vmul.f32 v36, v36;
	v37 =	vmul.f32 v55, v7  }
0x141: {  	v34 =	vadd.s32 $0x2, v16;
	v33 =	vmul.f32 v55, v55;
	v20 =	vmul.f32 v57, v5  }
0x142: {  	v17 =	vmul.f32 v57, v57;
	v35 =	vadd.f32 v35, v10;
	v21 =	vadd.f32 v21, v10  }
0x143: {  	v55 =	vadd.s32 $0x3, v16;
	v42 =	vadd.f32 v42, v10;
	v23 =	vadd.f32 v23, v10;
	[tilespmem:$0x1FE80] =	vst v63;
	v63 =	vld [tilespmem:s26+$0x5]  }
0x144: {  	[tilespmem:$0x1FE50] =	vst v61;
	v16 =	vld [tilespmem:s26+$0x1];
	v20 =	vadd.f32 v20, v35;
	v21 =	vadd.f32 v17, v21;
	v61 =	vmul.f32 v22, v18  }
0x145: {  	v18 =	vadd.s32 $0x2, v3;
	v3 =	vld.idx.msk [tilespmem:v52+s19+$0x0], $0xffff;
	v5 =	vmul.f32 v59, v5;
	v59 =	vmul.f32 v59, v59  }
0x146: {  	v22 =	vmul.f32 v22, v22;
	v58 =	vld.idx.msk [tilespmem:v58+s19+$0x0], $0xffff;
	v20 =	vadd.f32 v43, v20;
	v21 =	vadd.f32 v51, v21  }
0x147: {  	v1 =	vld.idx.msk [tilespmem:v1+s19+$0x0], $0xffff;
	v36 =	vmul.f32 v62, v62;
	v5 =	vadd.f32 v5, v42;
	v23 =	vadd.f32 v59, v23  }
0x148: {  	v57 =	vld [tilespmem:s26+$0x6];
	v35 =	vmul.f32 v62, v63;
	v43 =	vadd.f32 v44, v20;
	v52 =	vadd.f32 v45, v21  }
0x149: {  	v32 =	vld.idx.msk [tilespmem:v32+s19+$0x0], $0xffff;
	v20 =	vimm.f32 $0.0e+00;
	v21 =	vimm.f32 $0.0e+00;
	v4 =	vadd.f32 v4, v5  }
0x14a: {  	v23 =	vadd.f32 v31, v23;
	v17 =	vmul.f32 v3, v16;
	v3 =	vmul.f32 v3, v3  }
0x14b: {  	v31 =	vimm.f32 $0.0e+00;
	v44 =	vmul.f32 v58, v16;
	v58 =	vmul.f32 v58, v58  }
0x14c: {  	[tilespmem:$0x1FEA0] =	vst v52;
	v52 =	vld [tilespmem:s26+$0x2];
	v0 =	vadd.f32 v0, v4;
	v59 =	vadd.f32 v8, v23;
	v23 =	vmul.f32 v1, v63  }
0x14d: {  	v51 =	vld.idx.msk [tilespmem:v18+s19+$0x0], $0xffff;
	v1 =	vmul.f32 v1, v1;
	v62 =	vadd.f32 v17, v10;
	v3 =	vadd.f32 v3, v10  }
0x14e: {  	v5 =	vadd.f32 v44, v10;
	[tilespmem:$0x1FEB0] =	vst v0;
	v0 =	vadd.f32 v58, v10;
	v58 =	vmul.f32 v32, v57  }
0x14f: {  	[tilespmem:$0x1FEC0] =	vst v59;
	v59 =	vmul.f32 v32, v32;
	v32 =	vimm.f32 $0.0e+00;
	v4 =	vadd.f32 v35, v62  }
0x150: {  	[tilespmem:$0x1FE70] =	vst v6;
	v3 =	vadd.f32 v36, v3;
	v42 =	vadd.f32 v23, v5;
	v62 =	vld.idx.msk [tilespmem:v34+s19+$0x0], $0xffff;
	v34 =	vimm.f32 $0.0e+00  }
0x151: {  	v60 =	vld.idx.msk [tilespmem:v60+s19+$0x0], $0xffff;
	v30 =	vmovc v7;
	[tilespmem:$0x1FE90] =	vst v43;
	v35 =	vimm.f32 $0.0e+00;
	v36 =	vimm.f32 $0.0e+00;
	v43 =	vadd.f32 v1, v0  }
0x152: {  	s28 =	simm.s32 $0x40;
	v63 =	vmul.f32 v51, v52;
	v44 =	vadd.f32 v61, v4;
	v45 =	vadd.f32 v22, v3;
	v61 =	vld.idx.msk [tilespmem:v2+s19+$0x0], $0xffff  }
.LBB2_7:
0x153: {  	v2 =	vadd.f32 v53, v42  }
0x154: {  	v0 =	vmul.f32 v51, v51;
	v3 =	vadd.f32 v54, v43;
	v5 =	vadd.f32 v38, v44  }
0x155: {  	v53 =	vld.idx.msk [tilespmem:v56+s19+$0x0], $0xffff;
	v56 =	vadd.f32 v39, v45;
	v54 =	vadd.f32 v63, v10  }
0x156: {  	v16 =	vld [tilespmem:s26+$0x3];
	v0 =	vadd.f32 v0, v34;
	v2 =	vadd.f32 v40, v2;
	v4 =	vmul.f32 v62, v52  }
0x157: {  	v55 =	vld.idx.msk [tilespmem:v55+s19+$0x0], $0xffff;
	v45 =	vadd.f32 v41, v3;
	v62 =	vmul.f32 v62, v62;
	v14 =	vmul.f32 v61, v57  }
0x158: {  	v1 =	vld [tilespmem:s26+$0x7];
	v57 =	vmul.f32 v61, v61;
	v0 =	vadd.f32 v59, v0;
	[tilespmem:$0x1FE10] =	vst v2;
	v2 =	vadd.f32 v58, v54  }
0x159: {  	[tilespmem:$0x1FE00] =	vst v56;
	v63 =	vmul.f32 v60, v60;
	v4 =	vadd.f32 v4, v35;
	v56 =	vadd.f32 v62, v36  }
0x15a: {  	v61 =	vld.idx.msk [tilespmem:v46+s19+$0x0], $0xffff;
	v0 =	vadd.f32 v48, v0;
	v48 =	vmul.f32 v53, v53;
	v2 =	vadd.f32 v47, v2  }
0x15b: {  	v24 =	vld.idx.msk [tilespmem:v24+s19+$0x0], $0xffff;
	v17 =	vmul.f32 v53, v16;
	v4 =	vadd.f32 v14, v4;
	v14 =	vadd.f32 v57, v56  }
0x15c: {  	v3 =	vmul.f32 v55, v55;
	v44 =	vadd.f32 v25, v2;
	v25 =	vadd.f32 v48, v32  }
0x15d: {  	v62 =	vmul.f32 v60, v1;
	v60 =	vld [tilespmem:$0x1FE80];
	v15 =	vadd.f32 v17, v20;
	v53 =	vadd.f32 v50, v14  }
0x15e: {  	v19 =	vld.idx.msk [tilespmem:v11+s19+$0x0], $0xffff;
	v39 =	vmul.f32 v55, v16;
	v3 =	vadd.f32 v3, v31;
	v25 =	vadd.f32 v63, v25  }
0x15f: {  	s26 =	sshra.s32 s28, $0x2;
	v54 =	vld.idx.msk [tilespmem:v29+s19+$0x0], $0xffff;
	v15 =	vadd.f32 v62, v15;
	v36 =	vadd.f32 v28, v53;
	v28 =	vmul.f32 v61, v61  }
0x160: {  	v51 =	vmovc v12;
	v55 =	vld [tilespmem:s26+$0xF];
	v13 =	vmul.f32 v24, v30;
	v24 =	vmul.f32 v24, v24;
	v25 =	vadd.f32 v33, v25  }
0x161: {  	v58 =	vld [tilespmem:$0x1FE60];
	v15 =	vadd.f32 v37, v15;
	v37 =	vadd.s32 $0xF, v51;
	v3 =	vadd.f32 v28, v3  }
0x162: {  	v2 =	vld [tilespmem:s26+$0xC];
	v4 =	vadd.f32 v49, v4;
	v32 =	vadd.f32 v60, v25;
	v25 =	vadd.s32 $0xE, v12  }
0x163: {  	v63 =	vld.idx.msk [tilespmem:v12+s19+$0x0], $0xffff;
	v3 =	vadd.f32 v24, v3;
	v24 =	vadd.s32 $0xC, v12  }
0x164: {  	v35 =	vadd.f32 v27, v4;
	v27 =	vld [tilespmem:s26+$0xE]  }
0x165: {  	v1 =	vmul.f32 v61, v1;
	v61 =	vld [tilespmem:s26+$0x0]  }
0x166: {  	v34 =	vadd.f32 v26, v0;
	v26 =	vadd.f32 v39, v21;
	v37 =	vld.idx.msk [tilespmem:v37+s19+$0x0], $0xffff  }
0x167: {  	v53 =	vld.idx.msk [tilespmem:v25+s19+$0x0], $0xffff  }
0x168: {  	v38 =	vadd.s32 $0x8, v51;
	v52 =	vmov v11;
	v1 =	vadd.f32 v1, v26;
	v26 =	vld.idx.msk [tilespmem:v24+s19+$0x0], $0xffff  }
0x169: {  	v6 =	vadd.s32 $0x8, v52;
	v0 =	vmul.f32 v54, v54  }
0x16a: {  	v46 =	vld [tilespmem:s26+$0x8];
	v9 =	vmul.f32 v54, v58;
	v54 =	vadd.s32 $0xB, v51  }
0x16b: {  	v59 =	vld [tilespmem:$0x1FE70];
	v7 =	vmovc v55;
	v58 =	vmul.f32 v63, v61;
	v31 =	vadd.f32 v0, v3;
	v0 =	vmul.f32 v19, v61  }
0x16c: {  	v29 =	vld [tilespmem:s26+$0xB];
	v17 =	vadd.s32 $0xD, v11;
	[tilespmem:$0x1FE60] =	vst v7;
	v7 =	vmul.f32 v37, v7;
	v25 =	vmul.f32 v53, v27  }
0x16d: {  	v16 =	vld.idx.msk [tilespmem:v38+s19+$0x0], $0xffff;
	v62 =	vadd.s32 $0xD, v12;
	v60 =	vmul.f32 v26, v2;
	v61 =	vmul.f32 v26, v26  }
0x16e: {  	[tilespmem:$0x1FDF0] =	vst v5;
	v5 =	vld.idx.msk [tilespmem:v6+s19+$0x0], $0xffff;
	v26 =	vmul.f32 v53, v53;
	v53 =	vmul.f32 v37, v37;
	v37 =	vadd.s32 $0x1, v51  }
0x16f: {  	v14 =	vld.idx.msk [tilespmem:v54+s19+$0x0], $0xffff  }
0x170: {  	v40 =	vadd.s32 $0x9, v51;
	v4 =	vld [tilespmem:s26+$0xD];
	v1 =	vadd.f32 v13, v1  }
0x171: {  	v17 =	vld.idx.msk [tilespmem:v17+s19+$0x0], $0xffff;
	v43 =	vadd.f32 v59, v15;
	v15 =	vadd.s32 $0xC, v11  }
0x172: {  	v10 =	vadd.s32 $0x6, v51;
	v55 =	vadd.s32 $0x4, v51;
	v42 =	vadd.f32 v9, v1;
	v1 =	vld.idx.msk [tilespmem:v62+s19+$0x0], $0xffff  }
0x173: {  	v18 =	vadd.s32 $0x2, v52;
	v21 =	vadd.s32 $0xF, v52;
	v24 =	vadd.s32 $0xE, v11;
	v20 =	vld.idx.msk [tilespmem:v37+s19+$0x0], $0xffff  }
0x174: {  	v48 =	vadd.s32 $0x9, v52;
	v50 =	vadd.s32 $0xA, v52;
	v30 =	vmovc v29;
	v37 =	vmul.f32 v14, v29;
	v29 =	vmovc v21;
	v21 =	vld [tilespmem:$0x1FE90]  }
0x175: {  	v8 =	vld.idx.msk [tilespmem:v40+s19+$0x0], $0xffff;
	v6 =	vadd.s32 $0x6, v52;
	v22 =	vmul.f32 v16, v46;
	v23 =	vmul.f32 v16, v16  }
0x176: {  	v13 =	vadd.s32 $0x1, v52;
	v59 =	vmul.f32 v19, v19;
	v16 =	vmul.f32 v5, v46;
	v28 =	vld.idx.msk [tilespmem:v15+s19+$0x0], $0xffff  }
0x177: {  	v46 =	vadd.s32 $0x7, v52;
	v3 =	vmul.f32 v63, v63;
	v63 =	vadd.s32 $0x4, v52;
	v15 =	vld.idx.msk [tilespmem:v55+s19+$0x0], $0xffff  }
0x178: {  	v40 =	vmul.f32 v17, v4;
	v55 =	vadd.s32 $0x3, v52;
	v38 =	vmul.f32 v1, v4;
	v19 =	vld.idx.msk [tilespmem:v24+s19+$0x0], $0xffff  }
0x179: {  	v4 =	vadd.s32 $0x5, v52;
	v24 =	vadd.s32 $0xB, v52;
	v52 =	vadd.f32 v58, v21;
	v21 =	vld [tilespmem:$0x1FEA0]  }
0x17a: {  	v10 =	vld.idx.msk [tilespmem:v10+s19+$0x0], $0xffff  }
0x17b: {  	v47 =	vld [tilespmem:s26+$0x9];
	v49 =	vadd.s32 $0xA, v51  }
0x17c: {  	v57 =	vld [tilespmem:s26+$0x4]  }
0x17d: {  	v48 =	vld.idx.msk [tilespmem:v48+s19+$0x0], $0xffff  }
0x17e: {  	v3 =	vadd.f32 v3, v21;
	v21 =	vld [tilespmem:$0x1FEB0]  }
0x17f: {  	v33 =	vld [tilespmem:s26+$0xA]  }
0x180: {  	v49 =	vld.idx.msk [tilespmem:v49+s19+$0x0], $0xffff;
	v39 =	vmul.f32 v1, v1;
	v1 =	vadd.s32 $0x5, v51  }
0x181: {  	v56 =	vadd.s32 $0x3, v51;
	v9 =	vmul.f32 v8, v47;
	v63 =	vld.idx.msk [tilespmem:v63+s19+$0x0], $0xffff  }
0x182: {  	v50 =	vld.idx.msk [tilespmem:v50+s19+$0x0], $0xffff;
	v41 =	vmul.f32 v17, v17;
	v17 =	vadd.s32 $0x2, v51;
	v54 =	vmul.f32 v48, v48  }
0x183: {  	v62 =	vmul.f32 v28, v28;
	v2 =	vmul.f32 v28, v2;
	v0 =	vadd.f32 v0, v21;
	v21 =	vld [tilespmem:$0x1FEC0]  }
0x184: {  	v13 =	vld.idx.msk [tilespmem:v13+s19+$0x0], $0xffff;
	[tilespmem:$0x1FE70] =	vst v7;
	v7 =	vadd.s32 $0x7, v51;
	v51 =	vmul.f32 v15, v57;
	v15 =	vmul.f32 v15, v15  }
0x185: {  	v1 =	vld.idx.msk [tilespmem:v1+s19+$0x0], $0xffff;
	[tilespmem:$0x1FE80] =	vst v53;
	v53 =	vmul.f32 v48, v47;
	v47 =	vmul.f32 v49, v33  }
0x186: {  	v4 =	vld.idx.msk [tilespmem:v4+s19+$0x0], $0xffff;
	v48 =	vmul.f32 v49, v49;
	v57 =	vmul.f32 v63, v57  }
0x187: {  	v27 =	vmul.f32 v19, v27;
	v28 =	vmul.f32 v19, v19;
	v19 =	vld [tilespmem:s26+$0x5];
	v51 =	vadd.f32 v51, v52  }
0x188: {  	v49 =	vmul.f32 v50, v33;
	v33 =	vmul.f32 v14, v14;
	v14 =	vld [tilespmem:s26+$0x1];
	v21 =	vadd.f32 v59, v21  }
0x189: {  	v22 =	vadd.f32 v22, v51;
	v51 =	vld.idx.msk [tilespmem:v17+s19+$0x0], $0xffff;
	v0 =	vadd.f32 v57, v0  }
0x18a: {  	v5 =	vmul.f32 v5, v5;
	v63 =	vmul.f32 v63, v63;
	v17 =	vld [tilespmem:$0x1FDF0];
	v3 =	vadd.f32 v15, v3  }
0x18b: {  	v8 =	vmul.f32 v8, v8;
	v50 =	vmul.f32 v50, v50;
	v57 =	vld [tilespmem:s26+$0x6];
	v0 =	vadd.f32 v16, v0  }
0x18c: {  	v3 =	vadd.f32 v23, v3;
	v59 =	vmul.f32 v13, v13;
	v52 =	vadd.f32 v63, v21;
	v21 =	vmovc v42;
	v42 =	vld [tilespmem:$0x1FE00]  }
0x18d: {  	[tilespmem:$0x1FDD0] =	vst v12;
	v0 =	vadd.f32 v2, v0;
	v63 =	vmul.f32 v20, v14;
	v14 =	vmul.f32 v13, v14;
	v13 =	vld [tilespmem:$0x1FE10]  }
0x18e: {  	[tilespmem:$0x1FDE0] =	vst v11;
	v15 =	vmul.f32 v1, v19;
	v5 =	vadd.f32 v5, v52;
	v52 =	vadd.f32 v60, v22  }
0x18f: {  	v1 =	vmul.f32 v1, v1;
	v23 =	vmul.f32 v20, v20;
	v3 =	vadd.f32 v61, v3;
	[tilespmem:$0x1FEB0] =	vst v0  }
0x190: {  	p1 =	sne.s32 s28, $0x180;
	v12 =	vadd.s32 $0x10, v12;
	v20 =	vmovc v43;
	v43 =	vmul.f32 v4, v19;
	v0 =	vadd.f32 v63, v17;
	[tilespmem:$0x1FE90] =	vst v52;
	v52 =	vld [tilespmem:s26+$0x2]  }
.Ltmp4:
0x191: {  	[tilespmem:$0x1FEA0] =	vst v3;
	v3 =	vadd.f32 v59, v45;
	v4 =	vmul.f32 v4, v4;
	v2 =	vadd.f32 v23, v42;
	(pc) =	sbr.rel @p1 .LBB2_7-.Ltmp4, $4  }
0x192: {  	v61 =	vld.idx.msk [tilespmem:v6+s19+$0x0], $0xffff;
	v58 =	vmul.f32 v10, v57;
	v0 =	vadd.f32 v15, v0;
	v13 =	vadd.f32 v14, v13  }
0x193: {  	v59 =	vmul.f32 v10, v10;
	v60 =	vld.idx.msk [tilespmem:v7+s19+$0x0], $0xffff;
	v16 =	vadd.f32 v62, v5;
	v1 =	vadd.f32 v1, v2  }
0x194: {  	v11 =	vadd.s32 $0x10, v11;
	v10 =	vmovc v44;
	v62 =	vld.idx.msk [tilespmem:v18+s19+$0x0], $0xffff;
	v44 =	vadd.f32 v9, v0;
	v42 =	vadd.f32 v43, v13  }
0x195: {  	s28 =	sadd.s32 $0x40, s28;
	[tilespmem:$0x1FEC0] =	vst v16;
	v43 =	vadd.f32 v4, v3;
	v63 =	vmul.f32 v51, v52;
	v45 =	vadd.f32 v8, v1  }
0x196: {  	_ =	sdelay $0x2  }
0x197: {  	v1 =	vld [tilespmem:s26+$0x7]  }
0x198: {  	v2 =	vadd.f32 v53, v42;
	v5 =	vld.idx.msk [tilespmem:v56+s19+$0x0], $0xffff;
	v6 =	vadd.f32 v38, v44  }
0x199: {  	v0 =	vmul.f32 v51, v51;
	v9 =	vld [tilespmem:s26+$0x3];
	v3 =	vadd.f32 v54, v43;
	v7 =	vadd.f32 v39, v45  }
0x19a: {  	v10 =	vadd.f32 v63, v10;
	v13 =	vmul.f32 v61, v57;
	v15 =	vmul.f32 v61, v61  }
0x19b: {  	v14 =	vld.idx.msk [tilespmem:v55+s19+$0x0], $0xffff;
	v2 =	vadd.f32 v40, v2;
	v0 =	vadd.f32 v0, v34;
	v4 =	vmul.f32 v62, v52  }
0x19c: {  	v17 =	vld.idx.msk [tilespmem:v46+s19+$0x0], $0xffff;
	v8 =	vmul.f32 v62, v62;
	v3 =	vadd.f32 v41, v3;
	v10 =	vadd.f32 v58, v10  }
0x19d: {  	v18 =	vld.idx.msk [tilespmem:v24+s19+$0x0], $0xffff;
	v56 =	vmul.f32 v60, v60;
	v0 =	vadd.f32 v59, v0;
	v4 =	vadd.f32 v4, v35  }
0x19e: {  	v24 =	vld [tilespmem:$0x1FED0];
	v8 =	vadd.f32 v8, v36;
	v16 =	vmul.f32 v60, v1;
	v57 =	vmul.f32 v5, v9  }
0x19f: {  	v12 =	vld.idx.msk [tilespmem:v12+s19+$0x0], $0xffff;
	v10 =	vadd.f32 v47, v10;
	v5 =	vmul.f32 v5, v5;
	v0 =	vadd.f32 v48, v0  }
0x1a0: {  	v22 =	vld [tilespmem:$0x1FE60];
	v9 =	vmul.f32 v14, v9;
	v4 =	vadd.f32 v13, v4;
	v8 =	vadd.f32 v15, v8  }
0x1a1: {  	v58 =	vmul.f32 v14, v14;
	v60 =	vld.idx.msk [tilespmem:v29+s19+$0x0], $0xffff;
	v19 =	vadd.f32 v25, v10;
	v59 =	vadd.f32 v57, v20  }
0x1a2: {  	v36 =	vld [tilespmem:$0x1FE80];
	v5 =	vadd.f32 v5, v32;
	v9 =	vadd.f32 v9, v21  }
0x1a3: {  	v1 =	vmul.f32 v17, v1;
	v10 =	vadd.f32 v58, v31;
	v31 =	vld [tilespmem:$0x1FE50];
	v0 =	vadd.f32 v26, v0  }
0x1a4: {  	v17 =	vmul.f32 v17, v17;
	v32 =	vld [tilespmem:$0x1FDE0];
	v4 =	vadd.f32 v49, v4;
	v8 =	vadd.f32 v50, v8  }
0x1a5: {  	v61 =	vmul.f32 v18, v30;
	v25 =	vld [tilespmem:$0x1FE40];
	v5 =	vadd.f32 v56, v5;
	v1 =	vadd.f32 v1, v9  }
0x1a6: {  	v63 =	vmul.f32 v18, v18;
	v26 =	vld [tilespmem:$0x70];
	v62 =	vadd.f32 v17, v10;
	v4 =	vadd.f32 v27, v4  }
0x1a7: {  	v22 =	vmul.f32 v60, v22;
	v14 =	vadd.f32 v28, v8;
	v8 =	vadd.f32 v16, v59;
	v27 =	vld [tilespmem:$0x1FDD0]  }
0x1a8: {  	v15 =	vmul.f32 v60, v60;
	v5 =	vadd.f32 v33, v5;
	v1 =	vadd.f32 v61, v1  }
0x1a9: {  	v11 =	vld.idx.msk [tilespmem:v11+s19+$0x0], $0xffff;
	v33 =	vadd.s32 $0x11, v32;
	v29 =	vadd.f32 v37, v8;
	v8 =	vadd.s32 v24, v31  }
0x1aa: {  	v35 =	vld [tilespmem:$0x1FE70];
	v9 =	vadd.f32 v63, v62;
	v34 =	vadd.s32 $0xFFFFFF91, v32;
	vm6 =	vlt.s32 v33, v8  }
0x1ab: {  	v40 =	vld [tilespmem:$0x1FE90];
	v10 =	vor.u32 v24, v25;
	v5 =	vadd.f32 v36, v5;
	v13 =	vsel vm6, v33, v34  }
0x1ac: {  	v41 =	vld [tilespmem:$0x1FEA0];
	v37 =	vmul.f32 v12, v26;
	v12 =	vmul.f32 v12, v12;
	v28 =	vadd.s32 $0x11, v27  }
0x1ad: {  	v42 =	vld [tilespmem:$0x1FEB0];
	v1 =	vadd.f32 v22, v1;
	v30 =	vadd.s32 $0xFFFFFF91, v27;
	vm0 =	vlt.s32 v28, v10  }
0x1ae: {  	v9 =	vadd.f32 v15, v9;
	v38 =	vmul.f32 v11, v26;
	v18 =	vsel vm0, v28, v30  }
0x1af: {  	v52 =	vld [tilespmem:$0x1FEC0];
	v11 =	vmul.f32 v11, v11;
	v20 =	vadd.f32 v35, v29;
	v45 =	vadd.s32 $0x1, v13  }
0x1b0: {  	v16 =	vadd.f32 v37, v40;
	vm8 =	vlt.s32 v45, v8;
	v44 =	vld.idx.msk [tilespmem:v13+s19+$0x0], $0xffff;
	v13 =	vadd.s32 $0xFFFFFF81, v13  }
0x1b1: {  	v12 =	vadd.f32 v12, v41;
	v43 =	vadd.s32 $0x1, v18;
	v13 =	vsel vm8, v45, v13  }
0x1b2: {  	v23 =	vld [tilespmem:$0x71];
	v15 =	vadd.f32 v38, v42;
	vm7 =	vlt.s32 v43, v10;
	v49 =	vadd.s32 $0x1, v13  }
0x1b3: {  	v50 =	vadd.s32 $0xFFFFFF81, v13;
	v39 =	vld.idx.msk [tilespmem:v18+s19+$0x0], $0xffff;
	v18 =	vadd.s32 $0xFFFFFF81, v18;
	vm10 =	vlt.s32 v49, v8  }
0x1b4: {  	v11 =	vadd.f32 v11, v52;
	v18 =	vsel vm7, v43, v18;
	v25 =	vsel vm10, v49, v50  }
0x1b5: {  	v47 =	vadd.s32 $0x1, v18;
	v48 =	vadd.s32 $0xFFFFFF81, v18;
	v22 =	vmul.f32 v44, v44  }
0x1b6: {  	v51 =	vld [tilespmem:$0x72];
	v56 =	vadd.s32 $0x1, v25;
	v57 =	vadd.s32 $0xFFFFFF81, v25;
	vm9 =	vlt.s32 v47, v10  }
0x1b7: {  	v13 =	vld.idx.msk [tilespmem:v13+s19+$0x0], $0xffff;
	vm12 =	vlt.s32 v56, v8;
	v24 =	vsel vm9, v47, v48;
	v3 =	vadd.f32 v22, v3  }
0x1b8: {  	v46 =	vmul.f32 v39, v23;
	v17 =	vmul.f32 v39, v39;
	v53 =	vadd.s32 $0x1, v24  }
0x1b9: {  	v54 =	vld [tilespmem:$0x73];
	v23 =	vmul.f32 v44, v23;
	v55 =	vadd.s32 $0xFFFFFF81, v24;
	vm11 =	vlt.s32 v53, v10  }
0x1ba: {  	v18 =	vld.idx.msk [tilespmem:v18+s19+$0x0], $0xffff;
	v6 =	vadd.f32 v46, v6;
	v7 =	vadd.f32 v17, v7;
	v17 =	vsel vm11, v53, v55  }
0x1bb: {  	v25 =	vld.idx.msk [tilespmem:v25+s19+$0x0], $0xffff;
	v2 =	vadd.f32 v23, v2;
	v23 =	vsel vm12, v56, v57;
	v58 =	vadd.s32 $0x1, v17  }
0x1bc: {  	v60 =	vadd.s32 $0xFFFFFF81, v17;
	v62 =	vmul.f32 v13, v51;
	v13 =	vmul.f32 v13, v13  }
0x1bd: {  	v31 =	vadd.s32 $0x1, v23;
	v33 =	vadd.s32 $0xFFFFFF81, v23;
	vm13 =	vlt.s32 v58, v10  }
0x1be: {  	v24 =	vld.idx.msk [tilespmem:v24+s19+$0x0], $0xffff;
	vm14 =	vlt.s32 v31, v8;
	v61 =	vsel vm13, v58, v60;
	v13 =	vadd.f32 v13, v14  }
0x1bf: {  	v14 =	vsel vm14, v31, v33;
	v59 =	vmul.f32 v18, v51;
	v18 =	vmul.f32 v18, v18  }
0x1c0: {  	v63 =	vld [tilespmem:$0x74];
	v4 =	vadd.f32 v62, v4;
	v29 =	vmul.f32 v25, v54;
	v25 =	vmul.f32 v25, v25  }
0x1c1: {  	v35 =	vadd.s32 $0x1, v61;
	v22 =	vadd.s32 $0xFFFFFF81, v61;
	v40 =	vadd.s32 $0x1, v14;
	v17 =	vld.idx.msk [tilespmem:v17+s19+$0x0], $0xffff  }
0x1c2: {  	v30 =	vld.idx.msk [tilespmem:v23+s19+$0x0], $0xffff;
	vm15 =	vlt.s32 v35, v10;
	vm4 =	vlt.s32 v40, v8;
	v19 =	vadd.f32 v59, v19  }
0x1c3: {  	v32 =	vld [tilespmem:$0x75];
	v0 =	vadd.f32 v18, v0;
	v28 =	vmul.f32 v24, v54;
	v24 =	vmul.f32 v24, v24  }
0x1c4: {  	v1 =	vadd.f32 v29, v1;
	v9 =	vadd.f32 v25, v9;
	v38 =	vld.idx.msk [tilespmem:v14+s19+$0x0], $0xffff;
	v14 =	vadd.s32 $0xFFFFFF81, v14  }
0x1c5: {  	v34 =	vld.idx.msk [tilespmem:v61+s19+$0x0], $0xffff;
	v18 =	vadd.f32 v28, v20;
	v5 =	vadd.f32 v24, v5;
	v20 =	vsel vm15, v35, v22  }
0x1c6: {  	v14 =	vsel vm4, v40, v14;
	v36 =	vmul.f32 v17, v63;
	v17 =	vmul.f32 v17, v17  }
0x1c7: {  	v27 =	vmul.f32 v30, v63;
	v21 =	vmul.f32 v30, v30;
	v43 =	vadd.s32 $0x1, v20  }
0x1c8: {  	v44 =	vadd.s32 $0x1, v14;
	v45 =	vadd.s32 $0xFFFFFF81, v14;
	vm5 =	vlt.s32 v43, v10  }
0x1c9: {  	vm6 =	vlt.s32 v44, v8;
	v16 =	vadd.f32 v36, v16;
	v12 =	vadd.f32 v17, v12  }
0x1ca: {  	v15 =	vadd.f32 v27, v15;
	v11 =	vadd.f32 v21, v11;
	v37 =	vmul.f32 v34, v32  }
0x1cb: {  	v23 =	vsel vm6, v44, v45;
	v39 =	vmul.f32 v34, v34;
	v24 =	vmul.f32 v38, v32  }
0x1cc: {  	v41 =	vld [tilespmem:$0x76];
	v21 =	vmul.f32 v38, v38;
	v51 =	vadd.s32 $0x1, v23;
	v52 =	vadd.s32 $0xFFFFFF81, v23  }
0x1cd: {  	v42 =	vld.idx.msk [tilespmem:v20+s19+$0x0], $0xffff;
	v20 =	vadd.s32 $0xFFFFFF81, v20;
	vm8 =	vlt.s32 v51, v8;
	v6 =	vadd.f32 v37, v6  }
0x1ce: {  	v14 =	vld.idx.msk [tilespmem:v14+s19+$0x0], $0xffff;
	v7 =	vadd.f32 v39, v7;
	v20 =	vsel vm5, v43, v20;
	v2 =	vadd.f32 v24, v2  }
0x1cf: {  	v3 =	vadd.f32 v21, v3;
	v54 =	vsel vm8, v51, v52;
	v46 =	vadd.s32 $0x1, v20  }
0x1d0: {  	v47 =	vadd.s32 $0xFFFFFF81, v20;
	v58 =	vadd.s32 $0x1, v54;
	vm7 =	vlt.s32 v46, v10  }
0x1d1: {  	v50 =	vld [tilespmem:$0x77];
	v59 =	vadd.s32 $0xFFFFFF81, v54;
	vm10 =	vlt.s32 v58, v8;
	v25 =	vsel vm7, v46, v47  }
0x1d2: {  	v53 =	vld.idx.msk [tilespmem:v23+s19+$0x0], $0xffff;
	v27 =	vsel vm10, v58, v59;
	v48 =	vmul.f32 v42, v41;
	v49 =	vmul.f32 v42, v42  }
0x1d3: {  	v56 =	vld [tilespmem:$0x78];
	v55 =	vadd.s32 $0x1, v25;
	v57 =	vadd.s32 $0xFFFFFF81, v25;
	v17 =	vmul.f32 v14, v41  }
0x1d4: {  	v14 =	vmul.f32 v14, v14;
	v34 =	vadd.s32 $0x1, v27;
	v37 =	vadd.s32 $0xFFFFFF81, v27;
	v20 =	vld.idx.msk [tilespmem:v20+s19+$0x0], $0xffff  }
0x1d5: {  	vm9 =	vlt.s32 v55, v10;
	v23 =	vld.idx.msk [tilespmem:v54+s19+$0x0], $0xffff;
	vm12 =	vlt.s32 v34, v8;
	v19 =	vadd.f32 v48, v19  }
0x1d6: {  	v0 =	vadd.f32 v49, v0;
	v24 =	vsel vm9, v55, v57;
	v4 =	vadd.f32 v17, v4  }
0x1d7: {  	v13 =	vadd.f32 v14, v13;
	v60 =	vadd.s32 $0x1, v24;
	v29 =	vmul.f32 v53, v50  }
0x1d8: {  	v30 =	vld [tilespmem:$0x79];
	v61 =	vadd.s32 $0xFFFFFF81, v24;
	v31 =	vmul.f32 v53, v53;
	vm11 =	vlt.s32 v60, v10  }
0x1d9: {  	v25 =	vld.idx.msk [tilespmem:v25+s19+$0x0], $0xffff;
	v28 =	vsel vm11, v60, v61;
	v1 =	vadd.f32 v29, v1;
	v62 =	vmul.f32 v20, v50  }
0x1da: {  	v33 =	vld.idx.msk [tilespmem:v27+s19+$0x0], $0xffff;
	v9 =	vadd.f32 v31, v9;
	v63 =	vmul.f32 v20, v20;
	v26 =	vmul.f32 v23, v56  }
0x1db: {  	v23 =	vmul.f32 v23, v23;
	v42 =	vadd.s32 $0x1, v28;
	v45 =	vadd.s32 $0xFFFFFF81, v28  }
0x1dc: {  	vm13 =	vlt.s32 v42, v10;
	v17 =	vadd.f32 v62, v18;
	v5 =	vadd.f32 v63, v5  }
0x1dd: {  	v18 =	vsel vm12, v34, v37;
	v15 =	vadd.f32 v26, v15;
	v11 =	vadd.f32 v23, v11  }
0x1de: {  	v24 =	vld.idx.msk [tilespmem:v24+s19+$0x0], $0xffff;
	v46 =	vsel vm13, v42, v45;
	v32 =	vmul.f32 v25, v56;
	v36 =	vmul.f32 v25, v25  }
0x1df: {  	v40 =	vmul.f32 v33, v30;
	v14 =	vmul.f32 v33, v33;
	v47 =	vadd.s32 $0x1, v18  }
0x1e0: {  	v35 =	vld [tilespmem:$0x7A];
	v48 =	vadd.s32 $0x1, v46;
	v49 =	vadd.s32 $0xFFFFFF81, v46;
	vm14 =	vlt.s32 v47, v8  }
0x1e1: {  	v38 =	vld.idx.msk [tilespmem:v28+s19+$0x0], $0xffff;
	vm15 =	vlt.s32 v48, v10;
	v16 =	vadd.f32 v32, v16;
	v12 =	vadd.f32 v36, v12  }
0x1e2: {  	v2 =	vadd.f32 v40, v2;
	v3 =	vadd.f32 v14, v3;
	v21 =	vsel vm15, v48, v49  }
0x1e3: {  	v39 =	vmul.f32 v24, v30;
	v24 =	vmul.f32 v24, v24;
	v53 =	vadd.s32 $0x1, v21  }
0x1e4: {  	v54 =	vadd.s32 $0xFFFFFF81, v21;
	v43 =	vld.idx.msk [tilespmem:v18+s19+$0x0], $0xffff;
	v18 =	vadd.s32 $0xFFFFFF81, v18;
	vm5 =	vlt.s32 v53, v10  }
0x1e5: {  	v6 =	vadd.f32 v39, v6;
	v7 =	vadd.f32 v24, v7;
	v18 =	vsel vm14, v47, v18  }
0x1e6: {  	v50 =	vld [tilespmem:$0x7B];
	v25 =	vsel vm5, v53, v54;
	v41 =	vmul.f32 v38, v35;
	v51 =	vadd.s32 $0x1, v18  }
0x1e7: {  	v14 =	vld.idx.msk [tilespmem:v46+s19+$0x0], $0xffff;
	v44 =	vmul.f32 v38, v38;
	v52 =	vadd.s32 $0xFFFFFF81, v18;
	vm4 =	vlt.s32 v51, v8  }
0x1e8: {  	v57 =	vadd.s32 $0x1, v25;
	v59 =	vadd.s32 $0xFFFFFF81, v25;
	v22 =	vsel vm4, v51, v52  }
0x1e9: {  	vm7 =	vlt.s32 v57, v10;
	v19 =	vadd.f32 v41, v19;
	v55 =	vadd.s32 $0x1, v22  }
0x1ea: {  	v0 =	vadd.f32 v44, v0;
	v56 =	vadd.s32 $0xFFFFFF81, v22;
	vm6 =	vlt.s32 v55, v8  }
0x1eb: {  	v58 =	vld [tilespmem:$0x7C];
	v27 =	vsel vm7, v57, v59;
	v20 =	vmul.f32 v43, v35;
	v26 =	vsel vm6, v55, v56  }
0x1ec: {  	v21 =	vld.idx.msk [tilespmem:v21+s19+$0x0], $0xffff;
	v24 =	vmul.f32 v43, v43;
	v60 =	vmul.f32 v14, v50;
	v61 =	vadd.s32 $0x1, v26  }
0x1ed: {  	v63 =	vadd.s32 $0x1, v27;
	v18 =	vld.idx.msk [tilespmem:v18+s19+$0x0], $0xffff;
	v62 =	vadd.s32 $0xFFFFFF81, v26;
	vm8 =	vlt.s32 v61, v8  }
0x1ee: {  	v37 =	vadd.s32 $0xFFFFFF81, v27;
	vm9 =	vlt.s32 v63, v10;
	v38 =	vld.idx.msk [tilespmem:v25+s19+$0x0], $0xffff;
	v28 =	vsel vm8, v61, v62  }
0x1ef: {  	v36 =	vld [tilespmem:$0x7D];
	v14 =	vmul.f32 v14, v14;
	v10 =	vsel vm9, v63, v37;
	v40 =	vadd.s32 $0x1, v28  }
0x1f0: {  	v41 =	vld [tilespmem:$0x7E];
	v4 =	vadd.f32 v20, v4;
	v42 =	vadd.s32 $0xFFFFFF81, v28;
	vm10 =	vlt.s32 v40, v8  }
0x1f1: {  	v13 =	vadd.f32 v24, v13;
	v43 =	vmul.f32 v21, v58;
	v22 =	vld.idx.msk [tilespmem:v22+s19+$0x0], $0xffff;
	v8 =	vsel vm10, v40, v42  }
0x1f2: {  	v17 =	vadd.f32 v60, v17;
	v5 =	vadd.f32 v14, v5;
	v44 =	vmul.f32 v21, v21;
	v27 =	vld.idx.msk [tilespmem:v27+s19+$0x0], $0xffff  }
0x1f3: {  	v16 =	vadd.f32 v43, v16;
	v23 =	vmul.f32 v18, v50;
	v50 =	vmul.f32 v38, v38;
	v39 =	vld.idx.msk [tilespmem:v26+s19+$0x0], $0xffff  }
0x1f4: {  	v12 =	vadd.f32 v44, v12;
	v18 =	vmul.f32 v18, v18;
	v48 =	vmul.f32 v38, v36;
	v10 =	vld.idx.msk [tilespmem:v10+s19+$0x0], $0xffff  }
0x1f5: {  	v1 =	vadd.f32 v23, v1;
	v7 =	vadd.f32 v50, v7;
	v45 =	vld.idx.msk [tilespmem:v28+s19+$0x0], $0xffff  }
0x1f6: {  	v9 =	vadd.f32 v18, v9;
	v6 =	vadd.f32 v48, v6;
	v46 =	vmul.f32 v22, v58;
	v8 =	vld.idx.msk [tilespmem:v8+s19+$0x0], $0xffff  }
0x1f7: {  	v49 =	vld [tilespmem:$0x7F];
	v47 =	vmul.f32 v22, v22;
	v53 =	vmul.f32 v27, v41;
	v7 =	vadd.f32 v7, v12  }
0x1f8: {  	v54 =	vmul.f32 v27, v27;
	v6 =	vadd.f32 v6, v16;
	v15 =	vadd.f32 v46, v15  }
0x1f9: {  	v11 =	vadd.f32 v47, v11;
	v18 =	vadd.f32 v53, v19;
	v51 =	vmul.f32 v39, v36  }
0x1fa: {  	v0 =	vadd.f32 v54, v0;
	v52 =	vmul.f32 v39, v39;
	v55 =	vmul.f32 v10, v10  }
0x1fb: {  	v2 =	vadd.f32 v51, v2;
	v56 =	vmul.f32 v45, v45;
	v57 =	vmul.f32 v8, v8  }
0x1fc: {  	v10 =	vmul.f32 v10, v49;
	v3 =	vadd.f32 v52, v3;
	v5 =	vadd.f32 v55, v5  }
0x1fd: {  	v13 =	vadd.f32 v56, v13;
	v58 =	vadd.f32 v57, v9  }
0x1fe: {  	v10 =	vadd.f32 v10, v17;
	v0 =	vadd.f32 v5, v0  }
0x1ff: {  	v3 =	vadd.f32 v3, v11;
	v5 =	vadd.f32 v58, v13  }
0x200: {  	v59 =	vmul.f32 v45, v41;
	v0 =	vadd.f32 v0, v7;
	v60 =	vmul.f32 v8, v49  }
0x201: {  	v10 =	vadd.f32 v10, v18;
	v3 =	vadd.f32 v5, v3  }
0x202: {  	v4 =	vadd.f32 v59, v4;
	v1 =	vadd.f32 v60, v1;
	v0 =	vmax.f32 v0, $1.000000000e-30  }
0x203: {  	(erf) = vrcp.f32 v0;
	v0 =	vadd.f32 v2, v15;
	v2 =	vmax.f32 v3, $1.000000000e-30;
	v3 =	vld [tilespmem:$0x1FFF0]  }
0x204: {  	v6 =	vadd.f32 v10, v6;
	v1 =	vadd.f32 v1, v4;
	_ =	sdelay $0x1  }
0x205: {  	v61 =	vand.u32 $0x80000000, v6;
	v0 =	vadd.f32 v1, v0  }
0x206: {  	vm11 =	vlt.f32 v6, $0.0e+00;
	vm1 =	vgt.f32 v6, $0.0e+00;
	(erf) = vrcp.f32 v2  }
0x207: {  	vm0 =	vmor vm1, vm11;
	vm12 =	vlt.f32 v0, $0.0e+00;
	v2 =	vor.u32 v61, v3  }
0x208: {  	vm13 =	vgt.f32 v0, $0.0e+00;
	v1 =	vsel vm0, v2, v6;
	v2 =	vand.u32 $0x80000000, v0  }
0x209: {  	vm0 =	vmor vm13, vm12;
	v2 =	vor.u32 v2, v3  }
0x20a: {  	v1 =	vmul.f32 v1, v6;
	v2 =	vsel vm0, v2, v0  }
0x20b: {  	v62 =	vld [tilespmem:$0x1FE20];
	v2 =	vmul.f32 v2, v0  }
0x20c: {  	v1 =	vmul.f32 v1, v6  }
0x20d: {  	s31 =	sshll.u32 s24, $0x5;
	s24 =	sadd.s32 $0x1, s24;
	v63 =	vld [tilespmem:$0x1FE30];
	v3 =	vpop (erf)  }
0x20e: {  	p1 =	sne.s32 s24, $0xA;
	v1 =	vmul.f32 v1, v3;
	v0 =	vmul.f32 v2, v0  }
.Ltmp5:
0x20f: {  	v2 =	vpop (erf);
	(pc) =	sbr.rel @p1 .LBB2_6-.Ltmp5, $4  }
0x210: {  	s25 =	sshll.u32 s25, $0x4;
	s26 =	sadd.s32 s5, s31;
	v3 =	vlaneseq.u32;
	vm14 =	vgt.f32 v1, v62;
	v0 =	vmul.f32 v0, v2  }
0x211: {  	s25 =	sadd.s32 s5, s25;
	v2 =	vor.u32 s26, v3;
	v1 =	vsel vm14, v1, v62  }
0x212: {  	v3 =	vor.u32 s25, v3;
	v2 =	vsel vm14, v2, v63;
	vm15 =	vgt.f32 v0, v1  }
0x213: {  	v1 =	vsel vm15, v0, v1;
	v0 =	vsel vm15, v3, v2  }
0x214: {  	[tilespmem:$0x14100] =	vst v1  }
0x215: {  	[tilespmem:$0x14180] =	vst v0  }
0x216: {  	_ =	swait.ge [sflag:s18], $0xA000  }
0x217: {  	[sflag:s18] =	ssyncset.done $0x0  }
0x218: {  	s24 =	simm.s32 @!p0 $0x0;
	s25 =	simm.s32 @!p0 $0xA100;
	[sflag:s18] =	ssyncadd.s32 $0xFFFF6000  }
0x219: {  	[tilespmem:s25], [sflag:$0x2] =	stream.linear.gather @!p0 [hbm4b:s10+s24], $0xA000, $0x38;
	[tilespmem:$0x14200] =	vst v63  }
0x21a: {  	v1 =	vld [tilespmem:$0x14100]  }
0x21b: {  	s24 =	simm.s32 $0x0;
	v0 =	vld [tilespmem:$0x14180]  }
.LBB2_10:
0x21c: {  	s26 =	simm.s32 $0x0;
	v5 =	vld [tilespmem:$0x1FFE0]  }
0x21d: {  	v60 =	vld [tilespmem:s26+$0xC]  }
0x21e: {  	v61 =	vld [tilespmem:s26+$0xD]  }
0x21f: {  	v2 =	vld [tilespmem:s26+$0xE]  }
0x220: {  	s28 =	sshll.u32 s24, $0xC;
	s25 =	sshllo.u32 s24, $0x1;
	v7 =	vld [tilespmem:s26+$0xF]  }
0x221: {  	s29 =	sshll.u32 s25, $0xB;
	v4 =	vld [tilespmem:s26+$0x8];
	v3 =	vor.u32 s28, v5  }
0x222: {  	v16 =	vld [tilespmem:s26+$0x9];
	v5 =	vor.u32 s29, v5  }
0x223: {  	v18 =	vld [tilespmem:s26+$0xA];
	v11 =	vadd.s32 $0xC, v3  }
0x224: {  	v8 =	vld [tilespmem:s26+$0xB];
	v15 =	vadd.s32 $0xC, v5  }
0x225: {  	v17 =	vld [tilespmem:s26+$0x0];
	v19 =	vadd.s32 $0xD, v3  }
0x226: {  	v21 =	vadd.s32 $0xD, v5;
	v20 =	vld.idx.msk [tilespmem:v3+s17+$0x0], $0xffff  }
0x227: {  	v24 =	vadd.s32 $0xE, v3;
	v22 =	vld.idx.msk [tilespmem:v5+s17+$0x0], $0xffff  }
0x228: {  	v25 =	vadd.s32 $0xE, v5;
	v27 =	vld.idx.msk [tilespmem:v11+s17+$0x0], $0xffff  }
0x229: {  	v26 =	vadd.s32 $0xF, v3;
	v29 =	vld.idx.msk [tilespmem:v15+s17+$0x0], $0xffff  }
0x22a: {  	v10 =	vimm.f32 $0.0e+00;
	v6 =	vmov s28;
	v28 =	vadd.s32 $0x8, v3;
	v19 =	vld.idx.msk [tilespmem:v19+s17+$0x0], $0xffff  }
0x22b: {  	v62 =	vmov s29;
	v12 =	vadd.s32 $0x10, v3;
	v32 =	vadd.s32 $0x9, v5;
	v21 =	vld.idx.msk [tilespmem:v21+s17+$0x0], $0xffff  }
0x22c: {  	[tilespmem:$0x1FD30] =	vst v6;
	v30 =	vadd.s32 $0x8, v5;
	v63 =	vadd.s32 $0xF, v5;
	v33 =	vadd.s32 $0xA, v3;
	v6 =	vld.idx.msk [tilespmem:v24+s17+$0x0], $0xffff  }
0x22d: {  	v31 =	vadd.s32 $0x9, v3;
	v35 =	vadd.s32 $0xA, v5;
	v37 =	vadd.s32 $0xB, v3;
	v42 =	vld.idx.msk [tilespmem:v25+s17+$0x0], $0xffff  }
0x22e: {  	v45 =	vadd.s32 $0x4, v3;
	v46 =	vld.idx.msk [tilespmem:v26+s17+$0x0], $0xffff;
	v34 =	vmul.f32 v20, v17;
	v20 =	vmul.f32 v20, v20  }
0x22f: {  	v47 =	vadd.s32 $0x4, v5;
	v48 =	vld.idx.msk [tilespmem:v28+s17+$0x0], $0xffff;
	v36 =	vmul.f32 v22, v17;
	v22 =	vmul.f32 v22, v22  }
0x230: {  	[tilespmem:$0x1FD10] =	vst v1;
	v49 =	vadd.s32 $0x5, v3;
	v32 =	vld.idx.msk [tilespmem:v32+s17+$0x0], $0xffff;
	v43 =	vmul.f32 v27, v60;
	v44 =	vmul.f32 v27, v27  }
0x231: {  	[tilespmem:$0x1FD20] =	vst v0;
	v1 =	vadd.s32 $0x5, v5;
	v33 =	vld.idx.msk [tilespmem:v33+s17+$0x0], $0xffff;
	v0 =	vmul.f32 v29, v60;
	v29 =	vmul.f32 v29, v29  }
0x232: {  	v52 =	vadd.s32 $0x1, v3;
	v35 =	vld.idx.msk [tilespmem:v35+s17+$0x0], $0xffff;
	v38 =	vmul.f32 v19, v61;
	v39 =	vmul.f32 v19, v19  }
0x233: {  	[tilespmem:$0x1FD40] =	vst v62;
	v62 =	vadd.s32 $0x2, v5;
	v55 =	vld.idx.msk [tilespmem:v37+s17+$0x0], $0xffff;
	v40 =	vmul.f32 v21, v61;
	v41 =	vmul.f32 v21, v21  }
0x234: {  	v56 =	vadd.s32 $0x3, v3;
	v45 =	vld.idx.msk [tilespmem:v45+s17+$0x0], $0xffff;
	v25 =	vmul.f32 v6, v2;
	v26 =	vmul.f32 v6, v6  }
0x235: {  	v11 =	vadd.s32 $0x10, v5;
	v30 =	vld.idx.msk [tilespmem:v30+s17+$0x0], $0xffff;
	v27 =	vmul.f32 v42, v2;
	v42 =	vmul.f32 v42, v42  }
0x236: {  	v24 =	vadd.s32 $0xB, v5;
	v57 =	vld.idx.msk [tilespmem:v47+s17+$0x0], $0xffff;
	v50 =	vmul.f32 v46, v7;
	v51 =	vmul.f32 v46, v46  }
0x237: {  	v21 =	vld.idx.msk [tilespmem:v31+s17+$0x0], $0xffff;
	v31 =	vadd.s32 $0x6, v3;
	v53 =	vmul.f32 v32, v16;
	v54 =	vmul.f32 v32, v32  }
0x238: {  	v2 =	vadd.s32 $0x6, v5;
	v32 =	vld.idx.msk [tilespmem:v49+s17+$0x0], $0xffff;
	v47 =	vmul.f32 v33, v18;
	v49 =	vmul.f32 v35, v18  }
0x239: {  	v60 =	vadd.s32 $0x7, v3;
	v37 =	vmul.f32 v55, v8;
	v59 =	vmul.f32 v45, v45;
	[tilespmem:$0x1FD60] =	vst v42  }
0x23a: {  	v23 =	vld [tilespmem:s26+$0x4];
	v46 =	vadd.s32 $0x7, v5;
	[tilespmem:$0x1FD90] =	vst v51;
	v42 =	vmul.f32 v48, v4;
	v51 =	vmul.f32 v48, v48  }
0x23b: {  	v34 =	vadd.f32 v34, v10;
	v4 =	vmul.f32 v30, v4;
	v30 =	vmul.f32 v30, v30  }
0x23c: {  	v58 =	vld [tilespmem:s26+$0x5];
	v20 =	vadd.f32 v20, v10;
	v48 =	vmul.f32 v33, v33;
	v61 =	vmul.f32 v21, v16  }
0x23d: {  	v6 =	vmul.f32 v21, v21;
	v21 =	vadd.s32 $0x1, v5;
	v16 =	vadd.s32 $0x2, v3;
	v3 =	vld.idx.msk [tilespmem:v52+s17+$0x0], $0xffff  }
0x23e: {  	v33 =	vmul.f32 v55, v55;
	v55 =	vadd.s32 $0x3, v5;
	v20 =	vadd.f32 v59, v20;
	v5 =	vld [tilespmem:s26+$0x1]  }
0x23f: {  	[tilespmem:$0x1FD50] =	vst v63;
	v36 =	vadd.f32 v36, v10;
	v52 =	vmul.f32 v45, v23;
	v23 =	vmul.f32 v57, v23  }
0x240: {  	[tilespmem:$0x1FD80] =	vst v50;
	v50 =	vmul.f32 v35, v35;
	v35 =	vimm.f32 $0.0e+00;
	v20 =	vadd.f32 v51, v20  }
0x241: {  	v1 =	vld.idx.msk [tilespmem:v1+s17+$0x0], $0xffff;
	v18 =	vadd.f32 v52, v34;
	v34 =	vmul.f32 v32, v58;
	v23 =	vadd.f32 v23, v36  }
0x242: {  	v44 =	vadd.f32 v44, v20;
	v63 =	vld.idx.msk [tilespmem:v21+s17+$0x0], $0xffff;
	v21 =	vadd.f32 v22, v10;
	v22 =	vmul.f32 v57, v57  }
0x243: {  	v31 =	vld.idx.msk [tilespmem:v31+s17+$0x0], $0xffff;
	v18 =	vadd.f32 v42, v18;
	v42 =	vmul.f32 v3, v5;
	v3 =	vmul.f32 v3, v3  }
0x244: {  	v36 =	vimm.f32 $0.0e+00;
	v4 =	vadd.f32 v4, v23;
	v57 =	vld [tilespmem:s26+$0x6];
	v21 =	vadd.f32 v22, v21  }
0x245: {  	v52 =	vld [tilespmem:s26+$0x2];
	v43 =	vadd.f32 v43, v18;
	v22 =	vmul.f32 v32, v32;
	v3 =	vadd.f32 v3, v10  }
0x246: {  	v51 =	vld.idx.msk [tilespmem:v16+s17+$0x0], $0xffff;
	v32 =	vimm.f32 $0.0e+00;
	v23 =	vadd.f32 v30, v21;
	v21 =	vadd.f32 v0, v4  }
0x247: {  	v3 =	vadd.f32 v22, v3;
	v30 =	vimm.f32 $0.0e+00;
	v5 =	vmul.f32 v63, v5  }
0x248: {  	v45 =	vmul.f32 v63, v63;
	v59 =	vadd.f32 v29, v23;
	v23 =	vmul.f32 v1, v58  }
0x249: {  	v63 =	vadd.f32 v42, v10;
	v1 =	vmul.f32 v1, v1;
	v58 =	vmul.f32 v31, v57  }
0x24a: {  	[tilespmem:$0x1FD70] =	vst v7;
	v62 =	vld.idx.msk [tilespmem:v62+s17+$0x0], $0xffff;
	v29 =	vimm.f32 $0.0e+00;
	v5 =	vadd.f32 v5, v10;
	v0 =	vadd.f32 v45, v10  }
0x24b: {  	[tilespmem:$0x1FDB0] =	vst v44;
	v4 =	vadd.f32 v34, v63;
	v63 =	vmul.f32 v51, v52;
	v45 =	vadd.f32 v6, v3  }
0x24c: {  	v60 =	vld.idx.msk [tilespmem:v60+s17+$0x0], $0xffff;
	v34 =	vimm.f32 $0.0e+00;
	[tilespmem:$0x1FDC0] =	vst v59;
	v59 =	vmul.f32 v31, v31;
	v42 =	vadd.f32 v23, v5  }
0x24d: {  	s28 =	simm.s32 $0x40;
	v28 =	vmovc v8;
	[tilespmem:$0x1FDA0] =	vst v43;
	v31 =	vimm.f32 $0.0e+00;
	v43 =	vadd.f32 v1, v0;
	v44 =	vadd.f32 v61, v4;
	v61 =	vld.idx.msk [tilespmem:v2+s17+$0x0], $0xffff  }
.LBB2_11:
0x24e: {  	v1 =	vld [tilespmem:s26+$0x7]  }
0x24f: {  	v5 =	vld.idx.msk [tilespmem:v56+s17+$0x0], $0xffff  }
0x250: {  	v16 =	vld.idx.msk [tilespmem:v55+s17+$0x0], $0xffff  }
0x251: {  	v18 =	vld.idx.msk [tilespmem:v46+s17+$0x0], $0xffff  }
0x252: {  	v24 =	vld.idx.msk [tilespmem:v24+s17+$0x0], $0xffff;
	v2 =	vadd.f32 v53, v42;
	v3 =	vadd.f32 v54, v43  }
0x253: {  	v0 =	vmul.f32 v51, v51;
	v55 =	vld [tilespmem:$0x1FD50];
	v6 =	vadd.f32 v38, v44;
	v43 =	vadd.f32 v39, v45  }
0x254: {  	v63 =	vadd.f32 v63, v10;
	v4 =	vmul.f32 v62, v52;
	v56 =	vmul.f32 v62, v62;
	v62 =	vld [tilespmem:s26+$0x3]  }
0x255: {  	v7 =	vld [tilespmem:$0x1FD70];
	v0 =	vadd.f32 v0, v34;
	v44 =	vadd.f32 v40, v2  }
0x256: {  	[tilespmem:$0x1FD00] =	vst v6;
	v45 =	vadd.f32 v41, v3;
	v2 =	vadd.f32 v58, v63;
	v58 =	vld [tilespmem:$0x1FD80]  }
0x257: {  	v63 =	vld.idx.msk [tilespmem:v12+s17+$0x0], $0xffff;
	v14 =	vmul.f32 v61, v57;
	v17 =	vmul.f32 v61, v61;
	v6 =	vadd.f32 v56, v36  }
0x258: {  	v0 =	vadd.f32 v59, v0;
	v19 =	vmul.f32 v60, v1;
	v2 =	vadd.f32 v47, v2;
	v56 =	vld [tilespmem:$0x1FD60]  }
0x259: {  	s26 =	sshra.s32 s28, $0x2;
	v59 =	vld [tilespmem:$0x1FD90];
	v3 =	vmul.f32 v16, v16;
	v6 =	vadd.f32 v17, v6;
	v54 =	vmul.f32 v5, v62  }
0x25a: {  	v51 =	vmovc v12;
	v1 =	vmul.f32 v18, v1;
	v13 =	vmul.f32 v24, v28;
	v46 =	vld [tilespmem:s26+$0x8];
	v0 =	vadd.f32 v48, v0  }
0x25b: {  	v52 =	vmovc v11;
	v47 =	vld [tilespmem:s26+$0x9];
	v28 =	vadd.s32 $0xF, v51;
	v6 =	vadd.f32 v50, v6;
	v57 =	vadd.f32 v54, v29  }
0x25c: {  	v4 =	vadd.f32 v4, v35;
	v48 =	vadd.s32 $0x9, v52;
	v34 =	vadd.f32 v26, v0;
	v0 =	vld.idx.msk [tilespmem:v55+s17+$0x0], $0xffff  }
0x25d: {  	v26 =	vld [tilespmem:s26+$0xF];
	v38 =	vmul.f32 v16, v62;
	v36 =	vadd.f32 v56, v6;
	v6 =	vadd.f32 v19, v57  }
0x25e: {  	v20 =	vld [tilespmem:s26+$0xB];
	v42 =	vadd.f32 v25, v2;
	v3 =	vadd.f32 v3, v31;
	v25 =	vmul.f32 v18, v18  }
0x25f: {  	v61 =	vld [tilespmem:s26+$0x0];
	v15 =	vadd.f32 v38, v30;
	v6 =	vadd.f32 v37, v6;
	v37 =	vadd.s32 $0x8, v51  }
0x260: {  	v53 =	vmul.f32 v60, v60;
	v2 =	vld [tilespmem:s26+$0xC];
	v4 =	vadd.f32 v14, v4  }
0x261: {  	v3 =	vadd.f32 v25, v3;
	v55 =	vld.idx.msk [tilespmem:v28+s17+$0x0], $0xffff;
	v1 =	vadd.f32 v1, v15;
	v15 =	vmul.f32 v24, v24  }
0x262: {  	v5 =	vmul.f32 v5, v5;
	v9 =	vmul.f32 v0, v7;
	v7 =	vmovc v26;
	v19 =	vld.idx.msk [tilespmem:v11+s17+$0x0], $0xffff;
	v26 =	vadd.s32 $0xE, v11  }
0x263: {  	v4 =	vadd.f32 v49, v4;
	v48 =	vld.idx.msk [tilespmem:v48+s17+$0x0], $0xffff;
	v3 =	vadd.f32 v15, v3;
	v15 =	vadd.s32 $0xC, v12  }
0x264: {  	v17 =	vadd.s32 $0xD, v11;
	v5 =	vadd.f32 v5, v32;
	v24 =	vadd.s32 $0xE, v12;
	v37 =	vld.idx.msk [tilespmem:v37+s17+$0x0], $0xffff  }
0x265: {  	v54 =	vadd.s32 $0xB, v51;
	v35 =	vadd.f32 v27, v4;
	v4 =	vld [tilespmem:s26+$0xD];
	v0 =	vmul.f32 v0, v0  }
0x266: {  	v16 =	vadd.s32 $0x4, v51;
	v27 =	vld [tilespmem:s26+$0xE];
	v5 =	vadd.f32 v53, v5;
	v29 =	vadd.f32 v58, v6  }
0x267: {  	v31 =	vadd.f32 v0, v3;
	v0 =	vmul.f32 v19, v61;
	v58 =	vmul.f32 v19, v19;
	v19 =	vld.idx.msk [tilespmem:v26+s17+$0x0], $0xffff  }
0x268: {  	v60 =	vadd.s32 $0xC, v11;
	[tilespmem:$0x1FD70] =	vst v7;
	v7 =	vmul.f32 v55, v7;
	v55 =	vmul.f32 v55, v55;
	v25 =	vld.idx.msk [tilespmem:v15+s17+$0x0], $0xffff  }
0x269: {  	v53 =	vld.idx.msk [tilespmem:v24+s17+$0x0], $0xffff;
	v22 =	vmul.f32 v37, v46;
	v23 =	vmul.f32 v37, v37;
	v37 =	vadd.s32 $0x1, v51  }
0x26a: {  	v1 =	vadd.f32 v13, v1;
	[tilespmem:$0x1FD90] =	vst v55;
	v55 =	vld.idx.msk [tilespmem:v54+s17+$0x0], $0xffff  }
0x26b: {  	v62 =	vadd.s32 $0xD, v12;
	v17 =	vld.idx.msk [tilespmem:v17+s17+$0x0], $0xffff;
	v5 =	vadd.f32 v33, v5  }
0x26c: {  	v38 =	vadd.s32 $0x8, v52;
	v14 =	vld.idx.msk [tilespmem:v16+s17+$0x0], $0xffff;
	v30 =	vadd.f32 v9, v1;
	v9 =	vmul.f32 v19, v19  }
0x26d: {  	v32 =	vadd.f32 v59, v5;
	v6 =	vld.idx.msk [tilespmem:v60+s17+$0x0], $0xffff;
	v59 =	vmul.f32 v25, v2;
	v60 =	vmul.f32 v25, v25  }
0x26e: {  	v40 =	vadd.s32 $0x9, v51;
	v25 =	vmul.f32 v53, v27;
	v27 =	vmul.f32 v19, v27;
	v19 =	vld.idx.msk [tilespmem:v37+s17+$0x0], $0xffff  }
0x26f: {  	v28 =	vmov v20;
	v37 =	vmul.f32 v55, v20;
	v20 =	vld [tilespmem:$0x1FDA0]  }
0x270: {  	v49 =	vadd.s32 $0xA, v51;
	v33 =	vld [tilespmem:s26+$0xA]  }
0x271: {  	v50 =	vadd.s32 $0xA, v52;
	v18 =	vld.idx.msk [tilespmem:v38+s17+$0x0], $0xffff  }
0x272: {  	v57 =	vmul.f32 v63, v61;
	v1 =	vld.idx.msk [tilespmem:v62+s17+$0x0], $0xffff  }
0x273: {  	v8 =	vadd.s32 $0xF, v52;
	v3 =	vmul.f32 v63, v63;
	v63 =	vld.idx.msk [tilespmem:v40+s17+$0x0], $0xffff;
	v61 =	vadd.s32 $0x4, v52  }
0x274: {  	v10 =	vadd.s32 $0x6, v52;
	[tilespmem:$0x1FD50] =	vst v8;
	v8 =	vadd.s32 $0x6, v51;
	v57 =	vadd.f32 v57, v20;
	v20 =	vld [tilespmem:$0x1FDB0]  }
0x275: {  	v56 =	vadd.s32 $0x3, v51;
	v49 =	vld.idx.msk [tilespmem:v49+s17+$0x0], $0xffff;
	v13 =	vadd.s32 $0x2, v51;
	[tilespmem:$0x1FD80] =	vst v7;
	v7 =	vadd.s32 $0x7, v51  }
0x276: {  	v50 =	vld.idx.msk [tilespmem:v50+s17+$0x0], $0xffff;
	v54 =	vmul.f32 v48, v48;
	v24 =	vadd.s32 $0xB, v52;
	v40 =	vmul.f32 v17, v4  }
0x277: {  	v5 =	vld [tilespmem:s26+$0x4];
	v41 =	vmul.f32 v17, v17;
	v17 =	vadd.s32 $0x2, v52;
	v15 =	vmul.f32 v18, v46  }
0x278: {  	v0 =	vadd.f32 v0, v21;
	v38 =	vmul.f32 v1, v4;
	v39 =	vmul.f32 v1, v1;
	v61 =	vld.idx.msk [tilespmem:v61+s17+$0x0], $0xffff  }
0x279: {  	v1 =	vadd.s32 $0x5, v51;
	v16 =	vmul.f32 v63, v47;
	v3 =	vadd.f32 v3, v20;
	v20 =	vld [tilespmem:$0x1FDC0]  }
0x27a: {  	v26 =	vmul.f32 v53, v53;
	[tilespmem:$0x1FD60] =	vst v9;
	v9 =	vmul.f32 v63, v63;
	v63 =	vadd.s32 $0x1, v52  }
0x27b: {  	v4 =	vadd.s32 $0x5, v52;
	v53 =	vmul.f32 v48, v47;
	v47 =	vmul.f32 v49, v33  }
0x27c: {  	v46 =	vadd.s32 $0x7, v52;
	v48 =	vmul.f32 v49, v49;
	v49 =	vmul.f32 v50, v33  }
0x27d: {  	v33 =	vmul.f32 v55, v55;
	v21 =	vmul.f32 v61, v61;
	v55 =	vadd.s32 $0x3, v52  }
0x27e: {  	v51 =	vld [tilespmem:s26+$0x1];
	v52 =	vmul.f32 v14, v5;
	v5 =	vmul.f32 v61, v5;
	v20 =	vadd.f32 v58, v20  }
0x27f: {  	v63 =	vld.idx.msk [tilespmem:v63+s17+$0x0], $0xffff  }
0x280: {  	v62 =	vmul.f32 v18, v18;
	v18 =	vld [tilespmem:s26+$0x5];
	v0 =	vadd.f32 v5, v0;
	v5 =	vadd.f32 v21, v20  }
0x281: {  	[tilespmem:$0x1FCF0] =	vst v11;
	v11 =	vadd.s32 $0x10, v11;
	v2 =	vmul.f32 v6, v2;
	v4 =	vld.idx.msk [tilespmem:v4+s17+$0x0], $0xffff  }
0x282: {  	v6 =	vmul.f32 v6, v6;
	v1 =	vld.idx.msk [tilespmem:v1+s17+$0x0], $0xffff;
	v14 =	vmul.f32 v14, v14;
	v5 =	vadd.f32 v62, v5  }
0x283: {  	v8 =	vld.idx.msk [tilespmem:v8+s17+$0x0], $0xffff;
	v0 =	vadd.f32 v15, v0;
	v61 =	vmul.f32 v19, v51;
	v19 =	vmul.f32 v19, v19  }
0x284: {  	v15 =	vmul.f32 v63, v51;
	v3 =	vadd.f32 v14, v3;
	v5 =	vadd.f32 v6, v5;
	v6 =	vld [tilespmem:$0x1FD00]  }
0x285: {  	v50 =	vmul.f32 v50, v50;
	v52 =	vadd.f32 v52, v57;
	v57 =	vld [tilespmem:s26+$0x6];
	v19 =	vadd.f32 v19, v43  }
0x286: {  	v43 =	vmul.f32 v4, v18;
	v44 =	vadd.f32 v15, v44;
	v3 =	vadd.f32 v23, v3  }
0x287: {  	v51 =	vld.idx.msk [tilespmem:v13+s17+$0x0], $0xffff;
	v4 =	vmul.f32 v4, v4;
	v14 =	vmul.f32 v1, v18;
	v20 =	vadd.f32 v22, v52  }
0x288: {  	p1 =	sne.s32 s28, $0x180;
	v1 =	vmul.f32 v1, v1;
	v3 =	vadd.f32 v60, v3;
	v52 =	vld [tilespmem:s26+$0x2];
	v21 =	vadd.f32 v2, v0  }
.Ltmp6:
0x289: {  	[tilespmem:$0x1FCE0] =	vst v12;
	v13 =	vadd.f32 v59, v20;
	v59 =	vmul.f32 v63, v63;
	v0 =	vadd.f32 v61, v6;
	(pc) =	sbr.rel @p1 .LBB2_11-.Ltmp6, $4  }
0x28a: {  	v12 =	vadd.s32 $0x10, v12;
	v1 =	vadd.f32 v1, v19;
	v58 =	vmul.f32 v8, v57;
	v60 =	vld.idx.msk [tilespmem:v7+s17+$0x0], $0xffff;
	[tilespmem:$0x1FDB0] =	vst v3  }
0x28b: {  	v62 =	vld.idx.msk [tilespmem:v17+s17+$0x0], $0xffff;
	v3 =	vadd.f32 v59, v45;
	v59 =	vmul.f32 v8, v8;
	v0 =	vadd.f32 v14, v0  }
0x28c: {  	[tilespmem:$0x1FDA0] =	vst v13;
	v45 =	vadd.f32 v9, v1;
	v61 =	vld.idx.msk [tilespmem:v10+s17+$0x0], $0xffff;
	v10 =	vmov v42;
	v42 =	vadd.f32 v43, v44  }
0x28d: {  	s28 =	sadd.s32 $0x40, s28;
	v63 =	vmul.f32 v51, v52;
	[tilespmem:$0x1FDC0] =	vst v5;
	v43 =	vadd.f32 v4, v3;
	v44 =	vadd.f32 v16, v0  }
0x28e: {  	_ =	sdelay $0x2  }
0x28f: {  	v1 =	vld [tilespmem:s26+$0x7]  }
0x290: {  	v5 =	vld.idx.msk [tilespmem:v56+s17+$0x0], $0xffff  }
0x291: {  	v9 =	vld [tilespmem:s26+$0x3]  }
0x292: {  	v14 =	vld.idx.msk [tilespmem:v55+s17+$0x0], $0xffff  }
0x293: {  	v2 =	vadd.f32 v53, v42;
	v17 =	vld.idx.msk [tilespmem:v46+s17+$0x0], $0xffff  }
0x294: {  	v0 =	vmul.f32 v51, v51;
	v7 =	vadd.f32 v39, v45;
	v18 =	vld.idx.msk [tilespmem:v24+s17+$0x0], $0xffff;
	v3 =	vadd.f32 v54, v43  }
0x295: {  	v20 =	vld [tilespmem:$0x1FCE0];
	v6 =	vadd.f32 v38, v44;
	v10 =	vadd.f32 v63, v10;
	v54 =	vmul.f32 v60, v60  }
0x296: {  	v12 =	vld.idx.msk [tilespmem:v12+s17+$0x0], $0xffff;
	v4 =	vmul.f32 v62, v52;
	v8 =	vmul.f32 v62, v62;
	v2 =	vadd.f32 v40, v2  }
0x297: {  	v23 =	vld [tilespmem:$0x1FD70];
	v0 =	vadd.f32 v0, v34;
	v3 =	vadd.f32 v41, v3;
	v13 =	vmul.f32 v61, v57  }
0x298: {  	v11 =	vld.idx.msk [tilespmem:v11+s17+$0x0], $0xffff;
	v15 =	vmul.f32 v61, v61;
	v10 =	vadd.f32 v58, v10;
	v4 =	vadd.f32 v4, v35  }
0x299: {  	v42 =	vld [tilespmem:$0x1FDB0];
	v8 =	vadd.f32 v8, v36;
	v0 =	vadd.f32 v59, v0;
	v16 =	vmul.f32 v60, v1  }
0x29a: {  	v63 =	vld [tilespmem:$0x1FED0];
	v55 =	vmul.f32 v5, v9;
	v10 =	vadd.f32 v47, v10;
	v5 =	vmul.f32 v5, v5  }
0x29b: {  	v57 =	vld [tilespmem:$0x1FD60];
	v9 =	vmul.f32 v14, v9;
	v4 =	vadd.f32 v13, v4;
	v8 =	vadd.f32 v15, v8  }
0x29c: {  	v59 =	vld [tilespmem:$0x1FD50];
	v56 =	vmul.f32 v14, v14;
	v0 =	vadd.f32 v48, v0;
	v19 =	vadd.f32 v25, v10  }
0x29d: {  	v60 =	vmul.f32 v18, v28;
	v28 =	vld [tilespmem:$0x70];
	v58 =	vadd.f32 v55, v29;
	v5 =	vadd.f32 v5, v32  }
0x29e: {  	v1 =	vmul.f32 v17, v1;
	v9 =	vadd.f32 v9, v30;
	v10 =	vadd.f32 v56, v31;
	v31 =	vld [tilespmem:$0x1FD40]  }
0x29f: {  	v17 =	vmul.f32 v17, v17;
	v32 =	vld [tilespmem:$0x1FCF0];
	v4 =	vadd.f32 v49, v4;
	v8 =	vadd.f32 v50, v8  }
0x2a0: {  	v52 =	vld [tilespmem:$0x1FDC0];
	v62 =	vmul.f32 v18, v18;
	v0 =	vadd.f32 v26, v0;
	v5 =	vadd.f32 v54, v5  }
0x2a1: {  	v41 =	vld [tilespmem:$0x1FDA0];
	v29 =	vadd.s32 $0x11, v20;
	v1 =	vadd.f32 v1, v9;
	v4 =	vadd.f32 v27, v4  }
0x2a2: {  	v30 =	vadd.s32 $0xFFFFFF91, v20;
	v14 =	vadd.f32 v57, v8;
	v8 =	vadd.f32 v16, v58;
	v27 =	vld [tilespmem:$0x1FD30]  }
0x2a3: {  	v36 =	vld [tilespmem:$0x1FD90];
	v61 =	vadd.f32 v17, v10;
	v39 =	vmul.f32 v11, v28;
	v5 =	vadd.f32 v33, v5  }
0x2a4: {  	v35 =	vld [tilespmem:$0x1FD80];
	v22 =	vadd.f32 v37, v8;
	v8 =	vadd.s32 v63, v31;
	v33 =	vadd.s32 $0x11, v32  }
0x2a5: {  	v11 =	vmul.f32 v11, v11;
	v15 =	vld.idx.msk [tilespmem:v59+s17+$0x0], $0xffff;
	v34 =	vadd.s32 $0xFFFFFF91, v32;
	vm6 =	vlt.s32 v33, v8  }
0x2a6: {  	v1 =	vadd.f32 v60, v1;
	v9 =	vadd.f32 v62, v61;
	v13 =	vsel vm6, v33, v34  }
0x2a7: {  	v37 =	vmul.f32 v12, v28;
	v12 =	vmul.f32 v12, v12;
	v10 =	vor.u32 v63, v27  }
0x2a8: {  	v11 =	vadd.f32 v11, v52;
	v5 =	vadd.f32 v36, v5;
	vm0 =	vlt.s32 v29, v10  }
0x2a9: {  	v22 =	vadd.f32 v35, v22;
	v16 =	vadd.f32 v37, v41;
	v18 =	vsel vm0, v29, v30  }
0x2aa: {  	v38 =	vld [tilespmem:$0x71];
	v12 =	vadd.f32 v12, v42;
	v45 =	vadd.s32 $0x1, v13;
	v23 =	vmul.f32 v15, v23  }
0x2ab: {  	vm8 =	vlt.s32 v45, v8;
	v15 =	vmul.f32 v15, v15;
	v44 =	vld.idx.msk [tilespmem:v13+s17+$0x0], $0xffff;
	v13 =	vadd.s32 $0xFFFFFF81, v13  }
0x2ac: {  	v43 =	vadd.s32 $0x1, v18;
	v1 =	vadd.f32 v23, v1;
	v13 =	vsel vm8, v45, v13  }
0x2ad: {  	v9 =	vadd.f32 v15, v9;
	vm7 =	vlt.s32 v43, v10;
	v49 =	vadd.s32 $0x1, v13  }
0x2ae: {  	v50 =	vadd.s32 $0xFFFFFF81, v13;
	v40 =	vld.idx.msk [tilespmem:v18+s17+$0x0], $0xffff;
	v18 =	vadd.s32 $0xFFFFFF81, v18;
	vm10 =	vlt.s32 v49, v8  }
0x2af: {  	v15 =	vadd.f32 v39, v21;
	v18 =	vsel vm7, v43, v18;
	v25 =	vsel vm10, v49, v50  }
0x2b0: {  	v47 =	vadd.s32 $0x1, v18;
	v48 =	vadd.s32 $0xFFFFFF81, v18;
	v24 =	vmul.f32 v44, v38  }
0x2b1: {  	v51 =	vld [tilespmem:$0x72];
	v56 =	vadd.s32 $0x1, v25;
	v21 =	vmul.f32 v44, v44;
	vm9 =	vlt.s32 v47, v10  }
0x2b2: {  	v57 =	vadd.s32 $0xFFFFFF81, v25;
	v13 =	vld.idx.msk [tilespmem:v13+s17+$0x0], $0xffff;
	vm12 =	vlt.s32 v56, v8;
	v23 =	vsel vm9, v47, v48  }
0x2b3: {  	v2 =	vadd.f32 v24, v2;
	v24 =	vsel vm12, v56, v57;
	v3 =	vadd.f32 v21, v3  }
0x2b4: {  	v54 =	vld [tilespmem:$0x73];
	v46 =	vmul.f32 v40, v38;
	v17 =	vmul.f32 v40, v40;
	v53 =	vadd.s32 $0x1, v23  }
0x2b5: {  	v55 =	vadd.s32 $0xFFFFFF81, v23;
	v32 =	vadd.s32 $0x1, v24;
	v18 =	vld.idx.msk [tilespmem:v18+s17+$0x0], $0xffff;
	vm11 =	vlt.s32 v53, v10  }
0x2b6: {  	v34 =	vadd.s32 $0xFFFFFF81, v24;
	v25 =	vld.idx.msk [tilespmem:v25+s17+$0x0], $0xffff;
	v7 =	vadd.f32 v17, v7;
	v17 =	vsel vm11, v53, v55  }
0x2b7: {  	vm14 =	vlt.s32 v32, v8;
	v58 =	vadd.s32 $0x1, v17;
	v62 =	vmul.f32 v13, v51  }
0x2b8: {  	v60 =	vadd.s32 $0xFFFFFF81, v17;
	v13 =	vmul.f32 v13, v13;
	vm13 =	vlt.s32 v58, v10  }
0x2b9: {  	v63 =	vld [tilespmem:$0x74];
	v6 =	vadd.f32 v46, v6;
	v61 =	vsel vm13, v58, v60;
	v4 =	vadd.f32 v62, v4  }
0x2ba: {  	v23 =	vld.idx.msk [tilespmem:v23+s17+$0x0], $0xffff;
	v13 =	vadd.f32 v13, v14;
	v59 =	vmul.f32 v18, v51;
	v18 =	vmul.f32 v18, v18  }
0x2bb: {  	v31 =	vld.idx.msk [tilespmem:v24+s17+$0x0], $0xffff;
	v14 =	vsel vm14, v32, v34;
	v30 =	vmul.f32 v25, v54;
	v25 =	vmul.f32 v25, v25  }
0x2bc: {  	v36 =	vadd.s32 $0x1, v61;
	v21 =	vadd.s32 $0xFFFFFF81, v61;
	v41 =	vadd.s32 $0x1, v14  }
0x2bd: {  	vm15 =	vlt.s32 v36, v10;
	vm4 =	vlt.s32 v41, v8;
	v19 =	vadd.f32 v59, v19  }
0x2be: {  	v17 =	vld.idx.msk [tilespmem:v17+s17+$0x0], $0xffff;
	v0 =	vadd.f32 v18, v0;
	v1 =	vadd.f32 v30, v1;
	v21 =	vsel vm15, v36, v21  }
0x2bf: {  	v33 =	vld [tilespmem:$0x75];
	v9 =	vadd.f32 v25, v9;
	v29 =	vmul.f32 v23, v54;
	v23 =	vmul.f32 v23, v23  }
0x2c0: {  	v27 =	vmul.f32 v31, v63;
	v20 =	vmul.f32 v31, v31;
	v44 =	vadd.s32 $0x1, v21;
	v35 =	vld.idx.msk [tilespmem:v61+s17+$0x0], $0xffff  }
0x2c1: {  	v39 =	vld.idx.msk [tilespmem:v14+s17+$0x0], $0xffff;
	v14 =	vadd.s32 $0xFFFFFF81, v14;
	v18 =	vadd.f32 v29, v22;
	v5 =	vadd.f32 v23, v5  }
0x2c2: {  	vm5 =	vlt.s32 v44, v10;
	v15 =	vadd.f32 v27, v15;
	v11 =	vadd.f32 v20, v11  }
0x2c3: {  	v14 =	vsel vm4, v41, v14;
	v37 =	vmul.f32 v17, v63;
	v17 =	vmul.f32 v17, v17  }
0x2c4: {  	v45 =	vadd.s32 $0x1, v14;
	v46 =	vadd.s32 $0xFFFFFF81, v14;
	v43 =	vld.idx.msk [tilespmem:v21+s17+$0x0], $0xffff;
	v21 =	vadd.s32 $0xFFFFFF81, v21  }
0x2c5: {  	vm6 =	vlt.s32 v45, v8;
	v16 =	vadd.f32 v37, v16;
	v12 =	vadd.f32 v17, v12  }
0x2c6: {  	v21 =	vsel vm5, v44, v21;
	v24 =	vsel vm6, v45, v46;
	v38 =	vmul.f32 v35, v33  }
0x2c7: {  	v42 =	vld [tilespmem:$0x76];
	v40 =	vmul.f32 v35, v35;
	v23 =	vmul.f32 v39, v33;
	v47 =	vadd.s32 $0x1, v21  }
0x2c8: {  	v20 =	vmul.f32 v39, v39;
	v48 =	vadd.s32 $0xFFFFFF81, v21;
	v52 =	vadd.s32 $0x1, v24  }
0x2c9: {  	v53 =	vadd.s32 $0xFFFFFF81, v24;
	vm7 =	vlt.s32 v47, v10;
	v6 =	vadd.f32 v38, v6  }
0x2ca: {  	vm8 =	vlt.s32 v52, v8;
	v7 =	vadd.f32 v40, v7;
	v2 =	vadd.f32 v23, v2  }
0x2cb: {  	v14 =	vld.idx.msk [tilespmem:v14+s17+$0x0], $0xffff;
	v25 =	vsel vm7, v47, v48;
	v3 =	vadd.f32 v20, v3;
	v23 =	vsel vm8, v52, v53  }
0x2cc: {  	v49 =	vmul.f32 v43, v42;
	v50 =	vmul.f32 v43, v43;
	v55 =	vadd.s32 $0x1, v25  }
0x2cd: {  	v51 =	vld [tilespmem:$0x77];
	v57 =	vadd.s32 $0xFFFFFF81, v25;
	v58 =	vadd.s32 $0x1, v23;
	v59 =	vadd.s32 $0xFFFFFF81, v23  }
0x2ce: {  	v21 =	vld.idx.msk [tilespmem:v21+s17+$0x0], $0xffff;
	vm9 =	vlt.s32 v55, v10;
	vm10 =	vlt.s32 v58, v8;
	v19 =	vadd.f32 v49, v19  }
0x2cf: {  	v54 =	vld.idx.msk [tilespmem:v24+s17+$0x0], $0xffff;
	v0 =	vadd.f32 v50, v0;
	v24 =	vsel vm9, v55, v57;
	v27 =	vsel vm10, v58, v59  }
0x2d0: {  	v17 =	vmul.f32 v14, v42;
	v60 =	vadd.s32 $0x1, v24;
	v14 =	vmul.f32 v14, v14  }
0x2d1: {  	v56 =	vld [tilespmem:$0x78];
	v61 =	vadd.s32 $0xFFFFFF81, v24;
	v34 =	vadd.s32 $0x1, v27;
	v37 =	vadd.s32 $0xFFFFFF81, v27  }
0x2d2: {  	v25 =	vld.idx.msk [tilespmem:v25+s17+$0x0], $0xffff;
	vm11 =	vlt.s32 v60, v10;
	vm12 =	vlt.s32 v34, v8;
	v4 =	vadd.f32 v17, v4  }
0x2d3: {  	v23 =	vld.idx.msk [tilespmem:v23+s17+$0x0], $0xffff;
	v28 =	vsel vm11, v60, v61;
	v62 =	vmul.f32 v21, v51;
	v63 =	vmul.f32 v21, v21  }
0x2d4: {  	v13 =	vadd.f32 v14, v13;
	v29 =	vmul.f32 v54, v51;
	v31 =	vmul.f32 v54, v54  }
0x2d5: {  	v42 =	vadd.s32 $0x1, v28;
	v45 =	vadd.s32 $0xFFFFFF81, v28;
	v17 =	vadd.f32 v62, v18  }
0x2d6: {  	v30 =	vld [tilespmem:$0x79];
	vm13 =	vlt.s32 v42, v10;
	v5 =	vadd.f32 v63, v5;
	v1 =	vadd.f32 v29, v1  }
0x2d7: {  	v24 =	vld.idx.msk [tilespmem:v24+s17+$0x0], $0xffff;
	v9 =	vadd.f32 v31, v9;
	v18 =	vsel vm12, v34, v37;
	v32 =	vmul.f32 v25, v56  }
0x2d8: {  	v33 =	vld.idx.msk [tilespmem:v27+s17+$0x0], $0xffff;
	v46 =	vsel vm13, v42, v45;
	v36 =	vmul.f32 v25, v25;
	v26 =	vmul.f32 v23, v56  }
0x2d9: {  	v23 =	vmul.f32 v23, v23;
	v47 =	vadd.s32 $0x1, v18;
	v48 =	vadd.s32 $0x1, v46  }
0x2da: {  	v49 =	vadd.s32 $0xFFFFFF81, v46;
	vm14 =	vlt.s32 v47, v8;
	v16 =	vadd.f32 v32, v16  }
0x2db: {  	v35 =	vld [tilespmem:$0x7A];
	vm15 =	vlt.s32 v48, v10;
	v12 =	vadd.f32 v36, v12;
	v15 =	vadd.f32 v26, v15  }
0x2dc: {  	v38 =	vld.idx.msk [tilespmem:v28+s17+$0x0], $0xffff;
	v11 =	vadd.f32 v23, v11;
	v39 =	vmul.f32 v24, v30;
	v24 =	vmul.f32 v24, v24  }
0x2dd: {  	v21 =	vsel vm15, v48, v49;
	v40 =	vmul.f32 v33, v30;
	v14 =	vmul.f32 v33, v33  }
0x2de: {  	v53 =	vadd.s32 $0x1, v21;
	v54 =	vadd.s32 $0xFFFFFF81, v21;
	v43 =	vld.idx.msk [tilespmem:v18+s17+$0x0], $0xffff;
	v18 =	vadd.s32 $0xFFFFFF81, v18  }
0x2df: {  	vm5 =	vlt.s32 v53, v10;
	v6 =	vadd.f32 v39, v6;
	v7 =	vadd.f32 v24, v7  }
0x2e0: {  	v2 =	vadd.f32 v40, v2;
	v3 =	vadd.f32 v14, v3;
	v18 =	vsel vm14, v47, v18  }
0x2e1: {  	v25 =	vsel vm5, v53, v54;
	v41 =	vmul.f32 v38, v35;
	v51 =	vadd.s32 $0x1, v18  }
0x2e2: {  	v44 =	vmul.f32 v38, v38;
	v52 =	vadd.s32 $0xFFFFFF81, v18;
	vm4 =	vlt.s32 v51, v8  }
0x2e3: {  	v50 =	vld [tilespmem:$0x7B];
	v57 =	vadd.s32 $0x1, v25;
	v59 =	vadd.s32 $0xFFFFFF81, v25;
	v22 =	vsel vm4, v51, v52  }
0x2e4: {  	v14 =	vld.idx.msk [tilespmem:v46+s17+$0x0], $0xffff;
	vm7 =	vlt.s32 v57, v10;
	v19 =	vadd.f32 v41, v19;
	v55 =	vadd.s32 $0x1, v22  }
0x2e5: {  	v0 =	vadd.f32 v44, v0;
	v56 =	vadd.s32 $0xFFFFFF81, v22;
	vm6 =	vlt.s32 v55, v8  }
0x2e6: {  	v58 =	vld [tilespmem:$0x7C];
	v27 =	vsel vm7, v57, v59;
	v20 =	vmul.f32 v43, v35;
	v26 =	vsel vm6, v55, v56  }
0x2e7: {  	v21 =	vld.idx.msk [tilespmem:v21+s17+$0x0], $0xffff;
	v24 =	vmul.f32 v43, v43;
	v63 =	vadd.s32 $0x1, v27;
	v61 =	vadd.s32 $0x1, v26  }
0x2e8: {  	v37 =	vadd.s32 $0xFFFFFF81, v27;
	v18 =	vld.idx.msk [tilespmem:v18+s17+$0x0], $0xffff;
	v62 =	vadd.s32 $0xFFFFFF81, v26;
	vm8 =	vlt.s32 v61, v8  }
0x2e9: {  	v60 =	vmul.f32 v14, v50;
	vm9 =	vlt.s32 v63, v10;
	v38 =	vld.idx.msk [tilespmem:v25+s17+$0x0], $0xffff;
	v28 =	vsel vm8, v61, v62  }
0x2ea: {  	v36 =	vld [tilespmem:$0x7D];
	v14 =	vmul.f32 v14, v14;
	v10 =	vsel vm9, v63, v37;
	v40 =	vadd.s32 $0x1, v28  }
0x2eb: {  	v41 =	vld [tilespmem:$0x7E];
	v4 =	vadd.f32 v20, v4;
	v42 =	vadd.s32 $0xFFFFFF81, v28;
	vm10 =	vlt.s32 v40, v8  }
0x2ec: {  	v13 =	vadd.f32 v24, v13;
	v43 =	vmul.f32 v21, v58;
	v22 =	vld.idx.msk [tilespmem:v22+s17+$0x0], $0xffff;
	v8 =	vsel vm10, v40, v42  }
0x2ed: {  	v17 =	vadd.f32 v60, v17;
	v5 =	vadd.f32 v14, v5;
	v44 =	vmul.f32 v21, v21;
	v27 =	vld.idx.msk [tilespmem:v27+s17+$0x0], $0xffff  }
0x2ee: {  	v16 =	vadd.f32 v43, v16;
	v23 =	vmul.f32 v18, v50;
	v50 =	vmul.f32 v38, v38;
	v39 =	vld.idx.msk [tilespmem:v26+s17+$0x0], $0xffff  }
0x2ef: {  	v12 =	vadd.f32 v44, v12;
	v18 =	vmul.f32 v18, v18;
	v48 =	vmul.f32 v38, v36;
	v10 =	vld.idx.msk [tilespmem:v10+s17+$0x0], $0xffff  }
0x2f0: {  	v1 =	vadd.f32 v23, v1;
	v7 =	vadd.f32 v50, v7;
	v45 =	vld.idx.msk [tilespmem:v28+s17+$0x0], $0xffff  }
0x2f1: {  	v9 =	vadd.f32 v18, v9;
	v6 =	vadd.f32 v48, v6;
	v46 =	vmul.f32 v22, v58;
	v8 =	vld.idx.msk [tilespmem:v8+s17+$0x0], $0xffff  }
0x2f2: {  	v49 =	vld [tilespmem:$0x7F];
	v47 =	vmul.f32 v22, v22;
	v53 =	vmul.f32 v27, v41;
	v7 =	vadd.f32 v7, v12  }
0x2f3: {  	v54 =	vmul.f32 v27, v27;
	v6 =	vadd.f32 v6, v16;
	v15 =	vadd.f32 v46, v15  }
0x2f4: {  	v11 =	vadd.f32 v47, v11;
	v18 =	vadd.f32 v53, v19;
	v51 =	vmul.f32 v39, v36  }
0x2f5: {  	v0 =	vadd.f32 v54, v0;
	v52 =	vmul.f32 v39, v39;
	v55 =	vmul.f32 v10, v10  }
0x2f6: {  	v2 =	vadd.f32 v51, v2;
	v56 =	vmul.f32 v45, v45;
	v57 =	vmul.f32 v8, v8  }
0x2f7: {  	v10 =	vmul.f32 v10, v49;
	v3 =	vadd.f32 v52, v3;
	v5 =	vadd.f32 v55, v5  }
0x2f8: {  	v13 =	vadd.f32 v56, v13;
	v58 =	vadd.f32 v57, v9  }
0x2f9: {  	v10 =	vadd.f32 v10, v17;
	v0 =	vadd.f32 v5, v0  }
0x2fa: {  	v3 =	vadd.f32 v3, v11;
	v5 =	vadd.f32 v58, v13  }
0x2fb: {  	v59 =	vmul.f32 v45, v41;
	v0 =	vadd.f32 v0, v7;
	v60 =	vmul.f32 v8, v49  }
0x2fc: {  	v10 =	vadd.f32 v10, v18;
	v3 =	vadd.f32 v5, v3  }
0x2fd: {  	v4 =	vadd.f32 v59, v4;
	v1 =	vadd.f32 v60, v1;
	v0 =	vmax.f32 v0, $1.000000000e-30  }
0x2fe: {  	(erf) = vrcp.f32 v0;
	v0 =	vadd.f32 v2, v15;
	v2 =	vmax.f32 v3, $1.000000000e-30;
	v3 =	vld [tilespmem:$0x1FFF0]  }
0x2ff: {  	v6 =	vadd.f32 v10, v6;
	v1 =	vadd.f32 v1, v4;
	_ =	sdelay $0x1  }
0x300: {  	v61 =	vand.u32 $0x80000000, v6;
	v0 =	vadd.f32 v1, v0  }
0x301: {  	vm11 =	vlt.f32 v6, $0.0e+00;
	vm1 =	vgt.f32 v6, $0.0e+00;
	(erf) = vrcp.f32 v2  }
0x302: {  	vm0 =	vmor vm1, vm11;
	vm12 =	vlt.f32 v0, $0.0e+00;
	v2 =	vor.u32 v61, v3  }
0x303: {  	vm13 =	vgt.f32 v0, $0.0e+00;
	v1 =	vsel vm0, v2, v6;
	v2 =	vand.u32 $0x80000000, v0  }
0x304: {  	vm0 =	vmor vm13, vm12;
	v2 =	vor.u32 v2, v3  }
0x305: {  	v1 =	vmul.f32 v1, v6;
	v2 =	vsel vm0, v2, v0  }
0x306: {  	v62 =	vld [tilespmem:$0x1FD10];
	v2 =	vmul.f32 v2, v0  }
0x307: {  	v1 =	vmul.f32 v1, v6  }
0x308: {  	s31 =	sshll.u32 s24, $0x5;
	s24 =	sadd.s32 $0x1, s24;
	v63 =	vld [tilespmem:$0x1FD20];
	v3 =	vpop (erf)  }
0x309: {  	p1 =	sne.s32 s24, $0xA;
	v1 =	vmul.f32 v1, v3;
	v0 =	vmul.f32 v2, v0  }
.Ltmp7:
0x30a: {  	v2 =	vpop (erf);
	(pc) =	sbr.rel @p1 .LBB2_10-.Ltmp7, $4  }
0x30b: {  	s25 =	sshll.u32 s25, $0x4;
	s26 =	sadd.s32 s9, s31;
	v3 =	vlaneseq.u32;
	vm14 =	vgt.f32 v1, v62;
	v0 =	vmul.f32 v0, v2  }
0x30c: {  	s25 =	sadd.s32 s9, s25;
	v2 =	vor.u32 s26, v3;
	v1 =	vsel vm14, v1, v62  }
0x30d: {  	v3 =	vor.u32 s25, v3;
	v2 =	vsel vm14, v2, v63;
	vm15 =	vgt.f32 v0, v1  }
0x30e: {  	v1 =	vsel vm15, v0, v1;
	v0 =	vsel vm15, v3, v2  }
.Ltmp8:
0x30f: {  	(pc) =	sbr.rel @p0 .LBB2_19-.Ltmp8, $3  }
0x310: {  	_ =	sdelay $0x1  }
0x311: {  	[tilespmem:$0x14100] =	vst v1  }
0x312: {  	[tilespmem:$0x14180] =	vst v0  }
0x313: {  	_ =	swait.ge [sflag:s20], $0xA000  }
0x314: {  	[sflag:s20] =	ssyncset.done $0x0  }
0x315: {  	[sflag:s20] =	ssyncadd.s32 $0xFFFF6000  }
0x316: {  	s24 =	simm.s32 $0x0;
	v1 =	vld [tilespmem:$0x14100]  }
.LBB2_15:
0x317: {  	s26 =	simm.s32 $0x0;
	v5 =	vld [tilespmem:$0x1FFE0]  }
0x318: {  	v62 =	vld [tilespmem:s26+$0xC]  }
0x319: {  	v63 =	vld [tilespmem:s26+$0xD]  }
0x31a: {  	v2 =	vld [tilespmem:s26+$0xE]  }
0x31b: {  	s28 =	sshll.u32 s24, $0xC;
	s25 =	sshllo.u32 s24, $0x1;
	v8 =	vld [tilespmem:s26+$0xF]  }
0x31c: {  	s29 =	sshll.u32 s25, $0xB;
	v4 =	vld [tilespmem:s26+$0x8];
	v3 =	vor.u32 s28, v5  }
0x31d: {  	v6 =	vld [tilespmem:s26+$0x9];
	v5 =	vor.u32 s29, v5  }
0x31e: {  	v16 =	vld [tilespmem:s26+$0xA];
	v11 =	vadd.s32 $0xC, v3  }
0x31f: {  	v9 =	vld [tilespmem:s26+$0xB];
	v15 =	vadd.s32 $0xC, v5  }
0x320: {  	v17 =	vld [tilespmem:s26+$0x0];
	v18 =	vadd.s32 $0xD, v3  }
0x321: {  	v20 =	vadd.s32 $0xD, v5;
	v19 =	vld.idx.msk [tilespmem:v3+s19+$0x0], $0xffff  }
0x322: {  	v23 =	vadd.s32 $0xE, v3;
	v21 =	vld.idx.msk [tilespmem:v5+s19+$0x0], $0xffff  }
0x323: {  	v10 =	vimm.f32 $0.0e+00;
	v26 =	vadd.s32 $0xF, v3;
	v27 =	vld.idx.msk [tilespmem:v11+s19+$0x0], $0xffff  }
0x324: {  	v46 =	vmov s29;
	v25 =	vadd.s32 $0xE, v5;
	v28 =	vadd.s32 $0x8, v3;
	v29 =	vld.idx.msk [tilespmem:v15+s19+$0x0], $0xffff  }
0x325: {  	v12 =	vadd.s32 $0x10, v3;
	v30 =	vadd.s32 $0x8, v5;
	v47 =	vadd.s32 $0xF, v5;
	v18 =	vld.idx.msk [tilespmem:v18+s19+$0x0], $0xffff  }
0x326: {  	v31 =	vadd.s32 $0x9, v3;
	v32 =	vadd.s32 $0x9, v5;
	v33 =	vadd.s32 $0xA, v3;
	v20 =	vld.idx.msk [tilespmem:v20+s19+$0x0], $0xffff  }
0x327: {  	v36 =	vadd.s32 $0xA, v5;
	v24 =	vadd.s32 $0xB, v5;
	v48 =	vld.idx.msk [tilespmem:v23+s19+$0x0], $0xffff;
	v34 =	vmul.f32 v19, v17  }
0x328: {  	[tilespmem:$0x1FC50] =	vst v46;
	v37 =	vadd.s32 $0x4, v3;
	v45 =	vld.idx.msk [tilespmem:v26+s19+$0x0], $0xffff;
	v35 =	vmul.f32 v19, v19;
	v42 =	vmul.f32 v21, v17  }
0x329: {  	[tilespmem:$0x1FC30] =	vst v1;
	v1 =	vadd.s32 $0x5, v5;
	v46 =	vld.idx.msk [tilespmem:v28+s19+$0x0], $0xffff;
	v21 =	vmul.f32 v21, v21;
	v43 =	vmul.f32 v27, v62  }
0x32a: {  	[tilespmem:$0x1FD20] =	vst v0;
	v60 =	vadd.s32 $0x7, v3;
	v30 =	vld.idx.msk [tilespmem:v30+s19+$0x0], $0xffff;
	v44 =	vmul.f32 v27, v27;
	v0 =	vmul.f32 v29, v62  }
0x32b: {  	v52 =	vadd.s32 $0x1, v3;
	v32 =	vld.idx.msk [tilespmem:v32+s19+$0x0], $0xffff;
	v29 =	vmul.f32 v29, v29;
	v38 =	vmul.f32 v18, v63  }
0x32c: {  	[tilespmem:$0x1FC60] =	vst v47;
	v47 =	vadd.s32 $0x4, v5;
	v33 =	vld.idx.msk [tilespmem:v33+s19+$0x0], $0xffff;
	v39 =	vmul.f32 v18, v18;
	v40 =	vmul.f32 v20, v63  }
0x32d: {  	v23 =	vadd.s32 $0xB, v3;
	v19 =	vld.idx.msk [tilespmem:v25+s19+$0x0], $0xffff;
	v41 =	vmul.f32 v20, v20;
	v25 =	vmul.f32 v48, v2  }
0x32e: {  	v22 =	vld [tilespmem:s26+$0x4];
	v56 =	vadd.s32 $0x3, v3;
	v49 =	vmul.f32 v48, v48;
	v50 =	vmul.f32 v45, v8  }
0x32f: {  	v55 =	vadd.s32 $0x3, v5;
	v57 =	vld.idx.msk [tilespmem:v37+s19+$0x0], $0xffff;
	v51 =	vmul.f32 v45, v45;
	v45 =	vmul.f32 v46, v4  }
0x330: {  	v11 =	vadd.s32 $0x10, v5;
	v20 =	vld.idx.msk [tilespmem:v31+s19+$0x0], $0xffff;
	v4 =	vmul.f32 v30, v4;
	v30 =	vmul.f32 v30, v30  }
0x331: {  	v58 =	vld.idx.msk [tilespmem:v47+s19+$0x0], $0xffff;
	v18 =	vadd.s32 $0x5, v3;
	v53 =	vmul.f32 v32, v6;
	v54 =	vmul.f32 v32, v32  }
0x332: {  	v31 =	vadd.s32 $0x6, v3;
	v23 =	vld.idx.msk [tilespmem:v23+s19+$0x0], $0xffff;
	v47 =	vmul.f32 v33, v16;
	v48 =	vmul.f32 v33, v33  }
0x333: {  	v32 =	vadd.s32 $0x2, v5;
	v34 =	vadd.f32 v34, v10;
	v35 =	vadd.f32 v35, v10  }
0x334: {  	v36 =	vld.idx.msk [tilespmem:v36+s19+$0x0], $0xffff;
	v62 =	vadd.f32 v42, v10;
	[tilespmem:$0x1FCA0] =	vst v51;
	v51 =	vmul.f32 v46, v46;
	v46 =	vadd.s32 $0x7, v5  }
0x335: {  	[tilespmem:$0x1FC80] =	vst v8;
	v61 =	vmul.f32 v20, v6;
	v8 =	vmul.f32 v20, v20;
	v20 =	vadd.s32 $0x1, v5  }
0x336: {  	v6 =	vadd.s32 $0x2, v3;
	v3 =	vld.idx.msk [tilespmem:v52+s19+$0x0], $0xffff;
	v52 =	vmul.f32 v57, v22;
	v22 =	vmul.f32 v58, v22  }
0x337: {  	v27 =	vmul.f32 v19, v2;
	v2 =	vadd.s32 $0x6, v5;
	v37 =	vmul.f32 v23, v9;
	v5 =	vld [tilespmem:s26+$0x1]  }
0x338: {  	v59 =	vld [tilespmem:s26+$0x5];
	v33 =	vmul.f32 v23, v23;
	v23 =	vmul.f32 v57, v57;
	v22 =	vadd.f32 v22, v62  }
0x339: {  	v7 =	vmov s28;
	[tilespmem:$0x1FC70] =	vst v49;
	v49 =	vmul.f32 v36, v16;
	v18 =	vld.idx.msk [tilespmem:v18+s19+$0x0], $0xffff;
	v16 =	vadd.f32 v52, v34  }
0x33a: {  	[tilespmem:$0x1FC90] =	vst v50;
	v50 =	vmul.f32 v36, v36;
	v23 =	vadd.f32 v23, v35;
	v4 =	vadd.f32 v4, v22  }
0x33b: {  	v16 =	vadd.f32 v45, v16;
	v63 =	vld.idx.msk [tilespmem:v20+s19+$0x0], $0xffff;
	v20 =	vadd.f32 v21, v10;
	v21 =	vmul.f32 v58, v58  }
0x33c: {  	v17 =	vmul.f32 v3, v5;
	v3 =	vmul.f32 v3, v3;
	v0 =	vadd.f32 v0, v4  }
0x33d: {  	v1 =	vld.idx.msk [tilespmem:v1+s19+$0x0], $0xffff;
	v36 =	vimm.f32 $0.0e+00;
	v20 =	vadd.f32 v21, v20;
	v21 =	vadd.f32 v51, v23  }
0x33e: {  	v31 =	vld.idx.msk [tilespmem:v31+s19+$0x0], $0xffff;
	v34 =	vmul.f32 v18, v59;
	v62 =	vadd.f32 v17, v10;
	v3 =	vadd.f32 v3, v10  }
0x33f: {  	v57 =	vld [tilespmem:s26+$0x6];
	v35 =	vmul.f32 v18, v18;
	v22 =	vadd.f32 v30, v20;
	v20 =	vadd.f32 v43, v16  }
0x340: {  	v28 =	vmul.f32 v19, v19;
	v52 =	vld [tilespmem:s26+$0x2];
	v44 =	vadd.f32 v44, v21;
	v4 =	vadd.f32 v34, v62  }
0x341: {  	v51 =	vld.idx.msk [tilespmem:v6+s19+$0x0], $0xffff;
	v3 =	vadd.f32 v35, v3;
	v34 =	vimm.f32 $0.0e+00;
	v35 =	vimm.f32 $0.0e+00  }
0x342: {  	v62 =	vld.idx.msk [tilespmem:v32+s19+$0x0], $0xffff;
	v32 =	vimm.f32 $0.0e+00;
	v5 =	vmul.f32 v63, v5;
	v45 =	vmul.f32 v63, v63  }
0x343: {  	[tilespmem:$0x1FC40] =	vst v7;
	v30 =	vimm.f32 $0.0e+00;
	v63 =	vmul.f32 v1, v59;
	v1 =	vmul.f32 v1, v1  }
0x344: {  	v59 =	vmul.f32 v31, v31;
	[tilespmem:$0x1FCB0] =	vst v44;
	v58 =	vadd.f32 v29, v22;
	v44 =	vadd.f32 v61, v4  }
0x345: {  	[tilespmem:$0x1FCC0] =	vst v0;
	v29 =	vimm.f32 $0.0e+00;
	v5 =	vadd.f32 v5, v10;
	v0 =	vadd.f32 v45, v10  }
0x346: {  	v26 =	vmovc v9;
	v60 =	vld.idx.msk [tilespmem:v60+s19+$0x0], $0xffff;
	v45 =	vadd.f32 v8, v3;
	[tilespmem:$0x1FCD0] =	vst v58;
	v58 =	vmul.f32 v31, v57;
	v31 =	vimm.f32 $0.0e+00  }
0x347: {  	s28 =	simm.s32 $0x40;
	v61 =	vld.idx.msk [tilespmem:v2+s19+$0x0], $0xffff;
	v42 =	vadd.f32 v63, v5;
	v43 =	vadd.f32 v1, v0;
	v63 =	vmul.f32 v51, v52  }
.LBB2_16:
0x348: {  	v1 =	vld [tilespmem:s26+$0x7]  }
0x349: {  	v5 =	vld.idx.msk [tilespmem:v56+s19+$0x0], $0xffff  }
0x34a: {  	v8 =	vld [tilespmem:s26+$0x3]  }
0x34b: {  	v17 =	vld.idx.msk [tilespmem:v46+s19+$0x0], $0xffff  }
0x34c: {  	v24 =	vld.idx.msk [tilespmem:v24+s19+$0x0], $0xffff  }
0x34d: {  	v0 =	vmul.f32 v51, v51;
	v7 =	vld [tilespmem:$0x1FC80];
	v2 =	vadd.f32 v53, v42  }
0x34e: {  	s26 =	sshra.s32 s28, $0x2;
	v19 =	vld.idx.msk [tilespmem:v11+s19+$0x0], $0xffff;
	v3 =	vadd.f32 v54, v43;
	v6 =	vadd.f32 v38, v44  }
0x34f: {  	v21 =	vmov v20;
	v43 =	vadd.f32 v39, v45;
	v20 =	vld [tilespmem:s26+$0xB];
	v0 =	vadd.f32 v0, v34  }
0x350: {  	v4 =	vmul.f32 v62, v52;
	v56 =	vmul.f32 v62, v62;
	v62 =	vadd.f32 v63, v10;
	v63 =	vld.idx.msk [tilespmem:v55+s19+$0x0], $0xffff  }
0x351: {  	v44 =	vadd.f32 v40, v2;
	v45 =	vadd.f32 v41, v3;
	v14 =	vmul.f32 v61, v57;
	v55 =	vld [tilespmem:$0x1FC70]  }
0x352: {  	[tilespmem:$0x1FC20] =	vst v6;
	v16 =	vmul.f32 v61, v61;
	v46 =	vmul.f32 v60, v1;
	v6 =	vadd.f32 v56, v36;
	v56 =	vld [tilespmem:$0x1FC60]  }
0x353: {  	v0 =	vadd.f32 v59, v0;
	v59 =	vld [tilespmem:$0x1FCA0];
	v54 =	vmul.f32 v5, v8;
	v5 =	vmul.f32 v5, v5  }
0x354: {  	v61 =	vld [tilespmem:s26+$0x0];
	v1 =	vmul.f32 v17, v1;
	v15 =	vmul.f32 v17, v17;
	v2 =	vadd.f32 v58, v62  }
0x355: {  	v51 =	vmovc v12;
	v13 =	vmul.f32 v24, v26;
	v17 =	vadd.s32 $0xD, v11;
	v0 =	vadd.f32 v48, v0;
	v58 =	vld [tilespmem:$0x1FC90]  }
0x356: {  	v26 =	vadd.s32 $0xF, v51;
	v6 =	vadd.f32 v16, v6;
	v2 =	vadd.f32 v47, v2;
	v47 =	vld [tilespmem:s26+$0x9]  }
0x357: {  	v57 =	vadd.f32 v54, v29;
	v8 =	vmul.f32 v63, v8;
	v3 =	vmul.f32 v63, v63;
	v63 =	vld.idx.msk [tilespmem:v12+s19+$0x0], $0xffff  }
0x358: {  	v52 =	vmovc v11;
	v53 =	vmul.f32 v60, v60;
	v6 =	vadd.f32 v50, v6;
	v42 =	vadd.f32 v25, v2;
	v2 =	vld [tilespmem:s26+$0xC]  }
0x359: {  	v48 =	vadd.s32 $0x9, v52;
	v5 =	vadd.f32 v5, v32;
	v34 =	vadd.f32 v55, v0;
	v25 =	vld [tilespmem:s26+$0xF]  }
0x35a: {  	v36 =	vadd.f32 v28, v6;
	v6 =	vadd.f32 v46, v57;
	v0 =	vld.idx.msk [tilespmem:v56+s19+$0x0], $0xffff  }
0x35b: {  	v4 =	vadd.f32 v4, v35;
	v5 =	vadd.f32 v53, v5;
	v55 =	vld.idx.msk [tilespmem:v26+s19+$0x0], $0xffff;
	v28 =	vadd.s32 $0x8, v51  }
0x35c: {  	v17 =	vld.idx.msk [tilespmem:v17+s19+$0x0], $0xffff;
	v6 =	vadd.f32 v37, v6;
	v37 =	vadd.s32 $0x8, v52  }
0x35d: {  	v54 =	vadd.s32 $0xB, v51;
	v4 =	vadd.f32 v14, v4;
	v5 =	vadd.f32 v33, v5;
	v33 =	vld [tilespmem:s26+$0xA]  }
0x35e: {  	v23 =	vadd.s32 $0x1, v51;
	v40 =	vadd.s32 $0x9, v51;
	v60 =	vadd.s32 $0xC, v11;
	v48 =	vld.idx.msk [tilespmem:v48+s19+$0x0], $0xffff  }
0x35f: {  	v10 =	vadd.s32 $0x6, v52;
	v4 =	vadd.f32 v49, v4;
	v46 =	vld [tilespmem:s26+$0x8];
	v9 =	vmul.f32 v0, v7;
	v7 =	vmovc v25  }
0x360: {  	v49 =	vadd.s32 $0xA, v51;
	v16 =	vld.idx.msk [tilespmem:v28+s19+$0x0], $0xffff;
	[tilespmem:$0x1FC80] =	vst v7;
	v7 =	vmul.f32 v55, v7;
	v55 =	vmul.f32 v55, v55  }
0x361: {  	v18 =	vadd.s32 $0x2, v52;
	v62 =	vadd.s32 $0xD, v12;
	v8 =	vadd.f32 v8, v30;
	v37 =	vld.idx.msk [tilespmem:v37+s19+$0x0], $0xffff  }
0x362: {  	v50 =	vadd.s32 $0xA, v52;
	v3 =	vadd.f32 v3, v31;
	v35 =	vadd.f32 v27, v4;
	[tilespmem:$0x1FCA0] =	vst v55;
	v55 =	vld.idx.msk [tilespmem:v54+s19+$0x0], $0xffff  }
0x363: {  	v4 =	vld [tilespmem:s26+$0xD];
	v1 =	vadd.f32 v1, v8;
	v8 =	vmul.f32 v24, v24;
	v24 =	vadd.s32 $0xE, v12  }
0x364: {  	v27 =	vld [tilespmem:s26+$0xE];
	v3 =	vadd.f32 v15, v3;
	v32 =	vadd.f32 v59, v5;
	v56 =	vadd.s32 $0x4, v51  }
0x365: {  	v57 =	vmul.f32 v63, v61;
	v1 =	vadd.f32 v13, v1;
	v49 =	vld.idx.msk [tilespmem:v49+s19+$0x0], $0xffff;
	v22 =	vmul.f32 v16, v46  }
0x366: {  	v29 =	vadd.f32 v58, v6;
	v6 =	vld.idx.msk [tilespmem:v60+s19+$0x0], $0xffff;
	v60 =	vmul.f32 v16, v16;
	v15 =	vmul.f32 v37, v46  }
0x367: {  	v26 =	vmovc v20;
	v3 =	vadd.f32 v8, v3;
	v16 =	vmul.f32 v37, v37;
	v37 =	vmul.f32 v55, v20;
	v20 =	vld [tilespmem:$0x1FCB0]  }
0x368: {  	[tilespmem:$0x1FC00] =	vst v12;
	v8 =	vadd.s32 $0xC, v12;
	v12 =	vadd.s32 $0x10, v12;
	v53 =	vld.idx.msk [tilespmem:v24+s19+$0x0], $0xffff;
	v0 =	vmul.f32 v0, v0  }
0x369: {  	v41 =	vmul.f32 v17, v17;
	v58 =	vmul.f32 v19, v19;
	v25 =	vadd.s32 $0xE, v11;
	v14 =	vld.idx.msk [tilespmem:v56+s19+$0x0], $0xffff  }
0x36a: {  	v30 =	vadd.f32 v9, v1;
	v31 =	vadd.f32 v0, v3;
	v1 =	vld.idx.msk [tilespmem:v62+s19+$0x0], $0xffff;
	v3 =	vmul.f32 v63, v63  }
0x36b: {  	v57 =	vadd.f32 v57, v21;
	v0 =	vmul.f32 v19, v61;
	v61 =	vadd.s32 $0x4, v52;
	v62 =	vld.idx.msk [tilespmem:v40+s19+$0x0], $0xffff  }
0x36c: {  	v24 =	vadd.s32 $0xB, v52;
	v56 =	vadd.s32 $0x3, v51;
	v3 =	vadd.f32 v3, v20;
	v20 =	vld [tilespmem:$0x1FCC0]  }
0x36d: {  	v50 =	vld.idx.msk [tilespmem:v50+s19+$0x0], $0xffff;
	v9 =	vadd.s32 $0xF, v52;
	v40 =	vmul.f32 v17, v4;
	v54 =	vmul.f32 v48, v48  }
0x36e: {  	v63 =	vadd.s32 $0x6, v51;
	[tilespmem:$0x1FC60] =	vst v9;
	v9 =	vmul.f32 v53, v53;
	v19 =	vld.idx.msk [tilespmem:v25+s19+$0x0], $0xffff;
	v25 =	vmul.f32 v53, v27  }
0x36f: {  	v5 =	vld [tilespmem:s26+$0x4];
	v17 =	vadd.s32 $0x2, v51;
	v53 =	vmul.f32 v48, v47;
	v38 =	vmul.f32 v1, v4  }
0x370: {  	[tilespmem:$0x1FC70] =	vst v9;
	v39 =	vmul.f32 v1, v1;
	v1 =	vadd.s32 $0x5, v51;
	v61 =	vld.idx.msk [tilespmem:v61+s19+$0x0], $0xffff;
	v9 =	vmul.f32 v62, v47  }
0x371: {  	v13 =	vmul.f32 v62, v62;
	v62 =	vadd.s32 $0x1, v52;
	v0 =	vadd.f32 v0, v20;
	v20 =	vld [tilespmem:$0x1FCD0]  }
0x372: {  	v8 =	vld.idx.msk [tilespmem:v8+s19+$0x0], $0xffff;
	[tilespmem:$0x1FC90] =	vst v7;
	v7 =	vadd.s32 $0x7, v51;
	v48 =	vmul.f32 v49, v49;
	v47 =	vmul.f32 v49, v33  }
0x373: {  	v46 =	vadd.s32 $0x7, v52;
	v49 =	vmul.f32 v50, v33;
	v51 =	vld [tilespmem:s26+$0x1];
	v33 =	vmul.f32 v55, v55  }
0x374: {  	v4 =	vadd.s32 $0x5, v52;
	v27 =	vmul.f32 v19, v27;
	v28 =	vmul.f32 v19, v19;
	v19 =	vld [tilespmem:s26+$0x5]  }
0x375: {  	v55 =	vadd.s32 $0x3, v52;
	v52 =	vmul.f32 v14, v5;
	v14 =	vmul.f32 v14, v14;
	v1 =	vld.idx.msk [tilespmem:v1+s19+$0x0], $0xffff  }
0x376: {  	v62 =	vld.idx.msk [tilespmem:v62+s19+$0x0], $0xffff;
	v5 =	vmul.f32 v61, v5;
	v21 =	vmul.f32 v61, v61;
	v20 =	vadd.f32 v58, v20  }
0x377: {  	v23 =	vld.idx.msk [tilespmem:v23+s19+$0x0], $0xffff;
	v59 =	vmul.f32 v8, v2;
	v8 =	vmul.f32 v8, v8;
	v3 =	vadd.f32 v14, v3  }
0x378: {  	v2 =	vmul.f32 v6, v2;
	v63 =	vld.idx.msk [tilespmem:v63+s19+$0x0], $0xffff;
	v0 =	vadd.f32 v5, v0;
	v5 =	vadd.f32 v21, v20  }
0x379: {  	v6 =	vmul.f32 v6, v6;
	v50 =	vmul.f32 v50, v50;
	v52 =	vadd.f32 v52, v57;
	v4 =	vld.idx.msk [tilespmem:v4+s19+$0x0], $0xffff  }
0x37a: {  	v14 =	vmul.f32 v1, v19;
	v3 =	vadd.f32 v60, v3;
	v5 =	vadd.f32 v16, v5;
	v16 =	vld [tilespmem:$0x1FC20]  }
0x37b: {  	v57 =	vld [tilespmem:s26+$0x6];
	v1 =	vmul.f32 v1, v1;
	v0 =	vadd.f32 v15, v0;
	v15 =	vmul.f32 v62, v51  }
0x37c: {  	v61 =	vld.idx.msk [tilespmem:v10+s19+$0x0], $0xffff;
	v3 =	vadd.f32 v8, v3;
	v20 =	vadd.f32 v22, v52;
	v22 =	vmul.f32 v23, v23  }
0x37d: {  	v58 =	vmul.f32 v23, v51;
	v51 =	vld.idx.msk [tilespmem:v17+s19+$0x0], $0xffff;
	v0 =	vadd.f32 v2, v0;
	v44 =	vadd.f32 v15, v44  }
0x37e: {  	[tilespmem:$0x1FC10] =	vst v11;
	p1 =	sne.s32 s28, $0x180;
	v52 =	vld [tilespmem:s26+$0x2];
	v20 =	vadd.f32 v59, v20;
	v59 =	vmul.f32 v62, v62;
	v17 =	vadd.f32 v22, v43  }
.Ltmp9:
0x37f: {  	[tilespmem:$0x1FCC0] =	vst v0;
	v43 =	vmul.f32 v4, v19;
	v6 =	vadd.f32 v6, v5;
	v0 =	vadd.f32 v58, v16;
	(pc) =	sbr.rel @p1 .LBB2_16-.Ltmp9, $4  }
0x380: {  	[tilespmem:$0x1FCB0] =	vst v3;
	v4 =	vmul.f32 v4, v4;
	v3 =	vadd.f32 v59, v45;
	v1 =	vadd.f32 v1, v17  }
0x381: {  	v11 =	vadd.s32 $0x10, v11;
	v10 =	vmovc v42;
	v60 =	vld.idx.msk [tilespmem:v7+s19+$0x0], $0xffff;
	v42 =	vadd.f32 v43, v44;
	v0 =	vadd.f32 v14, v0  }
0x382: {  	v62 =	vld.idx.msk [tilespmem:v18+s19+$0x0], $0xffff;
	v59 =	vmul.f32 v63, v63;
	v43 =	vadd.f32 v4, v3;
	v45 =	vadd.f32 v13, v1  }
0x383: {  	s28 =	sadd.s32 $0x40, s28;
	[tilespmem:$0x1FCD0] =	vst v6;
	v58 =	vmul.f32 v63, v57;
	v63 =	vmul.f32 v51, v52;
	v44 =	vadd.f32 v9, v0  }
0x384: {  	_ =	sdelay $0x2  }
0x385: {  	v1 =	vld [tilespmem:s26+$0x7]  }
0x386: {  	v5 =	vld.idx.msk [tilespmem:v56+s19+$0x0], $0xffff  }
0x387: {  	v2 =	vadd.f32 v53, v42;
	v9 =	vld [tilespmem:s26+$0x3]  }
0x388: {  	v0 =	vmul.f32 v51, v51;
	v3 =	vadd.f32 v54, v43;
	v7 =	vadd.f32 v39, v45;
	v14 =	vld.idx.msk [tilespmem:v55+s19+$0x0], $0xffff  }
0x389: {  	v13 =	vmul.f32 v61, v57;
	v17 =	vld.idx.msk [tilespmem:v46+s19+$0x0], $0xffff;
	v6 =	vadd.f32 v38, v44;
	v10 =	vadd.f32 v63, v10  }
0x38a: {  	v15 =	vmul.f32 v61, v61;
	v18 =	vld.idx.msk [tilespmem:v24+s19+$0x0], $0xffff;
	v2 =	vadd.f32 v40, v2;
	v0 =	vadd.f32 v0, v34  }
0x38b: {  	v56 =	vld [tilespmem:$0x1FC70];
	v3 =	vadd.f32 v41, v3;
	v4 =	vmul.f32 v62, v52;
	v8 =	vmul.f32 v62, v62  }
0x38c: {  	v21 =	vld [tilespmem:$0x1FC00];
	v54 =	vmul.f32 v60, v60;
	v10 =	vadd.f32 v58, v10;
	v0 =	vadd.f32 v59, v0  }
0x38d: {  	v12 =	vld.idx.msk [tilespmem:v12+s19+$0x0], $0xffff;
	v4 =	vadd.f32 v4, v35;
	v8 =	vadd.f32 v8, v36;
	v55 =	vmul.f32 v5, v9  }
0x38e: {  	v23 =	vld [tilespmem:$0x1FC80];
	v10 =	vadd.f32 v47, v10;
	v5 =	vmul.f32 v5, v5;
	v0 =	vadd.f32 v48, v0  }
0x38f: {  	v63 =	vld [tilespmem:$0x1FED0];
	v9 =	vmul.f32 v14, v9;
	v4 =	vadd.f32 v13, v4;
	v8 =	vadd.f32 v15, v8  }
0x390: {  	v59 =	vld [tilespmem:$0x1FC60];
	v57 =	vmul.f32 v14, v14;
	v19 =	vadd.f32 v25, v10;
	v58 =	vadd.f32 v55, v29  }
0x391: {  	v16 =	vmul.f32 v60, v1;
	v35 =	vld [tilespmem:$0x1FC90];
	v5 =	vadd.f32 v5, v32;
	v9 =	vadd.f32 v9, v30  }
0x392: {  	v1 =	vmul.f32 v17, v1;
	v10 =	vadd.f32 v57, v31;
	v31 =	vld [tilespmem:$0x1FC50];
	v0 =	vadd.f32 v56, v0  }
0x393: {  	v17 =	vmul.f32 v17, v17;
	v32 =	vld [tilespmem:$0x1FC10];
	v4 =	vadd.f32 v49, v4;
	v8 =	vadd.f32 v50, v8  }
0x394: {  	v60 =	vmul.f32 v18, v26;
	v36 =	vld [tilespmem:$0x1FCA0];
	v5 =	vadd.f32 v54, v5;
	v1 =	vadd.f32 v1, v9  }
0x395: {  	v62 =	vmul.f32 v18, v18;
	v61 =	vadd.f32 v17, v10;
	v4 =	vadd.f32 v27, v4;
	v27 =	vld [tilespmem:$0x1FC40]  }
0x396: {  	v29 =	vadd.s32 $0x11, v21;
	v14 =	vadd.f32 v28, v8;
	v8 =	vadd.f32 v16, v58;
	v28 =	vld [tilespmem:$0x70]  }
0x397: {  	v11 =	vld.idx.msk [tilespmem:v11+s19+$0x0], $0xffff;
	v30 =	vadd.s32 $0xFFFFFF91, v21;
	v5 =	vadd.f32 v33, v5;
	v1 =	vadd.f32 v60, v1  }
0x398: {  	v15 =	vld.idx.msk [tilespmem:v59+s19+$0x0], $0xffff;
	v33 =	vadd.s32 $0x11, v32;
	v22 =	vadd.f32 v37, v8;
	v8 =	vadd.s32 v63, v31  }
0x399: {  	v41 =	vld [tilespmem:$0x1FCB0];
	v9 =	vadd.f32 v62, v61;
	v34 =	vadd.s32 $0xFFFFFF91, v32;
	vm6 =	vlt.s32 v33, v8  }
0x39a: {  	v52 =	vld [tilespmem:$0x1FCD0];
	v5 =	vadd.f32 v36, v5;
	v22 =	vadd.f32 v35, v22;
	v13 =	vsel vm6, v33, v34  }
0x39b: {  	v10 =	vor.u32 v63, v27;
	v37 =	vmul.f32 v12, v28;
	v12 =	vmul.f32 v12, v12  }
0x39c: {  	v39 =	vmul.f32 v11, v28;
	v11 =	vmul.f32 v11, v11;
	vm0 =	vlt.s32 v29, v10  }
0x39d: {  	v42 =	vld [tilespmem:$0x1FCC0];
	v45 =	vadd.s32 $0x1, v13;
	v23 =	vmul.f32 v15, v23;
	v18 =	vsel vm0, v29, v30  }
0x39e: {  	v38 =	vld [tilespmem:$0x71];
	v15 =	vmul.f32 v15, v15;
	vm8 =	vlt.s32 v45, v8;
	v16 =	vadd.f32 v37, v20  }
0x39f: {  	v12 =	vadd.f32 v12, v41;
	v11 =	vadd.f32 v11, v52;
	v44 =	vld.idx.msk [tilespmem:v13+s19+$0x0], $0xffff;
	v13 =	vadd.s32 $0xFFFFFF81, v13  }
0x3a0: {  	v1 =	vadd.f32 v23, v1;
	v43 =	vadd.s32 $0x1, v18;
	v13 =	vsel vm8, v45, v13  }
0x3a1: {  	v9 =	vadd.f32 v15, v9;
	vm7 =	vlt.s32 v43, v10;
	v49 =	vadd.s32 $0x1, v13  }
0x3a2: {  	v50 =	vadd.s32 $0xFFFFFF81, v13;
	v40 =	vld.idx.msk [tilespmem:v18+s19+$0x0], $0xffff;
	v18 =	vadd.s32 $0xFFFFFF81, v18;
	vm10 =	vlt.s32 v49, v8  }
0x3a3: {  	v15 =	vadd.f32 v39, v42;
	v18 =	vsel vm7, v43, v18;
	v25 =	vsel vm10, v49, v50  }
0x3a4: {  	v47 =	vadd.s32 $0x1, v18;
	v48 =	vadd.s32 $0xFFFFFF81, v18;
	v24 =	vmul.f32 v44, v38  }
0x3a5: {  	v51 =	vld [tilespmem:$0x72];
	v56 =	vadd.s32 $0x1, v25;
	v21 =	vmul.f32 v44, v44;
	vm9 =	vlt.s32 v47, v10  }
0x3a6: {  	v57 =	vadd.s32 $0xFFFFFF81, v25;
	v13 =	vld.idx.msk [tilespmem:v13+s19+$0x0], $0xffff;
	vm12 =	vlt.s32 v56, v8;
	v23 =	vsel vm9, v47, v48  }
0x3a7: {  	v2 =	vadd.f32 v24, v2;
	v24 =	vsel vm12, v56, v57;
	v3 =	vadd.f32 v21, v3  }
0x3a8: {  	v54 =	vld [tilespmem:$0x73];
	v46 =	vmul.f32 v40, v38;
	v17 =	vmul.f32 v40, v40;
	v53 =	vadd.s32 $0x1, v23  }
0x3a9: {  	v55 =	vadd.s32 $0xFFFFFF81, v23;
	v32 =	vadd.s32 $0x1, v24;
	v18 =	vld.idx.msk [tilespmem:v18+s19+$0x0], $0xffff;
	vm11 =	vlt.s32 v53, v10  }
0x3aa: {  	v34 =	vadd.s32 $0xFFFFFF81, v24;
	v25 =	vld.idx.msk [tilespmem:v25+s19+$0x0], $0xffff;
	v7 =	vadd.f32 v17, v7;
	v17 =	vsel vm11, v53, v55  }
0x3ab: {  	vm14 =	vlt.s32 v32, v8;
	v58 =	vadd.s32 $0x1, v17;
	v62 =	vmul.f32 v13, v51  }
0x3ac: {  	v60 =	vadd.s32 $0xFFFFFF81, v17;
	v13 =	vmul.f32 v13, v13;
	vm13 =	vlt.s32 v58, v10  }
0x3ad: {  	v63 =	vld [tilespmem:$0x74];
	v6 =	vadd.f32 v46, v6;
	v61 =	vsel vm13, v58, v60;
	v4 =	vadd.f32 v62, v4  }
0x3ae: {  	v23 =	vld.idx.msk [tilespmem:v23+s19+$0x0], $0xffff;
	v13 =	vadd.f32 v13, v14;
	v59 =	vmul.f32 v18, v51;
	v18 =	vmul.f32 v18, v18  }
0x3af: {  	v31 =	vld.idx.msk [tilespmem:v24+s19+$0x0], $0xffff;
	v14 =	vsel vm14, v32, v34;
	v30 =	vmul.f32 v25, v54;
	v25 =	vmul.f32 v25, v25  }
0x3b0: {  	v36 =	vadd.s32 $0x1, v61;
	v21 =	vadd.s32 $0xFFFFFF81, v61;
	v41 =	vadd.s32 $0x1, v14  }
0x3b1: {  	vm15 =	vlt.s32 v36, v10;
	vm4 =	vlt.s32 v41, v8;
	v19 =	vadd.f32 v59, v19  }
0x3b2: {  	v17 =	vld.idx.msk [tilespmem:v17+s19+$0x0], $0xffff;
	v0 =	vadd.f32 v18, v0;
	v1 =	vadd.f32 v30, v1;
	v21 =	vsel vm15, v36, v21  }
0x3b3: {  	v33 =	vld [tilespmem:$0x75];
	v9 =	vadd.f32 v25, v9;
	v29 =	vmul.f32 v23, v54;
	v23 =	vmul.f32 v23, v23  }
0x3b4: {  	v27 =	vmul.f32 v31, v63;
	v20 =	vmul.f32 v31, v31;
	v44 =	vadd.s32 $0x1, v21;
	v35 =	vld.idx.msk [tilespmem:v61+s19+$0x0], $0xffff  }
0x3b5: {  	v39 =	vld.idx.msk [tilespmem:v14+s19+$0x0], $0xffff;
	v14 =	vadd.s32 $0xFFFFFF81, v14;
	v18 =	vadd.f32 v29, v22;
	v5 =	vadd.f32 v23, v5  }
0x3b6: {  	vm5 =	vlt.s32 v44, v10;
	v15 =	vadd.f32 v27, v15;
	v11 =	vadd.f32 v20, v11  }
0x3b7: {  	v14 =	vsel vm4, v41, v14;
	v37 =	vmul.f32 v17, v63;
	v17 =	vmul.f32 v17, v17  }
0x3b8: {  	v45 =	vadd.s32 $0x1, v14;
	v46 =	vadd.s32 $0xFFFFFF81, v14;
	v43 =	vld.idx.msk [tilespmem:v21+s19+$0x0], $0xffff;
	v21 =	vadd.s32 $0xFFFFFF81, v21  }
0x3b9: {  	vm6 =	vlt.s32 v45, v8;
	v16 =	vadd.f32 v37, v16;
	v12 =	vadd.f32 v17, v12  }
0x3ba: {  	v21 =	vsel vm5, v44, v21;
	v24 =	vsel vm6, v45, v46;
	v38 =	vmul.f32 v35, v33  }
0x3bb: {  	v42 =	vld [tilespmem:$0x76];
	v40 =	vmul.f32 v35, v35;
	v23 =	vmul.f32 v39, v33;
	v47 =	vadd.s32 $0x1, v21  }
0x3bc: {  	v20 =	vmul.f32 v39, v39;
	v48 =	vadd.s32 $0xFFFFFF81, v21;
	v52 =	vadd.s32 $0x1, v24  }
0x3bd: {  	v53 =	vadd.s32 $0xFFFFFF81, v24;
	vm7 =	vlt.s32 v47, v10;
	v6 =	vadd.f32 v38, v6  }
0x3be: {  	vm8 =	vlt.s32 v52, v8;
	v7 =	vadd.f32 v40, v7;
	v2 =	vadd.f32 v23, v2  }
0x3bf: {  	v14 =	vld.idx.msk [tilespmem:v14+s19+$0x0], $0xffff;
	v25 =	vsel vm7, v47, v48;
	v3 =	vadd.f32 v20, v3;
	v23 =	vsel vm8, v52, v53  }
0x3c0: {  	v49 =	vmul.f32 v43, v42;
	v50 =	vmul.f32 v43, v43;
	v55 =	vadd.s32 $0x1, v25  }
0x3c1: {  	v51 =	vld [tilespmem:$0x77];
	v57 =	vadd.s32 $0xFFFFFF81, v25;
	v58 =	vadd.s32 $0x1, v23;
	v59 =	vadd.s32 $0xFFFFFF81, v23  }
0x3c2: {  	v21 =	vld.idx.msk [tilespmem:v21+s19+$0x0], $0xffff;
	vm9 =	vlt.s32 v55, v10;
	vm10 =	vlt.s32 v58, v8;
	v19 =	vadd.f32 v49, v19  }
0x3c3: {  	v54 =	vld.idx.msk [tilespmem:v24+s19+$0x0], $0xffff;
	v0 =	vadd.f32 v50, v0;
	v24 =	vsel vm9, v55, v57;
	v27 =	vsel vm10, v58, v59  }
0x3c4: {  	v17 =	vmul.f32 v14, v42;
	v60 =	vadd.s32 $0x1, v24;
	v14 =	vmul.f32 v14, v14  }
0x3c5: {  	v56 =	vld [tilespmem:$0x78];
	v61 =	vadd.s32 $0xFFFFFF81, v24;
	v34 =	vadd.s32 $0x1, v27;
	v37 =	vadd.s32 $0xFFFFFF81, v27  }
0x3c6: {  	v25 =	vld.idx.msk [tilespmem:v25+s19+$0x0], $0xffff;
	vm11 =	vlt.s32 v60, v10;
	vm12 =	vlt.s32 v34, v8;
	v4 =	vadd.f32 v17, v4  }
0x3c7: {  	v23 =	vld.idx.msk [tilespmem:v23+s19+$0x0], $0xffff;
	v28 =	vsel vm11, v60, v61;
	v62 =	vmul.f32 v21, v51;
	v63 =	vmul.f32 v21, v21  }
0x3c8: {  	v13 =	vadd.f32 v14, v13;
	v29 =	vmul.f32 v54, v51;
	v31 =	vmul.f32 v54, v54  }
0x3c9: {  	v42 =	vadd.s32 $0x1, v28;
	v45 =	vadd.s32 $0xFFFFFF81, v28;
	v17 =	vadd.f32 v62, v18  }
0x3ca: {  	v30 =	vld [tilespmem:$0x79];
	vm13 =	vlt.s32 v42, v10;
	v5 =	vadd.f32 v63, v5;
	v1 =	vadd.f32 v29, v1  }
0x3cb: {  	v24 =	vld.idx.msk [tilespmem:v24+s19+$0x0], $0xffff;
	v9 =	vadd.f32 v31, v9;
	v18 =	vsel vm12, v34, v37;
	v32 =	vmul.f32 v25, v56  }
0x3cc: {  	v33 =	vld.idx.msk [tilespmem:v27+s19+$0x0], $0xffff;
	v46 =	vsel vm13, v42, v45;
	v36 =	vmul.f32 v25, v25;
	v26 =	vmul.f32 v23, v56  }
0x3cd: {  	v23 =	vmul.f32 v23, v23;
	v47 =	vadd.s32 $0x1, v18;
	v48 =	vadd.s32 $0x1, v46  }
0x3ce: {  	v49 =	vadd.s32 $0xFFFFFF81, v46;
	vm14 =	vlt.s32 v47, v8;
	v16 =	vadd.f32 v32, v16  }
0x3cf: {  	v35 =	vld [tilespmem:$0x7A];
	vm15 =	vlt.s32 v48, v10;
	v12 =	vadd.f32 v36, v12;
	v15 =	vadd.f32 v26, v15  }
0x3d0: {  	v38 =	vld.idx.msk [tilespmem:v28+s19+$0x0], $0xffff;
	v11 =	vadd.f32 v23, v11;
	v39 =	vmul.f32 v24, v30;
	v24 =	vmul.f32 v24, v24  }
0x3d1: {  	v21 =	vsel vm15, v48, v49;
	v40 =	vmul.f32 v33, v30;
	v14 =	vmul.f32 v33, v33  }
0x3d2: {  	v53 =	vadd.s32 $0x1, v21;
	v54 =	vadd.s32 $0xFFFFFF81, v21;
	v43 =	vld.idx.msk [tilespmem:v18+s19+$0x0], $0xffff;
	v18 =	vadd.s32 $0xFFFFFF81, v18  }
0x3d3: {  	vm5 =	vlt.s32 v53, v10;
	v6 =	vadd.f32 v39, v6;
	v7 =	vadd.f32 v24, v7  }
0x3d4: {  	v2 =	vadd.f32 v40, v2;
	v3 =	vadd.f32 v14, v3;
	v18 =	vsel vm14, v47, v18  }
0x3d5: {  	v25 =	vsel vm5, v53, v54;
	v41 =	vmul.f32 v38, v35;
	v51 =	vadd.s32 $0x1, v18  }
0x3d6: {  	v44 =	vmul.f32 v38, v38;
	v52 =	vadd.s32 $0xFFFFFF81, v18;
	vm4 =	vlt.s32 v51, v8  }
0x3d7: {  	v50 =	vld [tilespmem:$0x7B];
	v57 =	vadd.s32 $0x1, v25;
	v59 =	vadd.s32 $0xFFFFFF81, v25;
	v22 =	vsel vm4, v51, v52  }
0x3d8: {  	v14 =	vld.idx.msk [tilespmem:v46+s19+$0x0], $0xffff;
	vm7 =	vlt.s32 v57, v10;
	v19 =	vadd.f32 v41, v19;
	v55 =	vadd.s32 $0x1, v22  }
0x3d9: {  	v0 =	vadd.f32 v44, v0;
	v56 =	vadd.s32 $0xFFFFFF81, v22;
	vm6 =	vlt.s32 v55, v8  }
0x3da: {  	v58 =	vld [tilespmem:$0x7C];
	v27 =	vsel vm7, v57, v59;
	v20 =	vmul.f32 v43, v35;
	v26 =	vsel vm6, v55, v56  }
0x3db: {  	v21 =	vld.idx.msk [tilespmem:v21+s19+$0x0], $0xffff;
	v24 =	vmul.f32 v43, v43;
	v63 =	vadd.s32 $0x1, v27;
	v61 =	vadd.s32 $0x1, v26  }
0x3dc: {  	v37 =	vadd.s32 $0xFFFFFF81, v27;
	v18 =	vld.idx.msk [tilespmem:v18+s19+$0x0], $0xffff;
	v62 =	vadd.s32 $0xFFFFFF81, v26;
	vm8 =	vlt.s32 v61, v8  }
0x3dd: {  	v60 =	vmul.f32 v14, v50;
	vm9 =	vlt.s32 v63, v10;
	v38 =	vld.idx.msk [tilespmem:v25+s19+$0x0], $0xffff;
	v28 =	vsel vm8, v61, v62  }
0x3de: {  	v36 =	vld [tilespmem:$0x7D];
	v14 =	vmul.f32 v14, v14;
	v10 =	vsel vm9, v63, v37;
	v40 =	vadd.s32 $0x1, v28  }
0x3df: {  	v41 =	vld [tilespmem:$0x7E];
	v4 =	vadd.f32 v20, v4;
	v42 =	vadd.s32 $0xFFFFFF81, v28;
	vm10 =	vlt.s32 v40, v8  }
0x3e0: {  	v13 =	vadd.f32 v24, v13;
	v43 =	vmul.f32 v21, v58;
	v22 =	vld.idx.msk [tilespmem:v22+s19+$0x0], $0xffff;
	v8 =	vsel vm10, v40, v42  }
0x3e1: {  	v17 =	vadd.f32 v60, v17;
	v5 =	vadd.f32 v14, v5;
	v44 =	vmul.f32 v21, v21;
	v27 =	vld.idx.msk [tilespmem:v27+s19+$0x0], $0xffff  }
0x3e2: {  	v16 =	vadd.f32 v43, v16;
	v23 =	vmul.f32 v18, v50;
	v50 =	vmul.f32 v38, v38;
	v39 =	vld.idx.msk [tilespmem:v26+s19+$0x0], $0xffff  }
0x3e3: {  	v12 =	vadd.f32 v44, v12;
	v18 =	vmul.f32 v18, v18;
	v48 =	vmul.f32 v38, v36;
	v10 =	vld.idx.msk [tilespmem:v10+s19+$0x0], $0xffff  }
0x3e4: {  	v1 =	vadd.f32 v23, v1;
	v7 =	vadd.f32 v50, v7;
	v45 =	vld.idx.msk [tilespmem:v28+s19+$0x0], $0xffff  }
0x3e5: {  	v9 =	vadd.f32 v18, v9;
	v6 =	vadd.f32 v48, v6;
	v46 =	vmul.f32 v22, v58;
	v8 =	vld.idx.msk [tilespmem:v8+s19+$0x0], $0xffff  }
0x3e6: {  	v49 =	vld [tilespmem:$0x7F];
	v47 =	vmul.f32 v22, v22;
	v53 =	vmul.f32 v27, v41;
	v7 =	vadd.f32 v7, v12  }
0x3e7: {  	v54 =	vmul.f32 v27, v27;
	v6 =	vadd.f32 v6, v16;
	v15 =	vadd.f32 v46, v15  }
0x3e8: {  	v11 =	vadd.f32 v47, v11;
	v18 =	vadd.f32 v53, v19;
	v51 =	vmul.f32 v39, v36  }
0x3e9: {  	v0 =	vadd.f32 v54, v0;
	v52 =	vmul.f32 v39, v39;
	v55 =	vmul.f32 v10, v10  }
0x3ea: {  	v2 =	vadd.f32 v51, v2;
	v56 =	vmul.f32 v45, v45;
	v57 =	vmul.f32 v8, v8  }
0x3eb: {  	v10 =	vmul.f32 v10, v49;
	v3 =	vadd.f32 v52, v3;
	v5 =	vadd.f32 v55, v5  }
0x3ec: {  	v13 =	vadd.f32 v56, v13;
	v58 =	vadd.f32 v57, v9  }
0x3ed: {  	v10 =	vadd.f32 v10, v17;
	v0 =	vadd.f32 v5, v0  }
0x3ee: {  	v3 =	vadd.f32 v3, v11;
	v5 =	vadd.f32 v58, v13  }
0x3ef: {  	v59 =	vmul.f32 v45, v41;
	v0 =	vadd.f32 v0, v7;
	v60 =	vmul.f32 v8, v49  }
0x3f0: {  	v10 =	vadd.f32 v10, v18;
	v3 =	vadd.f32 v5, v3  }
0x3f1: {  	v4 =	vadd.f32 v59, v4;
	v1 =	vadd.f32 v60, v1;
	v0 =	vmax.f32 v0, $1.000000000e-30  }
0x3f2: {  	(erf) = vrcp.f32 v0;
	v0 =	vadd.f32 v2, v15;
	v2 =	vmax.f32 v3, $1.000000000e-30;
	v3 =	vld [tilespmem:$0x1FFF0]  }
0x3f3: {  	v6 =	vadd.f32 v10, v6;
	v1 =	vadd.f32 v1, v4;
	_ =	sdelay $0x1  }
0x3f4: {  	v61 =	vand.u32 $0x80000000, v6;
	v0 =	vadd.f32 v1, v0  }
0x3f5: {  	vm11 =	vlt.f32 v6, $0.0e+00;
	vm1 =	vgt.f32 v6, $0.0e+00;
	(erf) = vrcp.f32 v2  }
0x3f6: {  	vm0 =	vmor vm1, vm11;
	vm12 =	vlt.f32 v0, $0.0e+00;
	v2 =	vor.u32 v61, v3  }
0x3f7: {  	vm13 =	vgt.f32 v0, $0.0e+00;
	v1 =	vsel vm0, v2, v6;
	v2 =	vand.u32 $0x80000000, v0  }
0x3f8: {  	vm0 =	vmor vm13, vm12;
	v2 =	vor.u32 v2, v3  }
0x3f9: {  	v1 =	vmul.f32 v1, v6;
	v2 =	vsel vm0, v2, v0  }
0x3fa: {  	v62 =	vld [tilespmem:$0x1FC30];
	v2 =	vmul.f32 v2, v0  }
0x3fb: {  	v1 =	vmul.f32 v1, v6  }
0x3fc: {  	s31 =	sshll.u32 s24, $0x5;
	s24 =	sadd.s32 $0x1, s24;
	v63 =	vld [tilespmem:$0x1FD20];
	v3 =	vpop (erf)  }
0x3fd: {  	p1 =	sne.s32 s24, $0xA;
	v1 =	vmul.f32 v1, v3;
	v0 =	vmul.f32 v2, v0  }
.Ltmp10:
0x3fe: {  	v2 =	vpop (erf);
	(pc) =	sbr.rel @p1 .LBB2_15-.Ltmp10, $4  }
0x3ff: {  	s25 =	sshll.u32 s25, $0x4;
	s26 =	sadd.s32 s11, s31;
	v3 =	vlaneseq.u32;
	vm14 =	vgt.f32 v1, v62;
	v0 =	vmul.f32 v0, v2  }
0x400: {  	s25 =	sadd.s32 s11, s25;
	v2 =	vor.u32 s26, v3;
	v1 =	vsel vm14, v1, v62  }
0x401: {  	v3 =	vor.u32 s25, v3;
	v2 =	vsel vm14, v2, v63;
	vm15 =	vgt.f32 v0, v1  }
0x402: {  	v1 =	vsel vm15, v0, v1;
	v0 =	vsel vm15, v3, v2  }
.Ltmp11:
0x403: {  	(pc) =	sbr.rel .LBB2_19-.Ltmp11, $3  }
0x404: {  	_ =	sdelay $0x1  }
0x405: {  	[tilespmem:$0x14100] =	vst v1  }
0x406: {  	[tilespmem:$0x14180] =	vst v0  }
.LBB2_20:
0x407: {  	_ =	sfence.sel $0x180000  }
0x408: {  	[bflag:$0x0] =	sbarrier.arrive $0xFFFF  }
0x409: {  	p0 =	sne.s32 s0, $0x0;
	_ =	strace $0x90000047  }
0x40a: {  	s0 =	sadd.s32 @!p0 $0x100000, s2;
	[bflag:$0x2] =	sbarrier.arrive $0xFFFF  }
0x40b: {  	[sflag:s0] =	ssyncadd.tile.s32 @!p0 $0x1;
	_ =	shalt  }
.Lfunc_end2:
_tile_overlayer_lowered:
.L_overlay_start_2:
0x40c: {  	(tag) =	ssettag $0x2  }
0x40d: {  	s0 =	rddreg [dreg:$0x0];
	s2 =	stileid.u32  }
0x40e: {  	s1 =	rddreg [dreg:$0x1];
	p0 =	sne.s32 s2, $0x0  }
0x40f: {  	s3 =	rddreg [dreg:$0x2];
	[bflag:$0x3] =	sbarrier.arrive $0xFFFF;
	s2 =	simm.s32 @!p0 $0x1C03  }
0x410: {  	[timem:s3], [sflag:s2] =	dma.local @!p0 [hbm:s0], s1  }
0x411: {  	s0 =	simm.s32 @!p0 $0x3  }
0x412: {  	_ =	swait.ge @!p0 [sflag:s0], s1  }
0x413: {  	s1 =	ssub.s32 @!p0 $0x0, s1;
	[sflag:s0] =	ssyncset.done @!p0 $0x0  }
0x414: {  	[sflag:s0] =	ssyncadd.s32 @!p0 s1  }
0x415: {  	[bflag:$0x3] =	sbarrier.arrive $0xFFFF  }
0x416: {  	_ =	shalt  }

</sc_bundles>
